<compile_context>
chip_gen: v7x
topology: tpu7x:2x2x1
jax: 0.10.2.dev20260603
libtpu: 0.0.44.dev20260713+nightly
codegen_flags: <defaults>
</compile_context>

<pallas_src>
import functools

import jax
import jax.numpy as jnp
from jax import lax
from jax.experimental import pallas as pl
from jax.experimental.pallas import tpu as pltpu
from jax.experimental.pallas import tpu_sc as plsc

N = 10000
E = 320000
D_IN = 128
D_HID = 32
N_CLASSES = 8

NC = 2
NS = 16
LANES = 128

N_PAD = 10240
ROWS = 2560
E_PAD = ROWS * LANES
FILL = N

ROWS_PER_SUB_AGG = ROWS // (NC * NS)
ROWS_PER_SUB_DEG = ROWS // NS
DRAIN = N_PAD // NS

_mesh = plsc.VectorSubcoreMesh(core_axis_name="c", subcore_axis_name="s")
_sc_params = pltpu.CompilerParams(use_tc_tiling_on_sc=False)
NBUF = 8



def _deg_call(e_pad, ones16, zeros16):

  @functools.partial(
      pl.kernel,
      out_type=jax.ShapeDtypeStruct((NC, N_PAD, 16), jnp.float32),
      mesh=_mesh,
      scratch_types=[
          pltpu.VMEM((ROWS_PER_SUB_DEG, LANES), jnp.int32),
          pltpu.VMEM((LANES, 16), jnp.float32),
          pltpu.VMEM_SHARED((N_PAD, 16), jnp.float32),
          pltpu.SemaphoreType.DMA((NBUF,)),
      ],
      compiler_params=_sc_params,
  )
  def k(e_hbm, ones_hbm, zeros_hbm, out_hbm, idx_v, ones_v, acc, sems):
    c = lax.axis_index("c")
    s = lax.axis_index("s")
    pltpu.sync_copy(zeros_hbm.at[pl.ds(s * DRAIN, DRAIN)],
                    acc.at[pl.ds(s * DRAIN, DRAIN)])
    pltpu.sync_copy(ones_hbm, ones_v)
    pltpu.sync_copy(e_hbm.at[c, pl.ds(s * ROWS_PER_SUB_DEG, ROWS_PER_SUB_DEG)],
                    idx_v)
    plsc.subcore_barrier()

    def add_start(j, b):
      pltpu.async_copy(ones_v, acc.at[idx_v.at[j]], sems.at[b], add=True)

    def add_wait(j, b):
      pltpu.make_async_copy(ones_v, acc.at[idx_v.at[j]], sems.at[b]).wait()

    for b in range(NBUF):
      add_start(b, b)

    @pl.loop(NBUF, ROWS_PER_SUB_DEG, step=NBUF)
    def _(j0):
      for b in range(NBUF):
        add_wait(j0 + b - NBUF, b)
        add_start(j0 + b, b)

    for b in range(NBUF):
      add_wait(ROWS_PER_SUB_DEG - NBUF + b, b)

    plsc.subcore_barrier()
    pltpu.sync_copy(acc.at[pl.ds(s * DRAIN, DRAIN)],
                    out_hbm.at[c, pl.ds(s * DRAIN, DRAIN)])

  return k(e_pad, ones16, zeros16)


def _agg_call(h_pad, e_pad, zeros, d):

  @functools.partial(
      pl.kernel,
      out_type=jax.ShapeDtypeStruct((NC, N_PAD, d), jnp.float32),
      mesh=_mesh,
      scratch_types=[
          pltpu.VMEM((ROWS_PER_SUB_AGG, LANES), jnp.int32),
          pltpu.VMEM((ROWS_PER_SUB_AGG, LANES), jnp.int32),
          [pltpu.VMEM((LANES, d), jnp.float32) for _ in range(NBUF)],
          pltpu.VMEM_SHARED((N_PAD, d), jnp.float32),
          pltpu.SemaphoreType.DMA((NBUF,)),
          pltpu.SemaphoreType.DMA((NBUF,)),
      ],
      compiler_params=_sc_params,
  )
  def k(h_hbm, e_hbm, zeros_hbm, out_hbm, src_v, dst_v, rows_v, acc, gs, ss):
    c = lax.axis_index("c")
    s = lax.axis_index("s")
    pltpu.sync_copy(zeros_hbm.at[pl.ds(s * DRAIN, DRAIN)],
                    acc.at[pl.ds(s * DRAIN, DRAIN)])
    base = c * (NS * ROWS_PER_SUB_AGG) + s * ROWS_PER_SUB_AGG
    pltpu.sync_copy(e_hbm.at[0, pl.ds(base, ROWS_PER_SUB_AGG)], src_v)
    pltpu.sync_copy(e_hbm.at[1, pl.ds(base, ROWS_PER_SUB_AGG)], dst_v)
    plsc.subcore_barrier()

    last = ROWS_PER_SUB_AGG - 1

    def g_start(j, b):
      pltpu.async_copy(h_hbm.at[src_v.at[j]], rows_v[b], gs.at[b])

    def g_wait(j, b):
      pltpu.make_async_copy(h_hbm.at[src_v.at[j]], rows_v[b], gs.at[b]).wait()

    def s_start(j, b):
      pltpu.async_copy(rows_v[b], acc.at[dst_v.at[j]], ss.at[b], add=True)

    def s_wait(j, b):
      pltpu.make_async_copy(rows_v[b], acc.at[dst_v.at[j]], ss.at[b]).wait()

    for b in range(NBUF):
      g_start(b, b)

    @pl.loop(0, ROWS_PER_SUB_AGG, step=NBUF)
    def _(j0):
      for b in range(NBUF):
        g_wait(j0 + b, b)
        s_start(j0 + b, b)
      for b in range(NBUF):
        s_wait(j0 + b, b)
        g_start(jnp.minimum(j0 + NBUF + b, last), b)

    for b in range(NBUF):
      g_wait(last, b)

    plsc.subcore_barrier()
    pltpu.sync_copy(acc.at[pl.ds(s * DRAIN, DRAIN)],
                    out_hbm.at[c, pl.ds(s * DRAIN, DRAIN)])

  return k(h_pad, e_pad, zeros)



_BLK = 2048
_GRID = N_PAD // _BLK


def _inv_sqrt(deg_col):
  return jnp.where(deg_col > 0.0,
                   lax.rsqrt(jnp.maximum(deg_col, 1.0)), 0.0)


def _deg_cols(deg):
  return deg[0, :, 0:1], deg[1, :, 0:1]


_DEG_SPEC = lambda: pl.BlockSpec((NC, _BLK, 16), lambda i: (0, i, 0))


def _mm1s_body(x_ref, deg_ref, w_ref, o_ref):
  dsrc, _ = _deg_cols(deg_ref[...])
  o_ref[...] = jnp.dot(x_ref[...] * _inv_sqrt(dsrc), w_ref[...],
                       preferred_element_type=jnp.float32)


def _mm1s(feat_pad, deg, w1):
  return pl.pallas_call(
      _mm1s_body,
      grid=(_GRID,),
      in_specs=[
          pl.BlockSpec((_BLK, D_IN), lambda i: (i, 0)),
          _DEG_SPEC(),
          pl.BlockSpec((D_IN, D_HID), lambda i: (0, 0)),
      ],
      out_specs=pl.BlockSpec((_BLK, D_HID), lambda i: (i, 0)),
      out_shape=jax.ShapeDtypeStruct((N_PAD, D_HID), jnp.float32),
  )(feat_pad, deg, w1)


def _layer2_body(p_ref, deg_ref, w_ref, b_ref, o_ref):
  p = p_ref[...]
  agg = p[0] + p[1]
  dsrc, ddst = _deg_cols(deg_ref[...])
  x1 = jnp.maximum(agg * _inv_sqrt(ddst) + b_ref[...], 0.0)
  o_ref[...] = jnp.dot(x1, w_ref[...],
                       preferred_element_type=jnp.float32) * _inv_sqrt(dsrc)


def _layer2(p1, deg, w2p, b1r):
  return pl.pallas_call(
      _layer2_body,
      grid=(_GRID,),
      in_specs=[
          pl.BlockSpec((NC, _BLK, D_HID), lambda i: (0, i, 0)),
          _DEG_SPEC(),
          pl.BlockSpec((D_HID, 16), lambda i: (0, 0)),
          pl.BlockSpec((1, D_HID), lambda i: (0, 0)),
      ],
      out_specs=pl.BlockSpec((_BLK, 16), lambda i: (i, 0)),
      out_shape=jax.ShapeDtypeStruct((N_PAD, 16), jnp.float32),
  )(p1, deg, w2p, b1r)


def _final_body(p_ref, deg_ref, b_ref, o_ref):
  p = p_ref[...]
  agg = p[0] + p[1]
  _, ddst = _deg_cols(deg_ref[...])
  o_ref[...] = agg[:, :N_CLASSES] * _inv_sqrt(ddst) + b_ref[...]


def _final(p2, deg, b2r):
  return pl.pallas_call(
      _final_body,
      grid=(_GRID,),
      in_specs=[
          pl.BlockSpec((NC, _BLK, 16), lambda i: (0, i, 0)),
          _DEG_SPEC(),
          pl.BlockSpec((1, N_CLASSES), lambda i: (0, 0)),
      ],
      out_specs=pl.BlockSpec((_BLK, N_CLASSES), lambda i: (i, 0)),
      out_shape=jax.ShapeDtypeStruct((N, N_CLASSES), jnp.float32),
  )(p2, deg, b2r)



def kernel(features, edge_index, W1, b1, W2, b2):
  fill = FILL + (jnp.arange(E_PAD - E, dtype=jnp.int32) % (N_PAD - N))
  e_pad = jnp.concatenate(
      [edge_index.astype(jnp.int32),
       jnp.broadcast_to(fill, (2, E_PAD - E))], axis=1).reshape(2, ROWS, LANES)
  feat_pad = jnp.pad(features, ((0, N_PAD - N), (0, 0)))
  zeros16 = jnp.zeros((N_PAD, 16), jnp.float32)
  zeros32 = jnp.zeros((N_PAD, D_HID), jnp.float32)
  ones16 = jnp.ones((LANES, 16), jnp.float32)
  w2p = jnp.pad(W2, ((0, 0), (0, 16 - N_CLASSES)))
  b1r = b1.reshape(1, D_HID)
  b2r = b2.reshape(1, N_CLASSES)

  deg = _deg_call(e_pad, ones16, zeros16)
  h1n = _mm1s(feat_pad, deg, W1)
  p1 = _agg_call(h1n, e_pad, zeros32, D_HID)
  h2n = _layer2(p1, deg, w2p, b1r)
  p2 = _agg_call(h2n, e_pad, zeros16, 16)
  return _final(p2, deg, b2r)

# --- scband reference (transcript-rebuilt; emitter-appended) ---
"""Pipeline reference for scband-gcn-5523327943253 (READ-ONLY COPY).

The authoritative reference and input builder live on the scoring server;
editing this copy changes nothing except your own understanding.
"""

import jax, jax.numpy as jnp
import numpy as np

N = 10000
E = 320000
D_IN = 128
D_HID = 32
N_CLASSES = 8


def setup_inputs(seed: int = 0) -> dict:
    key = jax.random.key(seed)
    k1, k2, k3, k4 = jax.random.split(key, 4)
    features = jax.random.normal(k1, (N, D_IN), dtype=jnp.float32)
    edge_index = jax.random.randint(k2, (2, E), 0, N, dtype=jnp.int32)
    W1 = jax.random.normal(k3, (D_IN, D_HID), dtype=jnp.float32) * 0.05
    b1 = jnp.zeros((D_HID,), dtype=jnp.float32)
    W2 = jax.random.normal(k4, (D_HID, N_CLASSES), dtype=jnp.float32) * 0.05
    b2 = jnp.zeros((N_CLASSES,), dtype=jnp.float32)
    return {"features": features, "edge_index": edge_index, "W1": W1, "b1": b1, "W2": W2, "b2": b2}


def _graph_conv(x, W, b, src, dst, inv_sqrt_out, inv_sqrt_in):
    # DGL GraphConv, norm='both': h = D_in^{-1/2} A D_out^{-1/2} x W + b
    h = x @ W
    msg = h[src] * inv_sqrt_out[src][:, None]
    agg = jax.ops.segment_sum(msg, dst, num_segments=N)
    return agg * inv_sqrt_in[:, None] + b


def reference(features, edge_index, W1, b1, W2, b2):
    src = edge_index[0]
    dst = edge_index[1]
    ones = jnp.ones((E,), dtype=features.dtype)
    deg_out = jax.ops.segment_sum(ones, src, num_segments=N)
    deg_in = jax.ops.segment_sum(ones, dst, num_segments=N)
    inv_sqrt_out = jnp.where(deg_out > 0, 1.0 / jnp.sqrt(jnp.maximum(deg_out, 1.0)), 0.0)
    inv_sqrt_in = jnp.where(deg_in > 0, 1.0 / jnp.sqrt(jnp.maximum(deg_in, 1.0)), 0.0)
    x = _graph_conv(features, W1, b1, src, dst, inv_sqrt_out, inv_sqrt_in)
    x = jax.nn.relu(x)
    x = _graph_conv(x, W2, b2, src, dst, inv_sqrt_out, inv_sqrt_in)
    return x

if __name__ == "__main__":
    import jax
    _d = setup_inputs()
    print(jax.jit(kernel)(*tuple(_d.values())))

</pallas_src>

<mosaic_0001>
#map = affine_map<(d0, d1) -> (0, 0)>
#map1 = affine_map<(d0, d1) -> (0, 0, 0)>
module attributes {stable_mosaic.version = 14 : i64} {
  func.func @k(%arg0: i32, %arg1: i32, %arg2: memref<10240x16xf32, #tpu.memory_space<hbm>>, %arg3: memref<2x2560x128xi32, #tpu.memory_space<hbm>>, %arg4: memref<10240x16xf32, #tpu.memory_space<hbm>>, %arg5: memref<2x10240x16xf32, #tpu.memory_space<hbm>>, %arg6: memref<80x128xi32, #tpu.memory_space<vmem>>, %arg7: memref<80x128xi32, #tpu.memory_space<vmem>>, %arg8: memref<128x16xf32, #tpu.memory_space<vmem>>, %arg9: memref<128x16xf32, #tpu.memory_space<vmem>>, %arg10: memref<128x16xf32, #tpu.memory_space<vmem>>, %arg11: memref<128x16xf32, #tpu.memory_space<vmem>>, %arg12: memref<128x16xf32, #tpu.memory_space<vmem>>, %arg13: memref<128x16xf32, #tpu.memory_space<vmem>>, %arg14: memref<128x16xf32, #tpu.memory_space<vmem>>, %arg15: memref<128x16xf32, #tpu.memory_space<vmem>>, %arg16: memref<10240x16xf32, #tpu.memory_space<vmem_shared>>, %arg17: memref<8x!tpu.dma_semaphore, #tpu.memory_space<semaphore_mem>>, %arg18: memref<8x!tpu.dma_semaphore, #tpu.memory_space<semaphore_mem>>) attributes {dimension_semantics = [#tpu.dimension_semantics<core_parallel>, #tpu.dimension_semantics<subcore_parallel>], iteration_bounds = array<i64: 2, 16>, scalar_prefetch = 0 : i64, scratch_operands = 13 : i64, tpu.core_type = #tpu.core_type<sc_vector_subcore>, window_params = [{transform_indices = #map}, {transform_indices = #map1}, {transform_indices = #map}, {transform_indices = #map1}]} {
    %mul3A = arith.constant 640 : i32
    %mul3A_0 = arith.muli %arg1, %mul3A : i32
    %mul3A_1 = arith.constant 640 : i32
    %mul3A_2 = arith.muli %arg1, %mul3A_1 : i32
    "tpu.region"() ({
      %run_scoped3A_175 = tpu.sem_alloc : memref<!tpu.dma_semaphore, #tpu.memory_space<semaphore_mem>>
      %dma_start3A_176 = arith.constant 0 : i32
      %dma_start3A_177 = tpu.memref_slice %arg16[%mul3A_2, %dma_start3A_176] : memref<10240x16xf32, #tpu.memory_space<vmem_shared>> -> memref<640x16xf32, #tpu.memory_space<vmem_shared>>
      %dma_start3A_178 = arith.constant 0 : i32
      %dma_start3A_179 = tpu.memref_slice %arg4[%mul3A_0, %dma_start3A_178] : memref<10240x16xf32, #tpu.memory_space<hbm>> -> memref<640x16xf32, #tpu.memory_space<hbm>>
      tpu.enqueue_dma source(%dma_start3A_179 : memref<640x16xf32, #tpu.memory_space<hbm>>) target(%dma_start3A_177 : memref<640x16xf32, #tpu.memory_space<vmem_shared>>) target_semaphore(%run_scoped3A_175 : memref<!tpu.dma_semaphore, #tpu.memory_space<semaphore_mem>>)
      %dma_wait3A_180 = arith.constant 0 : i32
      %dma_wait3A_181 = tpu.memref_slice %arg16[%mul3A_2, %dma_wait3A_180] : memref<10240x16xf32, #tpu.memory_space<vmem_shared>> -> memref<640x16xf32, #tpu.memory_space<vmem_shared>>
      %dma_wait3A_182 = arith.constant 0 : i32
      %dma_wait3A_183 = tpu.memref_slice %arg4[%mul3A_0, %dma_wait3A_182] : memref<10240x16xf32, #tpu.memory_space<hbm>> -> memref<640x16xf32, #tpu.memory_space<hbm>>
      tpu.wait_dma2 semaphore(%run_scoped3A_175 : memref<!tpu.dma_semaphore, #tpu.memory_space<semaphore_mem>>) src(%dma_wait3A_183 : memref<640x16xf32, #tpu.memory_space<hbm>>) dst(%dma_wait3A_181 : memref<640x16xf32, #tpu.memory_space<vmem_shared>>)
      tpu.yield
    }) : () -> ()
    %mul3A_3 = arith.constant 1280 : i32
    %mul3A_4 = arith.muli %arg0, %mul3A_3 : i32
    %mul3A_5 = arith.constant 80 : i32
    %mul3A_6 = arith.muli %arg1, %mul3A_5 : i32
    %add3A = arith.addi %mul3A_4, %mul3A_6 : i32
    %run_scoped3A = arith.constant 0 : i32
    "tpu.region"() ({
      %run_scoped3A_175 = tpu.sem_alloc : memref<!tpu.dma_semaphore, #tpu.memory_space<semaphore_mem>>
      %dma_start3A_176 = arith.constant 0 : i32
      %dma_start3A_177 = tpu.memref_slice %arg3[%run_scoped3A, %add3A, %dma_start3A_176] : memref<2x2560x128xi32, #tpu.memory_space<hbm>> -> memref<1x80x128xi32, #tpu.memory_space<hbm>>
      %dma_start3A_178 = tpu.memref_squeeze %dma_start3A_177 : memref<1x80x128xi32, #tpu.memory_space<hbm>> -> memref<80x128xi32, #tpu.memory_space<hbm>>
      %dma_start3A_179 = arith.constant 0 : i32
      %dma_start3A_180 = tpu.memref_slice %arg3[%run_scoped3A, %add3A, %dma_start3A_179] : memref<2x2560x128xi32, #tpu.memory_space<hbm>> -> memref<1x80x128xi32, #tpu.memory_space<hbm>>
      %dma_start3A_181 = tpu.memref_squeeze %dma_start3A_180 : memref<1x80x128xi32, #tpu.memory_space<hbm>> -> memref<80x128xi32, #tpu.memory_space<hbm>>
      tpu.enqueue_dma source(%dma_start3A_181 : memref<80x128xi32, #tpu.memory_space<hbm>>) target(%arg6 : memref<80x128xi32, #tpu.memory_space<vmem>>) target_semaphore(%run_scoped3A_175 : memref<!tpu.dma_semaphore, #tpu.memory_space<semaphore_mem>>)
      %dma_wait3A_182 = arith.constant 0 : i32
      %dma_wait3A_183 = tpu.memref_slice %arg3[%run_scoped3A, %add3A, %dma_wait3A_182] : memref<2x2560x128xi32, #tpu.memory_space<hbm>> -> memref<1x80x128xi32, #tpu.memory_space<hbm>>
      %dma_wait3A_184 = tpu.memref_squeeze %dma_wait3A_183 : memref<1x80x128xi32, #tpu.memory_space<hbm>> -> memref<80x128xi32, #tpu.memory_space<hbm>>
      %dma_wait3A_185 = arith.constant 0 : i32
      %dma_wait3A_186 = tpu.memref_slice %arg3[%run_scoped3A, %add3A, %dma_wait3A_185] : memref<2x2560x128xi32, #tpu.memory_space<hbm>> -> memref<1x80x128xi32, #tpu.memory_space<hbm>>
      %dma_wait3A_187 = tpu.memref_squeeze %dma_wait3A_186 : memref<1x80x128xi32, #tpu.memory_space<hbm>> -> memref<80x128xi32, #tpu.memory_space<hbm>>
      tpu.wait_dma2 semaphore(%run_scoped3A_175 : memref<!tpu.dma_semaphore, #tpu.memory_space<semaphore_mem>>) src(%dma_wait3A_187 : memref<80x128xi32, #tpu.memory_space<hbm>>) dst(%arg6 : memref<80x128xi32, #tpu.memory_space<vmem>>)
      tpu.yield
    }) : () -> ()
    %run_scoped3A_7 = arith.constant 1 : i32
    "tpu.region"() ({
      %run_scoped3A_175 = tpu.sem_alloc : memref<!tpu.dma_semaphore, #tpu.memory_space<semaphore_mem>>
      %dma_start3A_176 = arith.constant 0 : i32
      %dma_start3A_177 = tpu.memref_slice %arg3[%run_scoped3A_7, %add3A, %dma_start3A_176] : memref<2x2560x128xi32, #tpu.memory_space<hbm>> -> memref<1x80x128xi32, #tpu.memory_space<hbm>>
      %dma_start3A_178 = tpu.memref_squeeze %dma_start3A_177 : memref<1x80x128xi32, #tpu.memory_space<hbm>> -> memref<80x128xi32, #tpu.memory_space<hbm>>
      %dma_start3A_179 = arith.constant 0 : i32
      %dma_start3A_180 = tpu.memref_slice %arg3[%run_scoped3A_7, %add3A, %dma_start3A_179] : memref<2x2560x128xi32, #tpu.memory_space<hbm>> -> memref<1x80x128xi32, #tpu.memory_space<hbm>>
      %dma_start3A_181 = tpu.memref_squeeze %dma_start3A_180 : memref<1x80x128xi32, #tpu.memory_space<hbm>> -> memref<80x128xi32, #tpu.memory_space<hbm>>
      tpu.enqueue_dma source(%dma_start3A_181 : memref<80x128xi32, #tpu.memory_space<hbm>>) target(%arg7 : memref<80x128xi32, #tpu.memory_space<vmem>>) target_semaphore(%run_scoped3A_175 : memref<!tpu.dma_semaphore, #tpu.memory_space<semaphore_mem>>)
      %dma_wait3A_182 = arith.constant 0 : i32
      %dma_wait3A_183 = tpu.memref_slice %arg3[%run_scoped3A_7, %add3A, %dma_wait3A_182] : memref<2x2560x128xi32, #tpu.memory_space<hbm>> -> memref<1x80x128xi32, #tpu.memory_space<hbm>>
      %dma_wait3A_184 = tpu.memref_squeeze %dma_wait3A_183 : memref<1x80x128xi32, #tpu.memory_space<hbm>> -> memref<80x128xi32, #tpu.memory_space<hbm>>
      %dma_wait3A_185 = arith.constant 0 : i32
      %dma_wait3A_186 = tpu.memref_slice %arg3[%run_scoped3A_7, %add3A, %dma_wait3A_185] : memref<2x2560x128xi32, #tpu.memory_space<hbm>> -> memref<1x80x128xi32, #tpu.memory_space<hbm>>
      %dma_wait3A_187 = tpu.memref_squeeze %dma_wait3A_186 : memref<1x80x128xi32, #tpu.memory_space<hbm>> -> memref<80x128xi32, #tpu.memory_space<hbm>>
      tpu.wait_dma2 semaphore(%run_scoped3A_175 : memref<!tpu.dma_semaphore, #tpu.memory_space<semaphore_mem>>) src(%dma_wait3A_187 : memref<80x128xi32, #tpu.memory_space<hbm>>) dst(%arg7 : memref<80x128xi32, #tpu.memory_space<vmem>>)
      tpu.yield
    }) : () -> ()
    %barrier3A = arith.constant 0 : index
    tpu.barrier barrier_id(%barrier3A)
    %dma_start3A = arith.constant 0 : i32
    %dma_start3A_8 = arith.constant 0 : i32
    %dma_start3A_9 = arith.constant 0 : i32
    %dma_start3A_10 = tpu.memref_slice %arg6[%dma_start3A, %dma_start3A_9] : memref<80x128xi32, #tpu.memory_space<vmem>> -> memref<1x128xi32, #tpu.memory_space<vmem>>
    %dma_start3A_11 = tpu.memref_squeeze %dma_start3A_10 : memref<1x128xi32, #tpu.memory_space<vmem>> -> memref<128xi32, #tpu.memory_space<vmem>>
    %dma_start3A_12 = arith.constant 0 : i32
    %dma_start3A_13 = arith.constant 0 : i32
    %dma_start3A_14 = tpu.memref_slice %arg2[%dma_start3A_12, %dma_start3A_13] : memref<10240x16xf32, #tpu.memory_space<hbm>> -> memref<10240x16xf32, #tpu.memory_space<hbm>>
    %dma_start3A_15 = tpu.memref_slice %arg17[%dma_start3A_8] : memref<8x!tpu.dma_semaphore, #tpu.memory_space<semaphore_mem>> -> memref<1x!tpu.dma_semaphore, #tpu.memory_space<semaphore_mem>>
    %dma_start3A_16 = tpu.memref_squeeze %dma_start3A_15 : memref<1x!tpu.dma_semaphore, #tpu.memory_space<semaphore_mem>> -> memref<!tpu.dma_semaphore, #tpu.memory_space<semaphore_mem>>
    tpu.enqueue_indirect_dma source(%dma_start3A_14 : memref<10240x16xf32, #tpu.memory_space<hbm>>) target(%arg8 : memref<128x16xf32, #tpu.memory_space<vmem>>) offsets(%dma_start3A_11 : memref<128xi32, #tpu.memory_space<vmem>>) semaphore(%dma_start3A_16 : memref<!tpu.dma_semaphore, #tpu.memory_space<semaphore_mem>>)
    %dma_start3A_17 = arith.constant 1 : i32
    %dma_start3A_18 = arith.constant 1 : i32
    %dma_start3A_19 = arith.constant 0 : i32
    %dma_start3A_20 = tpu.memref_slice %arg6[%dma_start3A_17, %dma_start3A_19] : memref<80x128xi32, #tpu.memory_space<vmem>> -> memref<1x128xi32, #tpu.memory_space<vmem>>
    %dma_start3A_21 = tpu.memref_squeeze %dma_start3A_20 : memref<1x128xi32, #tpu.memory_space<vmem>> -> memref<128xi32, #tpu.memory_space<vmem>>
    %dma_start3A_22 = arith.constant 0 : i32
    %dma_start3A_23 = arith.constant 0 : i32
    %dma_start3A_24 = tpu.memref_slice %arg2[%dma_start3A_22, %dma_start3A_23] : memref<10240x16xf32, #tpu.memory_space<hbm>> -> memref<10240x16xf32, #tpu.memory_space<hbm>>
    %dma_start3A_25 = tpu.memref_slice %arg17[%dma_start3A_18] : memref<8x!tpu.dma_semaphore, #tpu.memory_space<semaphore_mem>> -> memref<1x!tpu.dma_semaphore, #tpu.memory_space<semaphore_mem>>
    %dma_start3A_26 = tpu.memref_squeeze %dma_start3A_25 : memref<1x!tpu.dma_semaphore, #tpu.memory_space<semaphore_mem>> -> memref<!tpu.dma_semaphore, #tpu.memory_space<semaphore_mem>>
    tpu.enqueue_indirect_dma source(%dma_start3A_24 : memref<10240x16xf32, #tpu.memory_space<hbm>>) target(%arg9 : memref<128x16xf32, #tpu.memory_space<vmem>>) offsets(%dma_start3A_21 : memref<128xi32, #tpu.memory_space<vmem>>) semaphore(%dma_start3A_26 : memref<!tpu.dma_semaphore, #tpu.memory_space<semaphore_mem>>)
    %dma_start3A_27 = arith.constant 2 : i32
    %dma_start3A_28 = arith.constant 2 : i32
    %dma_start3A_29 = arith.constant 0 : i32
    %dma_start3A_30 = tpu.memref_slice %arg6[%dma_start3A_27, %dma_start3A_29] : memref<80x128xi32, #tpu.memory_space<vmem>> -> memref<1x128xi32, #tpu.memory_space<vmem>>
    %dma_start3A_31 = tpu.memref_squeeze %dma_start3A_30 : memref<1x128xi32, #tpu.memory_space<vmem>> -> memref<128xi32, #tpu.memory_space<vmem>>
    %dma_start3A_32 = arith.constant 0 : i32
    %dma_start3A_33 = arith.constant 0 : i32
    %dma_start3A_34 = tpu.memref_slice %arg2[%dma_start3A_32, %dma_start3A_33] : memref<10240x16xf32, #tpu.memory_space<hbm>> -> memref<10240x16xf32, #tpu.memory_space<hbm>>
    %dma_start3A_35 = tpu.memref_slice %arg17[%dma_start3A_28] : memref<8x!tpu.dma_semaphore, #tpu.memory_space<semaphore_mem>> -> memref<1x!tpu.dma_semaphore, #tpu.memory_space<semaphore_mem>>
    %dma_start3A_36 = tpu.memref_squeeze %dma_start3A_35 : memref<1x!tpu.dma_semaphore, #tpu.memory_space<semaphore_mem>> -> memref<!tpu.dma_semaphore, #tpu.memory_space<semaphore_mem>>
    tpu.enqueue_indirect_dma source(%dma_start3A_34 : memref<10240x16xf32, #tpu.memory_space<hbm>>) target(%arg10 : memref<128x16xf32, #tpu.memory_space<vmem>>) offsets(%dma_start3A_31 : memref<128xi32, #tpu.memory_space<vmem>>) semaphore(%dma_start3A_36 : memref<!tpu.dma_semaphore, #tpu.memory_space<semaphore_mem>>)
    %dma_start3A_37 = arith.constant 3 : i32
    %dma_start3A_38 = arith.constant 3 : i32
    %dma_start3A_39 = arith.constant 0 : i32
    %dma_start3A_40 = tpu.memref_slice %arg6[%dma_start3A_37, %dma_start3A_39] : memref<80x128xi32, #tpu.memory_space<vmem>> -> memref<1x128xi32, #tpu.memory_space<vmem>>
    %dma_start3A_41 = tpu.memref_squeeze %dma_start3A_40 : memref<1x128xi32, #tpu.memory_space<vmem>> -> memref<128xi32, #tpu.memory_space<vmem>>
    %dma_start3A_42 = arith.constant 0 : i32
    %dma_start3A_43 = arith.constant 0 : i32
    %dma_start3A_44 = tpu.memref_slice %arg2[%dma_start3A_42, %dma_start3A_43] : memref<10240x16xf32, #tpu.memory_space<hbm>> -> memref<10240x16xf32, #tpu.memory_space<hbm>>
    %dma_start3A_45 = tpu.memref_slice %arg17[%dma_start3A_38] : memref<8x!tpu.dma_semaphore, #tpu.memory_space<semaphore_mem>> -> memref<1x!tpu.dma_semaphore, #tpu.memory_space<semaphore_mem>>
    %dma_start3A_46 = tpu.memref_squeeze %dma_start3A_45 : memref<1x!tpu.dma_semaphore, #tpu.memory_space<semaphore_mem>> -> memref<!tpu.dma_semaphore, #tpu.memory_space<semaphore_mem>>
    tpu.enqueue_indirect_dma source(%dma_start3A_44 : memref<10240x16xf32, #tpu.memory_space<hbm>>) target(%arg11 : memref<128x16xf32, #tpu.memory_space<vmem>>) offsets(%dma_start3A_41 : memref<128xi32, #tpu.memory_space<vmem>>) semaphore(%dma_start3A_46 : memref<!tpu.dma_semaphore, #tpu.memory_space<semaphore_mem>>)
    %dma_start3A_47 = arith.constant 4 : i32
    %dma_start3A_48 = arith.constant 4 : i32
    %dma_start3A_49 = arith.constant 0 : i32
    %dma_start3A_50 = tpu.memref_slice %arg6[%dma_start3A_47, %dma_start3A_49] : memref<80x128xi32, #tpu.memory_space<vmem>> -> memref<1x128xi32, #tpu.memory_space<vmem>>
    %dma_start3A_51 = tpu.memref_squeeze %dma_start3A_50 : memref<1x128xi32, #tpu.memory_space<vmem>> -> memref<128xi32, #tpu.memory_space<vmem>>
    %dma_start3A_52 = arith.constant 0 : i32
    %dma_start3A_53 = arith.constant 0 : i32
    %dma_start3A_54 = tpu.memref_slice %arg2[%dma_start3A_52, %dma_start3A_53] : memref<10240x16xf32, #tpu.memory_space<hbm>> -> memref<10240x16xf32, #tpu.memory_space<hbm>>
    %dma_start3A_55 = tpu.memref_slice %arg17[%dma_start3A_48] : memref<8x!tpu.dma_semaphore, #tpu.memory_space<semaphore_mem>> -> memref<1x!tpu.dma_semaphore, #tpu.memory_space<semaphore_mem>>
    %dma_start3A_56 = tpu.memref_squeeze %dma_start3A_55 : memref<1x!tpu.dma_semaphore, #tpu.memory_space<semaphore_mem>> -> memref<!tpu.dma_semaphore, #tpu.memory_space<semaphore_mem>>
    tpu.enqueue_indirect_dma source(%dma_start3A_54 : memref<10240x16xf32, #tpu.memory_space<hbm>>) target(%arg12 : memref<128x16xf32, #tpu.memory_space<vmem>>) offsets(%dma_start3A_51 : memref<128xi32, #tpu.memory_space<vmem>>) semaphore(%dma_start3A_56 : memref<!tpu.dma_semaphore, #tpu.memory_space<semaphore_mem>>)
    %dma_start3A_57 = arith.constant 5 : i32
    %dma_start3A_58 = arith.constant 5 : i32
    %dma_start3A_59 = arith.constant 0 : i32
    %dma_start3A_60 = tpu.memref_slice %arg6[%dma_start3A_57, %dma_start3A_59] : memref<80x128xi32, #tpu.memory_space<vmem>> -> memref<1x128xi32, #tpu.memory_space<vmem>>
    %dma_start3A_61 = tpu.memref_squeeze %dma_start3A_60 : memref<1x128xi32, #tpu.memory_space<vmem>> -> memref<128xi32, #tpu.memory_space<vmem>>
    %dma_start3A_62 = arith.constant 0 : i32
    %dma_start3A_63 = arith.constant 0 : i32
    %dma_start3A_64 = tpu.memref_slice %arg2[%dma_start3A_62, %dma_start3A_63] : memref<10240x16xf32, #tpu.memory_space<hbm>> -> memref<10240x16xf32, #tpu.memory_space<hbm>>
    %dma_start3A_65 = tpu.memref_slice %arg17[%dma_start3A_58] : memref<8x!tpu.dma_semaphore, #tpu.memory_space<semaphore_mem>> -> memref<1x!tpu.dma_semaphore, #tpu.memory_space<semaphore_mem>>
    %dma_start3A_66 = tpu.memref_squeeze %dma_start3A_65 : memref<1x!tpu.dma_semaphore, #tpu.memory_space<semaphore_mem>> -> memref<!tpu.dma_semaphore, #tpu.memory_space<semaphore_mem>>
    tpu.enqueue_indirect_dma source(%dma_start3A_64 : memref<10240x16xf32, #tpu.memory_space<hbm>>) target(%arg13 : memref<128x16xf32, #tpu.memory_space<vmem>>) offsets(%dma_start3A_61 : memref<128xi32, #tpu.memory_space<vmem>>) semaphore(%dma_start3A_66 : memref<!tpu.dma_semaphore, #tpu.memory_space<semaphore_mem>>)
    %dma_start3A_67 = arith.constant 6 : i32
    %dma_start3A_68 = arith.constant 6 : i32
    %dma_start3A_69 = arith.constant 0 : i32
    %dma_start3A_70 = tpu.memref_slice %arg6[%dma_start3A_67, %dma_start3A_69] : memref<80x128xi32, #tpu.memory_space<vmem>> -> memref<1x128xi32, #tpu.memory_space<vmem>>
    %dma_start3A_71 = tpu.memref_squeeze %dma_start3A_70 : memref<1x128xi32, #tpu.memory_space<vmem>> -> memref<128xi32, #tpu.memory_space<vmem>>
    %dma_start3A_72 = arith.constant 0 : i32
    %dma_start3A_73 = arith.constant 0 : i32
    %dma_start3A_74 = tpu.memref_slice %arg2[%dma_start3A_72, %dma_start3A_73] : memref<10240x16xf32, #tpu.memory_space<hbm>> -> memref<10240x16xf32, #tpu.memory_space<hbm>>
    %dma_start3A_75 = tpu.memref_slice %arg17[%dma_start3A_68] : memref<8x!tpu.dma_semaphore, #tpu.memory_space<semaphore_mem>> -> memref<1x!tpu.dma_semaphore, #tpu.memory_space<semaphore_mem>>
    %dma_start3A_76 = tpu.memref_squeeze %dma_start3A_75 : memref<1x!tpu.dma_semaphore, #tpu.memory_space<semaphore_mem>> -> memref<!tpu.dma_semaphore, #tpu.memory_space<semaphore_mem>>
    tpu.enqueue_indirect_dma source(%dma_start3A_74 : memref<10240x16xf32, #tpu.memory_space<hbm>>) target(%arg14 : memref<128x16xf32, #tpu.memory_space<vmem>>) offsets(%dma_start3A_71 : memref<128xi32, #tpu.memory_space<vmem>>) semaphore(%dma_start3A_76 : memref<!tpu.dma_semaphore, #tpu.memory_space<semaphore_mem>>)
    %dma_start3A_77 = arith.constant 7 : i32
    %dma_start3A_78 = arith.constant 7 : i32
    %dma_start3A_79 = arith.constant 0 : i32
    %dma_start3A_80 = tpu.memref_slice %arg6[%dma_start3A_77, %dma_start3A_79] : memref<80x128xi32, #tpu.memory_space<vmem>> -> memref<1x128xi32, #tpu.memory_space<vmem>>
    %dma_start3A_81 = tpu.memref_squeeze %dma_start3A_80 : memref<1x128xi32, #tpu.memory_space<vmem>> -> memref<128xi32, #tpu.memory_space<vmem>>
    %dma_start3A_82 = arith.constant 0 : i32
    %dma_start3A_83 = arith.constant 0 : i32
    %dma_start3A_84 = tpu.memref_slice %arg2[%dma_start3A_82, %dma_start3A_83] : memref<10240x16xf32, #tpu.memory_space<hbm>> -> memref<10240x16xf32, #tpu.memory_space<hbm>>
    %dma_start3A_85 = tpu.memref_slice %arg17[%dma_start3A_78] : memref<8x!tpu.dma_semaphore, #tpu.memory_space<semaphore_mem>> -> memref<1x!tpu.dma_semaphore, #tpu.memory_space<semaphore_mem>>
    %dma_start3A_86 = tpu.memref_squeeze %dma_start3A_85 : memref<1x!tpu.dma_semaphore, #tpu.memory_space<semaphore_mem>> -> memref<!tpu.dma_semaphore, #tpu.memory_space<semaphore_mem>>
    tpu.enqueue_indirect_dma source(%dma_start3A_84 : memref<10240x16xf32, #tpu.memory_space<hbm>>) target(%arg15 : memref<128x16xf32, #tpu.memory_space<vmem>>) offsets(%dma_start3A_81 : memref<128xi32, #tpu.memory_space<vmem>>) semaphore(%dma_start3A_86 : memref<!tpu.dma_semaphore, #tpu.memory_space<semaphore_mem>>)
    %scan3A = arith.constant 0 : i32
    %scan3A_87 = arith.constant 10 : i32
    %scan3A_88 = arith.addi %scan3A, %scan3A_87 : i32
    %scan3A_89 = arith.constant 1 : i32
    scf.for %scan3A_175 = %scan3A to %scan3A_88 step %scan3A_89  : i32 {
      %mul3A_176 = arith.constant 8 : i32
      %mul3A_177 = arith.muli %scan3A_175, %mul3A_176 : i32
      %add3A_178 = arith.constant 0 : i32
      %add3A_179 = arith.addi %add3A_178, %mul3A_177 : i32
      %add3A_180 = arith.constant 0 : i32
      %add3A_181 = arith.addi %add3A_179, %add3A_180 : i32
      %dma_wait3A_182 = arith.constant 0 : i32
      %dma_wait3A_183 = arith.constant 0 : i32
      %dma_wait3A_184 = tpu.memref_slice %arg6[%add3A_181, %dma_wait3A_183] : memref<80x128xi32, #tpu.memory_space<vmem>> -> memref<1x128xi32, #tpu.memory_space<vmem>>
      %dma_wait3A_185 = tpu.memref_squeeze %dma_wait3A_184 : memref<1x128xi32, #tpu.memory_space<vmem>> -> memref<128xi32, #tpu.memory_space<vmem>>
      %dma_wait3A_186 = arith.constant 0 : i32
      %dma_wait3A_187 = arith.constant 0 : i32
      %dma_wait3A_188 = tpu.memref_slice %arg2[%dma_wait3A_186, %dma_wait3A_187] : memref<10240x16xf32, #tpu.memory_space<hbm>> -> memref<10240x16xf32, #tpu.memory_space<hbm>>
      %dma_wait3A_189 = tpu.memref_slice %arg17[%dma_wait3A_182] : memref<8x!tpu.dma_semaphore, #tpu.memory_space<semaphore_mem>> -> memref<1x!tpu.dma_semaphore, #tpu.memory_space<semaphore_mem>>
      %dma_wait3A_190 = tpu.memref_squeeze %dma_wait3A_189 : memref<1x!tpu.dma_semaphore, #tpu.memory_space<semaphore_mem>> -> memref<!tpu.dma_semaphore, #tpu.memory_space<semaphore_mem>>
      tpu.wait_indirect_dma semaphore(%dma_wait3A_190 : memref<!tpu.dma_semaphore, #tpu.memory_space<semaphore_mem>>) src(%dma_wait3A_188 : memref<10240x16xf32, #tpu.memory_space<hbm>>) dst(%arg8 : memref<128x16xf32, #tpu.memory_space<vmem>>)
      %add3A_191 = arith.constant 0 : i32
      %add3A_192 = arith.addi %add3A_179, %add3A_191 : i32
      %dma_start3A_193 = arith.constant 0 : i32
      %dma_start3A_194 = arith.constant 0 : i32
      %dma_start3A_195 = tpu.memref_slice %arg7[%add3A_192, %dma_start3A_194] : memref<80x128xi32, #tpu.memory_space<vmem>> -> memref<1x128xi32, #tpu.memory_space<vmem>>
      %dma_start3A_196 = tpu.memref_squeeze %dma_start3A_195 : memref<1x128xi32, #tpu.memory_space<vmem>> -> memref<128xi32, #tpu.memory_space<vmem>>
      %dma_start3A_197 = arith.constant 0 : i32
      %dma_start3A_198 = arith.constant 0 : i32
      %dma_start3A_199 = tpu.memref_slice %arg16[%dma_start3A_197, %dma_start3A_198] : memref<10240x16xf32, #tpu.memory_space<vmem_shared>> -> memref<10240x16xf32, #tpu.memory_space<vmem_shared>>
      %dma_start3A_200 = tpu.memref_slice %arg18[%dma_start3A_193] : memref<8x!tpu.dma_semaphore, #tpu.memory_space<semaphore_mem>> -> memref<1x!tpu.dma_semaphore, #tpu.memory_space<semaphore_mem>>
      %dma_start3A_201 = tpu.memref_squeeze %dma_start3A_200 : memref<1x!tpu.dma_semaphore, #tpu.memory_space<semaphore_mem>> -> memref<!tpu.dma_semaphore, #tpu.memory_space<semaphore_mem>>
      tpu.enqueue_indirect_dma source(%arg8 : memref<128x16xf32, #tpu.memory_space<vmem>>) target(%dma_start3A_199 : memref<10240x16xf32, #tpu.memory_space<vmem_shared>>) offsets(%dma_start3A_196 : memref<128xi32, #tpu.memory_space<vmem>>) semaphore(%dma_start3A_201 : memref<!tpu.dma_semaphore, #tpu.memory_space<semaphore_mem>>) {add = true}
      %add3A_202 = arith.constant 1 : i32
      %add3A_203 = arith.addi %add3A_179, %add3A_202 : i32
      %dma_wait3A_204 = arith.constant 1 : i32
      %dma_wait3A_205 = arith.constant 0 : i32
      %dma_wait3A_206 = tpu.memref_slice %arg6[%add3A_203, %dma_wait3A_205] : memref<80x128xi32, #tpu.memory_space<vmem>> -> memref<1x128xi32, #tpu.memory_space<vmem>>
      %dma_wait3A_207 = tpu.memref_squeeze %dma_wait3A_206 : memref<1x128xi32, #tpu.memory_space<vmem>> -> memref<128xi32, #tpu.memory_space<vmem>>
      %dma_wait3A_208 = arith.constant 0 : i32
      %dma_wait3A_209 = arith.constant 0 : i32
      %dma_wait3A_210 = tpu.memref_slice %arg2[%dma_wait3A_208, %dma_wait3A_209] : memref<10240x16xf32, #tpu.memory_space<hbm>> -> memref<10240x16xf32, #tpu.memory_space<hbm>>
      %dma_wait3A_211 = tpu.memref_slice %arg17[%dma_wait3A_204] : memref<8x!tpu.dma_semaphore, #tpu.memory_space<semaphore_mem>> -> memref<1x!tpu.dma_semaphore, #tpu.memory_space<semaphore_mem>>
      %dma_wait3A_212 = tpu.memref_squeeze %dma_wait3A_211 : memref<1x!tpu.dma_semaphore, #tpu.memory_space<semaphore_mem>> -> memref<!tpu.dma_semaphore, #tpu.memory_space<semaphore_mem>>
      tpu.wait_indirect_dma semaphore(%dma_wait3A_212 : memref<!tpu.dma_semaphore, #tpu.memory_space<semaphore_mem>>) src(%dma_wait3A_210 : memref<10240x16xf32, #tpu.memory_space<hbm>>) dst(%arg9 : memref<128x16xf32, #tpu.memory_space<vmem>>)
      %add3A_213 = arith.constant 1 : i32
      %add3A_214 = arith.addi %add3A_179, %add3A_213 : i32
      %dma_start3A_215 = arith.constant 1 : i32
      %dma_start3A_216 = arith.constant 0 : i32
      %dma_start3A_217 = tpu.memref_slice %arg7[%add3A_214, %dma_start3A_216] : memref<80x128xi32, #tpu.memory_space<vmem>> -> memref<1x128xi32, #tpu.memory_space<vmem>>
      %dma_start3A_218 = tpu.memref_squeeze %dma_start3A_217 : memref<1x128xi32, #tpu.memory_space<vmem>> -> memref<128xi32, #tpu.memory_space<vmem>>
      %dma_start3A_219 = arith.constant 0 : i32
      %dma_start3A_220 = arith.constant 0 : i32
      %dma_start3A_221 = tpu.memref_slice %arg16[%dma_start3A_219, %dma_start3A_220] : memref<10240x16xf32, #tpu.memory_space<vmem_shared>> -> memref<10240x16xf32, #tpu.memory_space<vmem_shared>>
      %dma_start3A_222 = tpu.memref_slice %arg18[%dma_start3A_215] : memref<8x!tpu.dma_semaphore, #tpu.memory_space<semaphore_mem>> -> memref<1x!tpu.dma_semaphore, #tpu.memory_space<semaphore_mem>>
      %dma_start3A_223 = tpu.memref_squeeze %dma_start3A_222 : memref<1x!tpu.dma_semaphore, #tpu.memory_space<semaphore_mem>> -> memref<!tpu.dma_semaphore, #tpu.memory_space<semaphore_mem>>
      tpu.enqueue_indirect_dma source(%arg9 : memref<128x16xf32, #tpu.memory_space<vmem>>) target(%dma_start3A_221 : memref<10240x16xf32, #tpu.memory_space<vmem_shared>>) offsets(%dma_start3A_218 : memref<128xi32, #tpu.memory_space<vmem>>) semaphore(%dma_start3A_223 : memref<!tpu.dma_semaphore, #tpu.memory_space<semaphore_mem>>) {add = true}
      %add3A_224 = arith.constant 2 : i32
      %add3A_225 = arith.addi %add3A_179, %add3A_224 : i32
      %dma_wait3A_226 = arith.constant 2 : i32
      %dma_wait3A_227 = arith.constant 0 : i32
      %dma_wait3A_228 = tpu.memref_slice %arg6[%add3A_225, %dma_wait3A_227] : memref<80x128xi32, #tpu.memory_space<vmem>> -> memref<1x128xi32, #tpu.memory_space<vmem>>
      %dma_wait3A_229 = tpu.memref_squeeze %dma_wait3A_228 : memref<1x128xi32, #tpu.memory_space<vmem>> -> memref<128xi32, #tpu.memory_space<vmem>>
      %dma_wait3A_230 = arith.constant 0 : i32
      %dma_wait3A_231 = arith.constant 0 : i32
      %dma_wait3A_232 = tpu.memref_slice %arg2[%dma_wait3A_230, %dma_wait3A_231] : memref<10240x16xf32, #tpu.memory_space<hbm>> -> memref<10240x16xf32, #tpu.memory_space<hbm>>
      %dma_wait3A_233 = tpu.memref_slice %arg17[%dma_wait3A_226] : memref<8x!tpu.dma_semaphore, #tpu.memory_space<semaphore_mem>> -> memref<1x!tpu.dma_semaphore, #tpu.memory_space<semaphore_mem>>
      %dma_wait3A_234 = tpu.memref_squeeze %dma_wait3A_233 : memref<1x!tpu.dma_semaphore, #tpu.memory_space<semaphore_mem>> -> memref<!tpu.dma_semaphore, #tpu.memory_space<semaphore_mem>>
      tpu.wait_indirect_dma semaphore(%dma_wait3A_234 : memref<!tpu.dma_semaphore, #tpu.memory_space<semaphore_mem>>) src(%dma_wait3A_232 : memref<10240x16xf32, #tpu.memory_space<hbm>>) dst(%arg10 : memref<128x16xf32, #tpu.memory_space<vmem>>)
      %add3A_235 = arith.constant 2 : i32
      %add3A_236 = arith.addi %add3A_179, %add3A_235 : i32
      %dma_start3A_237 = arith.constant 2 : i32
      %dma_start3A_238 = arith.constant 0 : i32
      %dma_start3A_239 = tpu.memref_slice %arg7[%add3A_236, %dma_start3A_238] : memref<80x128xi32, #tpu.memory_space<vmem>> -> memref<1x128xi32, #tpu.memory_space<vmem>>
      %dma_start3A_240 = tpu.memref_squeeze %dma_start3A_239 : memref<1x128xi32, #tpu.memory_space<vmem>> -> memref<128xi32, #tpu.memory_space<vmem>>
      %dma_start3A_241 = arith.constant 0 : i32
      %dma_start3A_242 = arith.constant 0 : i32
      %dma_start3A_243 = tpu.memref_slice %arg16[%dma_start3A_241, %dma_start3A_242] : memref<10240x16xf32, #tpu.memory_space<vmem_shared>> -> memref<10240x16xf32, #tpu.memory_space<vmem_shared>>
      %dma_start3A_244 = tpu.memref_slice %arg18[%dma_start3A_237] : memref<8x!tpu.dma_semaphore, #tpu.memory_space<semaphore_mem>> -> memref<1x!tpu.dma_semaphore, #tpu.memory_space<semaphore_mem>>
      %dma_start3A_245 = tpu.memref_squeeze %dma_start3A_244 : memref<1x!tpu.dma_semaphore, #tpu.memory_space<semaphore_mem>> -> memref<!tpu.dma_semaphore, #tpu.memory_space<semaphore_mem>>
      tpu.enqueue_indirect_dma source(%arg10 : memref<128x16xf32, #tpu.memory_space<vmem>>) target(%dma_start3A_243 : memref<10240x16xf32, #tpu.memory_space<vmem_shared>>) offsets(%dma_start3A_240 : memref<128xi32, #tpu.memory_space<vmem>>) semaphore(%dma_start3A_245 : memref<!tpu.dma_semaphore, #tpu.memory_space<semaphore_mem>>) {add = true}
      %add3A_246 = arith.constant 3 : i32
      %add3A_247 = arith.addi %add3A_179, %add3A_246 : i32
      %dma_wait3A_248 = arith.constant 3 : i32
      %dma_wait3A_249 = arith.constant 0 : i32
      %dma_wait3A_250 = tpu.memref_slice %arg6[%add3A_247, %dma_wait3A_249] : memref<80x128xi32, #tpu.memory_space<vmem>> -> memref<1x128xi32, #tpu.memory_space<vmem>>
      %dma_wait3A_251 = tpu.memref_squeeze %dma_wait3A_250 : memref<1x128xi32, #tpu.memory_space<vmem>> -> memref<128xi32, #tpu.memory_space<vmem>>
      %dma_wait3A_252 = arith.constant 0 : i32
      %dma_wait3A_253 = arith.constant 0 : i32
      %dma_wait3A_254 = tpu.memref_slice %arg2[%dma_wait3A_252, %dma_wait3A_253] : memref<10240x16xf32, #tpu.memory_space<hbm>> -> memref<10240x16xf32, #tpu.memory_space<hbm>>
      %dma_wait3A_255 = tpu.memref_slice %arg17[%dma_wait3A_248] : memref<8x!tpu.dma_semaphore, #tpu.memory_space<semaphore_mem>> -> memref<1x!tpu.dma_semaphore, #tpu.memory_space<semaphore_mem>>
      %dma_wait3A_256 = tpu.memref_squeeze %dma_wait3A_255 : memref<1x!tpu.dma_semaphore, #tpu.memory_space<semaphore_mem>> -> memref<!tpu.dma_semaphore, #tpu.memory_space<semaphore_mem>>
      tpu.wait_indirect_dma semaphore(%dma_wait3A_256 : memref<!tpu.dma_semaphore, #tpu.memory_space<semaphore_mem>>) src(%dma_wait3A_254 : memref<10240x16xf32, #tpu.memory_space<hbm>>) dst(%arg11 : memref<128x16xf32, #tpu.memory_space<vmem>>)
      %add3A_257 = arith.constant 3 : i32
      %add3A_258 = arith.addi %add3A_179, %add3A_257 : i32
      %dma_start3A_259 = arith.constant 3 : i32
      %dma_start3A_260 = arith.constant 0 : i32
      %dma_start3A_261 = tpu.memref_slice %arg7[%add3A_258, %dma_start3A_260] : memref<80x128xi32, #tpu.memory_space<vmem>> -> memref<1x128xi32, #tpu.memory_space<vmem>>
      %dma_start3A_262 = tpu.memref_squeeze %dma_start3A_261 : memref<1x128xi32, #tpu.memory_space<vmem>> -> memref<128xi32, #tpu.memory_space<vmem>>
      %dma_start3A_263 = arith.constant 0 : i32
      %dma_start3A_264 = arith.constant 0 : i32
      %dma_start3A_265 = tpu.memref_slice %arg16[%dma_start3A_263, %dma_start3A_264] : memref<10240x16xf32, #tpu.memory_space<vmem_shared>> -> memref<10240x16xf32, #tpu.memory_space<vmem_shared>>
      %dma_start3A_266 = tpu.memref_slice %arg18[%dma_start3A_259] : memref<8x!tpu.dma_semaphore, #tpu.memory_space<semaphore_mem>> -> memref<1x!tpu.dma_semaphore, #tpu.memory_space<semaphore_mem>>
      %dma_start3A_267 = tpu.memref_squeeze %dma_start3A_266 : memref<1x!tpu.dma_semaphore, #tpu.memory_space<semaphore_mem>> -> memref<!tpu.dma_semaphore, #tpu.memory_space<semaphore_mem>>
      tpu.enqueue_indirect_dma source(%arg11 : memref<128x16xf32, #tpu.memory_space<vmem>>) target(%dma_start3A_265 : memref<10240x16xf32, #tpu.memory_space<vmem_shared>>) offsets(%dma_start3A_262 : memref<128xi32, #tpu.memory_space<vmem>>) semaphore(%dma_start3A_267 : memref<!tpu.dma_semaphore, #tpu.memory_space<semaphore_mem>>) {add = true}
      %add3A_268 = arith.constant 4 : i32
      %add3A_269 = arith.addi %add3A_179, %add3A_268 : i32
      %dma_wait3A_270 = arith.constant 4 : i32
      %dma_wait3A_271 = arith.constant 0 : i32
      %dma_wait3A_272 = tpu.memref_slice %arg6[%add3A_269, %dma_wait3A_271] : memref<80x128xi32, #tpu.memory_space<vmem>> -> memref<1x128xi32, #tpu.memory_space<vmem>>
      %dma_wait3A_273 = tpu.memref_squeeze %dma_wait3A_272 : memref<1x128xi32, #tpu.memory_space<vmem>> -> memref<128xi32, #tpu.memory_space<vmem>>
      %dma_wait3A_274 = arith.constant 0 : i32
      %dma_wait3A_275 = arith.constant 0 : i32
      %dma_wait3A_276 = tpu.memref_slice %arg2[%dma_wait3A_274, %dma_wait3A_275] : memref<10240x16xf32, #tpu.memory_space<hbm>> -> memref<10240x16xf32, #tpu.memory_space<hbm>>
      %dma_wait3A_277 = tpu.memref_slice %arg17[%dma_wait3A_270] : memref<8x!tpu.dma_semaphore, #tpu.memory_space<semaphore_mem>> -> memref<1x!tpu.dma_semaphore, #tpu.memory_space<semaphore_mem>>
      %dma_wait3A_278 = tpu.memref_squeeze %dma_wait3A_277 : memref<1x!tpu.dma_semaphore, #tpu.memory_space<semaphore_mem>> -> memref<!tpu.dma_semaphore, #tpu.memory_space<semaphore_mem>>
      tpu.wait_indirect_dma semaphore(%dma_wait3A_278 : memref<!tpu.dma_semaphore, #tpu.memory_space<semaphore_mem>>) src(%dma_wait3A_276 : memref<10240x16xf32, #tpu.memory_space<hbm>>) dst(%arg12 : memref<128x16xf32, #tpu.memory_space<vmem>>)
      %add3A_279 = arith.constant 4 : i32
      %add3A_280 = arith.addi %add3A_179, %add3A_279 : i32
      %dma_start3A_281 = arith.constant 4 : i32
      %dma_start3A_282 = arith.constant 0 : i32
      %dma_start3A_283 = tpu.memref_slice %arg7[%add3A_280, %dma_start3A_282] : memref<80x128xi32, #tpu.memory_space<vmem>> -> memref<1x128xi32, #tpu.memory_space<vmem>>
      %dma_start3A_284 = tpu.memref_squeeze %dma_start3A_283 : memref<1x128xi32, #tpu.memory_space<vmem>> -> memref<128xi32, #tpu.memory_space<vmem>>
      %dma_start3A_285 = arith.constant 0 : i32
      %dma_start3A_286 = arith.constant 0 : i32
      %dma_start3A_287 = tpu.memref_slice %arg16[%dma_start3A_285, %dma_start3A_286] : memref<10240x16xf32, #tpu.memory_space<vmem_shared>> -> memref<10240x16xf32, #tpu.memory_space<vmem_shared>>
      %dma_start3A_288 = tpu.memref_slice %arg18[%dma_start3A_281] : memref<8x!tpu.dma_semaphore, #tpu.memory_space<semaphore_mem>> -> memref<1x!tpu.dma_semaphore, #tpu.memory_space<semaphore_mem>>
      %dma_start3A_289 = tpu.memref_squeeze %dma_start3A_288 : memref<1x!tpu.dma_semaphore, #tpu.memory_space<semaphore_mem>> -> memref<!tpu.dma_semaphore, #tpu.memory_space<semaphore_mem>>
      tpu.enqueue_indirect_dma source(%arg12 : memref<128x16xf32, #tpu.memory_space<vmem>>) target(%dma_start3A_287 : memref<10240x16xf32, #tpu.memory_space<vmem_shared>>) offsets(%dma_start3A_284 : memref<128xi32, #tpu.memory_space<vmem>>) semaphore(%dma_start3A_289 : memref<!tpu.dma_semaphore, #tpu.memory_space<semaphore_mem>>) {add = true}
      %add3A_290 = arith.constant 5 : i32
      %add3A_291 = arith.addi %add3A_179, %add3A_290 : i32
      %dma_wait3A_292 = arith.constant 5 : i32
      %dma_wait3A_293 = arith.constant 0 : i32
      %dma_wait3A_294 = tpu.memref_slice %arg6[%add3A_291, %dma_wait3A_293] : memref<80x128xi32, #tpu.memory_space<vmem>> -> memref<1x128xi32, #tpu.memory_space<vmem>>
      %dma_wait3A_295 = tpu.memref_squeeze %dma_wait3A_294 : memref<1x128xi32, #tpu.memory_space<vmem>> -> memref<128xi32, #tpu.memory_space<vmem>>
      %dma_wait3A_296 = arith.constant 0 : i32
      %dma_wait3A_297 = arith.constant 0 : i32
      %dma_wait3A_298 = tpu.memref_slice %arg2[%dma_wait3A_296, %dma_wait3A_297] : memref<10240x16xf32, #tpu.memory_space<hbm>> -> memref<10240x16xf32, #tpu.memory_space<hbm>>
      %dma_wait3A_299 = tpu.memref_slice %arg17[%dma_wait3A_292] : memref<8x!tpu.dma_semaphore, #tpu.memory_space<semaphore_mem>> -> memref<1x!tpu.dma_semaphore, #tpu.memory_space<semaphore_mem>>
      %dma_wait3A_300 = tpu.memref_squeeze %dma_wait3A_299 : memref<1x!tpu.dma_semaphore, #tpu.memory_space<semaphore_mem>> -> memref<!tpu.dma_semaphore, #tpu.memory_space<semaphore_mem>>
      tpu.wait_indirect_dma semaphore(%dma_wait3A_300 : memref<!tpu.dma_semaphore, #tpu.memory_space<semaphore_mem>>) src(%dma_wait3A_298 : memref<10240x16xf32, #tpu.memory_space<hbm>>) dst(%arg13 : memref<128x16xf32, #tpu.memory_space<vmem>>)
      %add3A_301 = arith.constant 5 : i32
      %add3A_302 = arith.addi %add3A_179, %add3A_301 : i32
      %dma_start3A_303 = arith.constant 5 : i32
      %dma_start3A_304 = arith.constant 0 : i32
      %dma_start3A_305 = tpu.memref_slice %arg7[%add3A_302, %dma_start3A_304] : memref<80x128xi32, #tpu.memory_space<vmem>> -> memref<1x128xi32, #tpu.memory_space<vmem>>
      %dma_start3A_306 = tpu.memref_squeeze %dma_start3A_305 : memref<1x128xi32, #tpu.memory_space<vmem>> -> memref<128xi32, #tpu.memory_space<vmem>>
      %dma_start3A_307 = arith.constant 0 : i32
      %dma_start3A_308 = arith.constant 0 : i32
      %dma_start3A_309 = tpu.memref_slice %arg16[%dma_start3A_307, %dma_start3A_308] : memref<10240x16xf32, #tpu.memory_space<vmem_shared>> -> memref<10240x16xf32, #tpu.memory_space<vmem_shared>>
      %dma_start3A_310 = tpu.memref_slice %arg18[%dma_start3A_303] : memref<8x!tpu.dma_semaphore, #tpu.memory_space<semaphore_mem>> -> memref<1x!tpu.dma_semaphore, #tpu.memory_space<semaphore_mem>>
      %dma_start3A_311 = tpu.memref_squeeze %dma_start3A_310 : memref<1x!tpu.dma_semaphore, #tpu.memory_space<semaphore_mem>> -> memref<!tpu.dma_semaphore, #tpu.memory_space<semaphore_mem>>
      tpu.enqueue_indirect_dma source(%arg13 : memref<128x16xf32, #tpu.memory_space<vmem>>) target(%dma_start3A_309 : memref<10240x16xf32, #tpu.memory_space<vmem_shared>>) offsets(%dma_start3A_306 : memref<128xi32, #tpu.memory_space<vmem>>) semaphore(%dma_start3A_311 : memref<!tpu.dma_semaphore, #tpu.memory_space<semaphore_mem>>) {add = true}
      %add3A_312 = arith.constant 6 : i32
      %add3A_313 = arith.addi %add3A_179, %add3A_312 : i32
      %dma_wait3A_314 = arith.constant 6 : i32
      %dma_wait3A_315 = arith.constant 0 : i32
      %dma_wait3A_316 = tpu.memref_slice %arg6[%add3A_313, %dma_wait3A_315] : memref<80x128xi32, #tpu.memory_space<vmem>> -> memref<1x128xi32, #tpu.memory_space<vmem>>
      %dma_wait3A_317 = tpu.memref_squeeze %dma_wait3A_316 : memref<1x128xi32, #tpu.memory_space<vmem>> -> memref<128xi32, #tpu.memory_space<vmem>>
      %dma_wait3A_318 = arith.constant 0 : i32
      %dma_wait3A_319 = arith.constant 0 : i32
      %dma_wait3A_320 = tpu.memref_slice %arg2[%dma_wait3A_318, %dma_wait3A_319] : memref<10240x16xf32, #tpu.memory_space<hbm>> -> memref<10240x16xf32, #tpu.memory_space<hbm>>
      %dma_wait3A_321 = tpu.memref_slice %arg17[%dma_wait3A_314] : memref<8x!tpu.dma_semaphore, #tpu.memory_space<semaphore_mem>> -> memref<1x!tpu.dma_semaphore, #tpu.memory_space<semaphore_mem>>
      %dma_wait3A_322 = tpu.memref_squeeze %dma_wait3A_321 : memref<1x!tpu.dma_semaphore, #tpu.memory_space<semaphore_mem>> -> memref<!tpu.dma_semaphore, #tpu.memory_space<semaphore_mem>>
      tpu.wait_indirect_dma semaphore(%dma_wait3A_322 : memref<!tpu.dma_semaphore, #tpu.memory_space<semaphore_mem>>) src(%dma_wait3A_320 : memref<10240x16xf32, #tpu.memory_space<hbm>>) dst(%arg14 : memref<128x16xf32, #tpu.memory_space<vmem>>)
      %add3A_323 = arith.constant 6 : i32
      %add3A_324 = arith.addi %add3A_179, %add3A_323 : i32
      %dma_start3A_325 = arith.constant 6 : i32
      %dma_start3A_326 = arith.constant 0 : i32
      %dma_start3A_327 = tpu.memref_slice %arg7[%add3A_324, %dma_start3A_326] : memref<80x128xi32, #tpu.memory_space<vmem>> -> memref<1x128xi32, #tpu.memory_space<vmem>>
      %dma_start3A_328 = tpu.memref_squeeze %dma_start3A_327 : memref<1x128xi32, #tpu.memory_space<vmem>> -> memref<128xi32, #tpu.memory_space<vmem>>
      %dma_start3A_329 = arith.constant 0 : i32
      %dma_start3A_330 = arith.constant 0 : i32
      %dma_start3A_331 = tpu.memref_slice %arg16[%dma_start3A_329, %dma_start3A_330] : memref<10240x16xf32, #tpu.memory_space<vmem_shared>> -> memref<10240x16xf32, #tpu.memory_space<vmem_shared>>
      %dma_start3A_332 = tpu.memref_slice %arg18[%dma_start3A_325] : memref<8x!tpu.dma_semaphore, #tpu.memory_space<semaphore_mem>> -> memref<1x!tpu.dma_semaphore, #tpu.memory_space<semaphore_mem>>
      %dma_start3A_333 = tpu.memref_squeeze %dma_start3A_332 : memref<1x!tpu.dma_semaphore, #tpu.memory_space<semaphore_mem>> -> memref<!tpu.dma_semaphore, #tpu.memory_space<semaphore_mem>>
      tpu.enqueue_indirect_dma source(%arg14 : memref<128x16xf32, #tpu.memory_space<vmem>>) target(%dma_start3A_331 : memref<10240x16xf32, #tpu.memory_space<vmem_shared>>) offsets(%dma_start3A_328 : memref<128xi32, #tpu.memory_space<vmem>>) semaphore(%dma_start3A_333 : memref<!tpu.dma_semaphore, #tpu.memory_space<semaphore_mem>>) {add = true}
      %add3A_334 = arith.constant 7 : i32
      %add3A_335 = arith.addi %add3A_179, %add3A_334 : i32
      %dma_wait3A_336 = arith.constant 7 : i32
      %dma_wait3A_337 = arith.constant 0 : i32
      %dma_wait3A_338 = tpu.memref_slice %arg6[%add3A_335, %dma_wait3A_337] : memref<80x128xi32, #tpu.memory_space<vmem>> -> memref<1x128xi32, #tpu.memory_space<vmem>>
      %dma_wait3A_339 = tpu.memref_squeeze %dma_wait3A_338 : memref<1x128xi32, #tpu.memory_space<vmem>> -> memref<128xi32, #tpu.memory_space<vmem>>
      %dma_wait3A_340 = arith.constant 0 : i32
      %dma_wait3A_341 = arith.constant 0 : i32
      %dma_wait3A_342 = tpu.memref_slice %arg2[%dma_wait3A_340, %dma_wait3A_341] : memref<10240x16xf32, #tpu.memory_space<hbm>> -> memref<10240x16xf32, #tpu.memory_space<hbm>>
      %dma_wait3A_343 = tpu.memref_slice %arg17[%dma_wait3A_336] : memref<8x!tpu.dma_semaphore, #tpu.memory_space<semaphore_mem>> -> memref<1x!tpu.dma_semaphore, #tpu.memory_space<semaphore_mem>>
      %dma_wait3A_344 = tpu.memref_squeeze %dma_wait3A_343 : memref<1x!tpu.dma_semaphore, #tpu.memory_space<semaphore_mem>> -> memref<!tpu.dma_semaphore, #tpu.memory_space<semaphore_mem>>
      tpu.wait_indirect_dma semaphore(%dma_wait3A_344 : memref<!tpu.dma_semaphore, #tpu.memory_space<semaphore_mem>>) src(%dma_wait3A_342 : memref<10240x16xf32, #tpu.memory_space<hbm>>) dst(%arg15 : memref<128x16xf32, #tpu.memory_space<vmem>>)
      %add3A_345 = arith.constant 7 : i32
      %add3A_346 = arith.addi %add3A_179, %add3A_345 : i32
      %dma_start3A_347 = arith.constant 7 : i32
      %dma_start3A_348 = arith.constant 0 : i32
      %dma_start3A_349 = tpu.memref_slice %arg7[%add3A_346, %dma_start3A_348] : memref<80x128xi32, #tpu.memory_space<vmem>> -> memref<1x128xi32, #tpu.memory_space<vmem>>
      %dma_start3A_350 = tpu.memref_squeeze %dma_start3A_349 : memref<1x128xi32, #tpu.memory_space<vmem>> -> memref<128xi32, #tpu.memory_space<vmem>>
      %dma_start3A_351 = arith.constant 0 : i32
      %dma_start3A_352 = arith.constant 0 : i32
      %dma_start3A_353 = tpu.memref_slice %arg16[%dma_start3A_351, %dma_start3A_352] : memref<10240x16xf32, #tpu.memory_space<vmem_shared>> -> memref<10240x16xf32, #tpu.memory_space<vmem_shared>>
      %dma_start3A_354 = tpu.memref_slice %arg18[%dma_start3A_347] : memref<8x!tpu.dma_semaphore, #tpu.memory_space<semaphore_mem>> -> memref<1x!tpu.dma_semaphore, #tpu.memory_space<semaphore_mem>>
      %dma_start3A_355 = tpu.memref_squeeze %dma_start3A_354 : memref<1x!tpu.dma_semaphore, #tpu.memory_space<semaphore_mem>> -> memref<!tpu.dma_semaphore, #tpu.memory_space<semaphore_mem>>
      tpu.enqueue_indirect_dma source(%arg15 : memref<128x16xf32, #tpu.memory_space<vmem>>) target(%dma_start3A_353 : memref<10240x16xf32, #tpu.memory_space<vmem_shared>>) offsets(%dma_start3A_350 : memref<128xi32, #tpu.memory_space<vmem>>) semaphore(%dma_start3A_355 : memref<!tpu.dma_semaphore, #tpu.memory_space<semaphore_mem>>) {add = true}
      %add3A_356 = arith.constant 0 : i32
      %add3A_357 = arith.addi %add3A_179, %add3A_356 : i32
      %dma_wait3A_358 = arith.constant 0 : i32
      %dma_wait3A_359 = arith.constant 0 : i32
      %dma_wait3A_360 = tpu.memref_slice %arg7[%add3A_357, %dma_wait3A_359] : memref<80x128xi32, #tpu.memory_space<vmem>> -> memref<1x128xi32, #tpu.memory_space<vmem>>
      %dma_wait3A_361 = tpu.memref_squeeze %dma_wait3A_360 : memref<1x128xi32, #tpu.memory_space<vmem>> -> memref<128xi32, #tpu.memory_space<vmem>>
      %dma_wait3A_362 = arith.constant 0 : i32
      %dma_wait3A_363 = arith.constant 0 : i32
      %dma_wait3A_364 = tpu.memref_slice %arg16[%dma_wait3A_362, %dma_wait3A_363] : memref<10240x16xf32, #tpu.memory_space<vmem_shared>> -> memref<10240x16xf32, #tpu.memory_space<vmem_shared>>
      %dma_wait3A_365 = tpu.memref_slice %arg18[%dma_wait3A_358] : memref<8x!tpu.dma_semaphore, #tpu.memory_space<semaphore_mem>> -> memref<1x!tpu.dma_semaphore, #tpu.memory_space<semaphore_mem>>
      %dma_wait3A_366 = tpu.memref_squeeze %dma_wait3A_365 : memref<1x!tpu.dma_semaphore, #tpu.memory_space<semaphore_mem>> -> memref<!tpu.dma_semaphore, #tpu.memory_space<semaphore_mem>>
      tpu.wait_indirect_dma semaphore(%dma_wait3A_366 : memref<!tpu.dma_semaphore, #tpu.memory_space<semaphore_mem>>) src(%arg8 : memref<128x16xf32, #tpu.memory_space<vmem>>) dst(%dma_wait3A_364 : memref<10240x16xf32, #tpu.memory_space<vmem_shared>>)
      %add3A_367 = arith.constant 8 : i32
      %add3A_368 = arith.addi %add3A_179, %add3A_367 : i32
      %add3A_369 = arith.constant 0 : i32
      %add3A_370 = arith.addi %add3A_368, %add3A_369 : i32
      %min3A = arith.constant 79 : i32
      %min3A_371 = arith.minsi %add3A_370, %min3A : i32
      %dma_start3A_372 = arith.constant 0 : i32
      %dma_start3A_373 = arith.constant 0 : i32
      %dma_start3A_374 = tpu.memref_slice %arg6[%min3A_371, %dma_start3A_373] : memref<80x128xi32, #tpu.memory_space<vmem>> -> memref<1x128xi32, #tpu.memory_space<vmem>>
      %dma_start3A_375 = tpu.memref_squeeze %dma_start3A_374 : memref<1x128xi32, #tpu.memory_space<vmem>> -> memref<128xi32, #tpu.memory_space<vmem>>
      %dma_start3A_376 = arith.constant 0 : i32
      %dma_start3A_377 = arith.constant 0 : i32
      %dma_start3A_378 = tpu.memref_slice %arg2[%dma_start3A_376, %dma_start3A_377] : memref<10240x16xf32, #tpu.memory_space<hbm>> -> memref<10240x16xf32, #tpu.memory_space<hbm>>
      %dma_start3A_379 = tpu.memref_slice %arg17[%dma_start3A_372] : memref<8x!tpu.dma_semaphore, #tpu.memory_space<semaphore_mem>> -> memref<1x!tpu.dma_semaphore, #tpu.memory_space<semaphore_mem>>
      %dma_start3A_380 = tpu.memref_squeeze %dma_start3A_379 : memref<1x!tpu.dma_semaphore, #tpu.memory_space<semaphore_mem>> -> memref<!tpu.dma_semaphore, #tpu.memory_space<semaphore_mem>>
      tpu.enqueue_indirect_dma source(%dma_start3A_378 : memref<10240x16xf32, #tpu.memory_space<hbm>>) target(%arg8 : memref<128x16xf32, #tpu.memory_space<vmem>>) offsets(%dma_start3A_375 : memref<128xi32, #tpu.memory_space<vmem>>) semaphore(%dma_start3A_380 : memref<!tpu.dma_semaphore, #tpu.memory_space<semaphore_mem>>)
      %add3A_381 = arith.constant 1 : i32
      %add3A_382 = arith.addi %add3A_179, %add3A_381 : i32
      %dma_wait3A_383 = arith.constant 1 : i32
      %dma_wait3A_384 = arith.constant 0 : i32
      %dma_wait3A_385 = tpu.memref_slice %arg7[%add3A_382, %dma_wait3A_384] : memref<80x128xi32, #tpu.memory_space<vmem>> -> memref<1x128xi32, #tpu.memory_space<vmem>>
      %dma_wait3A_386 = tpu.memref_squeeze %dma_wait3A_385 : memref<1x128xi32, #tpu.memory_space<vmem>> -> memref<128xi32, #tpu.memory_space<vmem>>
      %dma_wait3A_387 = arith.constant 0 : i32
      %dma_wait3A_388 = arith.constant 0 : i32
      %dma_wait3A_389 = tpu.memref_slice %arg16[%dma_wait3A_387, %dma_wait3A_388] : memref<10240x16xf32, #tpu.memory_space<vmem_shared>> -> memref<10240x16xf32, #tpu.memory_space<vmem_shared>>
      %dma_wait3A_390 = tpu.memref_slice %arg18[%dma_wait3A_383] : memref<8x!tpu.dma_semaphore, #tpu.memory_space<semaphore_mem>> -> memref<1x!tpu.dma_semaphore, #tpu.memory_space<semaphore_mem>>
      %dma_wait3A_391 = tpu.memref_squeeze %dma_wait3A_390 : memref<1x!tpu.dma_semaphore, #tpu.memory_space<semaphore_mem>> -> memref<!tpu.dma_semaphore, #tpu.memory_space<semaphore_mem>>
      tpu.wait_indirect_dma semaphore(%dma_wait3A_391 : memref<!tpu.dma_semaphore, #tpu.memory_space<semaphore_mem>>) src(%arg9 : memref<128x16xf32, #tpu.memory_space<vmem>>) dst(%dma_wait3A_389 : memref<10240x16xf32, #tpu.memory_space<vmem_shared>>)
      %add3A_392 = arith.constant 8 : i32
      %add3A_393 = arith.addi %add3A_179, %add3A_392 : i32
      %add3A_394 = arith.constant 1 : i32
      %add3A_395 = arith.addi %add3A_393, %add3A_394 : i32
      %min3A_396 = arith.constant 79 : i32
      %min3A_397 = arith.minsi %add3A_395, %min3A_396 : i32
      %dma_start3A_398 = arith.constant 1 : i32
      %dma_start3A_399 = arith.constant 0 : i32
      %dma_start3A_400 = tpu.memref_slice %arg6[%min3A_397, %dma_start3A_399] : memref<80x128xi32, #tpu.memory_space<vmem>> -> memref<1x128xi32, #tpu.memory_space<vmem>>
      %dma_start3A_401 = tpu.memref_squeeze %dma_start3A_400 : memref<1x128xi32, #tpu.memory_space<vmem>> -> memref<128xi32, #tpu.memory_space<vmem>>
      %dma_start3A_402 = arith.constant 0 : i32
      %dma_start3A_403 = arith.constant 0 : i32
      %dma_start3A_404 = tpu.memref_slice %arg2[%dma_start3A_402, %dma_start3A_403] : memref<10240x16xf32, #tpu.memory_space<hbm>> -> memref<10240x16xf32, #tpu.memory_space<hbm>>
      %dma_start3A_405 = tpu.memref_slice %arg17[%dma_start3A_398] : memref<8x!tpu.dma_semaphore, #tpu.memory_space<semaphore_mem>> -> memref<1x!tpu.dma_semaphore, #tpu.memory_space<semaphore_mem>>
      %dma_start3A_406 = tpu.memref_squeeze %dma_start3A_405 : memref<1x!tpu.dma_semaphore, #tpu.memory_space<semaphore_mem>> -> memref<!tpu.dma_semaphore, #tpu.memory_space<semaphore_mem>>
      tpu.enqueue_indirect_dma source(%dma_start3A_404 : memref<10240x16xf32, #tpu.memory_space<hbm>>) target(%arg9 : memref<128x16xf32, #tpu.memory_space<vmem>>) offsets(%dma_start3A_401 : memref<128xi32, #tpu.memory_space<vmem>>) semaphore(%dma_start3A_406 : memref<!tpu.dma_semaphore, #tpu.memory_space<semaphore_mem>>)
      %add3A_407 = arith.constant 2 : i32
      %add3A_408 = arith.addi %add3A_179, %add3A_407 : i32
      %dma_wait3A_409 = arith.constant 2 : i32
      %dma_wait3A_410 = arith.constant 0 : i32
      %dma_wait3A_411 = tpu.memref_slice %arg7[%add3A_408, %dma_wait3A_410] : memref<80x128xi32, #tpu.memory_space<vmem>> -> memref<1x128xi32, #tpu.memory_space<vmem>>
      %dma_wait3A_412 = tpu.memref_squeeze %dma_wait3A_411 : memref<1x128xi32, #tpu.memory_space<vmem>> -> memref<128xi32, #tpu.memory_space<vmem>>
      %dma_wait3A_413 = arith.constant 0 : i32
      %dma_wait3A_414 = arith.constant 0 : i32
      %dma_wait3A_415 = tpu.memref_slice %arg16[%dma_wait3A_413, %dma_wait3A_414] : memref<10240x16xf32, #tpu.memory_space<vmem_shared>> -> memref<10240x16xf32, #tpu.memory_space<vmem_shared>>
      %dma_wait3A_416 = tpu.memref_slice %arg18[%dma_wait3A_409] : memref<8x!tpu.dma_semaphore, #tpu.memory_space<semaphore_mem>> -> memref<1x!tpu.dma_semaphore, #tpu.memory_space<semaphore_mem>>
      %dma_wait3A_417 = tpu.memref_squeeze %dma_wait3A_416 : memref<1x!tpu.dma_semaphore, #tpu.memory_space<semaphore_mem>> -> memref<!tpu.dma_semaphore, #tpu.memory_space<semaphore_mem>>
      tpu.wait_indirect_dma semaphore(%dma_wait3A_417 : memref<!tpu.dma_semaphore, #tpu.memory_space<semaphore_mem>>) src(%arg10 : memref<128x16xf32, #tpu.memory_space<vmem>>) dst(%dma_wait3A_415 : memref<10240x16xf32, #tpu.memory_space<vmem_shared>>)
      %add3A_418 = arith.constant 8 : i32
      %add3A_419 = arith.addi %add3A_179, %add3A_418 : i32
      %add3A_420 = arith.constant 2 : i32
      %add3A_421 = arith.addi %add3A_419, %add3A_420 : i32
      %min3A_422 = arith.constant 79 : i32
      %min3A_423 = arith.minsi %add3A_421, %min3A_422 : i32
      %dma_start3A_424 = arith.constant 2 : i32
      %dma_start3A_425 = arith.constant 0 : i32
      %dma_start3A_426 = tpu.memref_slice %arg6[%min3A_423, %dma_start3A_425] : memref<80x128xi32, #tpu.memory_space<vmem>> -> memref<1x128xi32, #tpu.memory_space<vmem>>
      %dma_start3A_427 = tpu.memref_squeeze %dma_start3A_426 : memref<1x128xi32, #tpu.memory_space<vmem>> -> memref<128xi32, #tpu.memory_space<vmem>>
      %dma_start3A_428 = arith.constant 0 : i32
      %dma_start3A_429 = arith.constant 0 : i32
      %dma_start3A_430 = tpu.memref_slice %arg2[%dma_start3A_428, %dma_start3A_429] : memref<10240x16xf32, #tpu.memory_space<hbm>> -> memref<10240x16xf32, #tpu.memory_space<hbm>>
      %dma_start3A_431 = tpu.memref_slice %arg17[%dma_start3A_424] : memref<8x!tpu.dma_semaphore, #tpu.memory_space<semaphore_mem>> -> memref<1x!tpu.dma_semaphore, #tpu.memory_space<semaphore_mem>>
      %dma_start3A_432 = tpu.memref_squeeze %dma_start3A_431 : memref<1x!tpu.dma_semaphore, #tpu.memory_space<semaphore_mem>> -> memref<!tpu.dma_semaphore, #tpu.memory_space<semaphore_mem>>
      tpu.enqueue_indirect_dma source(%dma_start3A_430 : memref<10240x16xf32, #tpu.memory_space<hbm>>) target(%arg10 : memref<128x16xf32, #tpu.memory_space<vmem>>) offsets(%dma_start3A_427 : memref<128xi32, #tpu.memory_space<vmem>>) semaphore(%dma_start3A_432 : memref<!tpu.dma_semaphore, #tpu.memory_space<semaphore_mem>>)
      %add3A_433 = arith.constant 3 : i32
      %add3A_434 = arith.addi %add3A_179, %add3A_433 : i32
      %dma_wait3A_435 = arith.constant 3 : i32
      %dma_wait3A_436 = arith.constant 0 : i32
      %dma_wait3A_437 = tpu.memref_slice %arg7[%add3A_434, %dma_wait3A_436] : memref<80x128xi32, #tpu.memory_space<vmem>> -> memref<1x128xi32, #tpu.memory_space<vmem>>
      %dma_wait3A_438 = tpu.memref_squeeze %dma_wait3A_437 : memref<1x128xi32, #tpu.memory_space<vmem>> -> memref<128xi32, #tpu.memory_space<vmem>>
      %dma_wait3A_439 = arith.constant 0 : i32
      %dma_wait3A_440 = arith.constant 0 : i32
      %dma_wait3A_441 = tpu.memref_slice %arg16[%dma_wait3A_439, %dma_wait3A_440] : memref<10240x16xf32, #tpu.memory_space<vmem_shared>> -> memref<10240x16xf32, #tpu.memory_space<vmem_shared>>
      %dma_wait3A_442 = tpu.memref_slice %arg18[%dma_wait3A_435] : memref<8x!tpu.dma_semaphore, #tpu.memory_space<semaphore_mem>> -> memref<1x!tpu.dma_semaphore, #tpu.memory_space<semaphore_mem>>
      %dma_wait3A_443 = tpu.memref_squeeze %dma_wait3A_442 : memref<1x!tpu.dma_semaphore, #tpu.memory_space<semaphore_mem>> -> memref<!tpu.dma_semaphore, #tpu.memory_space<semaphore_mem>>
      tpu.wait_indirect_dma semaphore(%dma_wait3A_443 : memref<!tpu.dma_semaphore, #tpu.memory_space<semaphore_mem>>) src(%arg11 : memref<128x16xf32, #tpu.memory_space<vmem>>) dst(%dma_wait3A_441 : memref<10240x16xf32, #tpu.memory_space<vmem_shared>>)
      %add3A_444 = arith.constant 8 : i32
      %add3A_445 = arith.addi %add3A_179, %add3A_444 : i32
      %add3A_446 = arith.constant 3 : i32
      %add3A_447 = arith.addi %add3A_445, %add3A_446 : i32
      %min3A_448 = arith.constant 79 : i32
      %min3A_449 = arith.minsi %add3A_447, %min3A_448 : i32
      %dma_start3A_450 = arith.constant 3 : i32
      %dma_start3A_451 = arith.constant 0 : i32
      %dma_start3A_452 = tpu.memref_slice %arg6[%min3A_449, %dma_start3A_451] : memref<80x128xi32, #tpu.memory_space<vmem>> -> memref<1x128xi32, #tpu.memory_space<vmem>>
      %dma_start3A_453 = tpu.memref_squeeze %dma_start3A_452 : memref<1x128xi32, #tpu.memory_space<vmem>> -> memref<128xi32, #tpu.memory_space<vmem>>
      %dma_start3A_454 = arith.constant 0 : i32
      %dma_start3A_455 = arith.constant 0 : i32
      %dma_start3A_456 = tpu.memref_slice %arg2[%dma_start3A_454, %dma_start3A_455] : memref<10240x16xf32, #tpu.memory_space<hbm>> -> memref<10240x16xf32, #tpu.memory_space<hbm>>
      %dma_start3A_457 = tpu.memref_slice %arg17[%dma_start3A_450] : memref<8x!tpu.dma_semaphore, #tpu.memory_space<semaphore_mem>> -> memref<1x!tpu.dma_semaphore, #tpu.memory_space<semaphore_mem>>
      %dma_start3A_458 = tpu.memref_squeeze %dma_start3A_457 : memref<1x!tpu.dma_semaphore, #tpu.memory_space<semaphore_mem>> -> memref<!tpu.dma_semaphore, #tpu.memory_space<semaphore_mem>>
      tpu.enqueue_indirect_dma source(%dma_start3A_456 : memref<10240x16xf32, #tpu.memory_space<hbm>>) target(%arg11 : memref<128x16xf32, #tpu.memory_space<vmem>>) offsets(%dma_start3A_453 : memref<128xi32, #tpu.memory_space<vmem>>) semaphore(%dma_start3A_458 : memref<!tpu.dma_semaphore, #tpu.memory_space<semaphore_mem>>)
      %add3A_459 = arith.constant 4 : i32
      %add3A_460 = arith.addi %add3A_179, %add3A_459 : i32
      %dma_wait3A_461 = arith.constant 4 : i32
      %dma_wait3A_462 = arith.constant 0 : i32
      %dma_wait3A_463 = tpu.memref_slice %arg7[%add3A_460, %dma_wait3A_462] : memref<80x128xi32, #tpu.memory_space<vmem>> -> memref<1x128xi32, #tpu.memory_space<vmem>>
      %dma_wait3A_464 = tpu.memref_squeeze %dma_wait3A_463 : memref<1x128xi32, #tpu.memory_space<vmem>> -> memref<128xi32, #tpu.memory_space<vmem>>
      %dma_wait3A_465 = arith.constant 0 : i32
      %dma_wait3A_466 = arith.constant 0 : i32
      %dma_wait3A_467 = tpu.memref_slice %arg16[%dma_wait3A_465, %dma_wait3A_466] : memref<10240x16xf32, #tpu.memory_space<vmem_shared>> -> memref<10240x16xf32, #tpu.memory_space<vmem_shared>>
      %dma_wait3A_468 = tpu.memref_slice %arg18[%dma_wait3A_461] : memref<8x!tpu.dma_semaphore, #tpu.memory_space<semaphore_mem>> -> memref<1x!tpu.dma_semaphore, #tpu.memory_space<semaphore_mem>>
      %dma_wait3A_469 = tpu.memref_squeeze %dma_wait3A_468 : memref<1x!tpu.dma_semaphore, #tpu.memory_space<semaphore_mem>> -> memref<!tpu.dma_semaphore, #tpu.memory_space<semaphore_mem>>
      tpu.wait_indirect_dma semaphore(%dma_wait3A_469 : memref<!tpu.dma_semaphore, #tpu.memory_space<semaphore_mem>>) src(%arg12 : memref<128x16xf32, #tpu.memory_space<vmem>>) dst(%dma_wait3A_467 : memref<10240x16xf32, #tpu.memory_space<vmem_shared>>)
      %add3A_470 = arith.constant 8 : i32
      %add3A_471 = arith.addi %add3A_179, %add3A_470 : i32
      %add3A_472 = arith.constant 4 : i32
      %add3A_473 = arith.addi %add3A_471, %add3A_472 : i32
      %min3A_474 = arith.constant 79 : i32
      %min3A_475 = arith.minsi %add3A_473, %min3A_474 : i32
      %dma_start3A_476 = arith.constant 4 : i32
      %dma_start3A_477 = arith.constant 0 : i32
      %dma_start3A_478 = tpu.memref_slice %arg6[%min3A_475, %dma_start3A_477] : memref<80x128xi32, #tpu.memory_space<vmem>> -> memref<1x128xi32, #tpu.memory_space<vmem>>
      %dma_start3A_479 = tpu.memref_squeeze %dma_start3A_478 : memref<1x128xi32, #tpu.memory_space<vmem>> -> memref<128xi32, #tpu.memory_space<vmem>>
      %dma_start3A_480 = arith.constant 0 : i32
      %dma_start3A_481 = arith.constant 0 : i32
      %dma_start3A_482 = tpu.memref_slice %arg2[%dma_start3A_480, %dma_start3A_481] : memref<10240x16xf32, #tpu.memory_space<hbm>> -> memref<10240x16xf32, #tpu.memory_space<hbm>>
      %dma_start3A_483 = tpu.memref_slice %arg17[%dma_start3A_476] : memref<8x!tpu.dma_semaphore, #tpu.memory_space<semaphore_mem>> -> memref<1x!tpu.dma_semaphore, #tpu.memory_space<semaphore_mem>>
      %dma_start3A_484 = tpu.memref_squeeze %dma_start3A_483 : memref<1x!tpu.dma_semaphore, #tpu.memory_space<semaphore_mem>> -> memref<!tpu.dma_semaphore, #tpu.memory_space<semaphore_mem>>
      tpu.enqueue_indirect_dma source(%dma_start3A_482 : memref<10240x16xf32, #tpu.memory_space<hbm>>) target(%arg12 : memref<128x16xf32, #tpu.memory_space<vmem>>) offsets(%dma_start3A_479 : memref<128xi32, #tpu.memory_space<vmem>>) semaphore(%dma_start3A_484 : memref<!tpu.dma_semaphore, #tpu.memory_space<semaphore_mem>>)
      %add3A_485 = arith.constant 5 : i32
      %add3A_486 = arith.addi %add3A_179, %add3A_485 : i32
      %dma_wait3A_487 = arith.constant 5 : i32
      %dma_wait3A_488 = arith.constant 0 : i32
      %dma_wait3A_489 = tpu.memref_slice %arg7[%add3A_486, %dma_wait3A_488] : memref<80x128xi32, #tpu.memory_space<vmem>> -> memref<1x128xi32, #tpu.memory_space<vmem>>
      %dma_wait3A_490 = tpu.memref_squeeze %dma_wait3A_489 : memref<1x128xi32, #tpu.memory_space<vmem>> -> memref<128xi32, #tpu.memory_space<vmem>>
      %dma_wait3A_491 = arith.constant 0 : i32
      %dma_wait3A_492 = arith.constant 0 : i32
      %dma_wait3A_493 = tpu.memref_slice %arg16[%dma_wait3A_491, %dma_wait3A_492] : memref<10240x16xf32, #tpu.memory_space<vmem_shared>> -> memref<10240x16xf32, #tpu.memory_space<vmem_shared>>
      %dma_wait3A_494 = tpu.memref_slice %arg18[%dma_wait3A_487] : memref<8x!tpu.dma_semaphore, #tpu.memory_space<semaphore_mem>> -> memref<1x!tpu.dma_semaphore, #tpu.memory_space<semaphore_mem>>
      %dma_wait3A_495 = tpu.memref_squeeze %dma_wait3A_494 : memref<1x!tpu.dma_semaphore, #tpu.memory_space<semaphore_mem>> -> memref<!tpu.dma_semaphore, #tpu.memory_space<semaphore_mem>>
      tpu.wait_indirect_dma semaphore(%dma_wait3A_495 : memref<!tpu.dma_semaphore, #tpu.memory_space<semaphore_mem>>) src(%arg13 : memref<128x16xf32, #tpu.memory_space<vmem>>) dst(%dma_wait3A_493 : memref<10240x16xf32, #tpu.memory_space<vmem_shared>>)
      %add3A_496 = arith.constant 8 : i32
      %add3A_497 = arith.addi %add3A_179, %add3A_496 : i32
      %add3A_498 = arith.constant 5 : i32
      %add3A_499 = arith.addi %add3A_497, %add3A_498 : i32
      %min3A_500 = arith.constant 79 : i32
      %min3A_501 = arith.minsi %add3A_499, %min3A_500 : i32
      %dma_start3A_502 = arith.constant 5 : i32
      %dma_start3A_503 = arith.constant 0 : i32
      %dma_start3A_504 = tpu.memref_slice %arg6[%min3A_501, %dma_start3A_503] : memref<80x128xi32, #tpu.memory_space<vmem>> -> memref<1x128xi32, #tpu.memory_space<vmem>>
      %dma_start3A_505 = tpu.memref_squeeze %dma_start3A_504 : memref<1x128xi32, #tpu.memory_space<vmem>> -> memref<128xi32, #tpu.memory_space<vmem>>
      %dma_start3A_506 = arith.constant 0 : i32
      %dma_start3A_507 = arith.constant 0 : i32
      %dma_start3A_508 = tpu.memref_slice %arg2[%dma_start3A_506, %dma_start3A_507] : memref<10240x16xf32, #tpu.memory_space<hbm>> -> memref<10240x16xf32, #tpu.memory_space<hbm>>
      %dma_start3A_509 = tpu.memref_slice %arg17[%dma_start3A_502] : memref<8x!tpu.dma_semaphore, #tpu.memory_space<semaphore_mem>> -> memref<1x!tpu.dma_semaphore, #tpu.memory_space<semaphore_mem>>
      %dma_start3A_510 = tpu.memref_squeeze %dma_start3A_509 : memref<1x!tpu.dma_semaphore, #tpu.memory_space<semaphore_mem>> -> memref<!tpu.dma_semaphore, #tpu.memory_space<semaphore_mem>>
      tpu.enqueue_indirect_dma source(%dma_start3A_508 : memref<10240x16xf32, #tpu.memory_space<hbm>>) target(%arg13 : memref<128x16xf32, #tpu.memory_space<vmem>>) offsets(%dma_start3A_505 : memref<128xi32, #tpu.memory_space<vmem>>) semaphore(%dma_start3A_510 : memref<!tpu.dma_semaphore, #tpu.memory_space<semaphore_mem>>)
      %add3A_511 = arith.constant 6 : i32
      %add3A_512 = arith.addi %add3A_179, %add3A_511 : i32
      %dma_wait3A_513 = arith.constant 6 : i32
      %dma_wait3A_514 = arith.constant 0 : i32
      %dma_wait3A_515 = tpu.memref_slice %arg7[%add3A_512, %dma_wait3A_514] : memref<80x128xi32, #tpu.memory_space<vmem>> -> memref<1x128xi32, #tpu.memory_space<vmem>>
      %dma_wait3A_516 = tpu.memref_squeeze %dma_wait3A_515 : memref<1x128xi32, #tpu.memory_space<vmem>> -> memref<128xi32, #tpu.memory_space<vmem>>
      %dma_wait3A_517 = arith.constant 0 : i32
      %dma_wait3A_518 = arith.constant 0 : i32
      %dma_wait3A_519 = tpu.memref_slice %arg16[%dma_wait3A_517, %dma_wait3A_518] : memref<10240x16xf32, #tpu.memory_space<vmem_shared>> -> memref<10240x16xf32, #tpu.memory_space<vmem_shared>>
      %dma_wait3A_520 = tpu.memref_slice %arg18[%dma_wait3A_513] : memref<8x!tpu.dma_semaphore, #tpu.memory_space<semaphore_mem>> -> memref<1x!tpu.dma_semaphore, #tpu.memory_space<semaphore_mem>>
      %dma_wait3A_521 = tpu.memref_squeeze %dma_wait3A_520 : memref<1x!tpu.dma_semaphore, #tpu.memory_space<semaphore_mem>> -> memref<!tpu.dma_semaphore, #tpu.memory_space<semaphore_mem>>
      tpu.wait_indirect_dma semaphore(%dma_wait3A_521 : memref<!tpu.dma_semaphore, #tpu.memory_space<semaphore_mem>>) src(%arg14 : memref<128x16xf32, #tpu.memory_space<vmem>>) dst(%dma_wait3A_519 : memref<10240x16xf32, #tpu.memory_space<vmem_shared>>)
      %add3A_522 = arith.constant 8 : i32
      %add3A_523 = arith.addi %add3A_179, %add3A_522 : i32
      %add3A_524 = arith.constant 6 : i32
      %add3A_525 = arith.addi %add3A_523, %add3A_524 : i32
      %min3A_526 = arith.constant 79 : i32
      %min3A_527 = arith.minsi %add3A_525, %min3A_526 : i32
      %dma_start3A_528 = arith.constant 6 : i32
      %dma_start3A_529 = arith.constant 0 : i32
      %dma_start3A_530 = tpu.memref_slice %arg6[%min3A_527, %dma_start3A_529] : memref<80x128xi32, #tpu.memory_space<vmem>> -> memref<1x128xi32, #tpu.memory_space<vmem>>
      %dma_start3A_531 = tpu.memref_squeeze %dma_start3A_530 : memref<1x128xi32, #tpu.memory_space<vmem>> -> memref<128xi32, #tpu.memory_space<vmem>>
      %dma_start3A_532 = arith.constant 0 : i32
      %dma_start3A_533 = arith.constant 0 : i32
      %dma_start3A_534 = tpu.memref_slice %arg2[%dma_start3A_532, %dma_start3A_533] : memref<10240x16xf32, #tpu.memory_space<hbm>> -> memref<10240x16xf32, #tpu.memory_space<hbm>>
      %dma_start3A_535 = tpu.memref_slice %arg17[%dma_start3A_528] : memref<8x!tpu.dma_semaphore, #tpu.memory_space<semaphore_mem>> -> memref<1x!tpu.dma_semaphore, #tpu.memory_space<semaphore_mem>>
      %dma_start3A_536 = tpu.memref_squeeze %dma_start3A_535 : memref<1x!tpu.dma_semaphore, #tpu.memory_space<semaphore_mem>> -> memref<!tpu.dma_semaphore, #tpu.memory_space<semaphore_mem>>
      tpu.enqueue_indirect_dma source(%dma_start3A_534 : memref<10240x16xf32, #tpu.memory_space<hbm>>) target(%arg14 : memref<128x16xf32, #tpu.memory_space<vmem>>) offsets(%dma_start3A_531 : memref<128xi32, #tpu.memory_space<vmem>>) semaphore(%dma_start3A_536 : memref<!tpu.dma_semaphore, #tpu.memory_space<semaphore_mem>>)
      %add3A_537 = arith.constant 7 : i32
      %add3A_538 = arith.addi %add3A_179, %add3A_537 : i32
      %dma_wait3A_539 = arith.constant 7 : i32
      %dma_wait3A_540 = arith.constant 0 : i32
      %dma_wait3A_541 = tpu.memref_slice %arg7[%add3A_538, %dma_wait3A_540] : memref<80x128xi32, #tpu.memory_space<vmem>> -> memref<1x128xi32, #tpu.memory_space<vmem>>
      %dma_wait3A_542 = tpu.memref_squeeze %dma_wait3A_541 : memref<1x128xi32, #tpu.memory_space<vmem>> -> memref<128xi32, #tpu.memory_space<vmem>>
      %dma_wait3A_543 = arith.constant 0 : i32
      %dma_wait3A_544 = arith.constant 0 : i32
      %dma_wait3A_545 = tpu.memref_slice %arg16[%dma_wait3A_543, %dma_wait3A_544] : memref<10240x16xf32, #tpu.memory_space<vmem_shared>> -> memref<10240x16xf32, #tpu.memory_space<vmem_shared>>
      %dma_wait3A_546 = tpu.memref_slice %arg18[%dma_wait3A_539] : memref<8x!tpu.dma_semaphore, #tpu.memory_space<semaphore_mem>> -> memref<1x!tpu.dma_semaphore, #tpu.memory_space<semaphore_mem>>
      %dma_wait3A_547 = tpu.memref_squeeze %dma_wait3A_546 : memref<1x!tpu.dma_semaphore, #tpu.memory_space<semaphore_mem>> -> memref<!tpu.dma_semaphore, #tpu.memory_space<semaphore_mem>>
      tpu.wait_indirect_dma semaphore(%dma_wait3A_547 : memref<!tpu.dma_semaphore, #tpu.memory_space<semaphore_mem>>) src(%arg15 : memref<128x16xf32, #tpu.memory_space<vmem>>) dst(%dma_wait3A_545 : memref<10240x16xf32, #tpu.memory_space<vmem_shared>>)
      %add3A_548 = arith.constant 8 : i32
      %add3A_549 = arith.addi %add3A_179, %add3A_548 : i32
      %add3A_550 = arith.constant 7 : i32
      %add3A_551 = arith.addi %add3A_549, %add3A_550 : i32
      %min3A_552 = arith.constant 79 : i32
      %min3A_553 = arith.minsi %add3A_551, %min3A_552 : i32
      %dma_start3A_554 = arith.constant 7 : i32
      %dma_start3A_555 = arith.constant 0 : i32
      %dma_start3A_556 = tpu.memref_slice %arg6[%min3A_553, %dma_start3A_555] : memref<80x128xi32, #tpu.memory_space<vmem>> -> memref<1x128xi32, #tpu.memory_space<vmem>>
      %dma_start3A_557 = tpu.memref_squeeze %dma_start3A_556 : memref<1x128xi32, #tpu.memory_space<vmem>> -> memref<128xi32, #tpu.memory_space<vmem>>
      %dma_start3A_558 = arith.constant 0 : i32
      %dma_start3A_559 = arith.constant 0 : i32
      %dma_start3A_560 = tpu.memref_slice %arg2[%dma_start3A_558, %dma_start3A_559] : memref<10240x16xf32, #tpu.memory_space<hbm>> -> memref<10240x16xf32, #tpu.memory_space<hbm>>
      %dma_start3A_561 = tpu.memref_slice %arg17[%dma_start3A_554] : memref<8x!tpu.dma_semaphore, #tpu.memory_space<semaphore_mem>> -> memref<1x!tpu.dma_semaphore, #tpu.memory_space<semaphore_mem>>
      %dma_start3A_562 = tpu.memref_squeeze %dma_start3A_561 : memref<1x!tpu.dma_semaphore, #tpu.memory_space<semaphore_mem>> -> memref<!tpu.dma_semaphore, #tpu.memory_space<semaphore_mem>>
      tpu.enqueue_indirect_dma source(%dma_start3A_560 : memref<10240x16xf32, #tpu.memory_space<hbm>>) target(%arg15 : memref<128x16xf32, #tpu.memory_space<vmem>>) offsets(%dma_start3A_557 : memref<128xi32, #tpu.memory_space<vmem>>) semaphore(%dma_start3A_562 : memref<!tpu.dma_semaphore, #tpu.memory_space<semaphore_mem>>)
    }
    %scan3A_90 = arith.constant 10 : i32
    %dma_wait3A = arith.constant 79 : i32
    %dma_wait3A_91 = arith.constant 0 : i32
    %dma_wait3A_92 = arith.constant 0 : i32
    %dma_wait3A_93 = tpu.memref_slice %arg6[%dma_wait3A, %dma_wait3A_92] : memref<80x128xi32, #tpu.memory_space<vmem>> -> memref<1x128xi32, #tpu.memory_space<vmem>>
    %dma_wait3A_94 = tpu.memref_squeeze %dma_wait3A_93 : memref<1x128xi32, #tpu.memory_space<vmem>> -> memref<128xi32, #tpu.memory_space<vmem>>
    %dma_wait3A_95 = arith.constant 0 : i32
    %dma_wait3A_96 = arith.constant 0 : i32
    %dma_wait3A_97 = tpu.memref_slice %arg2[%dma_wait3A_95, %dma_wait3A_96] : memref<10240x16xf32, #tpu.memory_space<hbm>> -> memref<10240x16xf32, #tpu.memory_space<hbm>>
    %dma_wait3A_98 = tpu.memref_slice %arg17[%dma_wait3A_91] : memref<8x!tpu.dma_semaphore, #tpu.memory_space<semaphore_mem>> -> memref<1x!tpu.dma_semaphore, #tpu.memory_space<semaphore_mem>>
    %dma_wait3A_99 = tpu.memref_squeeze %dma_wait3A_98 : memref<1x!tpu.dma_semaphore, #tpu.memory_space<semaphore_mem>> -> memref<!tpu.dma_semaphore, #tpu.memory_space<semaphore_mem>>
    tpu.wait_indirect_dma semaphore(%dma_wait3A_99 : memref<!tpu.dma_semaphore, #tpu.memory_space<semaphore_mem>>) src(%dma_wait3A_97 : memref<10240x16xf32, #tpu.memory_space<hbm>>) dst(%arg8 : memref<128x16xf32, #tpu.memory_space<vmem>>)
    %dma_wait3A_100 = arith.constant 79 : i32
    %dma_wait3A_101 = arith.constant 1 : i32
    %dma_wait3A_102 = arith.constant 0 : i32
    %dma_wait3A_103 = tpu.memref_slice %arg6[%dma_wait3A_100, %dma_wait3A_102] : memref<80x128xi32, #tpu.memory_space<vmem>> -> memref<1x128xi32, #tpu.memory_space<vmem>>
    %dma_wait3A_104 = tpu.memref_squeeze %dma_wait3A_103 : memref<1x128xi32, #tpu.memory_space<vmem>> -> memref<128xi32, #tpu.memory_space<vmem>>
    %dma_wait3A_105 = arith.constant 0 : i32
    %dma_wait3A_106 = arith.constant 0 : i32
    %dma_wait3A_107 = tpu.memref_slice %arg2[%dma_wait3A_105, %dma_wait3A_106] : memref<10240x16xf32, #tpu.memory_space<hbm>> -> memref<10240x16xf32, #tpu.memory_space<hbm>>
    %dma_wait3A_108 = tpu.memref_slice %arg17[%dma_wait3A_101] : memref<8x!tpu.dma_semaphore, #tpu.memory_space<semaphore_mem>> -> memref<1x!tpu.dma_semaphore, #tpu.memory_space<semaphore_mem>>
    %dma_wait3A_109 = tpu.memref_squeeze %dma_wait3A_108 : memref<1x!tpu.dma_semaphore, #tpu.memory_space<semaphore_mem>> -> memref<!tpu.dma_semaphore, #tpu.memory_space<semaphore_mem>>
    tpu.wait_indirect_dma semaphore(%dma_wait3A_109 : memref<!tpu.dma_semaphore, #tpu.memory_space<semaphore_mem>>) src(%dma_wait3A_107 : memref<10240x16xf32, #tpu.memory_space<hbm>>) dst(%arg9 : memref<128x16xf32, #tpu.memory_space<vmem>>)
    %dma_wait3A_110 = arith.constant 79 : i32
    %dma_wait3A_111 = arith.constant 2 : i32
    %dma_wait3A_112 = arith.constant 0 : i32
    %dma_wait3A_113 = tpu.memref_slice %arg6[%dma_wait3A_110, %dma_wait3A_112] : memref<80x128xi32, #tpu.memory_space<vmem>> -> memref<1x128xi32, #tpu.memory_space<vmem>>
    %dma_wait3A_114 = tpu.memref_squeeze %dma_wait3A_113 : memref<1x128xi32, #tpu.memory_space<vmem>> -> memref<128xi32, #tpu.memory_space<vmem>>
    %dma_wait3A_115 = arith.constant 0 : i32
    %dma_wait3A_116 = arith.constant 0 : i32
    %dma_wait3A_117 = tpu.memref_slice %arg2[%dma_wait3A_115, %dma_wait3A_116] : memref<10240x16xf32, #tpu.memory_space<hbm>> -> memref<10240x16xf32, #tpu.memory_space<hbm>>
    %dma_wait3A_118 = tpu.memref_slice %arg17[%dma_wait3A_111] : memref<8x!tpu.dma_semaphore, #tpu.memory_space<semaphore_mem>> -> memref<1x!tpu.dma_semaphore, #tpu.memory_space<semaphore_mem>>
    %dma_wait3A_119 = tpu.memref_squeeze %dma_wait3A_118 : memref<1x!tpu.dma_semaphore, #tpu.memory_space<semaphore_mem>> -> memref<!tpu.dma_semaphore, #tpu.memory_space<semaphore_mem>>
    tpu.wait_indirect_dma semaphore(%dma_wait3A_119 : memref<!tpu.dma_semaphore, #tpu.memory_space<semaphore_mem>>) src(%dma_wait3A_117 : memref<10240x16xf32, #tpu.memory_space<hbm>>) dst(%arg10 : memref<128x16xf32, #tpu.memory_space<vmem>>)
    %dma_wait3A_120 = arith.constant 79 : i32
    %dma_wait3A_121 = arith.constant 3 : i32
    %dma_wait3A_122 = arith.constant 0 : i32
    %dma_wait3A_123 = tpu.memref_slice %arg6[%dma_wait3A_120, %dma_wait3A_122] : memref<80x128xi32, #tpu.memory_space<vmem>> -> memref<1x128xi32, #tpu.memory_space<vmem>>
    %dma_wait3A_124 = tpu.memref_squeeze %dma_wait3A_123 : memref<1x128xi32, #tpu.memory_space<vmem>> -> memref<128xi32, #tpu.memory_space<vmem>>
    %dma_wait3A_125 = arith.constant 0 : i32
    %dma_wait3A_126 = arith.constant 0 : i32
    %dma_wait3A_127 = tpu.memref_slice %arg2[%dma_wait3A_125, %dma_wait3A_126] : memref<10240x16xf32, #tpu.memory_space<hbm>> -> memref<10240x16xf32, #tpu.memory_space<hbm>>
    %dma_wait3A_128 = tpu.memref_slice %arg17[%dma_wait3A_121] : memref<8x!tpu.dma_semaphore, #tpu.memory_space<semaphore_mem>> -> memref<1x!tpu.dma_semaphore, #tpu.memory_space<semaphore_mem>>
    %dma_wait3A_129 = tpu.memref_squeeze %dma_wait3A_128 : memref<1x!tpu.dma_semaphore, #tpu.memory_space<semaphore_mem>> -> memref<!tpu.dma_semaphore, #tpu.memory_space<semaphore_mem>>
    tpu.wait_indirect_dma semaphore(%dma_wait3A_129 : memref<!tpu.dma_semaphore, #tpu.memory_space<semaphore_mem>>) src(%dma_wait3A_127 : memref<10240x16xf32, #tpu.memory_space<hbm>>) dst(%arg11 : memref<128x16xf32, #tpu.memory_space<vmem>>)
    %dma_wait3A_130 = arith.constant 79 : i32
    %dma_wait3A_131 = arith.constant 4 : i32
    %dma_wait3A_132 = arith.constant 0 : i32
    %dma_wait3A_133 = tpu.memref_slice %arg6[%dma_wait3A_130, %dma_wait3A_132] : memref<80x128xi32, #tpu.memory_space<vmem>> -> memref<1x128xi32, #tpu.memory_space<vmem>>
    %dma_wait3A_134 = tpu.memref_squeeze %dma_wait3A_133 : memref<1x128xi32, #tpu.memory_space<vmem>> -> memref<128xi32, #tpu.memory_space<vmem>>
    %dma_wait3A_135 = arith.constant 0 : i32
    %dma_wait3A_136 = arith.constant 0 : i32
    %dma_wait3A_137 = tpu.memref_slice %arg2[%dma_wait3A_135, %dma_wait3A_136] : memref<10240x16xf32, #tpu.memory_space<hbm>> -> memref<10240x16xf32, #tpu.memory_space<hbm>>
    %dma_wait3A_138 = tpu.memref_slice %arg17[%dma_wait3A_131] : memref<8x!tpu.dma_semaphore, #tpu.memory_space<semaphore_mem>> -> memref<1x!tpu.dma_semaphore, #tpu.memory_space<semaphore_mem>>
    %dma_wait3A_139 = tpu.memref_squeeze %dma_wait3A_138 : memref<1x!tpu.dma_semaphore, #tpu.memory_space<semaphore_mem>> -> memref<!tpu.dma_semaphore, #tpu.memory_space<semaphore_mem>>
    tpu.wait_indirect_dma semaphore(%dma_wait3A_139 : memref<!tpu.dma_semaphore, #tpu.memory_space<semaphore_mem>>) src(%dma_wait3A_137 : memref<10240x16xf32, #tpu.memory_space<hbm>>) dst(%arg12 : memref<128x16xf32, #tpu.memory_space<vmem>>)
    %dma_wait3A_140 = arith.constant 79 : i32
    %dma_wait3A_141 = arith.constant 5 : i32
    %dma_wait3A_142 = arith.constant 0 : i32
    %dma_wait3A_143 = tpu.memref_slice %arg6[%dma_wait3A_140, %dma_wait3A_142] : memref<80x128xi32, #tpu.memory_space<vmem>> -> memref<1x128xi32, #tpu.memory_space<vmem>>
    %dma_wait3A_144 = tpu.memref_squeeze %dma_wait3A_143 : memref<1x128xi32, #tpu.memory_space<vmem>> -> memref<128xi32, #tpu.memory_space<vmem>>
    %dma_wait3A_145 = arith.constant 0 : i32
    %dma_wait3A_146 = arith.constant 0 : i32
    %dma_wait3A_147 = tpu.memref_slice %arg2[%dma_wait3A_145, %dma_wait3A_146] : memref<10240x16xf32, #tpu.memory_space<hbm>> -> memref<10240x16xf32, #tpu.memory_space<hbm>>
    %dma_wait3A_148 = tpu.memref_slice %arg17[%dma_wait3A_141] : memref<8x!tpu.dma_semaphore, #tpu.memory_space<semaphore_mem>> -> memref<1x!tpu.dma_semaphore, #tpu.memory_space<semaphore_mem>>
    %dma_wait3A_149 = tpu.memref_squeeze %dma_wait3A_148 : memref<1x!tpu.dma_semaphore, #tpu.memory_space<semaphore_mem>> -> memref<!tpu.dma_semaphore, #tpu.memory_space<semaphore_mem>>
    tpu.wait_indirect_dma semaphore(%dma_wait3A_149 : memref<!tpu.dma_semaphore, #tpu.memory_space<semaphore_mem>>) src(%dma_wait3A_147 : memref<10240x16xf32, #tpu.memory_space<hbm>>) dst(%arg13 : memref<128x16xf32, #tpu.memory_space<vmem>>)
    %dma_wait3A_150 = arith.constant 79 : i32
    %dma_wait3A_151 = arith.constant 6 : i32
    %dma_wait3A_152 = arith.constant 0 : i32
    %dma_wait3A_153 = tpu.memref_slice %arg6[%dma_wait3A_150, %dma_wait3A_152] : memref<80x128xi32, #tpu.memory_space<vmem>> -> memref<1x128xi32, #tpu.memory_space<vmem>>
    %dma_wait3A_154 = tpu.memref_squeeze %dma_wait3A_153 : memref<1x128xi32, #tpu.memory_space<vmem>> -> memref<128xi32, #tpu.memory_space<vmem>>
    %dma_wait3A_155 = arith.constant 0 : i32
    %dma_wait3A_156 = arith.constant 0 : i32
    %dma_wait3A_157 = tpu.memref_slice %arg2[%dma_wait3A_155, %dma_wait3A_156] : memref<10240x16xf32, #tpu.memory_space<hbm>> -> memref<10240x16xf32, #tpu.memory_space<hbm>>
    %dma_wait3A_158 = tpu.memref_slice %arg17[%dma_wait3A_151] : memref<8x!tpu.dma_semaphore, #tpu.memory_space<semaphore_mem>> -> memref<1x!tpu.dma_semaphore, #tpu.memory_space<semaphore_mem>>
    %dma_wait3A_159 = tpu.memref_squeeze %dma_wait3A_158 : memref<1x!tpu.dma_semaphore, #tpu.memory_space<semaphore_mem>> -> memref<!tpu.dma_semaphore, #tpu.memory_space<semaphore_mem>>
    tpu.wait_indirect_dma semaphore(%dma_wait3A_159 : memref<!tpu.dma_semaphore, #tpu.memory_space<semaphore_mem>>) src(%dma_wait3A_157 : memref<10240x16xf32, #tpu.memory_space<hbm>>) dst(%arg14 : memref<128x16xf32, #tpu.memory_space<vmem>>)
    %dma_wait3A_160 = arith.constant 79 : i32
    %dma_wait3A_161 = arith.constant 7 : i32
    %dma_wait3A_162 = arith.constant 0 : i32
    %dma_wait3A_163 = tpu.memref_slice %arg6[%dma_wait3A_160, %dma_wait3A_162] : memref<80x128xi32, #tpu.memory_space<vmem>> -> memref<1x128xi32, #tpu.memory_space<vmem>>
    %dma_wait3A_164 = tpu.memref_squeeze %dma_wait3A_163 : memref<1x128xi32, #tpu.memory_space<vmem>> -> memref<128xi32, #tpu.memory_space<vmem>>
    %dma_wait3A_165 = arith.constant 0 : i32
    %dma_wait3A_166 = arith.constant 0 : i32
    %dma_wait3A_167 = tpu.memref_slice %arg2[%dma_wait3A_165, %dma_wait3A_166] : memref<10240x16xf32, #tpu.memory_space<hbm>> -> memref<10240x16xf32, #tpu.memory_space<hbm>>
    %dma_wait3A_168 = tpu.memref_slice %arg17[%dma_wait3A_161] : memref<8x!tpu.dma_semaphore, #tpu.memory_space<semaphore_mem>> -> memref<1x!tpu.dma_semaphore, #tpu.memory_space<semaphore_mem>>
    %dma_wait3A_169 = tpu.memref_squeeze %dma_wait3A_168 : memref<1x!tpu.dma_semaphore, #tpu.memory_space<semaphore_mem>> -> memref<!tpu.dma_semaphore, #tpu.memory_space<semaphore_mem>>
    tpu.wait_indirect_dma semaphore(%dma_wait3A_169 : memref<!tpu.dma_semaphore, #tpu.memory_space<semaphore_mem>>) src(%dma_wait3A_167 : memref<10240x16xf32, #tpu.memory_space<hbm>>) dst(%arg15 : memref<128x16xf32, #tpu.memory_space<vmem>>)
    %barrier3A_170 = arith.constant 0 : index
    tpu.barrier barrier_id(%barrier3A_170)
    %mul3A_171 = arith.constant 640 : i32
    %mul3A_172 = arith.muli %arg1, %mul3A_171 : i32
    %mul3A_173 = arith.constant 640 : i32
    %mul3A_174 = arith.muli %arg1, %mul3A_173 : i32
    "tpu.region"() ({
      %run_scoped3A_175 = tpu.sem_alloc : memref<!tpu.dma_semaphore, #tpu.memory_space<semaphore_mem>>
      %dma_start3A_176 = arith.constant 0 : i32
      %dma_start3A_177 = tpu.memref_slice %arg5[%arg0, %mul3A_174, %dma_start3A_176] : memref<2x10240x16xf32, #tpu.memory_space<hbm>> -> memref<1x640x16xf32, #tpu.memory_space<hbm>>
      %dma_start3A_178 = tpu.memref_squeeze %dma_start3A_177 : memref<1x640x16xf32, #tpu.memory_space<hbm>> -> memref<640x16xf32, #tpu.memory_space<hbm>>
      %dma_start3A_179 = arith.constant 0 : i32
      %dma_start3A_180 = tpu.memref_slice %arg16[%mul3A_172, %dma_start3A_179] : memref<10240x16xf32, #tpu.memory_space<vmem_shared>> -> memref<640x16xf32, #tpu.memory_space<vmem_shared>>
      tpu.enqueue_dma source(%dma_start3A_180 : memref<640x16xf32, #tpu.memory_space<vmem_shared>>) target(%dma_start3A_178 : memref<640x16xf32, #tpu.memory_space<hbm>>) target_semaphore(%run_scoped3A_175 : memref<!tpu.dma_semaphore, #tpu.memory_space<semaphore_mem>>)
      %dma_wait3A_181 = arith.constant 0 : i32
      %dma_wait3A_182 = tpu.memref_slice %arg5[%arg0, %mul3A_174, %dma_wait3A_181] : memref<2x10240x16xf32, #tpu.memory_space<hbm>> -> memref<1x640x16xf32, #tpu.memory_space<hbm>>
      %dma_wait3A_183 = tpu.memref_squeeze %dma_wait3A_182 : memref<1x640x16xf32, #tpu.memory_space<hbm>> -> memref<640x16xf32, #tpu.memory_space<hbm>>
      %dma_wait3A_184 = arith.constant 0 : i32
      %dma_wait3A_185 = tpu.memref_slice %arg16[%mul3A_172, %dma_wait3A_184] : memref<10240x16xf32, #tpu.memory_space<vmem_shared>> -> memref<640x16xf32, #tpu.memory_space<vmem_shared>>
      tpu.wait_dma2 semaphore(%run_scoped3A_175 : memref<!tpu.dma_semaphore, #tpu.memory_space<semaphore_mem>>) src(%dma_wait3A_185 : memref<640x16xf32, #tpu.memory_space<vmem_shared>>) dst(%dma_wait3A_183 : memref<640x16xf32, #tpu.memory_space<hbm>>)
      tpu.yield
    }) : () -> ()
    return
  }
}

#map = affine_map<(d0, d1) -> (0, 0, 0)>
#map1 = affine_map<(d0, d1) -> (0, 0)>
module attributes {stable_mosaic.version = 14 : i64} {
  func.func @k(%arg0: i32, %arg1: i32, %arg2: memref<2x2560x128xi32, #tpu.memory_space<hbm>>, %arg3: memref<128x16xf32, #tpu.memory_space<hbm>>, %arg4: memref<10240x16xf32, #tpu.memory_space<hbm>>, %arg5: memref<2x10240x16xf32, #tpu.memory_space<hbm>>, %arg6: memref<160x128xi32, #tpu.memory_space<vmem>>, %arg7: memref<128x16xf32, #tpu.memory_space<vmem>>, %arg8: memref<10240x16xf32, #tpu.memory_space<vmem_shared>>, %arg9: memref<8x!tpu.dma_semaphore, #tpu.memory_space<semaphore_mem>>) attributes {dimension_semantics = [#tpu.dimension_semantics<core_parallel>, #tpu.dimension_semantics<subcore_parallel>], iteration_bounds = array<i64: 2, 16>, scalar_prefetch = 0 : i64, scratch_operands = 4 : i64, tpu.core_type = #tpu.core_type<sc_vector_subcore>, window_params = [{transform_indices = #map}, {transform_indices = #map1}, {transform_indices = #map1}, {transform_indices = #map}]} {
    %mul3A = arith.constant 640 : i32
    %mul3A_0 = arith.muli %arg1, %mul3A : i32
    %mul3A_1 = arith.constant 640 : i32
    %mul3A_2 = arith.muli %arg1, %mul3A_1 : i32
    "tpu.region"() ({
      %run_scoped3A = tpu.sem_alloc : memref<!tpu.dma_semaphore, #tpu.memory_space<semaphore_mem>>
      %dma_start3A_172 = arith.constant 0 : i32
      %dma_start3A_173 = tpu.memref_slice %arg8[%mul3A_2, %dma_start3A_172] : memref<10240x16xf32, #tpu.memory_space<vmem_shared>> -> memref<640x16xf32, #tpu.memory_space<vmem_shared>>
      %dma_start3A_174 = arith.constant 0 : i32
      %dma_start3A_175 = tpu.memref_slice %arg4[%mul3A_0, %dma_start3A_174] : memref<10240x16xf32, #tpu.memory_space<hbm>> -> memref<640x16xf32, #tpu.memory_space<hbm>>
      tpu.enqueue_dma source(%dma_start3A_175 : memref<640x16xf32, #tpu.memory_space<hbm>>) target(%dma_start3A_173 : memref<640x16xf32, #tpu.memory_space<vmem_shared>>) target_semaphore(%run_scoped3A : memref<!tpu.dma_semaphore, #tpu.memory_space<semaphore_mem>>)
      %dma_wait3A_176 = arith.constant 0 : i32
      %dma_wait3A_177 = tpu.memref_slice %arg8[%mul3A_2, %dma_wait3A_176] : memref<10240x16xf32, #tpu.memory_space<vmem_shared>> -> memref<640x16xf32, #tpu.memory_space<vmem_shared>>
      %dma_wait3A_178 = arith.constant 0 : i32
      %dma_wait3A_179 = tpu.memref_slice %arg4[%mul3A_0, %dma_wait3A_178] : memref<10240x16xf32, #tpu.memory_space<hbm>> -> memref<640x16xf32, #tpu.memory_space<hbm>>
      tpu.wait_dma2 semaphore(%run_scoped3A : memref<!tpu.dma_semaphore, #tpu.memory_space<semaphore_mem>>) src(%dma_wait3A_179 : memref<640x16xf32, #tpu.memory_space<hbm>>) dst(%dma_wait3A_177 : memref<640x16xf32, #tpu.memory_space<vmem_shared>>)
      tpu.yield
    }) : () -> ()
    "tpu.region"() ({
      %run_scoped3A = tpu.sem_alloc : memref<!tpu.dma_semaphore, #tpu.memory_space<semaphore_mem>>
      tpu.enqueue_dma source(%arg3 : memref<128x16xf32, #tpu.memory_space<hbm>>) target(%arg7 : memref<128x16xf32, #tpu.memory_space<vmem>>) target_semaphore(%run_scoped3A : memref<!tpu.dma_semaphore, #tpu.memory_space<semaphore_mem>>)
      tpu.wait_dma2 semaphore(%run_scoped3A : memref<!tpu.dma_semaphore, #tpu.memory_space<semaphore_mem>>) src(%arg3 : memref<128x16xf32, #tpu.memory_space<hbm>>) dst(%arg7 : memref<128x16xf32, #tpu.memory_space<vmem>>)
      tpu.yield
    }) : () -> ()
    %mul3A_3 = arith.constant 160 : i32
    %mul3A_4 = arith.muli %arg1, %mul3A_3 : i32
    "tpu.region"() ({
      %run_scoped3A = tpu.sem_alloc : memref<!tpu.dma_semaphore, #tpu.memory_space<semaphore_mem>>
      %dma_start3A_172 = arith.constant 0 : i32
      %dma_start3A_173 = tpu.memref_slice %arg2[%arg0, %mul3A_4, %dma_start3A_172] : memref<2x2560x128xi32, #tpu.memory_space<hbm>> -> memref<1x160x128xi32, #tpu.memory_space<hbm>>
      %dma_start3A_174 = tpu.memref_squeeze %dma_start3A_173 : memref<1x160x128xi32, #tpu.memory_space<hbm>> -> memref<160x128xi32, #tpu.memory_space<hbm>>
      %dma_start3A_175 = arith.constant 0 : i32
      %dma_start3A_176 = tpu.memref_slice %arg2[%arg0, %mul3A_4, %dma_start3A_175] : memref<2x2560x128xi32, #tpu.memory_space<hbm>> -> memref<1x160x128xi32, #tpu.memory_space<hbm>>
      %dma_start3A_177 = tpu.memref_squeeze %dma_start3A_176 : memref<1x160x128xi32, #tpu.memory_space<hbm>> -> memref<160x128xi32, #tpu.memory_space<hbm>>
      tpu.enqueue_dma source(%dma_start3A_177 : memref<160x128xi32, #tpu.memory_space<hbm>>) target(%arg6 : memref<160x128xi32, #tpu.memory_space<vmem>>) target_semaphore(%run_scoped3A : memref<!tpu.dma_semaphore, #tpu.memory_space<semaphore_mem>>)
      %dma_wait3A_178 = arith.constant 0 : i32
      %dma_wait3A_179 = tpu.memref_slice %arg2[%arg0, %mul3A_4, %dma_wait3A_178] : memref<2x2560x128xi32, #tpu.memory_space<hbm>> -> memref<1x160x128xi32, #tpu.memory_space<hbm>>
      %dma_wait3A_180 = tpu.memref_squeeze %dma_wait3A_179 : memref<1x160x128xi32, #tpu.memory_space<hbm>> -> memref<160x128xi32, #tpu.memory_space<hbm>>
      %dma_wait3A_181 = arith.constant 0 : i32
      %dma_wait3A_182 = tpu.memref_slice %arg2[%arg0, %mul3A_4, %dma_wait3A_181] : memref<2x2560x128xi32, #tpu.memory_space<hbm>> -> memref<1x160x128xi32, #tpu.memory_space<hbm>>
      %dma_wait3A_183 = tpu.memref_squeeze %dma_wait3A_182 : memref<1x160x128xi32, #tpu.memory_space<hbm>> -> memref<160x128xi32, #tpu.memory_space<hbm>>
      tpu.wait_dma2 semaphore(%run_scoped3A : memref<!tpu.dma_semaphore, #tpu.memory_space<semaphore_mem>>) src(%dma_wait3A_183 : memref<160x128xi32, #tpu.memory_space<hbm>>) dst(%arg6 : memref<160x128xi32, #tpu.memory_space<vmem>>)
      tpu.yield
    }) : () -> ()
    %barrier3A = arith.constant 0 : index
    tpu.barrier barrier_id(%barrier3A)
    %dma_start3A = arith.constant 0 : i32
    %dma_start3A_5 = arith.constant 0 : i32
    %dma_start3A_6 = arith.constant 0 : i32
    %dma_start3A_7 = tpu.memref_slice %arg6[%dma_start3A, %dma_start3A_6] : memref<160x128xi32, #tpu.memory_space<vmem>> -> memref<1x128xi32, #tpu.memory_space<vmem>>
    %dma_start3A_8 = tpu.memref_squeeze %dma_start3A_7 : memref<1x128xi32, #tpu.memory_space<vmem>> -> memref<128xi32, #tpu.memory_space<vmem>>
    %dma_start3A_9 = arith.constant 0 : i32
    %dma_start3A_10 = arith.constant 0 : i32
    %dma_start3A_11 = tpu.memref_slice %arg8[%dma_start3A_9, %dma_start3A_10] : memref<10240x16xf32, #tpu.memory_space<vmem_shared>> -> memref<10240x16xf32, #tpu.memory_space<vmem_shared>>
    %dma_start3A_12 = tpu.memref_slice %arg9[%dma_start3A_5] : memref<8x!tpu.dma_semaphore, #tpu.memory_space<semaphore_mem>> -> memref<1x!tpu.dma_semaphore, #tpu.memory_space<semaphore_mem>>
    %dma_start3A_13 = tpu.memref_squeeze %dma_start3A_12 : memref<1x!tpu.dma_semaphore, #tpu.memory_space<semaphore_mem>> -> memref<!tpu.dma_semaphore, #tpu.memory_space<semaphore_mem>>
    tpu.enqueue_indirect_dma source(%arg7 : memref<128x16xf32, #tpu.memory_space<vmem>>) target(%dma_start3A_11 : memref<10240x16xf32, #tpu.memory_space<vmem_shared>>) offsets(%dma_start3A_8 : memref<128xi32, #tpu.memory_space<vmem>>) semaphore(%dma_start3A_13 : memref<!tpu.dma_semaphore, #tpu.memory_space<semaphore_mem>>) {add = true}
    %dma_start3A_14 = arith.constant 1 : i32
    %dma_start3A_15 = arith.constant 1 : i32
    %dma_start3A_16 = arith.constant 0 : i32
    %dma_start3A_17 = tpu.memref_slice %arg6[%dma_start3A_14, %dma_start3A_16] : memref<160x128xi32, #tpu.memory_space<vmem>> -> memref<1x128xi32, #tpu.memory_space<vmem>>
    %dma_start3A_18 = tpu.memref_squeeze %dma_start3A_17 : memref<1x128xi32, #tpu.memory_space<vmem>> -> memref<128xi32, #tpu.memory_space<vmem>>
    %dma_start3A_19 = arith.constant 0 : i32
    %dma_start3A_20 = arith.constant 0 : i32
    %dma_start3A_21 = tpu.memref_slice %arg8[%dma_start3A_19, %dma_start3A_20] : memref<10240x16xf32, #tpu.memory_space<vmem_shared>> -> memref<10240x16xf32, #tpu.memory_space<vmem_shared>>
    %dma_start3A_22 = tpu.memref_slice %arg9[%dma_start3A_15] : memref<8x!tpu.dma_semaphore, #tpu.memory_space<semaphore_mem>> -> memref<1x!tpu.dma_semaphore, #tpu.memory_space<semaphore_mem>>
    %dma_start3A_23 = tpu.memref_squeeze %dma_start3A_22 : memref<1x!tpu.dma_semaphore, #tpu.memory_space<semaphore_mem>> -> memref<!tpu.dma_semaphore, #tpu.memory_space<semaphore_mem>>
    tpu.enqueue_indirect_dma source(%arg7 : memref<128x16xf32, #tpu.memory_space<vmem>>) target(%dma_start3A_21 : memref<10240x16xf32, #tpu.memory_space<vmem_shared>>) offsets(%dma_start3A_18 : memref<128xi32, #tpu.memory_space<vmem>>) semaphore(%dma_start3A_23 : memref<!tpu.dma_semaphore, #tpu.memory_space<semaphore_mem>>) {add = true}
    %dma_start3A_24 = arith.constant 2 : i32
    %dma_start3A_25 = arith.constant 2 : i32
    %dma_start3A_26 = arith.constant 0 : i32
    %dma_start3A_27 = tpu.memref_slice %arg6[%dma_start3A_24, %dma_start3A_26] : memref<160x128xi32, #tpu.memory_space<vmem>> -> memref<1x128xi32, #tpu.memory_space<vmem>>
    %dma_start3A_28 = tpu.memref_squeeze %dma_start3A_27 : memref<1x128xi32, #tpu.memory_space<vmem>> -> memref<128xi32, #tpu.memory_space<vmem>>
    %dma_start3A_29 = arith.constant 0 : i32
    %dma_start3A_30 = arith.constant 0 : i32
    %dma_start3A_31 = tpu.memref_slice %arg8[%dma_start3A_29, %dma_start3A_30] : memref<10240x16xf32, #tpu.memory_space<vmem_shared>> -> memref<10240x16xf32, #tpu.memory_space<vmem_shared>>
    %dma_start3A_32 = tpu.memref_slice %arg9[%dma_start3A_25] : memref<8x!tpu.dma_semaphore, #tpu.memory_space<semaphore_mem>> -> memref<1x!tpu.dma_semaphore, #tpu.memory_space<semaphore_mem>>
    %dma_start3A_33 = tpu.memref_squeeze %dma_start3A_32 : memref<1x!tpu.dma_semaphore, #tpu.memory_space<semaphore_mem>> -> memref<!tpu.dma_semaphore, #tpu.memory_space<semaphore_mem>>
    tpu.enqueue_indirect_dma source(%arg7 : memref<128x16xf32, #tpu.memory_space<vmem>>) target(%dma_start3A_31 : memref<10240x16xf32, #tpu.memory_space<vmem_shared>>) offsets(%dma_start3A_28 : memref<128xi32, #tpu.memory_space<vmem>>) semaphore(%dma_start3A_33 : memref<!tpu.dma_semaphore, #tpu.memory_space<semaphore_mem>>) {add = true}
    %dma_start3A_34 = arith.constant 3 : i32
    %dma_start3A_35 = arith.constant 3 : i32
    %dma_start3A_36 = arith.constant 0 : i32
    %dma_start3A_37 = tpu.memref_slice %arg6[%dma_start3A_34, %dma_start3A_36] : memref<160x128xi32, #tpu.memory_space<vmem>> -> memref<1x128xi32, #tpu.memory_space<vmem>>
    %dma_start3A_38 = tpu.memref_squeeze %dma_start3A_37 : memref<1x128xi32, #tpu.memory_space<vmem>> -> memref<128xi32, #tpu.memory_space<vmem>>
    %dma_start3A_39 = arith.constant 0 : i32
    %dma_start3A_40 = arith.constant 0 : i32
    %dma_start3A_41 = tpu.memref_slice %arg8[%dma_start3A_39, %dma_start3A_40] : memref<10240x16xf32, #tpu.memory_space<vmem_shared>> -> memref<10240x16xf32, #tpu.memory_space<vmem_shared>>
    %dma_start3A_42 = tpu.memref_slice %arg9[%dma_start3A_35] : memref<8x!tpu.dma_semaphore, #tpu.memory_space<semaphore_mem>> -> memref<1x!tpu.dma_semaphore, #tpu.memory_space<semaphore_mem>>
    %dma_start3A_43 = tpu.memref_squeeze %dma_start3A_42 : memref<1x!tpu.dma_semaphore, #tpu.memory_space<semaphore_mem>> -> memref<!tpu.dma_semaphore, #tpu.memory_space<semaphore_mem>>
    tpu.enqueue_indirect_dma source(%arg7 : memref<128x16xf32, #tpu.memory_space<vmem>>) target(%dma_start3A_41 : memref<10240x16xf32, #tpu.memory_space<vmem_shared>>) offsets(%dma_start3A_38 : memref<128xi32, #tpu.memory_space<vmem>>) semaphore(%dma_start3A_43 : memref<!tpu.dma_semaphore, #tpu.memory_space<semaphore_mem>>) {add = true}
    %dma_start3A_44 = arith.constant 4 : i32
    %dma_start3A_45 = arith.constant 4 : i32
    %dma_start3A_46 = arith.constant 0 : i32
    %dma_start3A_47 = tpu.memref_slice %arg6[%dma_start3A_44, %dma_start3A_46] : memref<160x128xi32, #tpu.memory_space<vmem>> -> memref<1x128xi32, #tpu.memory_space<vmem>>
    %dma_start3A_48 = tpu.memref_squeeze %dma_start3A_47 : memref<1x128xi32, #tpu.memory_space<vmem>> -> memref<128xi32, #tpu.memory_space<vmem>>
    %dma_start3A_49 = arith.constant 0 : i32
    %dma_start3A_50 = arith.constant 0 : i32
    %dma_start3A_51 = tpu.memref_slice %arg8[%dma_start3A_49, %dma_start3A_50] : memref<10240x16xf32, #tpu.memory_space<vmem_shared>> -> memref<10240x16xf32, #tpu.memory_space<vmem_shared>>
    %dma_start3A_52 = tpu.memref_slice %arg9[%dma_start3A_45] : memref<8x!tpu.dma_semaphore, #tpu.memory_space<semaphore_mem>> -> memref<1x!tpu.dma_semaphore, #tpu.memory_space<semaphore_mem>>
    %dma_start3A_53 = tpu.memref_squeeze %dma_start3A_52 : memref<1x!tpu.dma_semaphore, #tpu.memory_space<semaphore_mem>> -> memref<!tpu.dma_semaphore, #tpu.memory_space<semaphore_mem>>
    tpu.enqueue_indirect_dma source(%arg7 : memref<128x16xf32, #tpu.memory_space<vmem>>) target(%dma_start3A_51 : memref<10240x16xf32, #tpu.memory_space<vmem_shared>>) offsets(%dma_start3A_48 : memref<128xi32, #tpu.memory_space<vmem>>) semaphore(%dma_start3A_53 : memref<!tpu.dma_semaphore, #tpu.memory_space<semaphore_mem>>) {add = true}
    %dma_start3A_54 = arith.constant 5 : i32
    %dma_start3A_55 = arith.constant 5 : i32
    %dma_start3A_56 = arith.constant 0 : i32
    %dma_start3A_57 = tpu.memref_slice %arg6[%dma_start3A_54, %dma_start3A_56] : memref<160x128xi32, #tpu.memory_space<vmem>> -> memref<1x128xi32, #tpu.memory_space<vmem>>
    %dma_start3A_58 = tpu.memref_squeeze %dma_start3A_57 : memref<1x128xi32, #tpu.memory_space<vmem>> -> memref<128xi32, #tpu.memory_space<vmem>>
    %dma_start3A_59 = arith.constant 0 : i32
    %dma_start3A_60 = arith.constant 0 : i32
    %dma_start3A_61 = tpu.memref_slice %arg8[%dma_start3A_59, %dma_start3A_60] : memref<10240x16xf32, #tpu.memory_space<vmem_shared>> -> memref<10240x16xf32, #tpu.memory_space<vmem_shared>>
    %dma_start3A_62 = tpu.memref_slice %arg9[%dma_start3A_55] : memref<8x!tpu.dma_semaphore, #tpu.memory_space<semaphore_mem>> -> memref<1x!tpu.dma_semaphore, #tpu.memory_space<semaphore_mem>>
    %dma_start3A_63 = tpu.memref_squeeze %dma_start3A_62 : memref<1x!tpu.dma_semaphore, #tpu.memory_space<semaphore_mem>> -> memref<!tpu.dma_semaphore, #tpu.memory_space<semaphore_mem>>
    tpu.enqueue_indirect_dma source(%arg7 : memref<128x16xf32, #tpu.memory_space<vmem>>) target(%dma_start3A_61 : memref<10240x16xf32, #tpu.memory_space<vmem_shared>>) offsets(%dma_start3A_58 : memref<128xi32, #tpu.memory_space<vmem>>) semaphore(%dma_start3A_63 : memref<!tpu.dma_semaphore, #tpu.memory_space<semaphore_mem>>) {add = true}
    %dma_start3A_64 = arith.constant 6 : i32
    %dma_start3A_65 = arith.constant 6 : i32
    %dma_start3A_66 = arith.constant 0 : i32
    %dma_start3A_67 = tpu.memref_slice %arg6[%dma_start3A_64, %dma_start3A_66] : memref<160x128xi32, #tpu.memory_space<vmem>> -> memref<1x128xi32, #tpu.memory_space<vmem>>
    %dma_start3A_68 = tpu.memref_squeeze %dma_start3A_67 : memref<1x128xi32, #tpu.memory_space<vmem>> -> memref<128xi32, #tpu.memory_space<vmem>>
    %dma_start3A_69 = arith.constant 0 : i32
    %dma_start3A_70 = arith.constant 0 : i32
    %dma_start3A_71 = tpu.memref_slice %arg8[%dma_start3A_69, %dma_start3A_70] : memref<10240x16xf32, #tpu.memory_space<vmem_shared>> -> memref<10240x16xf32, #tpu.memory_space<vmem_shared>>
    %dma_start3A_72 = tpu.memref_slice %arg9[%dma_start3A_65] : memref<8x!tpu.dma_semaphore, #tpu.memory_space<semaphore_mem>> -> memref<1x!tpu.dma_semaphore, #tpu.memory_space<semaphore_mem>>
    %dma_start3A_73 = tpu.memref_squeeze %dma_start3A_72 : memref<1x!tpu.dma_semaphore, #tpu.memory_space<semaphore_mem>> -> memref<!tpu.dma_semaphore, #tpu.memory_space<semaphore_mem>>
    tpu.enqueue_indirect_dma source(%arg7 : memref<128x16xf32, #tpu.memory_space<vmem>>) target(%dma_start3A_71 : memref<10240x16xf32, #tpu.memory_space<vmem_shared>>) offsets(%dma_start3A_68 : memref<128xi32, #tpu.memory_space<vmem>>) semaphore(%dma_start3A_73 : memref<!tpu.dma_semaphore, #tpu.memory_space<semaphore_mem>>) {add = true}
    %dma_start3A_74 = arith.constant 7 : i32
    %dma_start3A_75 = arith.constant 7 : i32
    %dma_start3A_76 = arith.constant 0 : i32
    %dma_start3A_77 = tpu.memref_slice %arg6[%dma_start3A_74, %dma_start3A_76] : memref<160x128xi32, #tpu.memory_space<vmem>> -> memref<1x128xi32, #tpu.memory_space<vmem>>
    %dma_start3A_78 = tpu.memref_squeeze %dma_start3A_77 : memref<1x128xi32, #tpu.memory_space<vmem>> -> memref<128xi32, #tpu.memory_space<vmem>>
    %dma_start3A_79 = arith.constant 0 : i32
    %dma_start3A_80 = arith.constant 0 : i32
    %dma_start3A_81 = tpu.memref_slice %arg8[%dma_start3A_79, %dma_start3A_80] : memref<10240x16xf32, #tpu.memory_space<vmem_shared>> -> memref<10240x16xf32, #tpu.memory_space<vmem_shared>>
    %dma_start3A_82 = tpu.memref_slice %arg9[%dma_start3A_75] : memref<8x!tpu.dma_semaphore, #tpu.memory_space<semaphore_mem>> -> memref<1x!tpu.dma_semaphore, #tpu.memory_space<semaphore_mem>>
    %dma_start3A_83 = tpu.memref_squeeze %dma_start3A_82 : memref<1x!tpu.dma_semaphore, #tpu.memory_space<semaphore_mem>> -> memref<!tpu.dma_semaphore, #tpu.memory_space<semaphore_mem>>
    tpu.enqueue_indirect_dma source(%arg7 : memref<128x16xf32, #tpu.memory_space<vmem>>) target(%dma_start3A_81 : memref<10240x16xf32, #tpu.memory_space<vmem_shared>>) offsets(%dma_start3A_78 : memref<128xi32, #tpu.memory_space<vmem>>) semaphore(%dma_start3A_83 : memref<!tpu.dma_semaphore, #tpu.memory_space<semaphore_mem>>) {add = true}
    %scan3A = arith.constant 0 : i32
    %scan3A_84 = arith.constant 19 : i32
    %scan3A_85 = arith.addi %scan3A, %scan3A_84 : i32
    %scan3A_86 = arith.constant 1 : i32
    scf.for %scan3A_172 = %scan3A to %scan3A_85 step %scan3A_86  : i32 {
      %mul3A_173 = arith.constant 8 : i32
      %mul3A_174 = arith.muli %scan3A_172, %mul3A_173 : i32
      %add3A = arith.constant 8 : i32
      %add3A_175 = arith.addi %add3A, %mul3A_174 : i32
      %add3A_176 = arith.constant 0 : i32
      %add3A_177 = arith.addi %add3A_175, %add3A_176 : i32
      %sub3A = arith.constant 8 : i32
      %sub3A_178 = arith.subi %add3A_177, %sub3A : i32
      %dma_wait3A_179 = arith.constant 0 : i32
      %dma_wait3A_180 = arith.constant 0 : i32
      %dma_wait3A_181 = tpu.memref_slice %arg6[%sub3A_178, %dma_wait3A_180] : memref<160x128xi32, #tpu.memory_space<vmem>> -> memref<1x128xi32, #tpu.memory_space<vmem>>
      %dma_wait3A_182 = tpu.memref_squeeze %dma_wait3A_181 : memref<1x128xi32, #tpu.memory_space<vmem>> -> memref<128xi32, #tpu.memory_space<vmem>>
      %dma_wait3A_183 = arith.constant 0 : i32
      %dma_wait3A_184 = arith.constant 0 : i32
      %dma_wait3A_185 = tpu.memref_slice %arg8[%dma_wait3A_183, %dma_wait3A_184] : memref<10240x16xf32, #tpu.memory_space<vmem_shared>> -> memref<10240x16xf32, #tpu.memory_space<vmem_shared>>
      %dma_wait3A_186 = tpu.memref_slice %arg9[%dma_wait3A_179] : memref<8x!tpu.dma_semaphore, #tpu.memory_space<semaphore_mem>> -> memref<1x!tpu.dma_semaphore, #tpu.memory_space<semaphore_mem>>
      %dma_wait3A_187 = tpu.memref_squeeze %dma_wait3A_186 : memref<1x!tpu.dma_semaphore, #tpu.memory_space<semaphore_mem>> -> memref<!tpu.dma_semaphore, #tpu.memory_space<semaphore_mem>>
      tpu.wait_indirect_dma semaphore(%dma_wait3A_187 : memref<!tpu.dma_semaphore, #tpu.memory_space<semaphore_mem>>) src(%arg7 : memref<128x16xf32, #tpu.memory_space<vmem>>) dst(%dma_wait3A_185 : memref<10240x16xf32, #tpu.memory_space<vmem_shared>>)
      %add3A_188 = arith.constant 0 : i32
      %add3A_189 = arith.addi %add3A_175, %add3A_188 : i32
      %dma_start3A_190 = arith.constant 0 : i32
      %dma_start3A_191 = arith.constant 0 : i32
      %dma_start3A_192 = tpu.memref_slice %arg6[%add3A_189, %dma_start3A_191] : memref<160x128xi32, #tpu.memory_space<vmem>> -> memref<1x128xi32, #tpu.memory_space<vmem>>
      %dma_start3A_193 = tpu.memref_squeeze %dma_start3A_192 : memref<1x128xi32, #tpu.memory_space<vmem>> -> memref<128xi32, #tpu.memory_space<vmem>>
      %dma_start3A_194 = arith.constant 0 : i32
      %dma_start3A_195 = arith.constant 0 : i32
      %dma_start3A_196 = tpu.memref_slice %arg8[%dma_start3A_194, %dma_start3A_195] : memref<10240x16xf32, #tpu.memory_space<vmem_shared>> -> memref<10240x16xf32, #tpu.memory_space<vmem_shared>>
      %dma_start3A_197 = tpu.memref_slice %arg9[%dma_start3A_190] : memref<8x!tpu.dma_semaphore, #tpu.memory_space<semaphore_mem>> -> memref<1x!tpu.dma_semaphore, #tpu.memory_space<semaphore_mem>>
      %dma_start3A_198 = tpu.memref_squeeze %dma_start3A_197 : memref<1x!tpu.dma_semaphore, #tpu.memory_space<semaphore_mem>> -> memref<!tpu.dma_semaphore, #tpu.memory_space<semaphore_mem>>
      tpu.enqueue_indirect_dma source(%arg7 : memref<128x16xf32, #tpu.memory_space<vmem>>) target(%dma_start3A_196 : memref<10240x16xf32, #tpu.memory_space<vmem_shared>>) offsets(%dma_start3A_193 : memref<128xi32, #tpu.memory_space<vmem>>) semaphore(%dma_start3A_198 : memref<!tpu.dma_semaphore, #tpu.memory_space<semaphore_mem>>) {add = true}
      %add3A_199 = arith.constant 1 : i32
      %add3A_200 = arith.addi %add3A_175, %add3A_199 : i32
      %sub3A_201 = arith.constant 8 : i32
      %sub3A_202 = arith.subi %add3A_200, %sub3A_201 : i32
      %dma_wait3A_203 = arith.constant 1 : i32
      %dma_wait3A_204 = arith.constant 0 : i32
      %dma_wait3A_205 = tpu.memref_slice %arg6[%sub3A_202, %dma_wait3A_204] : memref<160x128xi32, #tpu.memory_space<vmem>> -> memref<1x128xi32, #tpu.memory_space<vmem>>
      %dma_wait3A_206 = tpu.memref_squeeze %dma_wait3A_205 : memref<1x128xi32, #tpu.memory_space<vmem>> -> memref<128xi32, #tpu.memory_space<vmem>>
      %dma_wait3A_207 = arith.constant 0 : i32
      %dma_wait3A_208 = arith.constant 0 : i32
      %dma_wait3A_209 = tpu.memref_slice %arg8[%dma_wait3A_207, %dma_wait3A_208] : memref<10240x16xf32, #tpu.memory_space<vmem_shared>> -> memref<10240x16xf32, #tpu.memory_space<vmem_shared>>
      %dma_wait3A_210 = tpu.memref_slice %arg9[%dma_wait3A_203] : memref<8x!tpu.dma_semaphore, #tpu.memory_space<semaphore_mem>> -> memref<1x!tpu.dma_semaphore, #tpu.memory_space<semaphore_mem>>
      %dma_wait3A_211 = tpu.memref_squeeze %dma_wait3A_210 : memref<1x!tpu.dma_semaphore, #tpu.memory_space<semaphore_mem>> -> memref<!tpu.dma_semaphore, #tpu.memory_space<semaphore_mem>>
      tpu.wait_indirect_dma semaphore(%dma_wait3A_211 : memref<!tpu.dma_semaphore, #tpu.memory_space<semaphore_mem>>) src(%arg7 : memref<128x16xf32, #tpu.memory_space<vmem>>) dst(%dma_wait3A_209 : memref<10240x16xf32, #tpu.memory_space<vmem_shared>>)
      %add3A_212 = arith.constant 1 : i32
      %add3A_213 = arith.addi %add3A_175, %add3A_212 : i32
      %dma_start3A_214 = arith.constant 1 : i32
      %dma_start3A_215 = arith.constant 0 : i32
      %dma_start3A_216 = tpu.memref_slice %arg6[%add3A_213, %dma_start3A_215] : memref<160x128xi32, #tpu.memory_space<vmem>> -> memref<1x128xi32, #tpu.memory_space<vmem>>
      %dma_start3A_217 = tpu.memref_squeeze %dma_start3A_216 : memref<1x128xi32, #tpu.memory_space<vmem>> -> memref<128xi32, #tpu.memory_space<vmem>>
      %dma_start3A_218 = arith.constant 0 : i32
      %dma_start3A_219 = arith.constant 0 : i32
      %dma_start3A_220 = tpu.memref_slice %arg8[%dma_start3A_218, %dma_start3A_219] : memref<10240x16xf32, #tpu.memory_space<vmem_shared>> -> memref<10240x16xf32, #tpu.memory_space<vmem_shared>>
      %dma_start3A_221 = tpu.memref_slice %arg9[%dma_start3A_214] : memref<8x!tpu.dma_semaphore, #tpu.memory_space<semaphore_mem>> -> memref<1x!tpu.dma_semaphore, #tpu.memory_space<semaphore_mem>>
      %dma_start3A_222 = tpu.memref_squeeze %dma_start3A_221 : memref<1x!tpu.dma_semaphore, #tpu.memory_space<semaphore_mem>> -> memref<!tpu.dma_semaphore, #tpu.memory_space<semaphore_mem>>
      tpu.enqueue_indirect_dma source(%arg7 : memref<128x16xf32, #tpu.memory_space<vmem>>) target(%dma_start3A_220 : memref<10240x16xf32, #tpu.memory_space<vmem_shared>>) offsets(%dma_start3A_217 : memref<128xi32, #tpu.memory_space<vmem>>) semaphore(%dma_start3A_222 : memref<!tpu.dma_semaphore, #tpu.memory_space<semaphore_mem>>) {add = true}
      %add3A_223 = arith.constant 2 : i32
      %add3A_224 = arith.addi %add3A_175, %add3A_223 : i32
      %sub3A_225 = arith.constant 8 : i32
      %sub3A_226 = arith.subi %add3A_224, %sub3A_225 : i32
      %dma_wait3A_227 = arith.constant 2 : i32
      %dma_wait3A_228 = arith.constant 0 : i32
      %dma_wait3A_229 = tpu.memref_slice %arg6[%sub3A_226, %dma_wait3A_228] : memref<160x128xi32, #tpu.memory_space<vmem>> -> memref<1x128xi32, #tpu.memory_space<vmem>>
      %dma_wait3A_230 = tpu.memref_squeeze %dma_wait3A_229 : memref<1x128xi32, #tpu.memory_space<vmem>> -> memref<128xi32, #tpu.memory_space<vmem>>
      %dma_wait3A_231 = arith.constant 0 : i32
      %dma_wait3A_232 = arith.constant 0 : i32
      %dma_wait3A_233 = tpu.memref_slice %arg8[%dma_wait3A_231, %dma_wait3A_232] : memref<10240x16xf32, #tpu.memory_space<vmem_shared>> -> memref<10240x16xf32, #tpu.memory_space<vmem_shared>>
      %dma_wait3A_234 = tpu.memref_slice %arg9[%dma_wait3A_227] : memref<8x!tpu.dma_semaphore, #tpu.memory_space<semaphore_mem>> -> memref<1x!tpu.dma_semaphore, #tpu.memory_space<semaphore_mem>>
      %dma_wait3A_235 = tpu.memref_squeeze %dma_wait3A_234 : memref<1x!tpu.dma_semaphore, #tpu.memory_space<semaphore_mem>> -> memref<!tpu.dma_semaphore, #tpu.memory_space<semaphore_mem>>
      tpu.wait_indirect_dma semaphore(%dma_wait3A_235 : memref<!tpu.dma_semaphore, #tpu.memory_space<semaphore_mem>>) src(%arg7 : memref<128x16xf32, #tpu.memory_space<vmem>>) dst(%dma_wait3A_233 : memref<10240x16xf32, #tpu.memory_space<vmem_shared>>)
      %add3A_236 = arith.constant 2 : i32
      %add3A_237 = arith.addi %add3A_175, %add3A_236 : i32
      %dma_start3A_238 = arith.constant 2 : i32
      %dma_start3A_239 = arith.constant 0 : i32
      %dma_start3A_240 = tpu.memref_slice %arg6[%add3A_237, %dma_start3A_239] : memref<160x128xi32, #tpu.memory_space<vmem>> -> memref<1x128xi32, #tpu.memory_space<vmem>>
      %dma_start3A_241 = tpu.memref_squeeze %dma_start3A_240 : memref<1x128xi32, #tpu.memory_space<vmem>> -> memref<128xi32, #tpu.memory_space<vmem>>
      %dma_start3A_242 = arith.constant 0 : i32
      %dma_start3A_243 = arith.constant 0 : i32
      %dma_start3A_244 = tpu.memref_slice %arg8[%dma_start3A_242, %dma_start3A_243] : memref<10240x16xf32, #tpu.memory_space<vmem_shared>> -> memref<10240x16xf32, #tpu.memory_space<vmem_shared>>
      %dma_start3A_245 = tpu.memref_slice %arg9[%dma_start3A_238] : memref<8x!tpu.dma_semaphore, #tpu.memory_space<semaphore_mem>> -> memref<1x!tpu.dma_semaphore, #tpu.memory_space<semaphore_mem>>
      %dma_start3A_246 = tpu.memref_squeeze %dma_start3A_245 : memref<1x!tpu.dma_semaphore, #tpu.memory_space<semaphore_mem>> -> memref<!tpu.dma_semaphore, #tpu.memory_space<semaphore_mem>>
      tpu.enqueue_indirect_dma source(%arg7 : memref<128x16xf32, #tpu.memory_space<vmem>>) target(%dma_start3A_244 : memref<10240x16xf32, #tpu.memory_space<vmem_shared>>) offsets(%dma_start3A_241 : memref<128xi32, #tpu.memory_space<vmem>>) semaphore(%dma_start3A_246 : memref<!tpu.dma_semaphore, #tpu.memory_space<semaphore_mem>>) {add = true}
      %add3A_247 = arith.constant 3 : i32
      %add3A_248 = arith.addi %add3A_175, %add3A_247 : i32
      %sub3A_249 = arith.constant 8 : i32
      %sub3A_250 = arith.subi %add3A_248, %sub3A_249 : i32
      %dma_wait3A_251 = arith.constant 3 : i32
      %dma_wait3A_252 = arith.constant 0 : i32
      %dma_wait3A_253 = tpu.memref_slice %arg6[%sub3A_250, %dma_wait3A_252] : memref<160x128xi32, #tpu.memory_space<vmem>> -> memref<1x128xi32, #tpu.memory_space<vmem>>
      %dma_wait3A_254 = tpu.memref_squeeze %dma_wait3A_253 : memref<1x128xi32, #tpu.memory_space<vmem>> -> memref<128xi32, #tpu.memory_space<vmem>>
      %dma_wait3A_255 = arith.constant 0 : i32
      %dma_wait3A_256 = arith.constant 0 : i32
      %dma_wait3A_257 = tpu.memref_slice %arg8[%dma_wait3A_255, %dma_wait3A_256] : memref<10240x16xf32, #tpu.memory_space<vmem_shared>> -> memref<10240x16xf32, #tpu.memory_space<vmem_shared>>
      %dma_wait3A_258 = tpu.memref_slice %arg9[%dma_wait3A_251] : memref<8x!tpu.dma_semaphore, #tpu.memory_space<semaphore_mem>> -> memref<1x!tpu.dma_semaphore, #tpu.memory_space<semaphore_mem>>
      %dma_wait3A_259 = tpu.memref_squeeze %dma_wait3A_258 : memref<1x!tpu.dma_semaphore, #tpu.memory_space<semaphore_mem>> -> memref<!tpu.dma_semaphore, #tpu.memory_space<semaphore_mem>>
      tpu.wait_indirect_dma semaphore(%dma_wait3A_259 : memref<!tpu.dma_semaphore, #tpu.memory_space<semaphore_mem>>) src(%arg7 : memref<128x16xf32, #tpu.memory_space<vmem>>) dst(%dma_wait3A_257 : memref<10240x16xf32, #tpu.memory_space<vmem_shared>>)
      %add3A_260 = arith.constant 3 : i32
      %add3A_261 = arith.addi %add3A_175, %add3A_260 : i32
      %dma_start3A_262 = arith.constant 3 : i32
      %dma_start3A_263 = arith.constant 0 : i32
      %dma_start3A_264 = tpu.memref_slice %arg6[%add3A_261, %dma_start3A_263] : memref<160x128xi32, #tpu.memory_space<vmem>> -> memref<1x128xi32, #tpu.memory_space<vmem>>
      %dma_start3A_265 = tpu.memref_squeeze %dma_start3A_264 : memref<1x128xi32, #tpu.memory_space<vmem>> -> memref<128xi32, #tpu.memory_space<vmem>>
      %dma_start3A_266 = arith.constant 0 : i32
      %dma_start3A_267 = arith.constant 0 : i32
      %dma_start3A_268 = tpu.memref_slice %arg8[%dma_start3A_266, %dma_start3A_267] : memref<10240x16xf32, #tpu.memory_space<vmem_shared>> -> memref<10240x16xf32, #tpu.memory_space<vmem_shared>>
      %dma_start3A_269 = tpu.memref_slice %arg9[%dma_start3A_262] : memref<8x!tpu.dma_semaphore, #tpu.memory_space<semaphore_mem>> -> memref<1x!tpu.dma_semaphore, #tpu.memory_space<semaphore_mem>>
      %dma_start3A_270 = tpu.memref_squeeze %dma_start3A_269 : memref<1x!tpu.dma_semaphore, #tpu.memory_space<semaphore_mem>> -> memref<!tpu.dma_semaphore, #tpu.memory_space<semaphore_mem>>
      tpu.enqueue_indirect_dma source(%arg7 : memref<128x16xf32, #tpu.memory_space<vmem>>) target(%dma_start3A_268 : memref<10240x16xf32, #tpu.memory_space<vmem_shared>>) offsets(%dma_start3A_265 : memref<128xi32, #tpu.memory_space<vmem>>) semaphore(%dma_start3A_270 : memref<!tpu.dma_semaphore, #tpu.memory_space<semaphore_mem>>) {add = true}
      %add3A_271 = arith.constant 4 : i32
      %add3A_272 = arith.addi %add3A_175, %add3A_271 : i32
      %sub3A_273 = arith.constant 8 : i32
      %sub3A_274 = arith.subi %add3A_272, %sub3A_273 : i32
      %dma_wait3A_275 = arith.constant 4 : i32
      %dma_wait3A_276 = arith.constant 0 : i32
      %dma_wait3A_277 = tpu.memref_slice %arg6[%sub3A_274, %dma_wait3A_276] : memref<160x128xi32, #tpu.memory_space<vmem>> -> memref<1x128xi32, #tpu.memory_space<vmem>>
      %dma_wait3A_278 = tpu.memref_squeeze %dma_wait3A_277 : memref<1x128xi32, #tpu.memory_space<vmem>> -> memref<128xi32, #tpu.memory_space<vmem>>
      %dma_wait3A_279 = arith.constant 0 : i32
      %dma_wait3A_280 = arith.constant 0 : i32
      %dma_wait3A_281 = tpu.memref_slice %arg8[%dma_wait3A_279, %dma_wait3A_280] : memref<10240x16xf32, #tpu.memory_space<vmem_shared>> -> memref<10240x16xf32, #tpu.memory_space<vmem_shared>>
      %dma_wait3A_282 = tpu.memref_slice %arg9[%dma_wait3A_275] : memref<8x!tpu.dma_semaphore, #tpu.memory_space<semaphore_mem>> -> memref<1x!tpu.dma_semaphore, #tpu.memory_space<semaphore_mem>>
      %dma_wait3A_283 = tpu.memref_squeeze %dma_wait3A_282 : memref<1x!tpu.dma_semaphore, #tpu.memory_space<semaphore_mem>> -> memref<!tpu.dma_semaphore, #tpu.memory_space<semaphore_mem>>
      tpu.wait_indirect_dma semaphore(%dma_wait3A_283 : memref<!tpu.dma_semaphore, #tpu.memory_space<semaphore_mem>>) src(%arg7 : memref<128x16xf32, #tpu.memory_space<vmem>>) dst(%dma_wait3A_281 : memref<10240x16xf32, #tpu.memory_space<vmem_shared>>)
      %add3A_284 = arith.constant 4 : i32
      %add3A_285 = arith.addi %add3A_175, %add3A_284 : i32
      %dma_start3A_286 = arith.constant 4 : i32
      %dma_start3A_287 = arith.constant 0 : i32
      %dma_start3A_288 = tpu.memref_slice %arg6[%add3A_285, %dma_start3A_287] : memref<160x128xi32, #tpu.memory_space<vmem>> -> memref<1x128xi32, #tpu.memory_space<vmem>>
      %dma_start3A_289 = tpu.memref_squeeze %dma_start3A_288 : memref<1x128xi32, #tpu.memory_space<vmem>> -> memref<128xi32, #tpu.memory_space<vmem>>
      %dma_start3A_290 = arith.constant 0 : i32
      %dma_start3A_291 = arith.constant 0 : i32
      %dma_start3A_292 = tpu.memref_slice %arg8[%dma_start3A_290, %dma_start3A_291] : memref<10240x16xf32, #tpu.memory_space<vmem_shared>> -> memref<10240x16xf32, #tpu.memory_space<vmem_shared>>
      %dma_start3A_293 = tpu.memref_slice %arg9[%dma_start3A_286] : memref<8x!tpu.dma_semaphore, #tpu.memory_space<semaphore_mem>> -> memref<1x!tpu.dma_semaphore, #tpu.memory_space<semaphore_mem>>
      %dma_start3A_294 = tpu.memref_squeeze %dma_start3A_293 : memref<1x!tpu.dma_semaphore, #tpu.memory_space<semaphore_mem>> -> memref<!tpu.dma_semaphore, #tpu.memory_space<semaphore_mem>>
      tpu.enqueue_indirect_dma source(%arg7 : memref<128x16xf32, #tpu.memory_space<vmem>>) target(%dma_start3A_292 : memref<10240x16xf32, #tpu.memory_space<vmem_shared>>) offsets(%dma_start3A_289 : memref<128xi32, #tpu.memory_space<vmem>>) semaphore(%dma_start3A_294 : memref<!tpu.dma_semaphore, #tpu.memory_space<semaphore_mem>>) {add = true}
      %add3A_295 = arith.constant 5 : i32
      %add3A_296 = arith.addi %add3A_175, %add3A_295 : i32
      %sub3A_297 = arith.constant 8 : i32
      %sub3A_298 = arith.subi %add3A_296, %sub3A_297 : i32
      %dma_wait3A_299 = arith.constant 5 : i32
      %dma_wait3A_300 = arith.constant 0 : i32
      %dma_wait3A_301 = tpu.memref_slice %arg6[%sub3A_298, %dma_wait3A_300] : memref<160x128xi32, #tpu.memory_space<vmem>> -> memref<1x128xi32, #tpu.memory_space<vmem>>
      %dma_wait3A_302 = tpu.memref_squeeze %dma_wait3A_301 : memref<1x128xi32, #tpu.memory_space<vmem>> -> memref<128xi32, #tpu.memory_space<vmem>>
      %dma_wait3A_303 = arith.constant 0 : i32
      %dma_wait3A_304 = arith.constant 0 : i32
      %dma_wait3A_305 = tpu.memref_slice %arg8[%dma_wait3A_303, %dma_wait3A_304] : memref<10240x16xf32, #tpu.memory_space<vmem_shared>> -> memref<10240x16xf32, #tpu.memory_space<vmem_shared>>
      %dma_wait3A_306 = tpu.memref_slice %arg9[%dma_wait3A_299] : memref<8x!tpu.dma_semaphore, #tpu.memory_space<semaphore_mem>> -> memref<1x!tpu.dma_semaphore, #tpu.memory_space<semaphore_mem>>
      %dma_wait3A_307 = tpu.memref_squeeze %dma_wait3A_306 : memref<1x!tpu.dma_semaphore, #tpu.memory_space<semaphore_mem>> -> memref<!tpu.dma_semaphore, #tpu.memory_space<semaphore_mem>>
      tpu.wait_indirect_dma semaphore(%dma_wait3A_307 : memref<!tpu.dma_semaphore, #tpu.memory_space<semaphore_mem>>) src(%arg7 : memref<128x16xf32, #tpu.memory_space<vmem>>) dst(%dma_wait3A_305 : memref<10240x16xf32, #tpu.memory_space<vmem_shared>>)
      %add3A_308 = arith.constant 5 : i32
      %add3A_309 = arith.addi %add3A_175, %add3A_308 : i32
      %dma_start3A_310 = arith.constant 5 : i32
      %dma_start3A_311 = arith.constant 0 : i32
      %dma_start3A_312 = tpu.memref_slice %arg6[%add3A_309, %dma_start3A_311] : memref<160x128xi32, #tpu.memory_space<vmem>> -> memref<1x128xi32, #tpu.memory_space<vmem>>
      %dma_start3A_313 = tpu.memref_squeeze %dma_start3A_312 : memref<1x128xi32, #tpu.memory_space<vmem>> -> memref<128xi32, #tpu.memory_space<vmem>>
      %dma_start3A_314 = arith.constant 0 : i32
      %dma_start3A_315 = arith.constant 0 : i32
      %dma_start3A_316 = tpu.memref_slice %arg8[%dma_start3A_314, %dma_start3A_315] : memref<10240x16xf32, #tpu.memory_space<vmem_shared>> -> memref<10240x16xf32, #tpu.memory_space<vmem_shared>>
      %dma_start3A_317 = tpu.memref_slice %arg9[%dma_start3A_310] : memref<8x!tpu.dma_semaphore, #tpu.memory_space<semaphore_mem>> -> memref<1x!tpu.dma_semaphore, #tpu.memory_space<semaphore_mem>>
      %dma_start3A_318 = tpu.memref_squeeze %dma_start3A_317 : memref<1x!tpu.dma_semaphore, #tpu.memory_space<semaphore_mem>> -> memref<!tpu.dma_semaphore, #tpu.memory_space<semaphore_mem>>
      tpu.enqueue_indirect_dma source(%arg7 : memref<128x16xf32, #tpu.memory_space<vmem>>) target(%dma_start3A_316 : memref<10240x16xf32, #tpu.memory_space<vmem_shared>>) offsets(%dma_start3A_313 : memref<128xi32, #tpu.memory_space<vmem>>) semaphore(%dma_start3A_318 : memref<!tpu.dma_semaphore, #tpu.memory_space<semaphore_mem>>) {add = true}
      %add3A_319 = arith.constant 6 : i32
      %add3A_320 = arith.addi %add3A_175, %add3A_319 : i32
      %sub3A_321 = arith.constant 8 : i32
      %sub3A_322 = arith.subi %add3A_320, %sub3A_321 : i32
      %dma_wait3A_323 = arith.constant 6 : i32
      %dma_wait3A_324 = arith.constant 0 : i32
      %dma_wait3A_325 = tpu.memref_slice %arg6[%sub3A_322, %dma_wait3A_324] : memref<160x128xi32, #tpu.memory_space<vmem>> -> memref<1x128xi32, #tpu.memory_space<vmem>>
      %dma_wait3A_326 = tpu.memref_squeeze %dma_wait3A_325 : memref<1x128xi32, #tpu.memory_space<vmem>> -> memref<128xi32, #tpu.memory_space<vmem>>
      %dma_wait3A_327 = arith.constant 0 : i32
      %dma_wait3A_328 = arith.constant 0 : i32
      %dma_wait3A_329 = tpu.memref_slice %arg8[%dma_wait3A_327, %dma_wait3A_328] : memref<10240x16xf32, #tpu.memory_space<vmem_shared>> -> memref<10240x16xf32, #tpu.memory_space<vmem_shared>>
      %dma_wait3A_330 = tpu.memref_slice %arg9[%dma_wait3A_323] : memref<8x!tpu.dma_semaphore, #tpu.memory_space<semaphore_mem>> -> memref<1x!tpu.dma_semaphore, #tpu.memory_space<semaphore_mem>>
      %dma_wait3A_331 = tpu.memref_squeeze %dma_wait3A_330 : memref<1x!tpu.dma_semaphore, #tpu.memory_space<semaphore_mem>> -> memref<!tpu.dma_semaphore, #tpu.memory_space<semaphore_mem>>
      tpu.wait_indirect_dma semaphore(%dma_wait3A_331 : memref<!tpu.dma_semaphore, #tpu.memory_space<semaphore_mem>>) src(%arg7 : memref<128x16xf32, #tpu.memory_space<vmem>>) dst(%dma_wait3A_329 : memref<10240x16xf32, #tpu.memory_space<vmem_shared>>)
      %add3A_332 = arith.constant 6 : i32
      %add3A_333 = arith.addi %add3A_175, %add3A_332 : i32
      %dma_start3A_334 = arith.constant 6 : i32
      %dma_start3A_335 = arith.constant 0 : i32
      %dma_start3A_336 = tpu.memref_slice %arg6[%add3A_333, %dma_start3A_335] : memref<160x128xi32, #tpu.memory_space<vmem>> -> memref<1x128xi32, #tpu.memory_space<vmem>>
      %dma_start3A_337 = tpu.memref_squeeze %dma_start3A_336 : memref<1x128xi32, #tpu.memory_space<vmem>> -> memref<128xi32, #tpu.memory_space<vmem>>
      %dma_start3A_338 = arith.constant 0 : i32
      %dma_start3A_339 = arith.constant 0 : i32
      %dma_start3A_340 = tpu.memref_slice %arg8[%dma_start3A_338, %dma_start3A_339] : memref<10240x16xf32, #tpu.memory_space<vmem_shared>> -> memref<10240x16xf32, #tpu.memory_space<vmem_shared>>
      %dma_start3A_341 = tpu.memref_slice %arg9[%dma_start3A_334] : memref<8x!tpu.dma_semaphore, #tpu.memory_space<semaphore_mem>> -> memref<1x!tpu.dma_semaphore, #tpu.memory_space<semaphore_mem>>
      %dma_start3A_342 = tpu.memref_squeeze %dma_start3A_341 : memref<1x!tpu.dma_semaphore, #tpu.memory_space<semaphore_mem>> -> memref<!tpu.dma_semaphore, #tpu.memory_space<semaphore_mem>>
      tpu.enqueue_indirect_dma source(%arg7 : memref<128x16xf32, #tpu.memory_space<vmem>>) target(%dma_start3A_340 : memref<10240x16xf32, #tpu.memory_space<vmem_shared>>) offsets(%dma_start3A_337 : memref<128xi32, #tpu.memory_space<vmem>>) semaphore(%dma_start3A_342 : memref<!tpu.dma_semaphore, #tpu.memory_space<semaphore_mem>>) {add = true}
      %add3A_343 = arith.constant 7 : i32
      %add3A_344 = arith.addi %add3A_175, %add3A_343 : i32
      %sub3A_345 = arith.constant 8 : i32
      %sub3A_346 = arith.subi %add3A_344, %sub3A_345 : i32
      %dma_wait3A_347 = arith.constant 7 : i32
      %dma_wait3A_348 = arith.constant 0 : i32
      %dma_wait3A_349 = tpu.memref_slice %arg6[%sub3A_346, %dma_wait3A_348] : memref<160x128xi32, #tpu.memory_space<vmem>> -> memref<1x128xi32, #tpu.memory_space<vmem>>
      %dma_wait3A_350 = tpu.memref_squeeze %dma_wait3A_349 : memref<1x128xi32, #tpu.memory_space<vmem>> -> memref<128xi32, #tpu.memory_space<vmem>>
      %dma_wait3A_351 = arith.constant 0 : i32
      %dma_wait3A_352 = arith.constant 0 : i32
      %dma_wait3A_353 = tpu.memref_slice %arg8[%dma_wait3A_351, %dma_wait3A_352] : memref<10240x16xf32, #tpu.memory_space<vmem_shared>> -> memref<10240x16xf32, #tpu.memory_space<vmem_shared>>
      %dma_wait3A_354 = tpu.memref_slice %arg9[%dma_wait3A_347] : memref<8x!tpu.dma_semaphore, #tpu.memory_space<semaphore_mem>> -> memref<1x!tpu.dma_semaphore, #tpu.memory_space<semaphore_mem>>
      %dma_wait3A_355 = tpu.memref_squeeze %dma_wait3A_354 : memref<1x!tpu.dma_semaphore, #tpu.memory_space<semaphore_mem>> -> memref<!tpu.dma_semaphore, #tpu.memory_space<semaphore_mem>>
      tpu.wait_indirect_dma semaphore(%dma_wait3A_355 : memref<!tpu.dma_semaphore, #tpu.memory_space<semaphore_mem>>) src(%arg7 : memref<128x16xf32, #tpu.memory_space<vmem>>) dst(%dma_wait3A_353 : memref<10240x16xf32, #tpu.memory_space<vmem_shared>>)
      %add3A_356 = arith.constant 7 : i32
      %add3A_357 = arith.addi %add3A_175, %add3A_356 : i32
      %dma_start3A_358 = arith.constant 7 : i32
      %dma_start3A_359 = arith.constant 0 : i32
      %dma_start3A_360 = tpu.memref_slice %arg6[%add3A_357, %dma_start3A_359] : memref<160x128xi32, #tpu.memory_space<vmem>> -> memref<1x128xi32, #tpu.memory_space<vmem>>
      %dma_start3A_361 = tpu.memref_squeeze %dma_start3A_360 : memref<1x128xi32, #tpu.memory_space<vmem>> -> memref<128xi32, #tpu.memory_space<vmem>>
      %dma_start3A_362 = arith.constant 0 : i32
      %dma_start3A_363 = arith.constant 0 : i32
      %dma_start3A_364 = tpu.memref_slice %arg8[%dma_start3A_362, %dma_start3A_363] : memref<10240x16xf32, #tpu.memory_space<vmem_shared>> -> memref<10240x16xf32, #tpu.memory_space<vmem_shared>>
      %dma_start3A_365 = tpu.memref_slice %arg9[%dma_start3A_358] : memref<8x!tpu.dma_semaphore, #tpu.memory_space<semaphore_mem>> -> memref<1x!tpu.dma_semaphore, #tpu.memory_space<semaphore_mem>>
      %dma_start3A_366 = tpu.memref_squeeze %dma_start3A_365 : memref<1x!tpu.dma_semaphore, #tpu.memory_space<semaphore_mem>> -> memref<!tpu.dma_semaphore, #tpu.memory_space<semaphore_mem>>
      tpu.enqueue_indirect_dma source(%arg7 : memref<128x16xf32, #tpu.memory_space<vmem>>) target(%dma_start3A_364 : memref<10240x16xf32, #tpu.memory_space<vmem_shared>>) offsets(%dma_start3A_361 : memref<128xi32, #tpu.memory_space<vmem>>) semaphore(%dma_start3A_366 : memref<!tpu.dma_semaphore, #tpu.memory_space<semaphore_mem>>) {add = true}
    }
    %scan3A_87 = arith.constant 19 : i32
    %dma_wait3A = arith.constant 152 : i32
    %dma_wait3A_88 = arith.constant 0 : i32
    %dma_wait3A_89 = arith.constant 0 : i32
    %dma_wait3A_90 = tpu.memref_slice %arg6[%dma_wait3A, %dma_wait3A_89] : memref<160x128xi32, #tpu.memory_space<vmem>> -> memref<1x128xi32, #tpu.memory_space<vmem>>
    %dma_wait3A_91 = tpu.memref_squeeze %dma_wait3A_90 : memref<1x128xi32, #tpu.memory_space<vmem>> -> memref<128xi32, #tpu.memory_space<vmem>>
    %dma_wait3A_92 = arith.constant 0 : i32
    %dma_wait3A_93 = arith.constant 0 : i32
    %dma_wait3A_94 = tpu.memref_slice %arg8[%dma_wait3A_92, %dma_wait3A_93] : memref<10240x16xf32, #tpu.memory_space<vmem_shared>> -> memref<10240x16xf32, #tpu.memory_space<vmem_shared>>
    %dma_wait3A_95 = tpu.memref_slice %arg9[%dma_wait3A_88] : memref<8x!tpu.dma_semaphore, #tpu.memory_space<semaphore_mem>> -> memref<1x!tpu.dma_semaphore, #tpu.memory_space<semaphore_mem>>
    %dma_wait3A_96 = tpu.memref_squeeze %dma_wait3A_95 : memref<1x!tpu.dma_semaphore, #tpu.memory_space<semaphore_mem>> -> memref<!tpu.dma_semaphore, #tpu.memory_space<semaphore_mem>>
    tpu.wait_indirect_dma semaphore(%dma_wait3A_96 : memref<!tpu.dma_semaphore, #tpu.memory_space<semaphore_mem>>) src(%arg7 : memref<128x16xf32, #tpu.memory_space<vmem>>) dst(%dma_wait3A_94 : memref<10240x16xf32, #tpu.memory_space<vmem_shared>>)
    %dma_wait3A_97 = arith.constant 153 : i32
    %dma_wait3A_98 = arith.constant 1 : i32
    %dma_wait3A_99 = arith.constant 0 : i32
    %dma_wait3A_100 = tpu.memref_slice %arg6[%dma_wait3A_97, %dma_wait3A_99] : memref<160x128xi32, #tpu.memory_space<vmem>> -> memref<1x128xi32, #tpu.memory_space<vmem>>
    %dma_wait3A_101 = tpu.memref_squeeze %dma_wait3A_100 : memref<1x128xi32, #tpu.memory_space<vmem>> -> memref<128xi32, #tpu.memory_space<vmem>>
    %dma_wait3A_102 = arith.constant 0 : i32
    %dma_wait3A_103 = arith.constant 0 : i32
    %dma_wait3A_104 = tpu.memref_slice %arg8[%dma_wait3A_102, %dma_wait3A_103] : memref<10240x16xf32, #tpu.memory_space<vmem_shared>> -> memref<10240x16xf32, #tpu.memory_space<vmem_shared>>
    %dma_wait3A_105 = tpu.memref_slice %arg9[%dma_wait3A_98] : memref<8x!tpu.dma_semaphore, #tpu.memory_space<semaphore_mem>> -> memref<1x!tpu.dma_semaphore, #tpu.memory_space<semaphore_mem>>
    %dma_wait3A_106 = tpu.memref_squeeze %dma_wait3A_105 : memref<1x!tpu.dma_semaphore, #tpu.memory_space<semaphore_mem>> -> memref<!tpu.dma_semaphore, #tpu.memory_space<semaphore_mem>>
    tpu.wait_indirect_dma semaphore(%dma_wait3A_106 : memref<!tpu.dma_semaphore, #tpu.memory_space<semaphore_mem>>) src(%arg7 : memref<128x16xf32, #tpu.memory_space<vmem>>) dst(%dma_wait3A_104 : memref<10240x16xf32, #tpu.memory_space<vmem_shared>>)
    %dma_wait3A_107 = arith.constant 154 : i32
    %dma_wait3A_108 = arith.constant 2 : i32
    %dma_wait3A_109 = arith.constant 0 : i32
    %dma_wait3A_110 = tpu.memref_slice %arg6[%dma_wait3A_107, %dma_wait3A_109] : memref<160x128xi32, #tpu.memory_space<vmem>> -> memref<1x128xi32, #tpu.memory_space<vmem>>
    %dma_wait3A_111 = tpu.memref_squeeze %dma_wait3A_110 : memref<1x128xi32, #tpu.memory_space<vmem>> -> memref<128xi32, #tpu.memory_space<vmem>>
    %dma_wait3A_112 = arith.constant 0 : i32
    %dma_wait3A_113 = arith.constant 0 : i32
    %dma_wait3A_114 = tpu.memref_slice %arg8[%dma_wait3A_112, %dma_wait3A_113] : memref<10240x16xf32, #tpu.memory_space<vmem_shared>> -> memref<10240x16xf32, #tpu.memory_space<vmem_shared>>
    %dma_wait3A_115 = tpu.memref_slice %arg9[%dma_wait3A_108] : memref<8x!tpu.dma_semaphore, #tpu.memory_space<semaphore_mem>> -> memref<1x!tpu.dma_semaphore, #tpu.memory_space<semaphore_mem>>
    %dma_wait3A_116 = tpu.memref_squeeze %dma_wait3A_115 : memref<1x!tpu.dma_semaphore, #tpu.memory_space<semaphore_mem>> -> memref<!tpu.dma_semaphore, #tpu.memory_space<semaphore_mem>>
    tpu.wait_indirect_dma semaphore(%dma_wait3A_116 : memref<!tpu.dma_semaphore, #tpu.memory_space<semaphore_mem>>) src(%arg7 : memref<128x16xf32, #tpu.memory_space<vmem>>) dst(%dma_wait3A_114 : memref<10240x16xf32, #tpu.memory_space<vmem_shared>>)
    %dma_wait3A_117 = arith.constant 155 : i32
    %dma_wait3A_118 = arith.constant 3 : i32
    %dma_wait3A_119 = arith.constant 0 : i32
    %dma_wait3A_120 = tpu.memref_slice %arg6[%dma_wait3A_117, %dma_wait3A_119] : memref<160x128xi32, #tpu.memory_space<vmem>> -> memref<1x128xi32, #tpu.memory_space<vmem>>
    %dma_wait3A_121 = tpu.memref_squeeze %dma_wait3A_120 : memref<1x128xi32, #tpu.memory_space<vmem>> -> memref<128xi32, #tpu.memory_space<vmem>>
    %dma_wait3A_122 = arith.constant 0 : i32
    %dma_wait3A_123 = arith.constant 0 : i32
    %dma_wait3A_124 = tpu.memref_slice %arg8[%dma_wait3A_122, %dma_wait3A_123] : memref<10240x16xf32, #tpu.memory_space<vmem_shared>> -> memref<10240x16xf32, #tpu.memory_space<vmem_shared>>
    %dma_wait3A_125 = tpu.memref_slice %arg9[%dma_wait3A_118] : memref<8x!tpu.dma_semaphore, #tpu.memory_space<semaphore_mem>> -> memref<1x!tpu.dma_semaphore, #tpu.memory_space<semaphore_mem>>
    %dma_wait3A_126 = tpu.memref_squeeze %dma_wait3A_125 : memref<1x!tpu.dma_semaphore, #tpu.memory_space<semaphore_mem>> -> memref<!tpu.dma_semaphore, #tpu.memory_space<semaphore_mem>>
    tpu.wait_indirect_dma semaphore(%dma_wait3A_126 : memref<!tpu.dma_semaphore, #tpu.memory_space<semaphore_mem>>) src(%arg7 : memref<128x16xf32, #tpu.memory_space<vmem>>) dst(%dma_wait3A_124 : memref<10240x16xf32, #tpu.memory_space<vmem_shared>>)
    %dma_wait3A_127 = arith.constant 156 : i32
    %dma_wait3A_128 = arith.constant 4 : i32
    %dma_wait3A_129 = arith.constant 0 : i32
    %dma_wait3A_130 = tpu.memref_slice %arg6[%dma_wait3A_127, %dma_wait3A_129] : memref<160x128xi32, #tpu.memory_space<vmem>> -> memref<1x128xi32, #tpu.memory_space<vmem>>
    %dma_wait3A_131 = tpu.memref_squeeze %dma_wait3A_130 : memref<1x128xi32, #tpu.memory_space<vmem>> -> memref<128xi32, #tpu.memory_space<vmem>>
    %dma_wait3A_132 = arith.constant 0 : i32
    %dma_wait3A_133 = arith.constant 0 : i32
    %dma_wait3A_134 = tpu.memref_slice %arg8[%dma_wait3A_132, %dma_wait3A_133] : memref<10240x16xf32, #tpu.memory_space<vmem_shared>> -> memref<10240x16xf32, #tpu.memory_space<vmem_shared>>
    %dma_wait3A_135 = tpu.memref_slice %arg9[%dma_wait3A_128] : memref<8x!tpu.dma_semaphore, #tpu.memory_space<semaphore_mem>> -> memref<1x!tpu.dma_semaphore, #tpu.memory_space<semaphore_mem>>
    %dma_wait3A_136 = tpu.memref_squeeze %dma_wait3A_135 : memref<1x!tpu.dma_semaphore, #tpu.memory_space<semaphore_mem>> -> memref<!tpu.dma_semaphore, #tpu.memory_space<semaphore_mem>>
    tpu.wait_indirect_dma semaphore(%dma_wait3A_136 : memref<!tpu.dma_semaphore, #tpu.memory_space<semaphore_mem>>) src(%arg7 : memref<128x16xf32, #tpu.memory_space<vmem>>) dst(%dma_wait3A_134 : memref<10240x16xf32, #tpu.memory_space<vmem_shared>>)
    %dma_wait3A_137 = arith.constant 157 : i32
    %dma_wait3A_138 = arith.constant 5 : i32
    %dma_wait3A_139 = arith.constant 0 : i32
    %dma_wait3A_140 = tpu.memref_slice %arg6[%dma_wait3A_137, %dma_wait3A_139] : memref<160x128xi32, #tpu.memory_space<vmem>> -> memref<1x128xi32, #tpu.memory_space<vmem>>
    %dma_wait3A_141 = tpu.memref_squeeze %dma_wait3A_140 : memref<1x128xi32, #tpu.memory_space<vmem>> -> memref<128xi32, #tpu.memory_space<vmem>>
    %dma_wait3A_142 = arith.constant 0 : i32
    %dma_wait3A_143 = arith.constant 0 : i32
    %dma_wait3A_144 = tpu.memref_slice %arg8[%dma_wait3A_142, %dma_wait3A_143] : memref<10240x16xf32, #tpu.memory_space<vmem_shared>> -> memref<10240x16xf32, #tpu.memory_space<vmem_shared>>
    %dma_wait3A_145 = tpu.memref_slice %arg9[%dma_wait3A_138] : memref<8x!tpu.dma_semaphore, #tpu.memory_space<semaphore_mem>> -> memref<1x!tpu.dma_semaphore, #tpu.memory_space<semaphore_mem>>
    %dma_wait3A_146 = tpu.memref_squeeze %dma_wait3A_145 : memref<1x!tpu.dma_semaphore, #tpu.memory_space<semaphore_mem>> -> memref<!tpu.dma_semaphore, #tpu.memory_space<semaphore_mem>>
    tpu.wait_indirect_dma semaphore(%dma_wait3A_146 : memref<!tpu.dma_semaphore, #tpu.memory_space<semaphore_mem>>) src(%arg7 : memref<128x16xf32, #tpu.memory_space<vmem>>) dst(%dma_wait3A_144 : memref<10240x16xf32, #tpu.memory_space<vmem_shared>>)
    %dma_wait3A_147 = arith.constant 158 : i32
    %dma_wait3A_148 = arith.constant 6 : i32
    %dma_wait3A_149 = arith.constant 0 : i32
    %dma_wait3A_150 = tpu.memref_slice %arg6[%dma_wait3A_147, %dma_wait3A_149] : memref<160x128xi32, #tpu.memory_space<vmem>> -> memref<1x128xi32, #tpu.memory_space<vmem>>
    %dma_wait3A_151 = tpu.memref_squeeze %dma_wait3A_150 : memref<1x128xi32, #tpu.memory_space<vmem>> -> memref<128xi32, #tpu.memory_space<vmem>>
    %dma_wait3A_152 = arith.constant 0 : i32
    %dma_wait3A_153 = arith.constant 0 : i32
    %dma_wait3A_154 = tpu.memref_slice %arg8[%dma_wait3A_152, %dma_wait3A_153] : memref<10240x16xf32, #tpu.memory_space<vmem_shared>> -> memref<10240x16xf32, #tpu.memory_space<vmem_shared>>
    %dma_wait3A_155 = tpu.memref_slice %arg9[%dma_wait3A_148] : memref<8x!tpu.dma_semaphore, #tpu.memory_space<semaphore_mem>> -> memref<1x!tpu.dma_semaphore, #tpu.memory_space<semaphore_mem>>
    %dma_wait3A_156 = tpu.memref_squeeze %dma_wait3A_155 : memref<1x!tpu.dma_semaphore, #tpu.memory_space<semaphore_mem>> -> memref<!tpu.dma_semaphore, #tpu.memory_space<semaphore_mem>>
    tpu.wait_indirect_dma semaphore(%dma_wait3A_156 : memref<!tpu.dma_semaphore, #tpu.memory_space<semaphore_mem>>) src(%arg7 : memref<128x16xf32, #tpu.memory_space<vmem>>) dst(%dma_wait3A_154 : memref<10240x16xf32, #tpu.memory_space<vmem_shared>>)
    %dma_wait3A_157 = arith.constant 159 : i32
    %dma_wait3A_158 = arith.constant 7 : i32
    %dma_wait3A_159 = arith.constant 0 : i32
    %dma_wait3A_160 = tpu.memref_slice %arg6[%dma_wait3A_157, %dma_wait3A_159] : memref<160x128xi32, #tpu.memory_space<vmem>> -> memref<1x128xi32, #tpu.memory_space<vmem>>
    %dma_wait3A_161 = tpu.memref_squeeze %dma_wait3A_160 : memref<1x128xi32, #tpu.memory_space<vmem>> -> memref<128xi32, #tpu.memory_space<vmem>>
    %dma_wait3A_162 = arith.constant 0 : i32
    %dma_wait3A_163 = arith.constant 0 : i32
    %dma_wait3A_164 = tpu.memref_slice %arg8[%dma_wait3A_162, %dma_wait3A_163] : memref<10240x16xf32, #tpu.memory_space<vmem_shared>> -> memref<10240x16xf32, #tpu.memory_space<vmem_shared>>
    %dma_wait3A_165 = tpu.memref_slice %arg9[%dma_wait3A_158] : memref<8x!tpu.dma_semaphore, #tpu.memory_space<semaphore_mem>> -> memref<1x!tpu.dma_semaphore, #tpu.memory_space<semaphore_mem>>
    %dma_wait3A_166 = tpu.memref_squeeze %dma_wait3A_165 : memref<1x!tpu.dma_semaphore, #tpu.memory_space<semaphore_mem>> -> memref<!tpu.dma_semaphore, #tpu.memory_space<semaphore_mem>>
    tpu.wait_indirect_dma semaphore(%dma_wait3A_166 : memref<!tpu.dma_semaphore, #tpu.memory_space<semaphore_mem>>) src(%arg7 : memref<128x16xf32, #tpu.memory_space<vmem>>) dst(%dma_wait3A_164 : memref<10240x16xf32, #tpu.memory_space<vmem_shared>>)
    %barrier3A_167 = arith.constant 0 : index
    tpu.barrier barrier_id(%barrier3A_167)
    %mul3A_168 = arith.constant 640 : i32
    %mul3A_169 = arith.muli %arg1, %mul3A_168 : i32
    %mul3A_170 = arith.constant 640 : i32
    %mul3A_171 = arith.muli %arg1, %mul3A_170 : i32
    "tpu.region"() ({
      %run_scoped3A = tpu.sem_alloc : memref<!tpu.dma_semaphore, #tpu.memory_space<semaphore_mem>>
      %dma_start3A_172 = arith.constant 0 : i32
      %dma_start3A_173 = tpu.memref_slice %arg5[%arg0, %mul3A_171, %dma_start3A_172] : memref<2x10240x16xf32, #tpu.memory_space<hbm>> -> memref<1x640x16xf32, #tpu.memory_space<hbm>>
      %dma_start3A_174 = tpu.memref_squeeze %dma_start3A_173 : memref<1x640x16xf32, #tpu.memory_space<hbm>> -> memref<640x16xf32, #tpu.memory_space<hbm>>
      %dma_start3A_175 = arith.constant 0 : i32
      %dma_start3A_176 = tpu.memref_slice %arg8[%mul3A_169, %dma_start3A_175] : memref<10240x16xf32, #tpu.memory_space<vmem_shared>> -> memref<640x16xf32, #tpu.memory_space<vmem_shared>>
      tpu.enqueue_dma source(%dma_start3A_176 : memref<640x16xf32, #tpu.memory_space<vmem_shared>>) target(%dma_start3A_174 : memref<640x16xf32, #tpu.memory_space<hbm>>) target_semaphore(%run_scoped3A : memref<!tpu.dma_semaphore, #tpu.memory_space<semaphore_mem>>)
      %dma_wait3A_177 = arith.constant 0 : i32
      %dma_wait3A_178 = tpu.memref_slice %arg5[%arg0, %mul3A_171, %dma_wait3A_177] : memref<2x10240x16xf32, #tpu.memory_space<hbm>> -> memref<1x640x16xf32, #tpu.memory_space<hbm>>
      %dma_wait3A_179 = tpu.memref_squeeze %dma_wait3A_178 : memref<1x640x16xf32, #tpu.memory_space<hbm>> -> memref<640x16xf32, #tpu.memory_space<hbm>>
      %dma_wait3A_180 = arith.constant 0 : i32
      %dma_wait3A_181 = tpu.memref_slice %arg8[%mul3A_169, %dma_wait3A_180] : memref<10240x16xf32, #tpu.memory_space<vmem_shared>> -> memref<640x16xf32, #tpu.memory_space<vmem_shared>>
      tpu.wait_dma2 semaphore(%run_scoped3A : memref<!tpu.dma_semaphore, #tpu.memory_space<semaphore_mem>>) src(%dma_wait3A_181 : memref<640x16xf32, #tpu.memory_space<vmem_shared>>) dst(%dma_wait3A_179 : memref<640x16xf32, #tpu.memory_space<hbm>>)
      tpu.yield
    }) : () -> ()
    return
  }
}

#map = affine_map<(d0, d1) -> (0, 0)>
#map1 = affine_map<(d0, d1) -> (0, 0, 0)>
module attributes {stable_mosaic.version = 14 : i64} {
  func.func @k(%arg0: i32, %arg1: i32, %arg2: memref<10240x32xf32, #tpu.memory_space<hbm>>, %arg3: memref<2x2560x128xi32, #tpu.memory_space<hbm>>, %arg4: memref<10240x32xf32, #tpu.memory_space<hbm>>, %arg5: memref<2x10240x32xf32, #tpu.memory_space<hbm>>, %arg6: memref<80x128xi32, #tpu.memory_space<vmem>>, %arg7: memref<80x128xi32, #tpu.memory_space<vmem>>, %arg8: memref<128x32xf32, #tpu.memory_space<vmem>>, %arg9: memref<128x32xf32, #tpu.memory_space<vmem>>, %arg10: memref<128x32xf32, #tpu.memory_space<vmem>>, %arg11: memref<128x32xf32, #tpu.memory_space<vmem>>, %arg12: memref<128x32xf32, #tpu.memory_space<vmem>>, %arg13: memref<128x32xf32, #tpu.memory_space<vmem>>, %arg14: memref<128x32xf32, #tpu.memory_space<vmem>>, %arg15: memref<128x32xf32, #tpu.memory_space<vmem>>, %arg16: memref<10240x32xf32, #tpu.memory_space<vmem_shared>>, %arg17: memref<8x!tpu.dma_semaphore, #tpu.memory_space<semaphore_mem>>, %arg18: memref<8x!tpu.dma_semaphore, #tpu.memory_space<semaphore_mem>>) attributes {dimension_semantics = [#tpu.dimension_semantics<core_parallel>, #tpu.dimension_semantics<subcore_parallel>], iteration_bounds = array<i64: 2, 16>, scalar_prefetch = 0 : i64, scratch_operands = 13 : i64, tpu.core_type = #tpu.core_type<sc_vector_subcore>, window_params = [{transform_indices = #map}, {transform_indices = #map1}, {transform_indices = #map}, {transform_indices = #map1}]} {
    %mul3A = arith.constant 640 : i32
    %mul3A_0 = arith.muli %arg1, %mul3A : i32
    %mul3A_1 = arith.constant 640 : i32
    %mul3A_2 = arith.muli %arg1, %mul3A_1 : i32
    "tpu.region"() ({
      %run_scoped3A_175 = tpu.sem_alloc : memref<!tpu.dma_semaphore, #tpu.memory_space<semaphore_mem>>
      %dma_start3A_176 = arith.constant 0 : i32
      %dma_start3A_177 = tpu.memref_slice %arg16[%mul3A_2, %dma_start3A_176] : memref<10240x32xf32, #tpu.memory_space<vmem_shared>> -> memref<640x32xf32, #tpu.memory_space<vmem_shared>>
      %dma_start3A_178 = arith.constant 0 : i32
      %dma_start3A_179 = tpu.memref_slice %arg4[%mul3A_0, %dma_start3A_178] : memref<10240x32xf32, #tpu.memory_space<hbm>> -> memref<640x32xf32, #tpu.memory_space<hbm>>
      tpu.enqueue_dma source(%dma_start3A_179 : memref<640x32xf32, #tpu.memory_space<hbm>>) target(%dma_start3A_177 : memref<640x32xf32, #tpu.memory_space<vmem_shared>>) target_semaphore(%run_scoped3A_175 : memref<!tpu.dma_semaphore, #tpu.memory_space<semaphore_mem>>)
      %dma_wait3A_180 = arith.constant 0 : i32
      %dma_wait3A_181 = tpu.memref_slice %arg16[%mul3A_2, %dma_wait3A_180] : memref<10240x32xf32, #tpu.memory_space<vmem_shared>> -> memref<640x32xf32, #tpu.memory_space<vmem_shared>>
      %dma_wait3A_182 = arith.constant 0 : i32
      %dma_wait3A_183 = tpu.memref_slice %arg4[%mul3A_0, %dma_wait3A_182] : memref<10240x32xf32, #tpu.memory_space<hbm>> -> memref<640x32xf32, #tpu.memory_space<hbm>>
      tpu.wait_dma2 semaphore(%run_scoped3A_175 : memref<!tpu.dma_semaphore, #tpu.memory_space<semaphore_mem>>) src(%dma_wait3A_183 : memref<640x32xf32, #tpu.memory_space<hbm>>) dst(%dma_wait3A_181 : memref<640x32xf32, #tpu.memory_space<vmem_shared>>)
      tpu.yield
    }) : () -> ()
    %mul3A_3 = arith.constant 1280 : i32
    %mul3A_4 = arith.muli %arg0, %mul3A_3 : i32
    %mul3A_5 = arith.constant 80 : i32
    %mul3A_6 = arith.muli %arg1, %mul3A_5 : i32
    %add3A = arith.addi %mul3A_4, %mul3A_6 : i32
    %run_scoped3A = arith.constant 0 : i32
    "tpu.region"() ({
      %run_scoped3A_175 = tpu.sem_alloc : memref<!tpu.dma_semaphore, #tpu.memory_space<semaphore_mem>>
      %dma_start3A_176 = arith.constant 0 : i32
      %dma_start3A_177 = tpu.memref_slice %arg3[%run_scoped3A, %add3A, %dma_start3A_176] : memref<2x2560x128xi32, #tpu.memory_space<hbm>> -> memref<1x80x128xi32, #tpu.memory_space<hbm>>
      %dma_start3A_178 = tpu.memref_squeeze %dma_start3A_177 : memref<1x80x128xi32, #tpu.memory_space<hbm>> -> memref<80x128xi32, #tpu.memory_space<hbm>>
      %dma_start3A_179 = arith.constant 0 : i32
      %dma_start3A_180 = tpu.memref_slice %arg3[%run_scoped3A, %add3A, %dma_start3A_179] : memref<2x2560x128xi32, #tpu.memory_space<hbm>> -> memref<1x80x128xi32, #tpu.memory_space<hbm>>
      %dma_start3A_181 = tpu.memref_squeeze %dma_start3A_180 : memref<1x80x128xi32, #tpu.memory_space<hbm>> -> memref<80x128xi32, #tpu.memory_space<hbm>>
      tpu.enqueue_dma source(%dma_start3A_181 : memref<80x128xi32, #tpu.memory_space<hbm>>) target(%arg6 : memref<80x128xi32, #tpu.memory_space<vmem>>) target_semaphore(%run_scoped3A_175 : memref<!tpu.dma_semaphore, #tpu.memory_space<semaphore_mem>>)
      %dma_wait3A_182 = arith.constant 0 : i32
      %dma_wait3A_183 = tpu.memref_slice %arg3[%run_scoped3A, %add3A, %dma_wait3A_182] : memref<2x2560x128xi32, #tpu.memory_space<hbm>> -> memref<1x80x128xi32, #tpu.memory_space<hbm>>
      %dma_wait3A_184 = tpu.memref_squeeze %dma_wait3A_183 : memref<1x80x128xi32, #tpu.memory_space<hbm>> -> memref<80x128xi32, #tpu.memory_space<hbm>>
      %dma_wait3A_185 = arith.constant 0 : i32
      %dma_wait3A_186 = tpu.memref_slice %arg3[%run_scoped3A, %add3A, %dma_wait3A_185] : memref<2x2560x128xi32, #tpu.memory_space<hbm>> -> memref<1x80x128xi32, #tpu.memory_space<hbm>>
      %dma_wait3A_187 = tpu.memref_squeeze %dma_wait3A_186 : memref<1x80x128xi32, #tpu.memory_space<hbm>> -> memref<80x128xi32, #tpu.memory_space<hbm>>
      tpu.wait_dma2 semaphore(%run_scoped3A_175 : memref<!tpu.dma_semaphore, #tpu.memory_space<semaphore_mem>>) src(%dma_wait3A_187 : memref<80x128xi32, #tpu.memory_space<hbm>>) dst(%arg6 : memref<80x128xi32, #tpu.memory_space<vmem>>)
      tpu.yield
    }) : () -> ()
    %run_scoped3A_7 = arith.constant 1 : i32
    "tpu.region"() ({
      %run_scoped3A_175 = tpu.sem_alloc : memref<!tpu.dma_semaphore, #tpu.memory_space<semaphore_mem>>
      %dma_start3A_176 = arith.constant 0 : i32
      %dma_start3A_177 = tpu.memref_slice %arg3[%run_scoped3A_7, %add3A, %dma_start3A_176] : memref<2x2560x128xi32, #tpu.memory_space<hbm>> -> memref<1x80x128xi32, #tpu.memory_space<hbm>>
      %dma_start3A_178 = tpu.memref_squeeze %dma_start3A_177 : memref<1x80x128xi32, #tpu.memory_space<hbm>> -> memref<80x128xi32, #tpu.memory_space<hbm>>
      %dma_start3A_179 = arith.constant 0 : i32
      %dma_start3A_180 = tpu.memref_slice %arg3[%run_scoped3A_7, %add3A, %dma_start3A_179] : memref<2x2560x128xi32, #tpu.memory_space<hbm>> -> memref<1x80x128xi32, #tpu.memory_space<hbm>>
      %dma_start3A_181 = tpu.memref_squeeze %dma_start3A_180 : memref<1x80x128xi32, #tpu.memory_space<hbm>> -> memref<80x128xi32, #tpu.memory_space<hbm>>
      tpu.enqueue_dma source(%dma_start3A_181 : memref<80x128xi32, #tpu.memory_space<hbm>>) target(%arg7 : memref<80x128xi32, #tpu.memory_space<vmem>>) target_semaphore(%run_scoped3A_175 : memref<!tpu.dma_semaphore, #tpu.memory_space<semaphore_mem>>)
      %dma_wait3A_182 = arith.constant 0 : i32
      %dma_wait3A_183 = tpu.memref_slice %arg3[%run_scoped3A_7, %add3A, %dma_wait3A_182] : memref<2x2560x128xi32, #tpu.memory_space<hbm>> -> memref<1x80x128xi32, #tpu.memory_space<hbm>>
      %dma_wait3A_184 = tpu.memref_squeeze %dma_wait3A_183 : memref<1x80x128xi32, #tpu.memory_space<hbm>> -> memref<80x128xi32, #tpu.memory_space<hbm>>
      %dma_wait3A_185 = arith.constant 0 : i32
      %dma_wait3A_186 = tpu.memref_slice %arg3[%run_scoped3A_7, %add3A, %dma_wait3A_185] : memref<2x2560x128xi32, #tpu.memory_space<hbm>> -> memref<1x80x128xi32, #tpu.memory_space<hbm>>
      %dma_wait3A_187 = tpu.memref_squeeze %dma_wait3A_186 : memref<1x80x128xi32, #tpu.memory_space<hbm>> -> memref<80x128xi32, #tpu.memory_space<hbm>>
      tpu.wait_dma2 semaphore(%run_scoped3A_175 : memref<!tpu.dma_semaphore, #tpu.memory_space<semaphore_mem>>) src(%dma_wait3A_187 : memref<80x128xi32, #tpu.memory_space<hbm>>) dst(%arg7 : memref<80x128xi32, #tpu.memory_space<vmem>>)
      tpu.yield
    }) : () -> ()
    %barrier3A = arith.constant 0 : index
    tpu.barrier barrier_id(%barrier3A)
    %dma_start3A = arith.constant 0 : i32
    %dma_start3A_8 = arith.constant 0 : i32
    %dma_start3A_9 = arith.constant 0 : i32
    %dma_start3A_10 = tpu.memref_slice %arg6[%dma_start3A, %dma_start3A_9] : memref<80x128xi32, #tpu.memory_space<vmem>> -> memref<1x128xi32, #tpu.memory_space<vmem>>
    %dma_start3A_11 = tpu.memref_squeeze %dma_start3A_10 : memref<1x128xi32, #tpu.memory_space<vmem>> -> memref<128xi32, #tpu.memory_space<vmem>>
    %dma_start3A_12 = arith.constant 0 : i32
    %dma_start3A_13 = arith.constant 0 : i32
    %dma_start3A_14 = tpu.memref_slice %arg2[%dma_start3A_12, %dma_start3A_13] : memref<10240x32xf32, #tpu.memory_space<hbm>> -> memref<10240x32xf32, #tpu.memory_space<hbm>>
    %dma_start3A_15 = tpu.memref_slice %arg17[%dma_start3A_8] : memref<8x!tpu.dma_semaphore, #tpu.memory_space<semaphore_mem>> -> memref<1x!tpu.dma_semaphore, #tpu.memory_space<semaphore_mem>>
    %dma_start3A_16 = tpu.memref_squeeze %dma_start3A_15 : memref<1x!tpu.dma_semaphore, #tpu.memory_space<semaphore_mem>> -> memref<!tpu.dma_semaphore, #tpu.memory_space<semaphore_mem>>
    tpu.enqueue_indirect_dma source(%dma_start3A_14 : memref<10240x32xf32, #tpu.memory_space<hbm>>) target(%arg8 : memref<128x32xf32, #tpu.memory_space<vmem>>) offsets(%dma_start3A_11 : memref<128xi32, #tpu.memory_space<vmem>>) semaphore(%dma_start3A_16 : memref<!tpu.dma_semaphore, #tpu.memory_space<semaphore_mem>>)
    %dma_start3A_17 = arith.constant 1 : i32
    %dma_start3A_18 = arith.constant 1 : i32
    %dma_start3A_19 = arith.constant 0 : i32
    %dma_start3A_20 = tpu.memref_slice %arg6[%dma_start3A_17, %dma_start3A_19] : memref<80x128xi32, #tpu.memory_space<vmem>> -> memref<1x128xi32, #tpu.memory_space<vmem>>
    %dma_start3A_21 = tpu.memref_squeeze %dma_start3A_20 : memref<1x128xi32, #tpu.memory_space<vmem>> -> memref<128xi32, #tpu.memory_space<vmem>>
    %dma_start3A_22 = arith.constant 0 : i32
    %dma_start3A_23 = arith.constant 0 : i32
    %dma_start3A_24 = tpu.memref_slice %arg2[%dma_start3A_22, %dma_start3A_23] : memref<10240x32xf32, #tpu.memory_space<hbm>> -> memref<10240x32xf32, #tpu.memory_space<hbm>>
    %dma_start3A_25 = tpu.memref_slice %arg17[%dma_start3A_18] : memref<8x!tpu.dma_semaphore, #tpu.memory_space<semaphore_mem>> -> memref<1x!tpu.dma_semaphore, #tpu.memory_space<semaphore_mem>>
    %dma_start3A_26 = tpu.memref_squeeze %dma_start3A_25 : memref<1x!tpu.dma_semaphore, #tpu.memory_space<semaphore_mem>> -> memref<!tpu.dma_semaphore, #tpu.memory_space<semaphore_mem>>
    tpu.enqueue_indirect_dma source(%dma_start3A_24 : memref<10240x32xf32, #tpu.memory_space<hbm>>) target(%arg9 : memref<128x32xf32, #tpu.memory_space<vmem>>) offsets(%dma_start3A_21 : memref<128xi32, #tpu.memory_space<vmem>>) semaphore(%dma_start3A_26 : memref<!tpu.dma_semaphore, #tpu.memory_space<semaphore_mem>>)
    %dma_start3A_27 = arith.constant 2 : i32
    %dma_start3A_28 = arith.constant 2 : i32
    %dma_start3A_29 = arith.constant 0 : i32
    %dma_start3A_30 = tpu.memref_slice %arg6[%dma_start3A_27, %dma_start3A_29] : memref<80x128xi32, #tpu.memory_space<vmem>> -> memref<1x128xi32, #tpu.memory_space<vmem>>
    %dma_start3A_31 = tpu.memref_squeeze %dma_start3A_30 : memref<1x128xi32, #tpu.memory_space<vmem>> -> memref<128xi32, #tpu.memory_space<vmem>>
    %dma_start3A_32 = arith.constant 0 : i32
    %dma_start3A_33 = arith.constant 0 : i32
    %dma_start3A_34 = tpu.memref_slice %arg2[%dma_start3A_32, %dma_start3A_33] : memref<10240x32xf32, #tpu.memory_space<hbm>> -> memref<10240x32xf32, #tpu.memory_space<hbm>>
    %dma_start3A_35 = tpu.memref_slice %arg17[%dma_start3A_28] : memref<8x!tpu.dma_semaphore, #tpu.memory_space<semaphore_mem>> -> memref<1x!tpu.dma_semaphore, #tpu.memory_space<semaphore_mem>>
    %dma_start3A_36 = tpu.memref_squeeze %dma_start3A_35 : memref<1x!tpu.dma_semaphore, #tpu.memory_space<semaphore_mem>> -> memref<!tpu.dma_semaphore, #tpu.memory_space<semaphore_mem>>
    tpu.enqueue_indirect_dma source(%dma_start3A_34 : memref<10240x32xf32, #tpu.memory_space<hbm>>) target(%arg10 : memref<128x32xf32, #tpu.memory_space<vmem>>) offsets(%dma_start3A_31 : memref<128xi32, #tpu.memory_space<vmem>>) semaphore(%dma_start3A_36 : memref<!tpu.dma_semaphore, #tpu.memory_space<semaphore_mem>>)
    %dma_start3A_37 = arith.constant 3 : i32
    %dma_start3A_38 = arith.constant 3 : i32
    %dma_start3A_39 = arith.constant 0 : i32
    %dma_start3A_40 = tpu.memref_slice %arg6[%dma_start3A_37, %dma_start3A_39] : memref<80x128xi32, #tpu.memory_space<vmem>> -> memref<1x128xi32, #tpu.memory_space<vmem>>
    %dma_start3A_41 = tpu.memref_squeeze %dma_start3A_40 : memref<1x128xi32, #tpu.memory_space<vmem>> -> memref<128xi32, #tpu.memory_space<vmem>>
    %dma_start3A_42 = arith.constant 0 : i32
    %dma_start3A_43 = arith.constant 0 : i32
    %dma_start3A_44 = tpu.memref_slice %arg2[%dma_start3A_42, %dma_start3A_43] : memref<10240x32xf32, #tpu.memory_space<hbm>> -> memref<10240x32xf32, #tpu.memory_space<hbm>>
    %dma_start3A_45 = tpu.memref_slice %arg17[%dma_start3A_38] : memref<8x!tpu.dma_semaphore, #tpu.memory_space<semaphore_mem>> -> memref<1x!tpu.dma_semaphore, #tpu.memory_space<semaphore_mem>>
    %dma_start3A_46 = tpu.memref_squeeze %dma_start3A_45 : memref<1x!tpu.dma_semaphore, #tpu.memory_space<semaphore_mem>> -> memref<!tpu.dma_semaphore, #tpu.memory_space<semaphore_mem>>
    tpu.enqueue_indirect_dma source(%dma_start3A_44 : memref<10240x32xf32, #tpu.memory_space<hbm>>) target(%arg11 : memref<128x32xf32, #tpu.memory_space<vmem>>) offsets(%dma_start3A_41 : memref<128xi32, #tpu.memory_space<vmem>>) semaphore(%dma_start3A_46 : memref<!tpu.dma_semaphore, #tpu.memory_space<semaphore_mem>>)
    %dma_start3A_47 = arith.constant 4 : i32
    %dma_start3A_48 = arith.constant 4 : i32
    %dma_start3A_49 = arith.constant 0 : i32
    %dma_start3A_50 = tpu.memref_slice %arg6[%dma_start3A_47, %dma_start3A_49] : memref<80x128xi32, #tpu.memory_space<vmem>> -> memref<1x128xi32, #tpu.memory_space<vmem>>
    %dma_start3A_51 = tpu.memref_squeeze %dma_start3A_50 : memref<1x128xi32, #tpu.memory_space<vmem>> -> memref<128xi32, #tpu.memory_space<vmem>>
    %dma_start3A_52 = arith.constant 0 : i32
    %dma_start3A_53 = arith.constant 0 : i32
    %dma_start3A_54 = tpu.memref_slice %arg2[%dma_start3A_52, %dma_start3A_53] : memref<10240x32xf32, #tpu.memory_space<hbm>> -> memref<10240x32xf32, #tpu.memory_space<hbm>>
    %dma_start3A_55 = tpu.memref_slice %arg17[%dma_start3A_48] : memref<8x!tpu.dma_semaphore, #tpu.memory_space<semaphore_mem>> -> memref<1x!tpu.dma_semaphore, #tpu.memory_space<semaphore_mem>>
    %dma_start3A_56 = tpu.memref_squeeze %dma_start3A_55 : memref<1x!tpu.dma_semaphore, #tpu.memory_space<semaphore_mem>> -> memref<!tpu.dma_semaphore, #tpu.memory_space<semaphore_mem>>
    tpu.enqueue_indirect_dma source(%dma_start3A_54 : memref<10240x32xf32, #tpu.memory_space<hbm>>) target(%arg12 : memref<128x32xf32, #tpu.memory_space<vmem>>) offsets(%dma_start3A_51 : memref<128xi32, #tpu.memory_space<vmem>>) semaphore(%dma_start3A_56 : memref<!tpu.dma_semaphore, #tpu.memory_space<semaphore_mem>>)
    %dma_start3A_57 = arith.constant 5 : i32
    %dma_start3A_58 = arith.constant 5 : i32
    %dma_start3A_59 = arith.constant 0 : i32
    %dma_start3A_60 = tpu.memref_slice %arg6[%dma_start3A_57, %dma_start3A_59] : memref<80x128xi32, #tpu.memory_space<vmem>> -> memref<1x128xi32, #tpu.memory_space<vmem>>
    %dma_start3A_61 = tpu.memref_squeeze %dma_start3A_60 : memref<1x128xi32, #tpu.memory_space<vmem>> -> memref<128xi32, #tpu.memory_space<vmem>>
    %dma_start3A_62 = arith.constant 0 : i32
    %dma_start3A_63 = arith.constant 0 : i32
    %dma_start3A_64 = tpu.memref_slice %arg2[%dma_start3A_62, %dma_start3A_63] : memref<10240x32xf32, #tpu.memory_space<hbm>> -> memref<10240x32xf32, #tpu.memory_space<hbm>>
    %dma_start3A_65 = tpu.memref_slice %arg17[%dma_start3A_58] : memref<8x!tpu.dma_semaphore, #tpu.memory_space<semaphore_mem>> -> memref<1x!tpu.dma_semaphore, #tpu.memory_space<semaphore_mem>>
    %dma_start3A_66 = tpu.memref_squeeze %dma_start3A_65 : memref<1x!tpu.dma_semaphore, #tpu.memory_space<semaphore_mem>> -> memref<!tpu.dma_semaphore, #tpu.memory_space<semaphore_mem>>
    tpu.enqueue_indirect_dma source(%dma_start3A_64 : memref<10240x32xf32, #tpu.memory_space<hbm>>) target(%arg13 : memref<128x32xf32, #tpu.memory_space<vmem>>) offsets(%dma_start3A_61 : memref<128xi32, #tpu.memory_space<vmem>>) semaphore(%dma_start3A_66 : memref<!tpu.dma_semaphore, #tpu.memory_space<semaphore_mem>>)
    %dma_start3A_67 = arith.constant 6 : i32
    %dma_start3A_68 = arith.constant 6 : i32
    %dma_start3A_69 = arith.constant 0 : i32
    %dma_start3A_70 = tpu.memref_slice %arg6[%dma_start3A_67, %dma_start3A_69] : memref<80x128xi32, #tpu.memory_space<vmem>> -> memref<1x128xi32, #tpu.memory_space<vmem>>
    %dma_start3A_71 = tpu.memref_squeeze %dma_start3A_70 : memref<1x128xi32, #tpu.memory_space<vmem>> -> memref<128xi32, #tpu.memory_space<vmem>>
    %dma_start3A_72 = arith.constant 0 : i32
    %dma_start3A_73 = arith.constant 0 : i32
    %dma_start3A_74 = tpu.memref_slice %arg2[%dma_start3A_72, %dma_start3A_73] : memref<10240x32xf32, #tpu.memory_space<hbm>> -> memref<10240x32xf32, #tpu.memory_space<hbm>>
    %dma_start3A_75 = tpu.memref_slice %arg17[%dma_start3A_68] : memref<8x!tpu.dma_semaphore, #tpu.memory_space<semaphore_mem>> -> memref<1x!tpu.dma_semaphore, #tpu.memory_space<semaphore_mem>>
    %dma_start3A_76 = tpu.memref_squeeze %dma_start3A_75 : memref<1x!tpu.dma_semaphore, #tpu.memory_space<semaphore_mem>> -> memref<!tpu.dma_semaphore, #tpu.memory_space<semaphore_mem>>
    tpu.enqueue_indirect_dma source(%dma_start3A_74 : memref<10240x32xf32, #tpu.memory_space<hbm>>) target(%arg14 : memref<128x32xf32, #tpu.memory_space<vmem>>) offsets(%dma_start3A_71 : memref<128xi32, #tpu.memory_space<vmem>>) semaphore(%dma_start3A_76 : memref<!tpu.dma_semaphore, #tpu.memory_space<semaphore_mem>>)
    %dma_start3A_77 = arith.constant 7 : i32
    %dma_start3A_78 = arith.constant 7 : i32
    %dma_start3A_79 = arith.constant 0 : i32
    %dma_start3A_80 = tpu.memref_slice %arg6[%dma_start3A_77, %dma_start3A_79] : memref<80x128xi32, #tpu.memory_space<vmem>> -> memref<1x128xi32, #tpu.memory_space<vmem>>
    %dma_start3A_81 = tpu.memref_squeeze %dma_start3A_80 : memref<1x128xi32, #tpu.memory_space<vmem>> -> memref<128xi32, #tpu.memory_space<vmem>>
    %dma_start3A_82 = arith.constant 0 : i32
    %dma_start3A_83 = arith.constant 0 : i32
    %dma_start3A_84 = tpu.memref_slice %arg2[%dma_start3A_82, %dma_start3A_83] : memref<10240x32xf32, #tpu.memory_space<hbm>> -> memref<10240x32xf32, #tpu.memory_space<hbm>>
    %dma_start3A_85 = tpu.memref_slice %arg17[%dma_start3A_78] : memref<8x!tpu.dma_semaphore, #tpu.memory_space<semaphore_mem>> -> memref<1x!tpu.dma_semaphore, #tpu.memory_space<semaphore_mem>>
    %dma_start3A_86 = tpu.memref_squeeze %dma_start3A_85 : memref<1x!tpu.dma_semaphore, #tpu.memory_space<semaphore_mem>> -> memref<!tpu.dma_semaphore, #tpu.memory_space<semaphore_mem>>
    tpu.enqueue_indirect_dma source(%dma_start3A_84 : memref<10240x32xf32, #tpu.memory_space<hbm>>) target(%arg15 : memref<128x32xf32, #tpu.memory_space<vmem>>) offsets(%dma_start3A_81 : memref<128xi32, #tpu.memory_space<vmem>>) semaphore(%dma_start3A_86 : memref<!tpu.dma_semaphore, #tpu.memory_space<semaphore_mem>>)
    %scan3A = arith.constant 0 : i32
    %scan3A_87 = arith.constant 10 : i32
    %scan3A_88 = arith.addi %scan3A, %scan3A_87 : i32
    %scan3A_89 = arith.constant 1 : i32
    scf.for %scan3A_175 = %scan3A to %scan3A_88 step %scan3A_89  : i32 {
      %mul3A_176 = arith.constant 8 : i32
      %mul3A_177 = arith.muli %scan3A_175, %mul3A_176 : i32
      %add3A_178 = arith.constant 0 : i32
      %add3A_179 = arith.addi %add3A_178, %mul3A_177 : i32
      %add3A_180 = arith.constant 0 : i32
      %add3A_181 = arith.addi %add3A_179, %add3A_180 : i32
      %dma_wait3A_182 = arith.constant 0 : i32
      %dma_wait3A_183 = arith.constant 0 : i32
      %dma_wait3A_184 = tpu.memref_slice %arg6[%add3A_181, %dma_wait3A_183] : memref<80x128xi32, #tpu.memory_space<vmem>> -> memref<1x128xi32, #tpu.memory_space<vmem>>
      %dma_wait3A_185 = tpu.memref_squeeze %dma_wait3A_184 : memref<1x128xi32, #tpu.memory_space<vmem>> -> memref<128xi32, #tpu.memory_space<vmem>>
      %dma_wait3A_186 = arith.constant 0 : i32
      %dma_wait3A_187 = arith.constant 0 : i32
      %dma_wait3A_188 = tpu.memref_slice %arg2[%dma_wait3A_186, %dma_wait3A_187] : memref<10240x32xf32, #tpu.memory_space<hbm>> -> memref<10240x32xf32, #tpu.memory_space<hbm>>
      %dma_wait3A_189 = tpu.memref_slice %arg17[%dma_wait3A_182] : memref<8x!tpu.dma_semaphore, #tpu.memory_space<semaphore_mem>> -> memref<1x!tpu.dma_semaphore, #tpu.memory_space<semaphore_mem>>
      %dma_wait3A_190 = tpu.memref_squeeze %dma_wait3A_189 : memref<1x!tpu.dma_semaphore, #tpu.memory_space<semaphore_mem>> -> memref<!tpu.dma_semaphore, #tpu.memory_space<semaphore_mem>>
      tpu.wait_indirect_dma semaphore(%dma_wait3A_190 : memref<!tpu.dma_semaphore, #tpu.memory_space<semaphore_mem>>) src(%dma_wait3A_188 : memref<10240x32xf32, #tpu.memory_space<hbm>>) dst(%arg8 : memref<128x32xf32, #tpu.memory_space<vmem>>)
      %add3A_191 = arith.constant 0 : i32
      %add3A_192 = arith.addi %add3A_179, %add3A_191 : i32
      %dma_start3A_193 = arith.constant 0 : i32
      %dma_start3A_194 = arith.constant 0 : i32
      %dma_start3A_195 = tpu.memref_slice %arg7[%add3A_192, %dma_start3A_194] : memref<80x128xi32, #tpu.memory_space<vmem>> -> memref<1x128xi32, #tpu.memory_space<vmem>>
      %dma_start3A_196 = tpu.memref_squeeze %dma_start3A_195 : memref<1x128xi32, #tpu.memory_space<vmem>> -> memref<128xi32, #tpu.memory_space<vmem>>
      %dma_start3A_197 = arith.constant 0 : i32
      %dma_start3A_198 = arith.constant 0 : i32
      %dma_start3A_199 = tpu.memref_slice %arg16[%dma_start3A_197, %dma_start3A_198] : memref<10240x32xf32, #tpu.memory_space<vmem_shared>> -> memref<10240x32xf32, #tpu.memory_space<vmem_shared>>
      %dma_start3A_200 = tpu.memref_slice %arg18[%dma_start3A_193] : memref<8x!tpu.dma_semaphore, #tpu.memory_space<semaphore_mem>> -> memref<1x!tpu.dma_semaphore, #tpu.memory_space<semaphore_mem>>
      %dma_start3A_201 = tpu.memref_squeeze %dma_start3A_200 : memref<1x!tpu.dma_semaphore, #tpu.memory_space<semaphore_mem>> -> memref<!tpu.dma_semaphore, #tpu.memory_space<semaphore_mem>>
      tpu.enqueue_indirect_dma source(%arg8 : memref<128x32xf32, #tpu.memory_space<vmem>>) target(%dma_start3A_199 : memref<10240x32xf32, #tpu.memory_space<vmem_shared>>) offsets(%dma_start3A_196 : memref<128xi32, #tpu.memory_space<vmem>>) semaphore(%dma_start3A_201 : memref<!tpu.dma_semaphore, #tpu.memory_space<semaphore_mem>>) {add = true}
      %add3A_202 = arith.constant 1 : i32
      %add3A_203 = arith.addi %add3A_179, %add3A_202 : i32
      %dma_wait3A_204 = arith.constant 1 : i32
      %dma_wait3A_205 = arith.constant 0 : i32
      %dma_wait3A_206 = tpu.memref_slice %arg6[%add3A_203, %dma_wait3A_205] : memref<80x128xi32, #tpu.memory_space<vmem>> -> memref<1x128xi32, #tpu.memory_space<vmem>>
      %dma_wait3A_207 = tpu.memref_squeeze %dma_wait3A_206 : memref<1x128xi32, #tpu.memory_space<vmem>> -> memref<128xi32, #tpu.memory_space<vmem>>
      %dma_wait3A_208 = arith.constant 0 : i32
      %dma_wait3A_209 = arith.constant 0 : i32
      %dma_wait3A_210 = tpu.memref_slice %arg2[%dma_wait3A_208, %dma_wait3A_209] : memref<10240x32xf32, #tpu.memory_space<hbm>> -> memref<10240x32xf32, #tpu.memory_space<hbm>>
      %dma_wait3A_211 = tpu.memref_slice %arg17[%dma_wait3A_204] : memref<8x!tpu.dma_semaphore, #tpu.memory_space<semaphore_mem>> -> memref<1x!tpu.dma_semaphore, #tpu.memory_space<semaphore_mem>>
      %dma_wait3A_212 = tpu.memref_squeeze %dma_wait3A_211 : memref<1x!tpu.dma_semaphore, #tpu.memory_space<semaphore_mem>> -> memref<!tpu.dma_semaphore, #tpu.memory_space<semaphore_mem>>
      tpu.wait_indirect_dma semaphore(%dma_wait3A_212 : memref<!tpu.dma_semaphore, #tpu.memory_space<semaphore_mem>>) src(%dma_wait3A_210 : memref<10240x32xf32, #tpu.memory_space<hbm>>) dst(%arg9 : memref<128x32xf32, #tpu.memory_space<vmem>>)
      %add3A_213 = arith.constant 1 : i32
      %add3A_214 = arith.addi %add3A_179, %add3A_213 : i32
      %dma_start3A_215 = arith.constant 1 : i32
      %dma_start3A_216 = arith.constant 0 : i32
      %dma_start3A_217 = tpu.memref_slice %arg7[%add3A_214, %dma_start3A_216] : memref<80x128xi32, #tpu.memory_space<vmem>> -> memref<1x128xi32, #tpu.memory_space<vmem>>
      %dma_start3A_218 = tpu.memref_squeeze %dma_start3A_217 : memref<1x128xi32, #tpu.memory_space<vmem>> -> memref<128xi32, #tpu.memory_space<vmem>>
      %dma_start3A_219 = arith.constant 0 : i32
      %dma_start3A_220 = arith.constant 0 : i32
      %dma_start3A_221 = tpu.memref_slice %arg16[%dma_start3A_219, %dma_start3A_220] : memref<10240x32xf32, #tpu.memory_space<vmem_shared>> -> memref<10240x32xf32, #tpu.memory_space<vmem_shared>>
      %dma_start3A_222 = tpu.memref_slice %arg18[%dma_start3A_215] : memref<8x!tpu.dma_semaphore, #tpu.memory_space<semaphore_mem>> -> memref<1x!tpu.dma_semaphore, #tpu.memory_space<semaphore_mem>>
      %dma_start3A_223 = tpu.memref_squeeze %dma_start3A_222 : memref<1x!tpu.dma_semaphore, #tpu.memory_space<semaphore_mem>> -> memref<!tpu.dma_semaphore, #tpu.memory_space<semaphore_mem>>
      tpu.enqueue_indirect_dma source(%arg9 : memref<128x32xf32, #tpu.memory_space<vmem>>) target(%dma_start3A_221 : memref<10240x32xf32, #tpu.memory_space<vmem_shared>>) offsets(%dma_start3A_218 : memref<128xi32, #tpu.memory_space<vmem>>) semaphore(%dma_start3A_223 : memref<!tpu.dma_semaphore, #tpu.memory_space<semaphore_mem>>) {add = true}
      %add3A_224 = arith.constant 2 : i32
      %add3A_225 = arith.addi %add3A_179, %add3A_224 : i32
      %dma_wait3A_226 = arith.constant 2 : i32
      %dma_wait3A_227 = arith.constant 0 : i32
      %dma_wait3A_228 = tpu.memref_slice %arg6[%add3A_225, %dma_wait3A_227] : memref<80x128xi32, #tpu.memory_space<vmem>> -> memref<1x128xi32, #tpu.memory_space<vmem>>
      %dma_wait3A_229 = tpu.memref_squeeze %dma_wait3A_228 : memref<1x128xi32, #tpu.memory_space<vmem>> -> memref<128xi32, #tpu.memory_space<vmem>>
      %dma_wait3A_230 = arith.constant 0 : i32
      %dma_wait3A_231 = arith.constant 0 : i32
      %dma_wait3A_232 = tpu.memref_slice %arg2[%dma_wait3A_230, %dma_wait3A_231] : memref<10240x32xf32, #tpu.memory_space<hbm>> -> memref<10240x32xf32, #tpu.memory_space<hbm>>
      %dma_wait3A_233 = tpu.memref_slice %arg17[%dma_wait3A_226] : memref<8x!tpu.dma_semaphore, #tpu.memory_space<semaphore_mem>> -> memref<1x!tpu.dma_semaphore, #tpu.memory_space<semaphore_mem>>
      %dma_wait3A_234 = tpu.memref_squeeze %dma_wait3A_233 : memref<1x!tpu.dma_semaphore, #tpu.memory_space<semaphore_mem>> -> memref<!tpu.dma_semaphore, #tpu.memory_space<semaphore_mem>>
      tpu.wait_indirect_dma semaphore(%dma_wait3A_234 : memref<!tpu.dma_semaphore, #tpu.memory_space<semaphore_mem>>) src(%dma_wait3A_232 : memref<10240x32xf32, #tpu.memory_space<hbm>>) dst(%arg10 : memref<128x32xf32, #tpu.memory_space<vmem>>)
      %add3A_235 = arith.constant 2 : i32
      %add3A_236 = arith.addi %add3A_179, %add3A_235 : i32
      %dma_start3A_237 = arith.constant 2 : i32
      %dma_start3A_238 = arith.constant 0 : i32
      %dma_start3A_239 = tpu.memref_slice %arg7[%add3A_236, %dma_start3A_238] : memref<80x128xi32, #tpu.memory_space<vmem>> -> memref<1x128xi32, #tpu.memory_space<vmem>>
      %dma_start3A_240 = tpu.memref_squeeze %dma_start3A_239 : memref<1x128xi32, #tpu.memory_space<vmem>> -> memref<128xi32, #tpu.memory_space<vmem>>
      %dma_start3A_241 = arith.constant 0 : i32
      %dma_start3A_242 = arith.constant 0 : i32
      %dma_start3A_243 = tpu.memref_slice %arg16[%dma_start3A_241, %dma_start3A_242] : memref<10240x32xf32, #tpu.memory_space<vmem_shared>> -> memref<10240x32xf32, #tpu.memory_space<vmem_shared>>
      %dma_start3A_244 = tpu.memref_slice %arg18[%dma_start3A_237] : memref<8x!tpu.dma_semaphore, #tpu.memory_space<semaphore_mem>> -> memref<1x!tpu.dma_semaphore, #tpu.memory_space<semaphore_mem>>
      %dma_start3A_245 = tpu.memref_squeeze %dma_start3A_244 : memref<1x!tpu.dma_semaphore, #tpu.memory_space<semaphore_mem>> -> memref<!tpu.dma_semaphore, #tpu.memory_space<semaphore_mem>>
      tpu.enqueue_indirect_dma source(%arg10 : memref<128x32xf32, #tpu.memory_space<vmem>>) target(%dma_start3A_243 : memref<10240x32xf32, #tpu.memory_space<vmem_shared>>) offsets(%dma_start3A_240 : memref<128xi32, #tpu.memory_space<vmem>>) semaphore(%dma_start3A_245 : memref<!tpu.dma_semaphore, #tpu.memory_space<semaphore_mem>>) {add = true}
      %add3A_246 = arith.constant 3 : i32
      %add3A_247 = arith.addi %add3A_179, %add3A_246 : i32
      %dma_wait3A_248 = arith.constant 3 : i32
      %dma_wait3A_249 = arith.constant 0 : i32
      %dma_wait3A_250 = tpu.memref_slice %arg6[%add3A_247, %dma_wait3A_249] : memref<80x128xi32, #tpu.memory_space<vmem>> -> memref<1x128xi32, #tpu.memory_space<vmem>>
      %dma_wait3A_251 = tpu.memref_squeeze %dma_wait3A_250 : memref<1x128xi32, #tpu.memory_space<vmem>> -> memref<128xi32, #tpu.memory_space<vmem>>
      %dma_wait3A_252 = arith.constant 0 : i32
      %dma_wait3A_253 = arith.constant 0 : i32
      %dma_wait3A_254 = tpu.memref_slice %arg2[%dma_wait3A_252, %dma_wait3A_253] : memref<10240x32xf32, #tpu.memory_space<hbm>> -> memref<10240x32xf32, #tpu.memory_space<hbm>>
      %dma_wait3A_255 = tpu.memref_slice %arg17[%dma_wait3A_248] : memref<8x!tpu.dma_semaphore, #tpu.memory_space<semaphore_mem>> -> memref<1x!tpu.dma_semaphore, #tpu.memory_space<semaphore_mem>>
      %dma_wait3A_256 = tpu.memref_squeeze %dma_wait3A_255 : memref<1x!tpu.dma_semaphore, #tpu.memory_space<semaphore_mem>> -> memref<!tpu.dma_semaphore, #tpu.memory_space<semaphore_mem>>
      tpu.wait_indirect_dma semaphore(%dma_wait3A_256 : memref<!tpu.dma_semaphore, #tpu.memory_space<semaphore_mem>>) src(%dma_wait3A_254 : memref<10240x32xf32, #tpu.memory_space<hbm>>) dst(%arg11 : memref<128x32xf32, #tpu.memory_space<vmem>>)
      %add3A_257 = arith.constant 3 : i32
      %add3A_258 = arith.addi %add3A_179, %add3A_257 : i32
      %dma_start3A_259 = arith.constant 3 : i32
      %dma_start3A_260 = arith.constant 0 : i32
      %dma_start3A_261 = tpu.memref_slice %arg7[%add3A_258, %dma_start3A_260] : memref<80x128xi32, #tpu.memory_space<vmem>> -> memref<1x128xi32, #tpu.memory_space<vmem>>
      %dma_start3A_262 = tpu.memref_squeeze %dma_start3A_261 : memref<1x128xi32, #tpu.memory_space<vmem>> -> memref<128xi32, #tpu.memory_space<vmem>>
      %dma_start3A_263 = arith.constant 0 : i32
      %dma_start3A_264 = arith.constant 0 : i32
      %dma_start3A_265 = tpu.memref_slice %arg16[%dma_start3A_263, %dma_start3A_264] : memref<10240x32xf32, #tpu.memory_space<vmem_shared>> -> memref<10240x32xf32, #tpu.memory_space<vmem_shared>>
      %dma_start3A_266 = tpu.memref_slice %arg18[%dma_start3A_259] : memref<8x!tpu.dma_semaphore, #tpu.memory_space<semaphore_mem>> -> memref<1x!tpu.dma_semaphore, #tpu.memory_space<semaphore_mem>>
      %dma_start3A_267 = tpu.memref_squeeze %dma_start3A_266 : memref<1x!tpu.dma_semaphore, #tpu.memory_space<semaphore_mem>> -> memref<!tpu.dma_semaphore, #tpu.memory_space<semaphore_mem>>
      tpu.enqueue_indirect_dma source(%arg11 : memref<128x32xf32, #tpu.memory_space<vmem>>) target(%dma_start3A_265 : memref<10240x32xf32, #tpu.memory_space<vmem_shared>>) offsets(%dma_start3A_262 : memref<128xi32, #tpu.memory_space<vmem>>) semaphore(%dma_start3A_267 : memref<!tpu.dma_semaphore, #tpu.memory_space<semaphore_mem>>) {add = true}
      %add3A_268 = arith.constant 4 : i32
      %add3A_269 = arith.addi %add3A_179, %add3A_268 : i32
      %dma_wait3A_270 = arith.constant 4 : i32
      %dma_wait3A_271 = arith.constant 0 : i32
      %dma_wait3A_272 = tpu.memref_slice %arg6[%add3A_269, %dma_wait3A_271] : memref<80x128xi32, #tpu.memory_space<vmem>> -> memref<1x128xi32, #tpu.memory_space<vmem>>
      %dma_wait3A_273 = tpu.memref_squeeze %dma_wait3A_272 : memref<1x128xi32, #tpu.memory_space<vmem>> -> memref<128xi32, #tpu.memory_space<vmem>>
      %dma_wait3A_274 = arith.constant 0 : i32
      %dma_wait3A_275 = arith.constant 0 : i32
      %dma_wait3A_276 = tpu.memref_slice %arg2[%dma_wait3A_274, %dma_wait3A_275] : memref<10240x32xf32, #tpu.memory_space<hbm>> -> memref<10240x32xf32, #tpu.memory_space<hbm>>
      %dma_wait3A_277 = tpu.memref_slice %arg17[%dma_wait3A_270] : memref<8x!tpu.dma_semaphore, #tpu.memory_space<semaphore_mem>> -> memref<1x!tpu.dma_semaphore, #tpu.memory_space<semaphore_mem>>
      %dma_wait3A_278 = tpu.memref_squeeze %dma_wait3A_277 : memref<1x!tpu.dma_semaphore, #tpu.memory_space<semaphore_mem>> -> memref<!tpu.dma_semaphore, #tpu.memory_space<semaphore_mem>>
      tpu.wait_indirect_dma semaphore(%dma_wait3A_278 : memref<!tpu.dma_semaphore, #tpu.memory_space<semaphore_mem>>) src(%dma_wait3A_276 : memref<10240x32xf32, #tpu.memory_space<hbm>>) dst(%arg12 : memref<128x32xf32, #tpu.memory_space<vmem>>)
      %add3A_279 = arith.constant 4 : i32
      %add3A_280 = arith.addi %add3A_179, %add3A_279 : i32
      %dma_start3A_281 = arith.constant 4 : i32
      %dma_start3A_282 = arith.constant 0 : i32
      %dma_start3A_283 = tpu.memref_slice %arg7[%add3A_280, %dma_start3A_282] : memref<80x128xi32, #tpu.memory_space<vmem>> -> memref<1x128xi32, #tpu.memory_space<vmem>>
      %dma_start3A_284 = tpu.memref_squeeze %dma_start3A_283 : memref<1x128xi32, #tpu.memory_space<vmem>> -> memref<128xi32, #tpu.memory_space<vmem>>
      %dma_start3A_285 = arith.constant 0 : i32
      %dma_start3A_286 = arith.constant 0 : i32
      %dma_start3A_287 = tpu.memref_slice %arg16[%dma_start3A_285, %dma_start3A_286] : memref<10240x32xf32, #tpu.memory_space<vmem_shared>> -> memref<10240x32xf32, #tpu.memory_space<vmem_shared>>
      %dma_start3A_288 = tpu.memref_slice %arg18[%dma_start3A_281] : memref<8x!tpu.dma_semaphore, #tpu.memory_space<semaphore_mem>> -> memref<1x!tpu.dma_semaphore, #tpu.memory_space<semaphore_mem>>
      %dma_start3A_289 = tpu.memref_squeeze %dma_start3A_288 : memref<1x!tpu.dma_semaphore, #tpu.memory_space<semaphore_mem>> -> memref<!tpu.dma_semaphore, #tpu.memory_space<semaphore_mem>>
      tpu.enqueue_indirect_dma source(%arg12 : memref<128x32xf32, #tpu.memory_space<vmem>>) target(%dma_start3A_287 : memref<10240x32xf32, #tpu.memory_space<vmem_shared>>) offsets(%dma_start3A_284 : memref<128xi32, #tpu.memory_space<vmem>>) semaphore(%dma_start3A_289 : memref<!tpu.dma_semaphore, #tpu.memory_space<semaphore_mem>>) {add = true}
      %add3A_290 = arith.constant 5 : i32
      %add3A_291 = arith.addi %add3A_179, %add3A_290 : i32
      %dma_wait3A_292 = arith.constant 5 : i32
      %dma_wait3A_293 = arith.constant 0 : i32
      %dma_wait3A_294 = tpu.memref_slice %arg6[%add3A_291, %dma_wait3A_293] : memref<80x128xi32, #tpu.memory_space<vmem>> -> memref<1x128xi32, #tpu.memory_space<vmem>>
      %dma_wait3A_295 = tpu.memref_squeeze %dma_wait3A_294 : memref<1x128xi32, #tpu.memory_space<vmem>> -> memref<128xi32, #tpu.memory_space<vmem>>
      %dma_wait3A_296 = arith.constant 0 : i32
      %dma_wait3A_297 = arith.constant 0 : i32
      %dma_wait3A_298 = tpu.memref_slice %arg2[%dma_wait3A_296, %dma_wait3A_297] : memref<10240x32xf32, #tpu.memory_space<hbm>> -> memref<10240x32xf32, #tpu.memory_space<hbm>>
      %dma_wait3A_299 = tpu.memref_slice %arg17[%dma_wait3A_292] : memref<8x!tpu.dma_semaphore, #tpu.memory_space<semaphore_mem>> -> memref<1x!tpu.dma_semaphore, #tpu.memory_space<semaphore_mem>>
      %dma_wait3A_300 = tpu.memref_squeeze %dma_wait3A_299 : memref<1x!tpu.dma_semaphore, #tpu.memory_space<semaphore_mem>> -> memref<!tpu.dma_semaphore, #tpu.memory_space<semaphore_mem>>
      tpu.wait_indirect_dma semaphore(%dma_wait3A_300 : memref<!tpu.dma_semaphore, #tpu.memory_space<semaphore_mem>>) src(%dma_wait3A_298 : memref<10240x32xf32, #tpu.memory_space<hbm>>) dst(%arg13 : memref<128x32xf32, #tpu.memory_space<vmem>>)
      %add3A_301 = arith.constant 5 : i32
      %add3A_302 = arith.addi %add3A_179, %add3A_301 : i32
      %dma_start3A_303 = arith.constant 5 : i32
      %dma_start3A_304 = arith.constant 0 : i32
      %dma_start3A_305 = tpu.memref_slice %arg7[%add3A_302, %dma_start3A_304] : memref<80x128xi32, #tpu.memory_space<vmem>> -> memref<1x128xi32, #tpu.memory_space<vmem>>
      %dma_start3A_306 = tpu.memref_squeeze %dma_start3A_305 : memref<1x128xi32, #tpu.memory_space<vmem>> -> memref<128xi32, #tpu.memory_space<vmem>>
      %dma_start3A_307 = arith.constant 0 : i32
      %dma_start3A_308 = arith.constant 0 : i32
      %dma_start3A_309 = tpu.memref_slice %arg16[%dma_start3A_307, %dma_start3A_308] : memref<10240x32xf32, #tpu.memory_space<vmem_shared>> -> memref<10240x32xf32, #tpu.memory_space<vmem_shared>>
      %dma_start3A_310 = tpu.memref_slice %arg18[%dma_start3A_303] : memref<8x!tpu.dma_semaphore, #tpu.memory_space<semaphore_mem>> -> memref<1x!tpu.dma_semaphore, #tpu.memory_space<semaphore_mem>>
      %dma_start3A_311 = tpu.memref_squeeze %dma_start3A_310 : memref<1x!tpu.dma_semaphore, #tpu.memory_space<semaphore_mem>> -> memref<!tpu.dma_semaphore, #tpu.memory_space<semaphore_mem>>
      tpu.enqueue_indirect_dma source(%arg13 : memref<128x32xf32, #tpu.memory_space<vmem>>) target(%dma_start3A_309 : memref<10240x32xf32, #tpu.memory_space<vmem_shared>>) offsets(%dma_start3A_306 : memref<128xi32, #tpu.memory_space<vmem>>) semaphore(%dma_start3A_311 : memref<!tpu.dma_semaphore, #tpu.memory_space<semaphore_mem>>) {add = true}
      %add3A_312 = arith.constant 6 : i32
      %add3A_313 = arith.addi %add3A_179, %add3A_312 : i32
      %dma_wait3A_314 = arith.constant 6 : i32
      %dma_wait3A_315 = arith.constant 0 : i32
      %dma_wait3A_316 = tpu.memref_slice %arg6[%add3A_313, %dma_wait3A_315] : memref<80x128xi32, #tpu.memory_space<vmem>> -> memref<1x128xi32, #tpu.memory_space<vmem>>
      %dma_wait3A_317 = tpu.memref_squeeze %dma_wait3A_316 : memref<1x128xi32, #tpu.memory_space<vmem>> -> memref<128xi32, #tpu.memory_space<vmem>>
      %dma_wait3A_318 = arith.constant 0 : i32
      %dma_wait3A_319 = arith.constant 0 : i32
      %dma_wait3A_320 = tpu.memref_slice %arg2[%dma_wait3A_318, %dma_wait3A_319] : memref<10240x32xf32, #tpu.memory_space<hbm>> -> memref<10240x32xf32, #tpu.memory_space<hbm>>
      %dma_wait3A_321 = tpu.memref_slice %arg17[%dma_wait3A_314] : memref<8x!tpu.dma_semaphore, #tpu.memory_space<semaphore_mem>> -> memref<1x!tpu.dma_semaphore, #tpu.memory_space<semaphore_mem>>
      %dma_wait3A_322 = tpu.memref_squeeze %dma_wait3A_321 : memref<1x!tpu.dma_semaphore, #tpu.memory_space<semaphore_mem>> -> memref<!tpu.dma_semaphore, #tpu.memory_space<semaphore_mem>>
      tpu.wait_indirect_dma semaphore(%dma_wait3A_322 : memref<!tpu.dma_semaphore, #tpu.memory_space<semaphore_mem>>) src(%dma_wait3A_320 : memref<10240x32xf32, #tpu.memory_space<hbm>>) dst(%arg14 : memref<128x32xf32, #tpu.memory_space<vmem>>)
      %add3A_323 = arith.constant 6 : i32
      %add3A_324 = arith.addi %add3A_179, %add3A_323 : i32
      %dma_start3A_325 = arith.constant 6 : i32
      %dma_start3A_326 = arith.constant 0 : i32
      %dma_start3A_327 = tpu.memref_slice %arg7[%add3A_324, %dma_start3A_326] : memref<80x128xi32, #tpu.memory_space<vmem>> -> memref<1x128xi32, #tpu.memory_space<vmem>>
      %dma_start3A_328 = tpu.memref_squeeze %dma_start3A_327 : memref<1x128xi32, #tpu.memory_space<vmem>> -> memref<128xi32, #tpu.memory_space<vmem>>
      %dma_start3A_329 = arith.constant 0 : i32
      %dma_start3A_330 = arith.constant 0 : i32
      %dma_start3A_331 = tpu.memref_slice %arg16[%dma_start3A_329, %dma_start3A_330] : memref<10240x32xf32, #tpu.memory_space<vmem_shared>> -> memref<10240x32xf32, #tpu.memory_space<vmem_shared>>
      %dma_start3A_332 = tpu.memref_slice %arg18[%dma_start3A_325] : memref<8x!tpu.dma_semaphore, #tpu.memory_space<semaphore_mem>> -> memref<1x!tpu.dma_semaphore, #tpu.memory_space<semaphore_mem>>
      %dma_start3A_333 = tpu.memref_squeeze %dma_start3A_332 : memref<1x!tpu.dma_semaphore, #tpu.memory_space<semaphore_mem>> -> memref<!tpu.dma_semaphore, #tpu.memory_space<semaphore_mem>>
      tpu.enqueue_indirect_dma source(%arg14 : memref<128x32xf32, #tpu.memory_space<vmem>>) target(%dma_start3A_331 : memref<10240x32xf32, #tpu.memory_space<vmem_shared>>) offsets(%dma_start3A_328 : memref<128xi32, #tpu.memory_space<vmem>>) semaphore(%dma_start3A_333 : memref<!tpu.dma_semaphore, #tpu.memory_space<semaphore_mem>>) {add = true}
      %add3A_334 = arith.constant 7 : i32
      %add3A_335 = arith.addi %add3A_179, %add3A_334 : i32
      %dma_wait3A_336 = arith.constant 7 : i32
      %dma_wait3A_337 = arith.constant 0 : i32
      %dma_wait3A_338 = tpu.memref_slice %arg6[%add3A_335, %dma_wait3A_337] : memref<80x128xi32, #tpu.memory_space<vmem>> -> memref<1x128xi32, #tpu.memory_space<vmem>>
      %dma_wait3A_339 = tpu.memref_squeeze %dma_wait3A_338 : memref<1x128xi32, #tpu.memory_space<vmem>> -> memref<128xi32, #tpu.memory_space<vmem>>
      %dma_wait3A_340 = arith.constant 0 : i32
      %dma_wait3A_341 = arith.constant 0 : i32
      %dma_wait3A_342 = tpu.memref_slice %arg2[%dma_wait3A_340, %dma_wait3A_341] : memref<10240x32xf32, #tpu.memory_space<hbm>> -> memref<10240x32xf32, #tpu.memory_space<hbm>>
      %dma_wait3A_343 = tpu.memref_slice %arg17[%dma_wait3A_336] : memref<8x!tpu.dma_semaphore, #tpu.memory_space<semaphore_mem>> -> memref<1x!tpu.dma_semaphore, #tpu.memory_space<semaphore_mem>>
      %dma_wait3A_344 = tpu.memref_squeeze %dma_wait3A_343 : memref<1x!tpu.dma_semaphore, #tpu.memory_space<semaphore_mem>> -> memref<!tpu.dma_semaphore, #tpu.memory_space<semaphore_mem>>
      tpu.wait_indirect_dma semaphore(%dma_wait3A_344 : memref<!tpu.dma_semaphore, #tpu.memory_space<semaphore_mem>>) src(%dma_wait3A_342 : memref<10240x32xf32, #tpu.memory_space<hbm>>) dst(%arg15 : memref<128x32xf32, #tpu.memory_space<vmem>>)
      %add3A_345 = arith.constant 7 : i32
      %add3A_346 = arith.addi %add3A_179, %add3A_345 : i32
      %dma_start3A_347 = arith.constant 7 : i32
      %dma_start3A_348 = arith.constant 0 : i32
      %dma_start3A_349 = tpu.memref_slice %arg7[%add3A_346, %dma_start3A_348] : memref<80x128xi32, #tpu.memory_space<vmem>> -> memref<1x128xi32, #tpu.memory_space<vmem>>
      %dma_start3A_350 = tpu.memref_squeeze %dma_start3A_349 : memref<1x128xi32, #tpu.memory_space<vmem>> -> memref<128xi32, #tpu.memory_space<vmem>>
      %dma_start3A_351 = arith.constant 0 : i32
      %dma_start3A_352 = arith.constant 0 : i32
      %dma_start3A_353 = tpu.memref_slice %arg16[%dma_start3A_351, %dma_start3A_352] : memref<10240x32xf32, #tpu.memory_space<vmem_shared>> -> memref<10240x32xf32, #tpu.memory_space<vmem_shared>>
      %dma_start3A_354 = tpu.memref_slice %arg18[%dma_start3A_347] : memref<8x!tpu.dma_semaphore, #tpu.memory_space<semaphore_mem>> -> memref<1x!tpu.dma_semaphore, #tpu.memory_space<semaphore_mem>>
      %dma_start3A_355 = tpu.memref_squeeze %dma_start3A_354 : memref<1x!tpu.dma_semaphore, #tpu.memory_space<semaphore_mem>> -> memref<!tpu.dma_semaphore, #tpu.memory_space<semaphore_mem>>
      tpu.enqueue_indirect_dma source(%arg15 : memref<128x32xf32, #tpu.memory_space<vmem>>) target(%dma_start3A_353 : memref<10240x32xf32, #tpu.memory_space<vmem_shared>>) offsets(%dma_start3A_350 : memref<128xi32, #tpu.memory_space<vmem>>) semaphore(%dma_start3A_355 : memref<!tpu.dma_semaphore, #tpu.memory_space<semaphore_mem>>) {add = true}
      %add3A_356 = arith.constant 0 : i32
      %add3A_357 = arith.addi %add3A_179, %add3A_356 : i32
      %dma_wait3A_358 = arith.constant 0 : i32
      %dma_wait3A_359 = arith.constant 0 : i32
      %dma_wait3A_360 = tpu.memref_slice %arg7[%add3A_357, %dma_wait3A_359] : memref<80x128xi32, #tpu.memory_space<vmem>> -> memref<1x128xi32, #tpu.memory_space<vmem>>
      %dma_wait3A_361 = tpu.memref_squeeze %dma_wait3A_360 : memref<1x128xi32, #tpu.memory_space<vmem>> -> memref<128xi32, #tpu.memory_space<vmem>>
      %dma_wait3A_362 = arith.constant 0 : i32
      %dma_wait3A_363 = arith.constant 0 : i32
      %dma_wait3A_364 = tpu.memref_slice %arg16[%dma_wait3A_362, %dma_wait3A_363] : memref<10240x32xf32, #tpu.memory_space<vmem_shared>> -> memref<10240x32xf32, #tpu.memory_space<vmem_shared>>
      %dma_wait3A_365 = tpu.memref_slice %arg18[%dma_wait3A_358] : memref<8x!tpu.dma_semaphore, #tpu.memory_space<semaphore_mem>> -> memref<1x!tpu.dma_semaphore, #tpu.memory_space<semaphore_mem>>
      %dma_wait3A_366 = tpu.memref_squeeze %dma_wait3A_365 : memref<1x!tpu.dma_semaphore, #tpu.memory_space<semaphore_mem>> -> memref<!tpu.dma_semaphore, #tpu.memory_space<semaphore_mem>>
      tpu.wait_indirect_dma semaphore(%dma_wait3A_366 : memref<!tpu.dma_semaphore, #tpu.memory_space<semaphore_mem>>) src(%arg8 : memref<128x32xf32, #tpu.memory_space<vmem>>) dst(%dma_wait3A_364 : memref<10240x32xf32, #tpu.memory_space<vmem_shared>>)
      %add3A_367 = arith.constant 8 : i32
      %add3A_368 = arith.addi %add3A_179, %add3A_367 : i32
      %add3A_369 = arith.constant 0 : i32
      %add3A_370 = arith.addi %add3A_368, %add3A_369 : i32
      %min3A = arith.constant 79 : i32
      %min3A_371 = arith.minsi %add3A_370, %min3A : i32
      %dma_start3A_372 = arith.constant 0 : i32
      %dma_start3A_373 = arith.constant 0 : i32
      %dma_start3A_374 = tpu.memref_slice %arg6[%min3A_371, %dma_start3A_373] : memref<80x128xi32, #tpu.memory_space<vmem>> -> memref<1x128xi32, #tpu.memory_space<vmem>>
      %dma_start3A_375 = tpu.memref_squeeze %dma_start3A_374 : memref<1x128xi32, #tpu.memory_space<vmem>> -> memref<128xi32, #tpu.memory_space<vmem>>
      %dma_start3A_376 = arith.constant 0 : i32
      %dma_start3A_377 = arith.constant 0 : i32
      %dma_start3A_378 = tpu.memref_slice %arg2[%dma_start3A_376, %dma_start3A_377] : memref<10240x32xf32, #tpu.memory_space<hbm>> -> memref<10240x32xf32, #tpu.memory_space<hbm>>
      %dma_start3A_379 = tpu.memref_slice %arg17[%dma_start3A_372] : memref<8x!tpu.dma_semaphore, #tpu.memory_space<semaphore_mem>> -> memref<1x!tpu.dma_semaphore, #tpu.memory_space<semaphore_mem>>
      %dma_start3A_380 = tpu.memref_squeeze %dma_start3A_379 : memref<1x!tpu.dma_semaphore, #tpu.memory_space<semaphore_mem>> -> memref<!tpu.dma_semaphore, #tpu.memory_space<semaphore_mem>>
      tpu.enqueue_indirect_dma source(%dma_start3A_378 : memref<10240x32xf32, #tpu.memory_space<hbm>>) target(%arg8 : memref<128x32xf32, #tpu.memory_space<vmem>>) offsets(%dma_start3A_375 : memref<128xi32, #tpu.memory_space<vmem>>) semaphore(%dma_start3A_380 : memref<!tpu.dma_semaphore, #tpu.memory_space<semaphore_mem>>)
      %add3A_381 = arith.constant 1 : i32
      %add3A_382 = arith.addi %add3A_179, %add3A_381 : i32
      %dma_wait3A_383 = arith.constant 1 : i32
      %dma_wait3A_384 = arith.constant 0 : i32
      %dma_wait3A_385 = tpu.memref_slice %arg7[%add3A_382, %dma_wait3A_384] : memref<80x128xi32, #tpu.memory_space<vmem>> -> memref<1x128xi32, #tpu.memory_space<vmem>>
      %dma_wait3A_386 = tpu.memref_squeeze %dma_wait3A_385 : memref<1x128xi32, #tpu.memory_space<vmem>> -> memref<128xi32, #tpu.memory_space<vmem>>
      %dma_wait3A_387 = arith.constant 0 : i32
      %dma_wait3A_388 = arith.constant 0 : i32
      %dma_wait3A_389 = tpu.memref_slice %arg16[%dma_wait3A_387, %dma_wait3A_388] : memref<10240x32xf32, #tpu.memory_space<vmem_shared>> -> memref<10240x32xf32, #tpu.memory_space<vmem_shared>>
      %dma_wait3A_390 = tpu.memref_slice %arg18[%dma_wait3A_383] : memref<8x!tpu.dma_semaphore, #tpu.memory_space<semaphore_mem>> -> memref<1x!tpu.dma_semaphore, #tpu.memory_space<semaphore_mem>>
      %dma_wait3A_391 = tpu.memref_squeeze %dma_wait3A_390 : memref<1x!tpu.dma_semaphore, #tpu.memory_space<semaphore_mem>> -> memref<!tpu.dma_semaphore, #tpu.memory_space<semaphore_mem>>
      tpu.wait_indirect_dma semaphore(%dma_wait3A_391 : memref<!tpu.dma_semaphore, #tpu.memory_space<semaphore_mem>>) src(%arg9 : memref<128x32xf32, #tpu.memory_space<vmem>>) dst(%dma_wait3A_389 : memref<10240x32xf32, #tpu.memory_space<vmem_shared>>)
      %add3A_392 = arith.constant 8 : i32
      %add3A_393 = arith.addi %add3A_179, %add3A_392 : i32
      %add3A_394 = arith.constant 1 : i32
      %add3A_395 = arith.addi %add3A_393, %add3A_394 : i32
      %min3A_396 = arith.constant 79 : i32
      %min3A_397 = arith.minsi %add3A_395, %min3A_396 : i32
      %dma_start3A_398 = arith.constant 1 : i32
      %dma_start3A_399 = arith.constant 0 : i32
      %dma_start3A_400 = tpu.memref_slice %arg6[%min3A_397, %dma_start3A_399] : memref<80x128xi32, #tpu.memory_space<vmem>> -> memref<1x128xi32, #tpu.memory_space<vmem>>
      %dma_start3A_401 = tpu.memref_squeeze %dma_start3A_400 : memref<1x128xi32, #tpu.memory_space<vmem>> -> memref<128xi32, #tpu.memory_space<vmem>>
      %dma_start3A_402 = arith.constant 0 : i32
      %dma_start3A_403 = arith.constant 0 : i32
      %dma_start3A_404 = tpu.memref_slice %arg2[%dma_start3A_402, %dma_start3A_403] : memref<10240x32xf32, #tpu.memory_space<hbm>> -> memref<10240x32xf32, #tpu.memory_space<hbm>>
      %dma_start3A_405 = tpu.memref_slice %arg17[%dma_start3A_398] : memref<8x!tpu.dma_semaphore, #tpu.memory_space<semaphore_mem>> -> memref<1x!tpu.dma_semaphore, #tpu.memory_space<semaphore_mem>>
      %dma_start3A_406 = tpu.memref_squeeze %dma_start3A_405 : memref<1x!tpu.dma_semaphore, #tpu.memory_space<semaphore_mem>> -> memref<!tpu.dma_semaphore, #tpu.memory_space<semaphore_mem>>
      tpu.enqueue_indirect_dma source(%dma_start3A_404 : memref<10240x32xf32, #tpu.memory_space<hbm>>) target(%arg9 : memref<128x32xf32, #tpu.memory_space<vmem>>) offsets(%dma_start3A_401 : memref<128xi32, #tpu.memory_space<vmem>>) semaphore(%dma_start3A_406 : memref<!tpu.dma_semaphore, #tpu.memory_space<semaphore_mem>>)
      %add3A_407 = arith.constant 2 : i32
      %add3A_408 = arith.addi %add3A_179, %add3A_407 : i32
      %dma_wait3A_409 = arith.constant 2 : i32
      %dma_wait3A_410 = arith.constant 0 : i32
      %dma_wait3A_411 = tpu.memref_slice %arg7[%add3A_408, %dma_wait3A_410] : memref<80x128xi32, #tpu.memory_space<vmem>> -> memref<1x128xi32, #tpu.memory_space<vmem>>
      %dma_wait3A_412 = tpu.memref_squeeze %dma_wait3A_411 : memref<1x128xi32, #tpu.memory_space<vmem>> -> memref<128xi32, #tpu.memory_space<vmem>>
      %dma_wait3A_413 = arith.constant 0 : i32
      %dma_wait3A_414 = arith.constant 0 : i32
      %dma_wait3A_415 = tpu.memref_slice %arg16[%dma_wait3A_413, %dma_wait3A_414] : memref<10240x32xf32, #tpu.memory_space<vmem_shared>> -> memref<10240x32xf32, #tpu.memory_space<vmem_shared>>
      %dma_wait3A_416 = tpu.memref_slice %arg18[%dma_wait3A_409] : memref<8x!tpu.dma_semaphore, #tpu.memory_space<semaphore_mem>> -> memref<1x!tpu.dma_semaphore, #tpu.memory_space<semaphore_mem>>
      %dma_wait3A_417 = tpu.memref_squeeze %dma_wait3A_416 : memref<1x!tpu.dma_semaphore, #tpu.memory_space<semaphore_mem>> -> memref<!tpu.dma_semaphore, #tpu.memory_space<semaphore_mem>>
      tpu.wait_indirect_dma semaphore(%dma_wait3A_417 : memref<!tpu.dma_semaphore, #tpu.memory_space<semaphore_mem>>) src(%arg10 : memref<128x32xf32, #tpu.memory_space<vmem>>) dst(%dma_wait3A_415 : memref<10240x32xf32, #tpu.memory_space<vmem_shared>>)
      %add3A_418 = arith.constant 8 : i32
      %add3A_419 = arith.addi %add3A_179, %add3A_418 : i32
      %add3A_420 = arith.constant 2 : i32
      %add3A_421 = arith.addi %add3A_419, %add3A_420 : i32
      %min3A_422 = arith.constant 79 : i32
      %min3A_423 = arith.minsi %add3A_421, %min3A_422 : i32
      %dma_start3A_424 = arith.constant 2 : i32
      %dma_start3A_425 = arith.constant 0 : i32
      %dma_start3A_426 = tpu.memref_slice %arg6[%min3A_423, %dma_start3A_425] : memref<80x128xi32, #tpu.memory_space<vmem>> -> memref<1x128xi32, #tpu.memory_space<vmem>>
      %dma_start3A_427 = tpu.memref_squeeze %dma_start3A_426 : memref<1x128xi32, #tpu.memory_space<vmem>> -> memref<128xi32, #tpu.memory_space<vmem>>
      %dma_start3A_428 = arith.constant 0 : i32
      %dma_start3A_429 = arith.constant 0 : i32
      %dma_start3A_430 = tpu.memref_slice %arg2[%dma_start3A_428, %dma_start3A_429] : memref<10240x32xf32, #tpu.memory_space<hbm>> -> memref<10240x32xf32, #tpu.memory_space<hbm>>
      %dma_start3A_431 = tpu.memref_slice %arg17[%dma_start3A_424] : memref<8x!tpu.dma_semaphore, #tpu.memory_space<semaphore_mem>> -> memref<1x!tpu.dma_semaphore, #tpu.memory_space<semaphore_mem>>
      %dma_start3A_432 = tpu.memref_squeeze %dma_start3A_431 : memref<1x!tpu.dma_semaphore, #tpu.memory_space<semaphore_mem>> -> memref<!tpu.dma_semaphore, #tpu.memory_space<semaphore_mem>>
      tpu.enqueue_indirect_dma source(%dma_start3A_430 : memref<10240x32xf32, #tpu.memory_space<hbm>>) target(%arg10 : memref<128x32xf32, #tpu.memory_space<vmem>>) offsets(%dma_start3A_427 : memref<128xi32, #tpu.memory_space<vmem>>) semaphore(%dma_start3A_432 : memref<!tpu.dma_semaphore, #tpu.memory_space<semaphore_mem>>)
      %add3A_433 = arith.constant 3 : i32
      %add3A_434 = arith.addi %add3A_179, %add3A_433 : i32
      %dma_wait3A_435 = arith.constant 3 : i32
      %dma_wait3A_436 = arith.constant 0 : i32
      %dma_wait3A_437 = tpu.memref_slice %arg7[%add3A_434, %dma_wait3A_436] : memref<80x128xi32, #tpu.memory_space<vmem>> -> memref<1x128xi32, #tpu.memory_space<vmem>>
      %dma_wait3A_438 = tpu.memref_squeeze %dma_wait3A_437 : memref<1x128xi32, #tpu.memory_space<vmem>> -> memref<128xi32, #tpu.memory_space<vmem>>
      %dma_wait3A_439 = arith.constant 0 : i32
      %dma_wait3A_440 = arith.constant 0 : i32
      %dma_wait3A_441 = tpu.memref_slice %arg16[%dma_wait3A_439, %dma_wait3A_440] : memref<10240x32xf32, #tpu.memory_space<vmem_shared>> -> memref<10240x32xf32, #tpu.memory_space<vmem_shared>>
      %dma_wait3A_442 = tpu.memref_slice %arg18[%dma_wait3A_435] : memref<8x!tpu.dma_semaphore, #tpu.memory_space<semaphore_mem>> -> memref<1x!tpu.dma_semaphore, #tpu.memory_space<semaphore_mem>>
      %dma_wait3A_443 = tpu.memref_squeeze %dma_wait3A_442 : memref<1x!tpu.dma_semaphore, #tpu.memory_space<semaphore_mem>> -> memref<!tpu.dma_semaphore, #tpu.memory_space<semaphore_mem>>
      tpu.wait_indirect_dma semaphore(%dma_wait3A_443 : memref<!tpu.dma_semaphore, #tpu.memory_space<semaphore_mem>>) src(%arg11 : memref<128x32xf32, #tpu.memory_space<vmem>>) dst(%dma_wait3A_441 : memref<10240x32xf32, #tpu.memory_space<vmem_shared>>)
      %add3A_444 = arith.constant 8 : i32
      %add3A_445 = arith.addi %add3A_179, %add3A_444 : i32
      %add3A_446 = arith.constant 3 : i32
      %add3A_447 = arith.addi %add3A_445, %add3A_446 : i32
      %min3A_448 = arith.constant 79 : i32
      %min3A_449 = arith.minsi %add3A_447, %min3A_448 : i32
      %dma_start3A_450 = arith.constant 3 : i32
      %dma_start3A_451 = arith.constant 0 : i32
      %dma_start3A_452 = tpu.memref_slice %arg6[%min3A_449, %dma_start3A_451] : memref<80x128xi32, #tpu.memory_space<vmem>> -> memref<1x128xi32, #tpu.memory_space<vmem>>
      %dma_start3A_453 = tpu.memref_squeeze %dma_start3A_452 : memref<1x128xi32, #tpu.memory_space<vmem>> -> memref<128xi32, #tpu.memory_space<vmem>>
      %dma_start3A_454 = arith.constant 0 : i32
      %dma_start3A_455 = arith.constant 0 : i32
      %dma_start3A_456 = tpu.memref_slice %arg2[%dma_start3A_454, %dma_start3A_455] : memref<10240x32xf32, #tpu.memory_space<hbm>> -> memref<10240x32xf32, #tpu.memory_space<hbm>>
      %dma_start3A_457 = tpu.memref_slice %arg17[%dma_start3A_450] : memref<8x!tpu.dma_semaphore, #tpu.memory_space<semaphore_mem>> -> memref<1x!tpu.dma_semaphore, #tpu.memory_space<semaphore_mem>>
      %dma_start3A_458 = tpu.memref_squeeze %dma_start3A_457 : memref<1x!tpu.dma_semaphore, #tpu.memory_space<semaphore_mem>> -> memref<!tpu.dma_semaphore, #tpu.memory_space<semaphore_mem>>
      tpu.enqueue_indirect_dma source(%dma_start3A_456 : memref<10240x32xf32, #tpu.memory_space<hbm>>) target(%arg11 : memref<128x32xf32, #tpu.memory_space<vmem>>) offsets(%dma_start3A_453 : memref<128xi32, #tpu.memory_space<vmem>>) semaphore(%dma_start3A_458 : memref<!tpu.dma_semaphore, #tpu.memory_space<semaphore_mem>>)
      %add3A_459 = arith.constant 4 : i32
      %add3A_460 = arith.addi %add3A_179, %add3A_459 : i32
      %dma_wait3A_461 = arith.constant 4 : i32
      %dma_wait3A_462 = arith.constant 0 : i32
      %dma_wait3A_463 = tpu.memref_slice %arg7[%add3A_460, %dma_wait3A_462] : memref<80x128xi32, #tpu.memory_space<vmem>> -> memref<1x128xi32, #tpu.memory_space<vmem>>
      %dma_wait3A_464 = tpu.memref_squeeze %dma_wait3A_463 : memref<1x128xi32, #tpu.memory_space<vmem>> -> memref<128xi32, #tpu.memory_space<vmem>>
      %dma_wait3A_465 = arith.constant 0 : i32
      %dma_wait3A_466 = arith.constant 0 : i32
      %dma_wait3A_467 = tpu.memref_slice %arg16[%dma_wait3A_465, %dma_wait3A_466] : memref<10240x32xf32, #tpu.memory_space<vmem_shared>> -> memref<10240x32xf32, #tpu.memory_space<vmem_shared>>
      %dma_wait3A_468 = tpu.memref_slice %arg18[%dma_wait3A_461] : memref<8x!tpu.dma_semaphore, #tpu.memory_space<semaphore_mem>> -> memref<1x!tpu.dma_semaphore, #tpu.memory_space<semaphore_mem>>
      %dma_wait3A_469 = tpu.memref_squeeze %dma_wait3A_468 : memref<1x!tpu.dma_semaphore, #tpu.memory_space<semaphore_mem>> -> memref<!tpu.dma_semaphore, #tpu.memory_space<semaphore_mem>>
      tpu.wait_indirect_dma semaphore(%dma_wait3A_469 : memref<!tpu.dma_semaphore, #tpu.memory_space<semaphore_mem>>) src(%arg12 : memref<128x32xf32, #tpu.memory_space<vmem>>) dst(%dma_wait3A_467 : memref<10240x32xf32, #tpu.memory_space<vmem_shared>>)
      %add3A_470 = arith.constant 8 : i32
      %add3A_471 = arith.addi %add3A_179, %add3A_470 : i32
      %add3A_472 = arith.constant 4 : i32
      %add3A_473 = arith.addi %add3A_471, %add3A_472 : i32
      %min3A_474 = arith.constant 79 : i32
      %min3A_475 = arith.minsi %add3A_473, %min3A_474 : i32
      %dma_start3A_476 = arith.constant 4 : i32
      %dma_start3A_477 = arith.constant 0 : i32
      %dma_start3A_478 = tpu.memref_slice %arg6[%min3A_475, %dma_start3A_477] : memref<80x128xi32, #tpu.memory_space<vmem>> -> memref<1x128xi32, #tpu.memory_space<vmem>>
      %dma_start3A_479 = tpu.memref_squeeze %dma_start3A_478 : memref<1x128xi32, #tpu.memory_space<vmem>> -> memref<128xi32, #tpu.memory_space<vmem>>
      %dma_start3A_480 = arith.constant 0 : i32
      %dma_start3A_481 = arith.constant 0 : i32
      %dma_start3A_482 = tpu.memref_slice %arg2[%dma_start3A_480, %dma_start3A_481] : memref<10240x32xf32, #tpu.memory_space<hbm>> -> memref<10240x32xf32, #tpu.memory_space<hbm>>
      %dma_start3A_483 = tpu.memref_slice %arg17[%dma_start3A_476] : memref<8x!tpu.dma_semaphore, #tpu.memory_space<semaphore_mem>> -> memref<1x!tpu.dma_semaphore, #tpu.memory_space<semaphore_mem>>
      %dma_start3A_484 = tpu.memref_squeeze %dma_start3A_483 : memref<1x!tpu.dma_semaphore, #tpu.memory_space<semaphore_mem>> -> memref<!tpu.dma_semaphore, #tpu.memory_space<semaphore_mem>>
      tpu.enqueue_indirect_dma source(%dma_start3A_482 : memref<10240x32xf32, #tpu.memory_space<hbm>>) target(%arg12 : memref<128x32xf32, #tpu.memory_space<vmem>>) offsets(%dma_start3A_479 : memref<128xi32, #tpu.memory_space<vmem>>) semaphore(%dma_start3A_484 : memref<!tpu.dma_semaphore, #tpu.memory_space<semaphore_mem>>)
      %add3A_485 = arith.constant 5 : i32
      %add3A_486 = arith.addi %add3A_179, %add3A_485 : i32
      %dma_wait3A_487 = arith.constant 5 : i32
      %dma_wait3A_488 = arith.constant 0 : i32
      %dma_wait3A_489 = tpu.memref_slice %arg7[%add3A_486, %dma_wait3A_488] : memref<80x128xi32, #tpu.memory_space<vmem>> -> memref<1x128xi32, #tpu.memory_space<vmem>>
      %dma_wait3A_490 = tpu.memref_squeeze %dma_wait3A_489 : memref<1x128xi32, #tpu.memory_space<vmem>> -> memref<128xi32, #tpu.memory_space<vmem>>
      %dma_wait3A_491 = arith.constant 0 : i32
      %dma_wait3A_492 = arith.constant 0 : i32
      %dma_wait3A_493 = tpu.memref_slice %arg16[%dma_wait3A_491, %dma_wait3A_492] : memref<10240x32xf32, #tpu.memory_space<vmem_shared>> -> memref<10240x32xf32, #tpu.memory_space<vmem_shared>>
      %dma_wait3A_494 = tpu.memref_slice %arg18[%dma_wait3A_487] : memref<8x!tpu.dma_semaphore, #tpu.memory_space<semaphore_mem>> -> memref<1x!tpu.dma_semaphore, #tpu.memory_space<semaphore_mem>>
      %dma_wait3A_495 = tpu.memref_squeeze %dma_wait3A_494 : memref<1x!tpu.dma_semaphore, #tpu.memory_space<semaphore_mem>> -> memref<!tpu.dma_semaphore, #tpu.memory_space<semaphore_mem>>
      tpu.wait_indirect_dma semaphore(%dma_wait3A_495 : memref<!tpu.dma_semaphore, #tpu.memory_space<semaphore_mem>>) src(%arg13 : memref<128x32xf32, #tpu.memory_space<vmem>>) dst(%dma_wait3A_493 : memref<10240x32xf32, #tpu.memory_space<vmem_shared>>)
      %add3A_496 = arith.constant 8 : i32
      %add3A_497 = arith.addi %add3A_179, %add3A_496 : i32
      %add3A_498 = arith.constant 5 : i32
      %add3A_499 = arith.addi %add3A_497, %add3A_498 : i32
      %min3A_500 = arith.constant 79 : i32
      %min3A_501 = arith.minsi %add3A_499, %min3A_500 : i32
      %dma_start3A_502 = arith.constant 5 : i32
      %dma_start3A_503 = arith.constant 0 : i32
      %dma_start3A_504 = tpu.memref_slice %arg6[%min3A_501, %dma_start3A_503] : memref<80x128xi32, #tpu.memory_space<vmem>> -> memref<1x128xi32, #tpu.memory_space<vmem>>
      %dma_start3A_505 = tpu.memref_squeeze %dma_start3A_504 : memref<1x128xi32, #tpu.memory_space<vmem>> -> memref<128xi32, #tpu.memory_space<vmem>>
      %dma_start3A_506 = arith.constant 0 : i32
      %dma_start3A_507 = arith.constant 0 : i32
      %dma_start3A_508 = tpu.memref_slice %arg2[%dma_start3A_506, %dma_start3A_507] : memref<10240x32xf32, #tpu.memory_space<hbm>> -> memref<10240x32xf32, #tpu.memory_space<hbm>>
      %dma_start3A_509 = tpu.memref_slice %arg17[%dma_start3A_502] : memref<8x!tpu.dma_semaphore, #tpu.memory_space<semaphore_mem>> -> memref<1x!tpu.dma_semaphore, #tpu.memory_space<semaphore_mem>>
      %dma_start3A_510 = tpu.memref_squeeze %dma_start3A_509 : memref<1x!tpu.dma_semaphore, #tpu.memory_space<semaphore_mem>> -> memref<!tpu.dma_semaphore, #tpu.memory_space<semaphore_mem>>
      tpu.enqueue_indirect_dma source(%dma_start3A_508 : memref<10240x32xf32, #tpu.memory_space<hbm>>) target(%arg13 : memref<128x32xf32, #tpu.memory_space<vmem>>) offsets(%dma_start3A_505 : memref<128xi32, #tpu.memory_space<vmem>>) semaphore(%dma_start3A_510 : memref<!tpu.dma_semaphore, #tpu.memory_space<semaphore_mem>>)
      %add3A_511 = arith.constant 6 : i32
      %add3A_512 = arith.addi %add3A_179, %add3A_511 : i32
      %dma_wait3A_513 = arith.constant 6 : i32
      %dma_wait3A_514 = arith.constant 0 : i32
      %dma_wait3A_515 = tpu.memref_slice %arg7[%add3A_512, %dma_wait3A_514] : memref<80x128xi32, #tpu.memory_space<vmem>> -> memref<1x128xi32, #tpu.memory_space<vmem>>
      %dma_wait3A_516 = tpu.memref_squeeze %dma_wait3A_515 : memref<1x128xi32, #tpu.memory_space<vmem>> -> memref<128xi32, #tpu.memory_space<vmem>>
      %dma_wait3A_517 = arith.constant 0 : i32
      %dma_wait3A_518 = arith.constant 0 : i32
      %dma_wait3A_519 = tpu.memref_slice %arg16[%dma_wait3A_517, %dma_wait3A_518] : memref<10240x32xf32, #tpu.memory_space<vmem_shared>> -> memref<10240x32xf32, #tpu.memory_space<vmem_shared>>
      %dma_wait3A_520 = tpu.memref_slice %arg18[%dma_wait3A_513] : memref<8x!tpu.dma_semaphore, #tpu.memory_space<semaphore_mem>> -> memref<1x!tpu.dma_semaphore, #tpu.memory_space<semaphore_mem>>
      %dma_wait3A_521 = tpu.memref_squeeze %dma_wait3A_520 : memref<1x!tpu.dma_semaphore, #tpu.memory_space<semaphore_mem>> -> memref<!tpu.dma_semaphore, #tpu.memory_space<semaphore_mem>>
      tpu.wait_indirect_dma semaphore(%dma_wait3A_521 : memref<!tpu.dma_semaphore, #tpu.memory_space<semaphore_mem>>) src(%arg14 : memref<128x32xf32, #tpu.memory_space<vmem>>) dst(%dma_wait3A_519 : memref<10240x32xf32, #tpu.memory_space<vmem_shared>>)
      %add3A_522 = arith.constant 8 : i32
      %add3A_523 = arith.addi %add3A_179, %add3A_522 : i32
      %add3A_524 = arith.constant 6 : i32
      %add3A_525 = arith.addi %add3A_523, %add3A_524 : i32
      %min3A_526 = arith.constant 79 : i32
      %min3A_527 = arith.minsi %add3A_525, %min3A_526 : i32
      %dma_start3A_528 = arith.constant 6 : i32
      %dma_start3A_529 = arith.constant 0 : i32
      %dma_start3A_530 = tpu.memref_slice %arg6[%min3A_527, %dma_start3A_529] : memref<80x128xi32, #tpu.memory_space<vmem>> -> memref<1x128xi32, #tpu.memory_space<vmem>>
      %dma_start3A_531 = tpu.memref_squeeze %dma_start3A_530 : memref<1x128xi32, #tpu.memory_space<vmem>> -> memref<128xi32, #tpu.memory_space<vmem>>
      %dma_start3A_532 = arith.constant 0 : i32
      %dma_start3A_533 = arith.constant 0 : i32
      %dma_start3A_534 = tpu.memref_slice %arg2[%dma_start3A_532, %dma_start3A_533] : memref<10240x32xf32, #tpu.memory_space<hbm>> -> memref<10240x32xf32, #tpu.memory_space<hbm>>
      %dma_start3A_535 = tpu.memref_slice %arg17[%dma_start3A_528] : memref<8x!tpu.dma_semaphore, #tpu.memory_space<semaphore_mem>> -> memref<1x!tpu.dma_semaphore, #tpu.memory_space<semaphore_mem>>
      %dma_start3A_536 = tpu.memref_squeeze %dma_start3A_535 : memref<1x!tpu.dma_semaphore, #tpu.memory_space<semaphore_mem>> -> memref<!tpu.dma_semaphore, #tpu.memory_space<semaphore_mem>>
      tpu.enqueue_indirect_dma source(%dma_start3A_534 : memref<10240x32xf32, #tpu.memory_space<hbm>>) target(%arg14 : memref<128x32xf32, #tpu.memory_space<vmem>>) offsets(%dma_start3A_531 : memref<128xi32, #tpu.memory_space<vmem>>) semaphore(%dma_start3A_536 : memref<!tpu.dma_semaphore, #tpu.memory_space<semaphore_mem>>)
      %add3A_537 = arith.constant 7 : i32
      %add3A_538 = arith.addi %add3A_179, %add3A_537 : i32
      %dma_wait3A_539 = arith.constant 7 : i32
      %dma_wait3A_540 = arith.constant 0 : i32
      %dma_wait3A_541 = tpu.memref_slice %arg7[%add3A_538, %dma_wait3A_540] : memref<80x128xi32, #tpu.memory_space<vmem>> -> memref<1x128xi32, #tpu.memory_space<vmem>>
      %dma_wait3A_542 = tpu.memref_squeeze %dma_wait3A_541 : memref<1x128xi32, #tpu.memory_space<vmem>> -> memref<128xi32, #tpu.memory_space<vmem>>
      %dma_wait3A_543 = arith.constant 0 : i32
      %dma_wait3A_544 = arith.constant 0 : i32
      %dma_wait3A_545 = tpu.memref_slice %arg16[%dma_wait3A_543, %dma_wait3A_544] : memref<10240x32xf32, #tpu.memory_space<vmem_shared>> -> memref<10240x32xf32, #tpu.memory_space<vmem_shared>>
      %dma_wait3A_546 = tpu.memref_slice %arg18[%dma_wait3A_539] : memref<8x!tpu.dma_semaphore, #tpu.memory_space<semaphore_mem>> -> memref<1x!tpu.dma_semaphore, #tpu.memory_space<semaphore_mem>>
      %dma_wait3A_547 = tpu.memref_squeeze %dma_wait3A_546 : memref<1x!tpu.dma_semaphore, #tpu.memory_space<semaphore_mem>> -> memref<!tpu.dma_semaphore, #tpu.memory_space<semaphore_mem>>
      tpu.wait_indirect_dma semaphore(%dma_wait3A_547 : memref<!tpu.dma_semaphore, #tpu.memory_space<semaphore_mem>>) src(%arg15 : memref<128x32xf32, #tpu.memory_space<vmem>>) dst(%dma_wait3A_545 : memref<10240x32xf32, #tpu.memory_space<vmem_shared>>)
      %add3A_548 = arith.constant 8 : i32
      %add3A_549 = arith.addi %add3A_179, %add3A_548 : i32
      %add3A_550 = arith.constant 7 : i32
      %add3A_551 = arith.addi %add3A_549, %add3A_550 : i32
      %min3A_552 = arith.constant 79 : i32
      %min3A_553 = arith.minsi %add3A_551, %min3A_552 : i32
      %dma_start3A_554 = arith.constant 7 : i32
      %dma_start3A_555 = arith.constant 0 : i32
      %dma_start3A_556 = tpu.memref_slice %arg6[%min3A_553, %dma_start3A_555] : memref<80x128xi32, #tpu.memory_space<vmem>> -> memref<1x128xi32, #tpu.memory_space<vmem>>
      %dma_start3A_557 = tpu.memref_squeeze %dma_start3A_556 : memref<1x128xi32, #tpu.memory_space<vmem>> -> memref<128xi32, #tpu.memory_space<vmem>>
      %dma_start3A_558 = arith.constant 0 : i32
      %dma_start3A_559 = arith.constant 0 : i32
      %dma_start3A_560 = tpu.memref_slice %arg2[%dma_start3A_558, %dma_start3A_559] : memref<10240x32xf32, #tpu.memory_space<hbm>> -> memref<10240x32xf32, #tpu.memory_space<hbm>>
      %dma_start3A_561 = tpu.memref_slice %arg17[%dma_start3A_554] : memref<8x!tpu.dma_semaphore, #tpu.memory_space<semaphore_mem>> -> memref<1x!tpu.dma_semaphore, #tpu.memory_space<semaphore_mem>>
      %dma_start3A_562 = tpu.memref_squeeze %dma_start3A_561 : memref<1x!tpu.dma_semaphore, #tpu.memory_space<semaphore_mem>> -> memref<!tpu.dma_semaphore, #tpu.memory_space<semaphore_mem>>
      tpu.enqueue_indirect_dma source(%dma_start3A_560 : memref<10240x32xf32, #tpu.memory_space<hbm>>) target(%arg15 : memref<128x32xf32, #tpu.memory_space<vmem>>) offsets(%dma_start3A_557 : memref<128xi32, #tpu.memory_space<vmem>>) semaphore(%dma_start3A_562 : memref<!tpu.dma_semaphore, #tpu.memory_space<semaphore_mem>>)
    }
    %scan3A_90 = arith.constant 10 : i32
    %dma_wait3A = arith.constant 79 : i32
    %dma_wait3A_91 = arith.constant 0 : i32
    %dma_wait3A_92 = arith.constant 0 : i32
    %dma_wait3A_93 = tpu.memref_slice %arg6[%dma_wait3A, %dma_wait3A_92] : memref<80x128xi32, #tpu.memory_space<vmem>> -> memref<1x128xi32, #tpu.memory_space<vmem>>
    %dma_wait3A_94 = tpu.memref_squeeze %dma_wait3A_93 : memref<1x128xi32, #tpu.memory_space<vmem>> -> memref<128xi32, #tpu.memory_space<vmem>>
    %dma_wait3A_95 = arith.constant 0 : i32
    %dma_wait3A_96 = arith.constant 0 : i32
    %dma_wait3A_97 = tpu.memref_slice %arg2[%dma_wait3A_95, %dma_wait3A_96] : memref<10240x32xf32, #tpu.memory_space<hbm>> -> memref<10240x32xf32, #tpu.memory_space<hbm>>
    %dma_wait3A_98 = tpu.memref_slice %arg17[%dma_wait3A_91] : memref<8x!tpu.dma_semaphore, #tpu.memory_space<semaphore_mem>> -> memref<1x!tpu.dma_semaphore, #tpu.memory_space<semaphore_mem>>
    %dma_wait3A_99 = tpu.memref_squeeze %dma_wait3A_98 : memref<1x!tpu.dma_semaphore, #tpu.memory_space<semaphore_mem>> -> memref<!tpu.dma_semaphore, #tpu.memory_space<semaphore_mem>>
    tpu.wait_indirect_dma semaphore(%dma_wait3A_99 : memref<!tpu.dma_semaphore, #tpu.memory_space<semaphore_mem>>) src(%dma_wait3A_97 : memref<10240x32xf32, #tpu.memory_space<hbm>>) dst(%arg8 : memref<128x32xf32, #tpu.memory_space<vmem>>)
    %dma_wait3A_100 = arith.constant 79 : i32
    %dma_wait3A_101 = arith.constant 1 : i32
    %dma_wait3A_102 = arith.constant 0 : i32
    %dma_wait3A_103 = tpu.memref_slice %arg6[%dma_wait3A_100, %dma_wait3A_102] : memref<80x128xi32, #tpu.memory_space<vmem>> -> memref<1x128xi32, #tpu.memory_space<vmem>>
    %dma_wait3A_104 = tpu.memref_squeeze %dma_wait3A_103 : memref<1x128xi32, #tpu.memory_space<vmem>> -> memref<128xi32, #tpu.memory_space<vmem>>
    %dma_wait3A_105 = arith.constant 0 : i32
    %dma_wait3A_106 = arith.constant 0 : i32
    %dma_wait3A_107 = tpu.memref_slice %arg2[%dma_wait3A_105, %dma_wait3A_106] : memref<10240x32xf32, #tpu.memory_space<hbm>> -> memref<10240x32xf32, #tpu.memory_space<hbm>>
    %dma_wait3A_108 = tpu.memref_slice %arg17[%dma_wait3A_101] : memref<8x!tpu.dma_semaphore, #tpu.memory_space<semaphore_mem>> -> memref<1x!tpu.dma_semaphore, #tpu.memory_space<semaphore_mem>>
    %dma_wait3A_109 = tpu.memref_squeeze %dma_wait3A_108 : memref<1x!tpu.dma_semaphore, #tpu.memory_space<semaphore_mem>> -> memref<!tpu.dma_semaphore, #tpu.memory_space<semaphore_mem>>
    tpu.wait_indirect_dma semaphore(%dma_wait3A_109 : memref<!tpu.dma_semaphore, #tpu.memory_space<semaphore_mem>>) src(%dma_wait3A_107 : memref<10240x32xf32, #tpu.memory_space<hbm>>) dst(%arg9 : memref<128x32xf32, #tpu.memory_space<vmem>>)
    %dma_wait3A_110 = arith.constant 79 : i32
    %dma_wait3A_111 = arith.constant 2 : i32
    %dma_wait3A_112 = arith.constant 0 : i32
    %dma_wait3A_113 = tpu.memref_slice %arg6[%dma_wait3A_110, %dma_wait3A_112] : memref<80x128xi32, #tpu.memory_space<vmem>> -> memref<1x128xi32, #tpu.memory_space<vmem>>
    %dma_wait3A_114 = tpu.memref_squeeze %dma_wait3A_113 : memref<1x128xi32, #tpu.memory_space<vmem>> -> memref<128xi32, #tpu.memory_space<vmem>>
    %dma_wait3A_115 = arith.constant 0 : i32
    %dma_wait3A_116 = arith.constant 0 : i32
    %dma_wait3A_117 = tpu.memref_slice %arg2[%dma_wait3A_115, %dma_wait3A_116] : memref<10240x32xf32, #tpu.memory_space<hbm>> -> memref<10240x32xf32, #tpu.memory_space<hbm>>
    %dma_wait3A_118 = tpu.memref_slice %arg17[%dma_wait3A_111] : memref<8x!tpu.dma_semaphore, #tpu.memory_space<semaphore_mem>> -> memref<1x!tpu.dma_semaphore, #tpu.memory_space<semaphore_mem>>
    %dma_wait3A_119 = tpu.memref_squeeze %dma_wait3A_118 : memref<1x!tpu.dma_semaphore, #tpu.memory_space<semaphore_mem>> -> memref<!tpu.dma_semaphore, #tpu.memory_space<semaphore_mem>>
    tpu.wait_indirect_dma semaphore(%dma_wait3A_119 : memref<!tpu.dma_semaphore, #tpu.memory_space<semaphore_mem>>) src(%dma_wait3A_117 : memref<10240x32xf32, #tpu.memory_space<hbm>>) dst(%arg10 : memref<128x32xf32, #tpu.memory_space<vmem>>)
    %dma_wait3A_120 = arith.constant 79 : i32
    %dma_wait3A_121 = arith.constant 3 : i32
    %dma_wait3A_122 = arith.constant 0 : i32
    %dma_wait3A_123 = tpu.memref_slice %arg6[%dma_wait3A_120, %dma_wait3A_122] : memref<80x128xi32, #tpu.memory_space<vmem>> -> memref<1x128xi32, #tpu.memory_space<vmem>>
    %dma_wait3A_124 = tpu.memref_squeeze %dma_wait3A_123 : memref<1x128xi32, #tpu.memory_space<vmem>> -> memref<128xi32, #tpu.memory_space<vmem>>
    %dma_wait3A_125 = arith.constant 0 : i32
    %dma_wait3A_126 = arith.constant 0 : i32
    %dma_wait3A_127 = tpu.memref_slice %arg2[%dma_wait3A_125, %dma_wait3A_126] : memref<10240x32xf32, #tpu.memory_space<hbm>> -> memref<10240x32xf32, #tpu.memory_space<hbm>>
    %dma_wait3A_128 = tpu.memref_slice %arg17[%dma_wait3A_121] : memref<8x!tpu.dma_semaphore, #tpu.memory_space<semaphore_mem>> -> memref<1x!tpu.dma_semaphore, #tpu.memory_space<semaphore_mem>>
    %dma_wait3A_129 = tpu.memref_squeeze %dma_wait3A_128 : memref<1x!tpu.dma_semaphore, #tpu.memory_space<semaphore_mem>> -> memref<!tpu.dma_semaphore, #tpu.memory_space<semaphore_mem>>
    tpu.wait_indirect_dma semaphore(%dma_wait3A_129 : memref<!tpu.dma_semaphore, #tpu.memory_space<semaphore_mem>>) src(%dma_wait3A_127 : memref<10240x32xf32, #tpu.memory_space<hbm>>) dst(%arg11 : memref<128x32xf32, #tpu.memory_space<vmem>>)
    %dma_wait3A_130 = arith.constant 79 : i32
    %dma_wait3A_131 = arith.constant 4 : i32
    %dma_wait3A_132 = arith.constant 0 : i32
    %dma_wait3A_133 = tpu.memref_slice %arg6[%dma_wait3A_130, %dma_wait3A_132] : memref<80x128xi32, #tpu.memory_space<vmem>> -> memref<1x128xi32, #tpu.memory_space<vmem>>
    %dma_wait3A_134 = tpu.memref_squeeze %dma_wait3A_133 : memref<1x128xi32, #tpu.memory_space<vmem>> -> memref<128xi32, #tpu.memory_space<vmem>>
    %dma_wait3A_135 = arith.constant 0 : i32
    %dma_wait3A_136 = arith.constant 0 : i32
    %dma_wait3A_137 = tpu.memref_slice %arg2[%dma_wait3A_135, %dma_wait3A_136] : memref<10240x32xf32, #tpu.memory_space<hbm>> -> memref<10240x32xf32, #tpu.memory_space<hbm>>
    %dma_wait3A_138 = tpu.memref_slice %arg17[%dma_wait3A_131] : memref<8x!tpu.dma_semaphore, #tpu.memory_space<semaphore_mem>> -> memref<1x!tpu.dma_semaphore, #tpu.memory_space<semaphore_mem>>
    %dma_wait3A_139 = tpu.memref_squeeze %dma_wait3A_138 : memref<1x!tpu.dma_semaphore, #tpu.memory_space<semaphore_mem>> -> memref<!tpu.dma_semaphore, #tpu.memory_space<semaphore_mem>>
    tpu.wait_indirect_dma semaphore(%dma_wait3A_139 : memref<!tpu.dma_semaphore, #tpu.memory_space<semaphore_mem>>) src(%dma_wait3A_137 : memref<10240x32xf32, #tpu.memory_space<hbm>>) dst(%arg12 : memref<128x32xf32, #tpu.memory_space<vmem>>)
    %dma_wait3A_140 = arith.constant 79 : i32
    %dma_wait3A_141 = arith.constant 5 : i32
    %dma_wait3A_142 = arith.constant 0 : i32
    %dma_wait3A_143 = tpu.memref_slice %arg6[%dma_wait3A_140, %dma_wait3A_142] : memref<80x128xi32, #tpu.memory_space<vmem>> -> memref<1x128xi32, #tpu.memory_space<vmem>>
    %dma_wait3A_144 = tpu.memref_squeeze %dma_wait3A_143 : memref<1x128xi32, #tpu.memory_space<vmem>> -> memref<128xi32, #tpu.memory_space<vmem>>
    %dma_wait3A_145 = arith.constant 0 : i32
    %dma_wait3A_146 = arith.constant 0 : i32
    %dma_wait3A_147 = tpu.memref_slice %arg2[%dma_wait3A_145, %dma_wait3A_146] : memref<10240x32xf32, #tpu.memory_space<hbm>> -> memref<10240x32xf32, #tpu.memory_space<hbm>>
    %dma_wait3A_148 = tpu.memref_slice %arg17[%dma_wait3A_141] : memref<8x!tpu.dma_semaphore, #tpu.memory_space<semaphore_mem>> -> memref<1x!tpu.dma_semaphore, #tpu.memory_space<semaphore_mem>>
    %dma_wait3A_149 = tpu.memref_squeeze %dma_wait3A_148 : memref<1x!tpu.dma_semaphore, #tpu.memory_space<semaphore_mem>> -> memref<!tpu.dma_semaphore, #tpu.memory_space<semaphore_mem>>
    tpu.wait_indirect_dma semaphore(%dma_wait3A_149 : memref<!tpu.dma_semaphore, #tpu.memory_space<semaphore_mem>>) src(%dma_wait3A_147 : memref<10240x32xf32, #tpu.memory_space<hbm>>) dst(%arg13 : memref<128x32xf32, #tpu.memory_space<vmem>>)
    %dma_wait3A_150 = arith.constant 79 : i32
    %dma_wait3A_151 = arith.constant 6 : i32
    %dma_wait3A_152 = arith.constant 0 : i32
    %dma_wait3A_153 = tpu.memref_slice %arg6[%dma_wait3A_150, %dma_wait3A_152] : memref<80x128xi32, #tpu.memory_space<vmem>> -> memref<1x128xi32, #tpu.memory_space<vmem>>
    %dma_wait3A_154 = tpu.memref_squeeze %dma_wait3A_153 : memref<1x128xi32, #tpu.memory_space<vmem>> -> memref<128xi32, #tpu.memory_space<vmem>>
    %dma_wait3A_155 = arith.constant 0 : i32
    %dma_wait3A_156 = arith.constant 0 : i32
    %dma_wait3A_157 = tpu.memref_slice %arg2[%dma_wait3A_155, %dma_wait3A_156] : memref<10240x32xf32, #tpu.memory_space<hbm>> -> memref<10240x32xf32, #tpu.memory_space<hbm>>
    %dma_wait3A_158 = tpu.memref_slice %arg17[%dma_wait3A_151] : memref<8x!tpu.dma_semaphore, #tpu.memory_space<semaphore_mem>> -> memref<1x!tpu.dma_semaphore, #tpu.memory_space<semaphore_mem>>
    %dma_wait3A_159 = tpu.memref_squeeze %dma_wait3A_158 : memref<1x!tpu.dma_semaphore, #tpu.memory_space<semaphore_mem>> -> memref<!tpu.dma_semaphore, #tpu.memory_space<semaphore_mem>>
    tpu.wait_indirect_dma semaphore(%dma_wait3A_159 : memref<!tpu.dma_semaphore, #tpu.memory_space<semaphore_mem>>) src(%dma_wait3A_157 : memref<10240x32xf32, #tpu.memory_space<hbm>>) dst(%arg14 : memref<128x32xf32, #tpu.memory_space<vmem>>)
    %dma_wait3A_160 = arith.constant 79 : i32
    %dma_wait3A_161 = arith.constant 7 : i32
    %dma_wait3A_162 = arith.constant 0 : i32
    %dma_wait3A_163 = tpu.memref_slice %arg6[%dma_wait3A_160, %dma_wait3A_162] : memref<80x128xi32, #tpu.memory_space<vmem>> -> memref<1x128xi32, #tpu.memory_space<vmem>>
    %dma_wait3A_164 = tpu.memref_squeeze %dma_wait3A_163 : memref<1x128xi32, #tpu.memory_space<vmem>> -> memref<128xi32, #tpu.memory_space<vmem>>
    %dma_wait3A_165 = arith.constant 0 : i32
    %dma_wait3A_166 = arith.constant 0 : i32
    %dma_wait3A_167 = tpu.memref_slice %arg2[%dma_wait3A_165, %dma_wait3A_166] : memref<10240x32xf32, #tpu.memory_space<hbm>> -> memref<10240x32xf32, #tpu.memory_space<hbm>>
    %dma_wait3A_168 = tpu.memref_slice %arg17[%dma_wait3A_161] : memref<8x!tpu.dma_semaphore, #tpu.memory_space<semaphore_mem>> -> memref<1x!tpu.dma_semaphore, #tpu.memory_space<semaphore_mem>>
    %dma_wait3A_169 = tpu.memref_squeeze %dma_wait3A_168 : memref<1x!tpu.dma_semaphore, #tpu.memory_space<semaphore_mem>> -> memref<!tpu.dma_semaphore, #tpu.memory_space<semaphore_mem>>
    tpu.wait_indirect_dma semaphore(%dma_wait3A_169 : memref<!tpu.dma_semaphore, #tpu.memory_space<semaphore_mem>>) src(%dma_wait3A_167 : memref<10240x32xf32, #tpu.memory_space<hbm>>) dst(%arg15 : memref<128x32xf32, #tpu.memory_space<vmem>>)
    %barrier3A_170 = arith.constant 0 : index
    tpu.barrier barrier_id(%barrier3A_170)
    %mul3A_171 = arith.constant 640 : i32
    %mul3A_172 = arith.muli %arg1, %mul3A_171 : i32
    %mul3A_173 = arith.constant 640 : i32
    %mul3A_174 = arith.muli %arg1, %mul3A_173 : i32
    "tpu.region"() ({
      %run_scoped3A_175 = tpu.sem_alloc : memref<!tpu.dma_semaphore, #tpu.memory_space<semaphore_mem>>
      %dma_start3A_176 = arith.constant 0 : i32
      %dma_start3A_177 = tpu.memref_slice %arg5[%arg0, %mul3A_174, %dma_start3A_176] : memref<2x10240x32xf32, #tpu.memory_space<hbm>> -> memref<1x640x32xf32, #tpu.memory_space<hbm>>
      %dma_start3A_178 = tpu.memref_squeeze %dma_start3A_177 : memref<1x640x32xf32, #tpu.memory_space<hbm>> -> memref<640x32xf32, #tpu.memory_space<hbm>>
      %dma_start3A_179 = arith.constant 0 : i32
      %dma_start3A_180 = tpu.memref_slice %arg16[%mul3A_172, %dma_start3A_179] : memref<10240x32xf32, #tpu.memory_space<vmem_shared>> -> memref<640x32xf32, #tpu.memory_space<vmem_shared>>
      tpu.enqueue_dma source(%dma_start3A_180 : memref<640x32xf32, #tpu.memory_space<vmem_shared>>) target(%dma_start3A_178 : memref<640x32xf32, #tpu.memory_space<hbm>>) target_semaphore(%run_scoped3A_175 : memref<!tpu.dma_semaphore, #tpu.memory_space<semaphore_mem>>)
      %dma_wait3A_181 = arith.constant 0 : i32
      %dma_wait3A_182 = tpu.memref_slice %arg5[%arg0, %mul3A_174, %dma_wait3A_181] : memref<2x10240x32xf32, #tpu.memory_space<hbm>> -> memref<1x640x32xf32, #tpu.memory_space<hbm>>
      %dma_wait3A_183 = tpu.memref_squeeze %dma_wait3A_182 : memref<1x640x32xf32, #tpu.memory_space<hbm>> -> memref<640x32xf32, #tpu.memory_space<hbm>>
      %dma_wait3A_184 = arith.constant 0 : i32
      %dma_wait3A_185 = tpu.memref_slice %arg16[%mul3A_172, %dma_wait3A_184] : memref<10240x32xf32, #tpu.memory_space<vmem_shared>> -> memref<640x32xf32, #tpu.memory_space<vmem_shared>>
      tpu.wait_dma2 semaphore(%run_scoped3A_175 : memref<!tpu.dma_semaphore, #tpu.memory_space<semaphore_mem>>) src(%dma_wait3A_185 : memref<640x32xf32, #tpu.memory_space<vmem_shared>>) dst(%dma_wait3A_183 : memref<640x32xf32, #tpu.memory_space<hbm>>)
      tpu.yield
    }) : () -> ()
    return
  }
}

module attributes {stable_mosaic.version = 14 : i64} {
  func.func @_mm1s_body(%arg0: i32, %arg1: memref<2048x128xf32, #tpu.memory_space<vmem>>, %arg2: memref<2x2048x16xf32, #tpu.memory_space<vmem>>, %arg3: memref<128x32xf32, #tpu.memory_space<vmem>>, %arg4: memref<2048x32xf32, #tpu.memory_space<vmem>>) attributes {dimension_semantics = [#tpu.dimension_semantics<arbitrary>], iteration_bounds = array<i64: 5>, scalar_prefetch = 0 : i64, scratch_operands = 0 : i64, tpu.core_type = #tpu.core_type<tc>, window_params = [{transform_indices = @transform_0, window_bounds = array<i64: 2048, 128>}, {transform_indices = @transform_1, window_bounds = array<i64: 2, 2048, 16>}, {pipeline_mode = #tpu.pipeline_mode<synchronous>, transform_indices = @transform_2, window_bounds = array<i64: 128, 32>}, {transform_indices = @transform_3, window_bounds = array<i64: 2048, 32>}]} {
    %get3A = arith.constant 0 : index
    %get3A_0 = arith.constant 0 : index
    %get3A_1 = arith.constant 0 : index
    %get3A_2 = vector.load %arg2[%get3A, %get3A_0, %get3A_1] : memref<2x2048x16xf32, #tpu.memory_space<vmem>>, vector<2x2048x16xf32>
    %slice3A = vector.extract_strided_slice %get3A_2 {offsets = [0, 0, 0], sizes = [1, 2048, 1], strides = [1, 1, 1]} : vector<2x2048x16xf32> to vector<1x2048x1xf32>
    %squeeze3A = vector.shape_cast %slice3A : vector<1x2048x1xf32> to vector<2048x1xf32>
    %get3A_3 = arith.constant 0 : index
    %get3A_4 = arith.constant 0 : index
    %get3A_5 = vector.load %arg1[%get3A_3, %get3A_4] : memref<2048x128xf32, #tpu.memory_space<vmem>>, vector<2048x128xf32>
    %gt3A = arith.constant 0.000000e+00 : f32
    %gt3A_6 = vector.broadcast %gt3A : f32 to vector<2048x1xf32>
    %gt3A_7 = arith.cmpf ogt, %squeeze3A, %gt3A_6 : vector<2048x1xf32>
    %max3A = arith.constant 1.000000e+00 : f32
    %max3A_8 = vector.broadcast %max3A : f32 to vector<2048x1xf32>
    %max3A_9 = arith.maximumf %squeeze3A, %max3A_8 : vector<2048x1xf32>
    %rsqrt3A = math.rsqrt %max3A_9 : vector<2048x1xf32>
    %jit3A = arith.constant 0.000000e+00 : f32
    %broadcast_in_dim3A = vector.broadcast %jit3A : f32 to vector<2048x1xf32>
    %select_n3A = arith.select %gt3A_7, %rsqrt3A, %broadcast_in_dim3A : vector<2048x1xi1>, vector<2048x1xf32>
    %mul3A = vector.broadcast %select_n3A : vector<2048x1xf32> to vector<2048x128xf32>
    %mul3A_10 = arith.mulf %get3A_5, %mul3A : vector<2048x128xf32>
    %get3A_11 = arith.constant 0 : index
    %get3A_12 = arith.constant 0 : index
    %get3A_13 = vector.load %arg3[%get3A_11, %get3A_12] : memref<128x32xf32, #tpu.memory_space<vmem>>, vector<128x32xf32>
    %dot_general3A = arith.constant dense<0.000000e+00> : vector<2048x32xf32>
    %dot_general3A_14 = tpu.matmul %mul3A_10, %get3A_13, %dot_general3A {dimension_numbers = #tpu.dot_dimension_numbers<[1], [0], [0], [1], [0, 0, 1, 1], [], []>, transpose_lhs_hint = false} : vector<2048x128xf32>, vector<128x32xf32>, vector<2048x32xf32> -> vector<2048x32xf32>
    %swap3A = arith.constant 0 : index
    %swap3A_15 = arith.constant 0 : index
    %swap3A_16 = vector.load %arg4[%swap3A, %swap3A_15] : memref<2048x32xf32, #tpu.memory_space<vmem>>, vector<2048x32xf32>
    tpu.vector_store %arg4[%swap3A, %swap3A_15], %dot_general3A_14 {strides = array<i32>} : memref<2048x32xf32, #tpu.memory_space<vmem>>, vector<2048x32xf32>,
    return
  }
  func.func @transform_0(%arg0: i32) -> (i32, i32) {
    %c0_i32 = arith.constant 0 : i32
    %c0_i32_0 = arith.constant 0 : i32
    return %arg0, %c0_i32 : i32, i32
  }
  func.func @transform_1(%arg0: i32) -> (i32, i32, i32) {
    %c0_i32 = arith.constant 0 : i32
    %c0_i32_0 = arith.constant 0 : i32
    %c0_i32_1 = arith.constant 0 : i32
    return %c0_i32, %arg0, %c0_i32_0 : i32, i32, i32
  }
  func.func @transform_2(%arg0: i32) -> (i32, i32) {
    %c0_i32 = arith.constant 0 : i32
    %c0_i32_0 = arith.constant 0 : i32
    %c0_i32_1 = arith.constant 0 : i32
    return %c0_i32, %c0_i32_0 : i32, i32
  }
  func.func @transform_3(%arg0: i32) -> (i32, i32) {
    %c0_i32 = arith.constant 0 : i32
    %c0_i32_0 = arith.constant 0 : i32
    return %arg0, %c0_i32 : i32, i32
  }
}

module attributes {stable_mosaic.version = 14 : i64} {
  func.func @_layer2_body(%arg0: i32, %arg1: memref<2x2048x32xf32, #tpu.memory_space<vmem>>, %arg2: memref<2x2048x16xf32, #tpu.memory_space<vmem>>, %arg3: memref<32x16xf32, #tpu.memory_space<vmem>>, %arg4: memref<1x32xf32, #tpu.memory_space<vmem>>, %arg5: memref<2048x16xf32, #tpu.memory_space<vmem>>) attributes {dimension_semantics = [#tpu.dimension_semantics<arbitrary>], iteration_bounds = array<i64: 5>, scalar_prefetch = 0 : i64, scratch_operands = 0 : i64, tpu.core_type = #tpu.core_type<tc>, window_params = [{transform_indices = @transform_0, window_bounds = array<i64: 2, 2048, 32>}, {transform_indices = @transform_1, window_bounds = array<i64: 2, 2048, 16>}, {pipeline_mode = #tpu.pipeline_mode<synchronous>, transform_indices = @transform_2, window_bounds = array<i64: 32, 16>}, {pipeline_mode = #tpu.pipeline_mode<synchronous>, transform_indices = @transform_3, window_bounds = array<i64: 1, 32>}, {transform_indices = @transform_4, window_bounds = array<i64: 2048, 16>}]} {
    %get3A = arith.constant 0 : index
    %get3A_0 = arith.constant 0 : index
    %get3A_1 = arith.constant 0 : index
    %get3A_2 = vector.load %arg1[%get3A, %get3A_0, %get3A_1] : memref<2x2048x32xf32, #tpu.memory_space<vmem>>, vector<2x2048x32xf32>
    %slice3A = vector.extract_strided_slice %get3A_2 {offsets = [0, 0, 0], sizes = [1, 2048, 32], strides = [1, 1, 1]} : vector<2x2048x32xf32> to vector<1x2048x32xf32>
    %squeeze3A = vector.shape_cast %slice3A : vector<1x2048x32xf32> to vector<2048x32xf32>
    %slice3A_3 = vector.extract_strided_slice %get3A_2 {offsets = [1, 0, 0], sizes = [1, 2048, 32], strides = [1, 1, 1]} : vector<2x2048x32xf32> to vector<1x2048x32xf32>
    %squeeze3A_4 = vector.shape_cast %slice3A_3 : vector<1x2048x32xf32> to vector<2048x32xf32>
    %add3A = arith.addf %squeeze3A, %squeeze3A_4 : vector<2048x32xf32>
    %get3A_5 = arith.constant 0 : index
    %get3A_6 = arith.constant 0 : index
    %get3A_7 = arith.constant 0 : index
    %get3A_8 = vector.load %arg2[%get3A_5, %get3A_6, %get3A_7] : memref<2x2048x16xf32, #tpu.memory_space<vmem>>, vector<2x2048x16xf32>
    %slice3A_9 = vector.extract_strided_slice %get3A_8 {offsets = [0, 0, 0], sizes = [1, 2048, 1], strides = [1, 1, 1]} : vector<2x2048x16xf32> to vector<1x2048x1xf32>
    %squeeze3A_10 = vector.shape_cast %slice3A_9 : vector<1x2048x1xf32> to vector<2048x1xf32>
    %slice3A_11 = vector.extract_strided_slice %get3A_8 {offsets = [1, 0, 0], sizes = [1, 2048, 1], strides = [1, 1, 1]} : vector<2x2048x16xf32> to vector<1x2048x1xf32>
    %squeeze3A_12 = vector.shape_cast %slice3A_11 : vector<1x2048x1xf32> to vector<2048x1xf32>
    %gt3A = arith.constant 0.000000e+00 : f32
    %gt3A_13 = vector.broadcast %gt3A : f32 to vector<2048x1xf32>
    %gt3A_14 = arith.cmpf ogt, %squeeze3A_12, %gt3A_13 : vector<2048x1xf32>
    %max3A = arith.constant 1.000000e+00 : f32
    %max3A_15 = vector.broadcast %max3A : f32 to vector<2048x1xf32>
    %max3A_16 = arith.maximumf %squeeze3A_12, %max3A_15 : vector<2048x1xf32>
    %rsqrt3A = math.rsqrt %max3A_16 : vector<2048x1xf32>
    %jit3A = arith.constant 0.000000e+00 : f32
    %broadcast_in_dim3A = vector.broadcast %jit3A : f32 to vector<2048x1xf32>
    %select_n3A = arith.select %gt3A_14, %rsqrt3A, %broadcast_in_dim3A : vector<2048x1xi1>, vector<2048x1xf32>
    %mul3A = vector.broadcast %select_n3A : vector<2048x1xf32> to vector<2048x32xf32>
    %mul3A_17 = arith.mulf %add3A, %mul3A : vector<2048x32xf32>
    %get3A_18 = arith.constant 0 : index
    %get3A_19 = arith.constant 0 : index
    %get3A_20 = vector.load %arg4[%get3A_18, %get3A_19] : memref<1x32xf32, #tpu.memory_space<vmem>>, vector<1x32xf32>
    %add3A_21 = vector.broadcast %get3A_20 : vector<1x32xf32> to vector<2048x32xf32>
    %add3A_22 = arith.addf %mul3A_17, %add3A_21 : vector<2048x32xf32>
    %max3A_23 = arith.constant 0.000000e+00 : f32
    %max3A_24 = vector.broadcast %max3A_23 : f32 to vector<2048x32xf32>
    %max3A_25 = arith.maximumf %add3A_22, %max3A_24 : vector<2048x32xf32>
    %get3A_26 = arith.constant 0 : index
    %get3A_27 = arith.constant 0 : index
    %get3A_28 = vector.load %arg3[%get3A_26, %get3A_27] : memref<32x16xf32, #tpu.memory_space<vmem>>, vector<32x16xf32>
    %dot_general3A = arith.constant dense<0.000000e+00> : vector<2048x16xf32>
    %dot_general3A_29 = tpu.matmul %max3A_25, %get3A_28, %dot_general3A {dimension_numbers = #tpu.dot_dimension_numbers<[1], [0], [0], [1], [0, 0, 1, 1], [], []>, transpose_lhs_hint = false} : vector<2048x32xf32>, vector<32x16xf32>, vector<2048x16xf32> -> vector<2048x16xf32>
    %gt3A_30 = arith.constant 0.000000e+00 : f32
    %gt3A_31 = vector.broadcast %gt3A_30 : f32 to vector<2048x1xf32>
    %gt3A_32 = arith.cmpf ogt, %squeeze3A_10, %gt3A_31 : vector<2048x1xf32>
    %max3A_33 = arith.constant 1.000000e+00 : f32
    %max3A_34 = vector.broadcast %max3A_33 : f32 to vector<2048x1xf32>
    %max3A_35 = arith.maximumf %squeeze3A_10, %max3A_34 : vector<2048x1xf32>
    %rsqrt3A_36 = math.rsqrt %max3A_35 : vector<2048x1xf32>
    %jit3A_37 = arith.constant 0.000000e+00 : f32
    %broadcast_in_dim3A_38 = vector.broadcast %jit3A_37 : f32 to vector<2048x1xf32>
    %select_n3A_39 = arith.select %gt3A_32, %rsqrt3A_36, %broadcast_in_dim3A_38 : vector<2048x1xi1>, vector<2048x1xf32>
    %mul3A_40 = vector.broadcast %select_n3A_39 : vector<2048x1xf32> to vector<2048x16xf32>
    %mul3A_41 = arith.mulf %dot_general3A_29, %mul3A_40 : vector<2048x16xf32>
    %swap3A = arith.constant 0 : index
    %swap3A_42 = arith.constant 0 : index
    %swap3A_43 = vector.load %arg5[%swap3A, %swap3A_42] : memref<2048x16xf32, #tpu.memory_space<vmem>>, vector<2048x16xf32>
    tpu.vector_store %arg5[%swap3A, %swap3A_42], %mul3A_41 {strides = array<i32>} : memref<2048x16xf32, #tpu.memory_space<vmem>>, vector<2048x16xf32>,
    return
  }
  func.func @transform_0(%arg0: i32) -> (i32, i32, i32) {
    %c0_i32 = arith.constant 0 : i32
    %c0_i32_0 = arith.constant 0 : i32
    %c0_i32_1 = arith.constant 0 : i32
    return %c0_i32, %arg0, %c0_i32_0 : i32, i32, i32
  }
  func.func @transform_1(%arg0: i32) -> (i32, i32, i32) {
    %c0_i32 = arith.constant 0 : i32
    %c0_i32_0 = arith.constant 0 : i32
    %c0_i32_1 = arith.constant 0 : i32
    return %c0_i32, %arg0, %c0_i32_0 : i32, i32, i32
  }
  func.func @transform_2(%arg0: i32) -> (i32, i32) {
    %c0_i32 = arith.constant 0 : i32
    %c0_i32_0 = arith.constant 0 : i32
    %c0_i32_1 = arith.constant 0 : i32
    return %c0_i32, %c0_i32_0 : i32, i32
  }
  func.func @transform_3(%arg0: i32) -> (i32, i32) {
    %c0_i32 = arith.constant 0 : i32
    %c0_i32_0 = arith.constant 0 : i32
    %c0_i32_1 = arith.constant 0 : i32
    return %c0_i32, %c0_i32_0 : i32, i32
  }
  func.func @transform_4(%arg0: i32) -> (i32, i32) {
    %c0_i32 = arith.constant 0 : i32
    %c0_i32_0 = arith.constant 0 : i32
    return %arg0, %c0_i32 : i32, i32
  }
}

module attributes {stable_mosaic.version = 14 : i64} {
  func.func @_final_body(%arg0: i32, %arg1: memref<2x2048x16xf32, #tpu.memory_space<vmem>>, %arg2: memref<2x2048x16xf32, #tpu.memory_space<vmem>>, %arg3: memref<1x8xf32, #tpu.memory_space<vmem>>, %arg4: memref<2048x8xf32, #tpu.memory_space<vmem>>) attributes {dimension_semantics = [#tpu.dimension_semantics<arbitrary>], iteration_bounds = array<i64: 5>, scalar_prefetch = 0 : i64, scratch_operands = 0 : i64, tpu.core_type = #tpu.core_type<tc>, window_params = [{transform_indices = @transform_0, window_bounds = array<i64: 2, 2048, 16>}, {transform_indices = @transform_1, window_bounds = array<i64: 2, 2048, 16>}, {pipeline_mode = #tpu.pipeline_mode<synchronous>, transform_indices = @transform_2, window_bounds = array<i64: 1, 8>}, {transform_indices = @transform_3, window_bounds = array<i64: 2048, 8>}]} {
    %get3A = arith.constant 0 : index
    %get3A_0 = arith.constant 0 : index
    %get3A_1 = arith.constant 0 : index
    %get3A_2 = vector.load %arg1[%get3A, %get3A_0, %get3A_1] : memref<2x2048x16xf32, #tpu.memory_space<vmem>>, vector<2x2048x16xf32>
    %slice3A = vector.extract_strided_slice %get3A_2 {offsets = [0, 0, 0], sizes = [1, 2048, 16], strides = [1, 1, 1]} : vector<2x2048x16xf32> to vector<1x2048x16xf32>
    %squeeze3A = vector.shape_cast %slice3A : vector<1x2048x16xf32> to vector<2048x16xf32>
    %slice3A_3 = vector.extract_strided_slice %get3A_2 {offsets = [1, 0, 0], sizes = [1, 2048, 16], strides = [1, 1, 1]} : vector<2x2048x16xf32> to vector<1x2048x16xf32>
    %squeeze3A_4 = vector.shape_cast %slice3A_3 : vector<1x2048x16xf32> to vector<2048x16xf32>
    %add3A = arith.addf %squeeze3A, %squeeze3A_4 : vector<2048x16xf32>
    %get3A_5 = arith.constant 0 : index
    %get3A_6 = arith.constant 0 : index
    %get3A_7 = arith.constant 0 : index
    %get3A_8 = vector.load %arg2[%get3A_5, %get3A_6, %get3A_7] : memref<2x2048x16xf32, #tpu.memory_space<vmem>>, vector<2x2048x16xf32>
    %slice3A_9 = vector.extract_strided_slice %get3A_8 {offsets = [1, 0, 0], sizes = [1, 2048, 1], strides = [1, 1, 1]} : vector<2x2048x16xf32> to vector<1x2048x1xf32>
    %squeeze3A_10 = vector.shape_cast %slice3A_9 : vector<1x2048x1xf32> to vector<2048x1xf32>
    %slice3A_11 = vector.extract_strided_slice %add3A {offsets = [0, 0], sizes = [2048, 8], strides = [1, 1]} : vector<2048x16xf32> to vector<2048x8xf32>
    %gt3A = arith.constant 0.000000e+00 : f32
    %gt3A_12 = vector.broadcast %gt3A : f32 to vector<2048x1xf32>
    %gt3A_13 = arith.cmpf ogt, %squeeze3A_10, %gt3A_12 : vector<2048x1xf32>
    %max3A = arith.constant 1.000000e+00 : f32
    %max3A_14 = vector.broadcast %max3A : f32 to vector<2048x1xf32>
    %max3A_15 = arith.maximumf %squeeze3A_10, %max3A_14 : vector<2048x1xf32>
    %rsqrt3A = math.rsqrt %max3A_15 : vector<2048x1xf32>
    %jit3A = arith.constant 0.000000e+00 : f32
    %broadcast_in_dim3A = vector.broadcast %jit3A : f32 to vector<2048x1xf32>
    %select_n3A = arith.select %gt3A_13, %rsqrt3A, %broadcast_in_dim3A : vector<2048x1xi1>, vector<2048x1xf32>
    %mul3A = vector.broadcast %select_n3A : vector<2048x1xf32> to vector<2048x8xf32>
    %mul3A_16 = arith.mulf %slice3A_11, %mul3A : vector<2048x8xf32>
    %get3A_17 = arith.constant 0 : index
    %get3A_18 = arith.constant 0 : index
    %get3A_19 = vector.load %arg3[%get3A_17, %get3A_18] : memref<1x8xf32, #tpu.memory_space<vmem>>, vector<1x8xf32>
    %add3A_20 = vector.broadcast %get3A_19 : vector<1x8xf32> to vector<2048x8xf32>
    %add3A_21 = arith.addf %mul3A_16, %add3A_20 : vector<2048x8xf32>
    %swap3A = arith.constant 0 : index
    %swap3A_22 = arith.constant 0 : index
    %swap3A_23 = vector.load %arg4[%swap3A, %swap3A_22] : memref<2048x8xf32, #tpu.memory_space<vmem>>, vector<2048x8xf32>
    tpu.vector_store %arg4[%swap3A, %swap3A_22], %add3A_21 {strides = array<i32>} : memref<2048x8xf32, #tpu.memory_space<vmem>>, vector<2048x8xf32>,
    return
  }
  func.func @transform_0(%arg0: i32) -> (i32, i32, i32) {
    %c0_i32 = arith.constant 0 : i32
    %c0_i32_0 = arith.constant 0 : i32
    %c0_i32_1 = arith.constant 0 : i32
    return %c0_i32, %arg0, %c0_i32_0 : i32, i32, i32
  }
  func.func @transform_1(%arg0: i32) -> (i32, i32, i32) {
    %c0_i32 = arith.constant 0 : i32
    %c0_i32_0 = arith.constant 0 : i32
    %c0_i32_1 = arith.constant 0 : i32
    return %c0_i32, %arg0, %c0_i32_0 : i32, i32, i32
  }
  func.func @transform_2(%arg0: i32) -> (i32, i32) {
    %c0_i32 = arith.constant 0 : i32
    %c0_i32_0 = arith.constant 0 : i32
    %c0_i32_1 = arith.constant 0 : i32
    return %c0_i32, %c0_i32_0 : i32, i32
  }
  func.func @transform_3(%arg0: i32) -> (i32, i32) {
    %c0_i32 = arith.constant 0 : i32
    %c0_i32_0 = arith.constant 0 : i32
    return %arg0, %c0_i32 : i32, i32
  }
}

</mosaic_0001>

<sc_bundles>
// kernel: kernel.11.cloned.1.call-start
scs
__scs_entry_jumppad:
0x0: {  	(pc) =	sbr.rel $0x88, $3  }
0x1: {  	(tag) =	ssettag $0x0;
	lr =	simm.s32 $0x1  }
0x2: {  	[smem:$0x3F9B] =	sst lr;
	_ =	strace $0xD0000000  }
0x3: {  	_ = 	snop  }
0x4: {  	_ = 	snop  }
0x5: {  	_ = 	snop  }
0x6: {  	_ = 	snop  }
0x7: {  	_ = 	snop  }
__scs_overlays_trampoline_lowered:
0x8: {  	[smem:$0x3FAA] =	sst s0  }
0x9: {  	[smem:$0x3FAB] =	sst s1  }
0xa: {  	[smem:$0x3FAC] =	sst s2  }
0xb: {  	[smem:$0x3FAD] =	sst s3  }
0xc: {  	[smem:$0x3FAE] =	sst s4  }
0xd: {  	[smem:$0x3FAF] =	sst s5  }
0xe: {  	[smem:$0x3FB0] =	sst s6  }
0xf: {  	[smem:$0x3FB1] =	sst s7  }
0x10: {  	[smem:$0x3FB2] =	sst s8  }
0x11: {  	[smem:$0x3FB3] =	sst s9;
	s0 =	simm.s32 @!p0 $0x0  }
0x12: {  	s1 =	sld [smem:$0x3F99];
	s0 =	simm.s32 @p0 $0x1  }
0x13: {  	[smem:$0x3FB4] =	sst s0;
	s0 =	simm.s32 @!p1 $0x0  }
0x14: {  	s2 =	sld [smem:$0x3F98];
	s0 =	simm.s32 @p1 $0x1  }
0x15: {  	[smem:$0x3FB5] =	sst s0;
	s0 =	simm.s32 @!p2 $0x0  }
0x16: {  	s3 =	sld [smem:$0x3FDB];
	s0 =	simm.s32 @p2 $0x1  }
0x17: {  	s4 =	simm.s32 $0x1BF5;
	[smem:$0x3FB7] =	sst s0  }
0x18: {  	s0 =	sld [smem:$0x3F9A];
	_ =	swait.ge [sflag:s4], $0x0  }
0x19: {  	s7 =	sld [smem:$0x3F9B]  }
0x1a: {  	s8 =	sadd.s32 $0xFFFFE003, lr  }
0x1b: {  	s9 =	sadd.s32 $0xFFFFFEF7, lr;
	s5 =	simm.s32 $0xFFFFFFFF;
	p2 =	slt.u32 s8, $0xFFFFF086  }
0x1c: {  	p1 =	slt.u32 s9, $0xF7A;
	s5 =	simm.s32 @!p2 $0x0  }
0x1d: {  	s5 =	simm.s32 @p1 $0x1;
	p0 =	seq.s32 s7, s2  }
0x1e: {  	s7 =	smul.u32 @!p0 $0xF7A, s2;
	p2 =	seq.s32 @!p0 s5, $0x0  }
0x1f: {  	s9 =	smul.u32 $0xF7A, s1;
	s8 =	simm.s32 @!p0 $0x1BF5;
	p2 =	por !p2, p0  }
0x20: {  	[sflag:s8] =	ssyncset.s32 @!p0 $0xFFFFF086;
	s6 =	sadd.s32 @!p0 s3, s7;
	s7 =	simm.s32 @!p0 $0x108  }
0x21: {  	s3 =	sadd.s32 s3, s9;
	s6 =	sadd.s32 @!p0 $0x88, s6;
	s7 =	simm.s32 @p2 $0x1082  }
0x22: {  	[simem:s7], [sflag:s8] =	dma.local @!p0 [hbm:s6], $0xF7A  }
0x23: {  	s9 =	sor.u32 $0xD0000000, s2;
	s6 =	simm.s32 $0x108;
	_ =	swait.ge @!p0 [sflag:s8], $0x0  }
0x24: {  	s3 =	sadd.s32 $0x88, s3;
	s6 =	simm.s32 @!p1 $0x1082;
	[sflag:s4] =	ssyncset.s32 $0xFFFFF086  }
0x25: {  	[simem:s6], [sflag:s4] =	dma.local [hbm:s3], $0xF7A  }
0x26: {  	[smem:$0x3F9B] =	sst s1;
	(tag) =	ssettag s2;
	_ =	strace s9  }
0x27: {  	s1 =	sld [smem:$0x3FAB]  }
0x28: {  	s2 =	sld [smem:$0x3FAC]  }
0x29: {  	s4 =	sld [smem:$0x3FAE]  }
0x2a: {  	p0 =	seq.s32 s5, $0x0;
	s5 =	sld [smem:$0x3FAF]  }
0x2b: {  	s6 =	sld [smem:$0x3FB0]  }
0x2c: {  	s7 =	sld [smem:$0x3FB1]  }
0x2d: {  	s3 =	simm.s32 $0x108;
	s8 =	sld [smem:$0x3FB2]  }
0x2e: {  	s3 =	simm.s32 @!p0 $0x1082;
	s9 =	sld [smem:$0x3FB3]  }
0x2f: {  	lr =	sadd.s32 s0, s3;
	s0 =	sld [smem:$0x3FAA]  }
0x30: {  	s3 =	sld [smem:$0x3FAD]  }
0x31: {  	[smem:$0x3FB6] =	sst s10  }
0x32: {  	s10 =	sld [smem:$0x3FB4];
	_ =	sdelay $0x3  }
0x33: {  	p0 =	seq.s32 s10, $0x1;
	s10 =	sld [smem:$0x3FB6];
	_ =	sdelay $0x3  }
0x34: {  	[smem:$0x3FB6] =	sst s10  }
0x35: {  	s10 =	sld [smem:$0x3FB5];
	_ =	sdelay $0x3  }
0x36: {  	p1 =	seq.s32 s10, $0x1;
	s10 =	sld [smem:$0x3FB6];
	_ =	sdelay $0x3  }
0x37: {  	[smem:$0x3FB6] =	sst s10  }
0x38: {  	s10 =	sld [smem:$0x3FB7]  }
0x39: {  	_ = 	snop;
	(pc) =	sbr.ind lr, $3  }
0x3a: {  	_ = 	snop  }
0x3b: {  	_ = 	snop  }
0x3c: {  	p2 =	seq.s32 s10, $0x1;
	s10 =	sld [smem:$0x3FB6]  }
0x3d: {  	_ =	shalt  }
0x3e: {  	_ =	shalt  }
0x3f: {  	_ =	shalt  }
0x40: {  	_ =	shalt  }
0x41: {  	_ =	shalt  }
0x42: {  	_ =	shalt  }
0x43: {  	_ =	shalt  }
0x44: {  	_ =	shalt  }
0x45: {  	_ =	shalt  }
0x46: {  	_ =	shalt  }
0x47: {  	_ =	shalt  }
0x48: {  	_ =	shalt  }
0x49: {  	_ =	shalt  }
0x4a: {  	_ =	shalt  }
0x4b: {  	_ =	shalt  }
0x4c: {  	_ =	shalt  }
0x4d: {  	_ =	shalt  }
0x4e: {  	_ =	shalt  }
0x4f: {  	_ =	shalt  }
0x50: {  	_ =	shalt  }
0x51: {  	_ =	shalt  }
0x52: {  	_ =	shalt  }
0x53: {  	_ =	shalt  }
0x54: {  	_ =	shalt  }
0x55: {  	_ =	shalt  }
0x56: {  	_ =	shalt  }
0x57: {  	_ =	shalt  }
0x58: {  	_ =	shalt  }
0x59: {  	_ =	shalt  }
0x5a: {  	_ =	shalt  }
0x5b: {  	_ =	shalt  }
0x5c: {  	_ =	shalt  }
0x5d: {  	_ =	shalt  }
0x5e: {  	_ =	shalt  }
0x5f: {  	_ =	shalt  }
0x60: {  	_ =	shalt  }
0x61: {  	_ =	shalt  }
0x62: {  	_ =	shalt  }
0x63: {  	_ =	shalt  }
0x64: {  	_ =	shalt  }
0x65: {  	_ =	shalt  }
0x66: {  	_ =	shalt  }
0x67: {  	_ =	shalt  }
0x68: {  	_ =	shalt  }
0x69: {  	_ =	shalt  }
0x6a: {  	_ =	shalt  }
0x6b: {  	_ =	shalt  }
0x6c: {  	_ =	shalt  }
0x6d: {  	_ =	shalt  }
0x6e: {  	_ =	shalt  }
0x6f: {  	_ =	shalt  }
0x70: {  	_ =	shalt  }
0x71: {  	_ =	shalt  }
0x72: {  	_ =	shalt  }
0x73: {  	_ =	shalt  }
0x74: {  	_ =	shalt  }
0x75: {  	_ =	shalt  }
0x76: {  	_ =	shalt  }
0x77: {  	_ =	shalt  }
0x78: {  	_ =	shalt  }
0x79: {  	_ =	shalt  }
0x7a: {  	_ =	shalt  }
0x7b: {  	_ =	shalt  }
0x7c: {  	_ =	shalt  }
0x7d: {  	_ =	shalt  }
0x7e: {  	_ =	shalt  }
0x7f: {  	_ =	shalt  }
0x80: {  	_ =	shalt  }
0x81: {  	_ =	shalt  }
0x82: {  	_ =	shalt  }
0x83: {  	_ =	shalt  }
0x84: {  	_ =	shalt  }
0x85: {  	_ =	shalt  }
0x86: {  	_ =	shalt  }
0x87: {  	_ =	shalt  }
.Lfunc_end0:
.L_simem_size_0:
called_computation.1_lowered:
.L_overlay_start_0:
0x88: {  	s2 =	sld [smem:$0x3FD9]  }
0x89: {  	s3 =	sld [smem:$0x3FFE];
	_ =	sdelay $0x1  }
0x8a: {  	s1 =	srdreg.scid  }
0x8b: {  	s0 =	sand.u32 $0x1, s1  }
0x8c: {  	s16 =	sshll.u32 s0, $0xA;
	s2 =	sadd.s32 s3, s2  }
0x8d: {  	s2 =	sadd.s32 s2, s16  }
0x8e: {  	[smem:$0x3FC2] =	sst s2  }
0x8f: {  	_ = 	snop  }
0x90: {  	(tm) =	ssettm $0x1  }
0x91: {  	s17 =	sld [smem:$0x3FFB];
	_ =	sdelay $0x3  }
0x92: {  	_ =	strace s17  }
0x93: {  	s2 =	sld [smem:$0x3FFC];
	_ =	sdelay $0x3  }
0x94: {  	_ =	strace s2  }
0x95: {  	s2 =	sld [smem:$0x3FFD];
	_ =	sdelay $0x3  }
0x96: {  	_ =	strace s2  }
0x97: {  	_ =	strace $0x8FFFFFFF  }
0x98: {  	s18 =	sld [smem:$0x3FDB];
	_ =	sdelay $0x1  }
0x99: {  	s19 =	simm.s32 $_scs_section_size  }
0x9a: {  	s4 =	simm.s32 $_size__tile_overlayer_lowered;
	s5 =	simm.s32 $_tile_overlayer_lowered  }
0x9b: {  	s22 =	simm.s32 $0x1BFF;
	s21 =	sshll.u32 s5, $0x1;
	s2 =	sadd.s32 s19, s18  }
0x9c: {  	s6 =	simm.s32 $0x0;
	s20 =	sshll.u32 s4, $0x1;
	s4 =	sadd.s32 s21, s2  }
0x9d: {  	[timem:s6], [sflag:s22] =	dma.local [hbm:s4], s20  }
0x9e: {  	_ =	swait.ge [sflag:s22], s20  }
0x9f: {  	s3 =	ssub.s32 $0x0, s20;
	[sflag:s22] =	ssyncset.done $0x0  }
0xa0: {  	[sflag:s22] =	ssyncadd.s32 s3;
	_ =	sdelay $0x1  }
0xa1: {  	s23 =	simm.s32 $0x1B8B  }
0xa2: {  	_ =	swait.ge [sflag:s23], $0x1  }
0xa3: {  	[sflag:s23] =	ssyncset.done $0x0  }
0xa4: {  	s25 =	simm.s32 $0x1B8E;
	s24 =	sld [smem:$0x3FFE];
	[sflag:s23] =	ssyncadd.s32 $0xFFFFFFFF  }
0xa5: {  	s26 =	simm.s32 $execute0_lowered;
	[smem:$0x3FD2] =	sst s25  }
0xa6: {  	s4 =	sshll.u32 s26, $0x1;
	_ =	strace $0x80000049;
	[dreg:$0x1] =	wrdreg $0xFFFFFFFF  }
0xa7: {  	s28 =	simm.s32 $_size_execute0_lowered;
	s2 =	sadd.s32 s2, s4;
	[dreg:$0x0] =	wrdreg $0x0  }
0xa8: {  	s4 =	sshll.u32 s28, $0x1;
	[dreg:$0x2] =	wrdreg s2  }
0xa9: {  	[dreg:$0x3] =	wrdreg s4  }
0xaa: {  	[dreg:$0x4] =	wrdreg $0xC0  }
0xab: {  	_ =	task [dreg:s6], $0x5FFFF  }
0xac: {  	[dreg:$0x1] =	wrdreg $0xFFFFFFFF  }
0xad: {  	[dreg:$0x0] =	wrdreg $0x60  }
0xae: {  	[dreg:$0x2] =	wrdreg s24  }
0xaf: {  	[dreg:$0x3] =	wrdreg $0xD0000  }
0xb0: {  	[dreg:$0x4] =	wrdreg $0x9  }
0xb1: {  	_ =	task.clear_ibuf [dreg:s6], $0x5FFFF;
	_ =	strace $0x90000049  }
0xb2: {  	s29 =	simm.s32 $0x9;
	_ =	strace $0x8000004B  }
0xb3: {  	_ =	swait.ge [sflag:s29], $0x1  }
0xb4: {  	[sflag:s29] =	ssyncadd.s32 $0xFFFFFFFF  }
0xb5: {  	_ =	strace $0x9000004B  }
0xb6: {  	_ =	sfence  }
0xb7: {  	s30 =	sld [smem:$0x0];
	_ =	sdelay $0x2  }
0xb8: {  	s31 =	sshll.u32 s1, $0xD;
	s1 =	sshrl.u32 s1, $0x2  }
0xb9: {  	s3 =	sand.u32 $0x4000, s31;
	s1 =	sadd.s32 s1, s30  }
0xba: {  	s0 =	sor.u32 s3, s0;
	s1 =	sshll.u32 s1, $0x11  }
0xbb: {  	s0 =	sor.u32 s1, s0  }
0xbc: {  	s0 =	sadd.s32 $0x8F2B, s0  }
0xbd: {  	[sflag:s0] =	ssyncadd.remote.s32 $0x1  }
0xbe: {  	_ =	sfence.sel $0xFFFF  }
0xbf: {  	[dreg:$0x0] =	wrdreg $0xFFFFFFFF;
	(pc) =	sbr.abs _section_cstart, $3  }
0xc0: {  	[dreg:$0x1] =	wrdreg $0xFFFFFFFF  }
0xc1: {  	_ =	task.clear_ibuf [dreg:s6], $0x2FFFF;
	_ =	strace $0x9FFFFFFF  }
0xc2: {  	(tm) =	ssettm $0x7FFFFFFF  }
0xc3: {  	_ =	shalt  }
tec
execute0_lowered:
.L_overlay_start_1:
0x0: {  	(tag) =	ssettag $0x1  }
0x1: {  	s0 =	srdreg.scid;
	s1 =	rddreg [dreg:$0x0]  }
0x2: {  	s9 =	stileid.u32;
	s2 =	rddreg [dreg:$0x1];
	s6 =	simm.s32 $0x0  }
0x3: {  	s12 =	simm.s32 $0x11;
	s14 =	simm.s32 $0x80;
	s15 =	simm.s32 $0x5000  }
0x4: {  	s16 =	simm.s32 $0x6000;
	s18 =	simm.s32 $0x7000;
	s20 =	simm.s32 $0x8000  }
0x5: {  	s22 =	simm.s32 $0x9000;
	s29 =	simm.s32 $0xC000;
	s30 =	simm.s32 $0x1  }
0x6: {  	s31 =	simm.s32 $0x2;
	s13 =	simm.s32 $0x5;
	s17 =	simm.s32 $0x6  }
0x7: {  	s19 =	simm.s32 $0x7;
	s21 =	simm.s32 $0x8;
	s23 =	simm.s32 $0x9  }
0x8: {  	s28 =	simm.s32 $0xB;
	s10 =	simm.s32 $0x10;
	s4 =	smul.u32 $0x50, s9  }
0x9: {  	s0 =	sand.u32 $0x1, s0;
	s5 =	smul.u32 $0x5000, s9;
	[smem:$0x7FF] =	sst s6  }
0xa: {  	s25 =	sshll.u32 s9, $0x6;
	s9 =	simm.s32 $0xF;
	s3 =	smul.u32 $0x500, s0  }
0xb: {  	s24 =	smul.u32 $0x50000, s0;
	_ =	strace $0x8000004A;
	s0 =	ssub.s32 $0x2, s0  }
0xc: {  	s7 =	sshrl.u32 s5, $0x3;
	s8 =	sshrl.u32 s0, $0x1;
	s3 =	sadd.s32 s4, s3  }
0xd: {  	s4 =	sadd.s32 $0x6AE00, s1;
	s6 =	sadd.s32 s5, s24;
	s7 =	sadd.s32 s7, s1  }
0xe: {  	s0 =	ssub.s32 s0, s8;
	s5 =	sadd.s32 s5, s2;
	s24 =	simm.s32 $0xA000  }
0xf: {  	s8 =	simm.s32 $0xE;
	s3 =	sshll.u32 s3, $0x4;
	s7 =	sadd.s32 $0x74E00, s7  }
0x10: {  	s6 =	sshrl.u32 s6, $0x3;
	s0 =	smax.u32 s0, $0x1;
	[dreg:$0x3] =	wrdreg s7  }
0x11: {  	s11 =	sshrl.u32 s5, $0x3;
	s3 =	sadd.s32 s3, s1;
	[dreg:$0x8] =	wrdreg s0  }
0x12: {  	s1 =	sadd.s32 s6, s1;
	s6 =	sor.u32 $0x1C11, s25;
	[dreg:$0x9] =	wrdreg s11  }
0x13: {  	s5 =	simm.s32 $0xC;
	s26 =	sadd.s32 $0x1E00, s3;
	[dreg:$0x4] =	wrdreg s6  }
0x14: {  	s0 =	simm.s32 $0x4;
	s3 =	sadd.s32 $0xBE00, s3;
	[dreg:$0x5] =	wrdreg s26  }
0x15: {  	s25 =	simm.s32 $0xA;
	s1 =	sadd.s32 $0x7EE00, s1;
	[dreg:$0x6] =	wrdreg s3  }
0x16: {  	s7 =	simm.s32 $0xD;
	[dreg:$0x7] =	wrdreg s1;
	s3 =	simm.s32 $0x0  }
0x17: {  	s26 =	simm.s32 $0xB000;
	s1 =	simm.s32 $0x3;
	[dreg:$0xa] =	wrdreg s3  }
.LBB2_1:
0x18: {  	s3 =	rddreg [dreg:$0x3]  }
0x19: {  	[spmem:s11], [sflag:s6] =	dma.local [hbm:s3], $0xA00  }
0x1a: {  	_ =	swait.ge [sflag:s12], $0xA00  }
0x1b: {  	[sflag:s12] =	ssyncset.done $0x0  }
0x1c: {  	s6 =	simm.s32 $0x0;
	s11 =	rddreg [dreg:$0x5];
	[sflag:s12] =	ssyncadd.s32 $0xFFFFF600  }
0x1d: {  	[tilespmem:s6], [sflag:$0x11] =	stream.linear.gather [hbm4b:s11+s6], $0x2800, $0x38;
	[tilespmem:$0x12000] =	vst v63  }
0x1e: {  	_ =	swait.ge [sflag:s12], $0x2800  }
0x1f: {  	[sflag:s12] =	ssyncset.done $0x0  }
0x20: {  	s11 =	simm.s32 $0x2800;
	s3 =	rddreg [dreg:$0x6];
	[sflag:s12] =	ssyncadd.s32 $0xFFFFD800  }
0x21: {  	[tilespmem:s11], [sflag:$0x11] =	stream.linear.gather [hbm4b:s3+s6], $0x2800, $0x38;
	[tilespmem:$0x12000] =	vst v63  }
0x22: {  	_ =	swait.ge [sflag:s12], $0x2800  }
0x23: {  	[sflag:s12] =	ssyncset.done $0x0  }
0x24: {  	[sflag:s12] =	ssyncadd.s32 $0xFFFFD800  }
0x25: {  	[bflag:$0x0] =	sbarrier.arrive $0xFFFF  }
0x26: {  	[tilespmem:s15], [sflag:$0x1] =	stream.indirect.gather [hbm4b:s4+s14], $0x20, s6, s14, $0xb8;
	[tilespmem:$0x12000] =	vst v63  }
0x27: {  	_ = 	snop  }
0x28: {  	[tilespmem:s16], [sflag:$0x2] =	stream.indirect.gather [hbm4b:s4+s14], $0x20, s14, s14, $0xb8;
	[tilespmem:$0x12000] =	vst v63  }
0x29: {  	s11 =	simm.s32 $0x100  }
0x2a: {  	[tilespmem:s18], [sflag:$0x3] =	stream.indirect.gather [hbm4b:s4+s14], $0x20, s11, s14, $0xb8;
	[tilespmem:$0x12000] =	vst v63  }
0x2b: {  	s12 =	simm.s32 $0x180  }
0x2c: {  	[tilespmem:s20], [sflag:$0x4] =	stream.indirect.gather [hbm4b:s4+s14], $0x20, s12, s14, $0xb8;
	[tilespmem:$0x12000] =	vst v63  }
0x2d: {  	s11 =	simm.s32 $0x200  }
0x2e: {  	[tilespmem:s22], [sflag:$0x5] =	stream.indirect.gather [hbm4b:s4+s14], $0x20, s11, s14, $0xb8;
	[tilespmem:$0x12000] =	vst v63  }
0x2f: {  	s12 =	simm.s32 $0x280  }
0x30: {  	[tilespmem:s24], [sflag:$0x6] =	stream.indirect.gather [hbm4b:s4+s14], $0x20, s12, s14, $0xb8;
	[tilespmem:$0x12000] =	vst v63  }
0x31: {  	s11 =	simm.s32 $0x300  }
0x32: {  	[tilespmem:s26], [sflag:$0x7] =	stream.indirect.gather [hbm4b:s4+s14], $0x20, s11, s14, $0xb8;
	[tilespmem:$0x12000] =	vst v63  }
0x33: {  	s12 =	simm.s32 $0x380  }
0x34: {  	[tilespmem:s29], [sflag:$0x8] =	stream.indirect.gather [hbm4b:s4+s14], $0x20, s12, s14, $0xb8;
	[tilespmem:$0x12000] =	vst v63  }
0x35: {  	_ =	swait.ge [sflag:s30], $0x1000  }
0x36: {  	[sflag:s30] =	ssyncset.done $0x0  }
0x37: {  	s11 =	simm.s32 $0x2800;
	[sflag:s30] =	ssyncadd.s32 $0xFFFFF000  }
0x38: {  	[spmem:s2] =	stream.indirect.scatter.add.f32 [tilespmem:s15], [sflag:$0x9], $0x20, s11, s14, $0xb8;
	[tilespmem:$0x12000] =	vst v63  }
0x39: {  	_ =	swait.ge [sflag:s31], $0x1000  }
0x3a: {  	[sflag:s31] =	ssyncset.done $0x0  }
0x3b: {  	s12 =	simm.s32 $0x2880;
	[sflag:s31] =	ssyncadd.s32 $0xFFFFF000  }
0x3c: {  	[spmem:s2] =	stream.indirect.scatter.add.f32 [tilespmem:s16], [sflag:$0xA], $0x20, s12, s14, $0xb8;
	[tilespmem:$0x12000] =	vst v63  }
0x3d: {  	_ =	swait.ge [sflag:s1], $0x1000  }
0x3e: {  	[sflag:s1] =	ssyncset.done $0x0  }
0x3f: {  	s11 =	simm.s32 $0x2900;
	[sflag:s1] =	ssyncadd.s32 $0xFFFFF000  }
0x40: {  	[spmem:s2] =	stream.indirect.scatter.add.f32 [tilespmem:s18], [sflag:$0xB], $0x20, s11, s14, $0xb8;
	[tilespmem:$0x12000] =	vst v63  }
0x41: {  	_ =	swait.ge [sflag:s0], $0x1000  }
0x42: {  	[sflag:s0] =	ssyncset.done $0x0  }
0x43: {  	s12 =	simm.s32 $0x2980;
	[sflag:s0] =	ssyncadd.s32 $0xFFFFF000  }
0x44: {  	[spmem:s2] =	stream.indirect.scatter.add.f32 [tilespmem:s20], [sflag:$0xC], $0x20, s12, s14, $0xb8;
	[tilespmem:$0x12000] =	vst v63  }
0x45: {  	_ =	swait.ge [sflag:s13], $0x1000  }
0x46: {  	[sflag:s13] =	ssyncset.done $0x0  }
0x47: {  	s11 =	simm.s32 $0x2A00;
	[sflag:s13] =	ssyncadd.s32 $0xFFFFF000  }
0x48: {  	[spmem:s2] =	stream.indirect.scatter.add.f32 [tilespmem:s22], [sflag:$0xD], $0x20, s11, s14, $0xb8;
	[tilespmem:$0x12000] =	vst v63  }
0x49: {  	_ =	swait.ge [sflag:s17], $0x1000  }
0x4a: {  	[sflag:s17] =	ssyncset.done $0x0  }
0x4b: {  	s12 =	simm.s32 $0x2A80;
	[sflag:s17] =	ssyncadd.s32 $0xFFFFF000  }
0x4c: {  	[spmem:s2] =	stream.indirect.scatter.add.f32 [tilespmem:s24], [sflag:$0xE], $0x20, s12, s14, $0xb8;
	[tilespmem:$0x12000] =	vst v63  }
0x4d: {  	_ =	swait.ge [sflag:s19], $0x1000  }
0x4e: {  	[sflag:s19] =	ssyncset.done $0x0  }
0x4f: {  	s11 =	simm.s32 $0x2B00;
	[sflag:s19] =	ssyncadd.s32 $0xFFFFF000  }
0x50: {  	[spmem:s2] =	stream.indirect.scatter.add.f32 [tilespmem:s26], [sflag:$0xF], $0x20, s11, s14, $0xb8;
	[tilespmem:$0x12000] =	vst v63  }
0x51: {  	_ =	swait.ge [sflag:s21], $0x1000  }
0x52: {  	[sflag:s21] =	ssyncset.done $0x0  }
0x53: {  	s12 =	simm.s32 $0x2B80;
	[sflag:s21] =	ssyncadd.s32 $0xFFFFF000  }
0x54: {  	[spmem:s2] =	stream.indirect.scatter.add.f32 [tilespmem:s29], [sflag:$0x10], $0x20, s12, s14, $0xb8;
	[tilespmem:$0x12000] =	vst v63  }
0x55: {  	s11 =	smin.u32 s6, $0x47;
	_ =	swait.ge [sflag:s23], $0x1000  }
0x56: {  	s3 =	sshll.u32 s11, $0x7;
	[sflag:s23] =	ssyncset.done $0x0  }
0x57: {  	s3 =	sadd.s32 $0x400, s3;
	[sflag:s23] =	ssyncadd.s32 $0xFFFFF000  }
0x58: {  	[tilespmem:s15], [sflag:$0x1] =	stream.indirect.gather [hbm4b:s4+s14], $0x20, s3, s14, $0xb8;
	[tilespmem:$0x12000] =	vst v63  }
0x59: {  	s12 =	smin.u32 s6, $0x46;
	_ =	swait.ge [sflag:s25], $0x1000  }
0x5a: {  	s3 =	sshll.u32 s12, $0x7;
	[sflag:s25] =	ssyncset.done $0x0  }
0x5b: {  	s3 =	sadd.s32 $0x480, s3;
	[sflag:s25] =	ssyncadd.s32 $0xFFFFF000  }
0x5c: {  	[tilespmem:s16], [sflag:$0x2] =	stream.indirect.gather [hbm4b:s4+s14], $0x20, s3, s14, $0xb8;
	[tilespmem:$0x12000] =	vst v63  }
0x5d: {  	s11 =	smin.u32 s6, $0x45;
	_ =	swait.ge [sflag:s28], $0x1000  }
0x5e: {  	s3 =	sshll.u32 s11, $0x7;
	[sflag:s28] =	ssyncset.done $0x0  }
0x5f: {  	s3 =	sadd.s32 $0x500, s3;
	[sflag:s28] =	ssyncadd.s32 $0xFFFFF000  }
0x60: {  	[tilespmem:s18], [sflag:$0x3] =	stream.indirect.gather [hbm4b:s4+s14], $0x20, s3, s14, $0xb8;
	[tilespmem:$0x12000] =	vst v63  }
0x61: {  	s12 =	smin.u32 s6, $0x44;
	_ =	swait.ge [sflag:s5], $0x1000  }
0x62: {  	s3 =	sshll.u32 s12, $0x7;
	[sflag:s5] =	ssyncset.done $0x0  }
0x63: {  	s3 =	sadd.s32 $0x580, s3;
	[sflag:s5] =	ssyncadd.s32 $0xFFFFF000  }
0x64: {  	[tilespmem:s20], [sflag:$0x4] =	stream.indirect.gather [hbm4b:s4+s14], $0x20, s3, s14, $0xb8;
	[tilespmem:$0x12000] =	vst v63  }
0x65: {  	s11 =	smin.u32 s6, $0x43;
	_ =	swait.ge [sflag:s7], $0x1000  }
0x66: {  	s3 =	sshll.u32 s11, $0x7;
	[sflag:s7] =	ssyncset.done $0x0  }
0x67: {  	s3 =	sadd.s32 $0x600, s3;
	[sflag:s7] =	ssyncadd.s32 $0xFFFFF000  }
0x68: {  	[tilespmem:s22], [sflag:$0x5] =	stream.indirect.gather [hbm4b:s4+s14], $0x20, s3, s14, $0xb8;
	[tilespmem:$0x12000] =	vst v63  }
0x69: {  	s12 =	smin.u32 s6, $0x42;
	_ =	swait.ge [sflag:s8], $0x1000  }
0x6a: {  	s3 =	sshll.u32 s12, $0x7;
	[sflag:s8] =	ssyncset.done $0x0  }
0x6b: {  	s3 =	sadd.s32 $0x680, s3;
	[sflag:s8] =	ssyncadd.s32 $0xFFFFF000  }
0x6c: {  	[tilespmem:s24], [sflag:$0x6] =	stream.indirect.gather [hbm4b:s4+s14], $0x20, s3, s14, $0xb8;
	[tilespmem:$0x12000] =	vst v63  }
0x6d: {  	s11 =	smin.u32 s6, $0x41;
	_ =	swait.ge [sflag:s9], $0x1000  }
0x6e: {  	s3 =	sshll.u32 s11, $0x7;
	[sflag:s9] =	ssyncset.done $0x0  }
0x6f: {  	s3 =	sadd.s32 $0x700, s3;
	[sflag:s9] =	ssyncadd.s32 $0xFFFFF000  }
0x70: {  	[tilespmem:s26], [sflag:$0x7] =	stream.indirect.gather [hbm4b:s4+s14], $0x20, s3, s14, $0xb8;
	[tilespmem:$0x12000] =	vst v63  }
0x71: {  	s12 =	smin.u32 s6, $0x40;
	_ =	swait.ge [sflag:s10], $0x1000  }
0x72: {  	s11 =	simm.s32 $0x1000;
	s3 =	sshll.u32 s12, $0x7;
	[sflag:s10] =	ssyncset.done $0x0  }
0x73: {  	s12 =	sadd.s32 $0x780, s3;
	s3 =	simm.s32 $0x8;
	[sflag:s10] =	ssyncadd.s32 $0xFFFFF000  }
.LBB2_2:
0x74: {  	[tilespmem:s29], [sflag:$0x8] =	stream.indirect.gather [hbm4b:s4+s14], $0x20, s12, s14, $0xb8;
	[tilespmem:$0x12000] =	vst v63  }
0x75: {  	s12 =	smov.u32 s11  }
0x76: {  	p0 =	sne.s32 s11, $0x9000;
	s11 =	sadd.s32 $0x1000, s11;
	_ =	swait.ge [sflag:s30], $0x1000  }
0x77: {  	s12 =	sshra.s32 s12, $0x2;
	[sflag:s30] =	ssyncset.done $0x0  }
0x78: {  	s6 =	sadd.s32 $0x2800, s12;
	[sflag:s30] =	ssyncadd.s32 $0xFFFFF000  }
0x79: {  	[spmem:s2] =	stream.indirect.scatter.add.f32 [tilespmem:s15], [sflag:$0x9], $0x20, s6, s14, $0xb8;
	[tilespmem:$0x12000] =	vst v63  }
0x7a: {  	_ =	swait.ge [sflag:s31], $0x1000  }
0x7b: {  	[sflag:s31] =	ssyncset.done $0x0  }
0x7c: {  	s6 =	sadd.s32 $0x2880, s12;
	[sflag:s31] =	ssyncadd.s32 $0xFFFFF000  }
0x7d: {  	[spmem:s2] =	stream.indirect.scatter.add.f32 [tilespmem:s16], [sflag:$0xA], $0x20, s6, s14, $0xb8;
	[tilespmem:$0x12000] =	vst v63  }
0x7e: {  	_ =	swait.ge [sflag:s1], $0x1000  }
0x7f: {  	[sflag:s1] =	ssyncset.done $0x0  }
0x80: {  	s6 =	sadd.s32 $0x2900, s12;
	[sflag:s1] =	ssyncadd.s32 $0xFFFFF000  }
0x81: {  	[spmem:s2] =	stream.indirect.scatter.add.f32 [tilespmem:s18], [sflag:$0xB], $0x20, s6, s14, $0xb8;
	[tilespmem:$0x12000] =	vst v63  }
0x82: {  	_ =	swait.ge [sflag:s0], $0x1000  }
0x83: {  	[sflag:s0] =	ssyncset.done $0x0  }
0x84: {  	s6 =	sadd.s32 $0x2980, s12;
	[sflag:s0] =	ssyncadd.s32 $0xFFFFF000  }
0x85: {  	[spmem:s2] =	stream.indirect.scatter.add.f32 [tilespmem:s20], [sflag:$0xC], $0x20, s6, s14, $0xb8;
	[tilespmem:$0x12000] =	vst v63  }
0x86: {  	_ =	swait.ge [sflag:s13], $0x1000  }
0x87: {  	[sflag:s13] =	ssyncset.done $0x0  }
0x88: {  	s6 =	sadd.s32 $0x2A00, s12;
	[sflag:s13] =	ssyncadd.s32 $0xFFFFF000  }
0x89: {  	[spmem:s2] =	stream.indirect.scatter.add.f32 [tilespmem:s22], [sflag:$0xD], $0x20, s6, s14, $0xb8;
	[tilespmem:$0x12000] =	vst v63  }
0x8a: {  	_ =	swait.ge [sflag:s17], $0x1000  }
0x8b: {  	[sflag:s17] =	ssyncset.done $0x0  }
0x8c: {  	s6 =	sadd.s32 $0x2A80, s12;
	[sflag:s17] =	ssyncadd.s32 $0xFFFFF000  }
0x8d: {  	[spmem:s2] =	stream.indirect.scatter.add.f32 [tilespmem:s24], [sflag:$0xE], $0x20, s6, s14, $0xb8;
	[tilespmem:$0x12000] =	vst v63  }
0x8e: {  	_ =	swait.ge [sflag:s19], $0x1000  }
0x8f: {  	[sflag:s19] =	ssyncset.done $0x0  }
0x90: {  	s6 =	sadd.s32 $0x2B00, s12;
	[sflag:s19] =	ssyncadd.s32 $0xFFFFF000  }
0x91: {  	[spmem:s2] =	stream.indirect.scatter.add.f32 [tilespmem:s26], [sflag:$0xF], $0x20, s6, s14, $0xb8;
	[tilespmem:$0x12000] =	vst v63  }
0x92: {  	_ =	swait.ge [sflag:s21], $0x1000  }
0x93: {  	[sflag:s21] =	ssyncset.done $0x0  }
0x94: {  	s6 =	sadd.s32 $0x2B80, s12;
	[sflag:s21] =	ssyncadd.s32 $0xFFFFF000  }
0x95: {  	[spmem:s2] =	stream.indirect.scatter.add.f32 [tilespmem:s29], [sflag:$0x10], $0x20, s6, s14, $0xb8;
	[tilespmem:$0x12000] =	vst v63  }
0x96: {  	s6 =	smin.u32 s3, $0x47;
	_ =	swait.ge [sflag:s23], $0x1000  }
0x97: {  	s6 =	sshll.u32 s6, $0x7;
	[sflag:s23] =	ssyncset.done $0x0  }
0x98: {  	s6 =	sadd.s32 $0x400, s6;
	[sflag:s23] =	ssyncadd.s32 $0xFFFFF000  }
0x99: {  	[tilespmem:s15], [sflag:$0x1] =	stream.indirect.gather [hbm4b:s4+s14], $0x20, s6, s14, $0xb8;
	[tilespmem:$0x12000] =	vst v63  }
0x9a: {  	s6 =	smin.u32 s3, $0x46;
	_ =	swait.ge [sflag:s25], $0x1000  }
0x9b: {  	s6 =	sshll.u32 s6, $0x7;
	[sflag:s25] =	ssyncset.done $0x0  }
0x9c: {  	s6 =	sadd.s32 $0x480, s6;
	[sflag:s25] =	ssyncadd.s32 $0xFFFFF000  }
0x9d: {  	[tilespmem:s16], [sflag:$0x2] =	stream.indirect.gather [hbm4b:s4+s14], $0x20, s6, s14, $0xb8;
	[tilespmem:$0x12000] =	vst v63  }
0x9e: {  	s6 =	smin.u32 s3, $0x45;
	_ =	swait.ge [sflag:s28], $0x1000  }
0x9f: {  	s6 =	sshll.u32 s6, $0x7;
	[sflag:s28] =	ssyncset.done $0x0  }
0xa0: {  	s6 =	sadd.s32 $0x500, s6;
	[sflag:s28] =	ssyncadd.s32 $0xFFFFF000  }
0xa1: {  	[tilespmem:s18], [sflag:$0x3] =	stream.indirect.gather [hbm4b:s4+s14], $0x20, s6, s14, $0xb8;
	[tilespmem:$0x12000] =	vst v63  }
0xa2: {  	s6 =	smin.u32 s3, $0x44;
	_ =	swait.ge [sflag:s5], $0x1000  }
0xa3: {  	s6 =	sshll.u32 s6, $0x7;
	[sflag:s5] =	ssyncset.done $0x0  }
0xa4: {  	s6 =	sadd.s32 $0x580, s6;
	[sflag:s5] =	ssyncadd.s32 $0xFFFFF000  }
0xa5: {  	[tilespmem:s20], [sflag:$0x4] =	stream.indirect.gather [hbm4b:s4+s14], $0x20, s6, s14, $0xb8;
	[tilespmem:$0x12000] =	vst v63  }
0xa6: {  	s6 =	smin.u32 s3, $0x43;
	_ =	swait.ge [sflag:s7], $0x1000  }
0xa7: {  	s6 =	sshll.u32 s6, $0x7;
	[sflag:s7] =	ssyncset.done $0x0  }
0xa8: {  	s6 =	sadd.s32 $0x600, s6;
	[sflag:s7] =	ssyncadd.s32 $0xFFFFF000  }
0xa9: {  	[tilespmem:s22], [sflag:$0x5] =	stream.indirect.gather [hbm4b:s4+s14], $0x20, s6, s14, $0xb8;
	[tilespmem:$0x12000] =	vst v63  }
0xaa: {  	s6 =	smin.u32 s3, $0x42;
	_ =	swait.ge [sflag:s8], $0x1000  }
0xab: {  	s6 =	sshll.u32 s6, $0x7;
	[sflag:s8] =	ssyncset.done $0x0  }
0xac: {  	s6 =	sadd.s32 $0x680, s6;
	[sflag:s8] =	ssyncadd.s32 $0xFFFFF000  }
0xad: {  	[tilespmem:s24], [sflag:$0x6] =	stream.indirect.gather [hbm4b:s4+s14], $0x20, s6, s14, $0xb8;
	[tilespmem:$0x12000] =	vst v63  }
0xae: {  	s6 =	smin.u32 s3, $0x41;
	_ =	swait.ge [sflag:s9], $0x1000  }
0xaf: {  	s6 =	sshll.u32 s6, $0x7;
	[sflag:s9] =	ssyncset.done $0x0  }
.Ltmp0:
0xb0: {  	s6 =	sadd.s32 $0x700, s6;
	[sflag:s9] =	ssyncadd.s32 $0xFFFFF000;
	(pc) =	sbr.rel @p0 .LBB2_2-.Ltmp0, $4  }
0xb1: {  	[tilespmem:s26], [sflag:$0x7] =	stream.indirect.gather [hbm4b:s4+s14], $0x20, s6, s14, $0xb8;
	[tilespmem:$0x12000] =	vst v63  }
0xb2: {  	s6 =	smin.u32 s3, $0x40;
	_ =	swait.ge [sflag:s10], $0x1000  }
0xb3: {  	s6 =	sshll.u32 s6, $0x7;
	[sflag:s10] =	ssyncset.done $0x0  }
0xb4: {  	s3 =	sadd.s32 $0x8, s3;
	s12 =	sadd.s32 $0x780, s6;
	[sflag:s10] =	ssyncadd.s32 $0xFFFFF000  }
0xb5: {  	[tilespmem:s29], [sflag:$0x8] =	stream.indirect.gather [hbm4b:s4+s14], $0x20, s12, s14, $0xb8;
	[tilespmem:$0x12000] =	vst v63  }
0xb6: {  	_ =	swait.ge [sflag:s30], $0x1000  }
0xb7: {  	[sflag:s30] =	ssyncset.done $0x0  }
0xb8: {  	[sflag:s30] =	ssyncadd.s32 $0xFFFFF000  }
0xb9: {  	_ =	swait.ge [sflag:s31], $0x1000  }
0xba: {  	[sflag:s31] =	ssyncset.done $0x0  }
0xbb: {  	[sflag:s31] =	ssyncadd.s32 $0xFFFFF000  }
0xbc: {  	_ =	swait.ge [sflag:s1], $0x1000  }
0xbd: {  	[sflag:s1] =	ssyncset.done $0x0  }
0xbe: {  	[sflag:s1] =	ssyncadd.s32 $0xFFFFF000  }
0xbf: {  	_ =	swait.ge [sflag:s0], $0x1000  }
0xc0: {  	[sflag:s0] =	ssyncset.done $0x0  }
0xc1: {  	[sflag:s0] =	ssyncadd.s32 $0xFFFFF000  }
0xc2: {  	_ =	swait.ge [sflag:s13], $0x1000  }
0xc3: {  	[sflag:s13] =	ssyncset.done $0x0  }
0xc4: {  	[sflag:s13] =	ssyncadd.s32 $0xFFFFF000  }
0xc5: {  	_ =	swait.ge [sflag:s17], $0x1000  }
0xc6: {  	[sflag:s17] =	ssyncset.done $0x0  }
0xc7: {  	[sflag:s17] =	ssyncadd.s32 $0xFFFFF000  }
0xc8: {  	_ =	swait.ge [sflag:s19], $0x1000  }
0xc9: {  	[sflag:s19] =	ssyncset.done $0x0  }
0xca: {  	[sflag:s19] =	ssyncadd.s32 $0xFFFFF000  }
0xcb: {  	_ =	swait.ge [sflag:s21], $0x1000  }
0xcc: {  	[sflag:s21] =	ssyncset.done $0x0  }
0xcd: {  	[sflag:s21] =	ssyncadd.s32 $0xFFFFF000  }
0xce: {  	[bflag:$0x0] =	sbarrier.arrive $0xFFFF  }
0xcf: {  	s6 =	rddreg [dreg:$0x4]  }
0xd0: {  	s3 =	rddreg [dreg:$0x7]  }
0xd1: {  	s12 =	simm.s32 $0x11;
	s11 =	rddreg [dreg:$0x9]  }
0xd2: {  	[hbm:s3], [sflag:s6] =	dma.local [spmem:s11], $0xA00  }
0xd3: {  	_ =	swait.ge [sflag:s12], $0xA00  }
0xd4: {  	s3 =	rddreg [dreg:$0xa]  }
0xd5: {  	s6 =	sadd.s32 $0x1, s3;
	s3 =	rddreg [dreg:$0x8]  }
0xd6: {  	p0 =	sne.s32 s6, s3  }
.Ltmp1:
0xd7: {  	_ = 	snop;
	(pc) =	sbr.rel @p0 .LBB2_1-.Ltmp1, $3  }
0xd8: {  	_ =	sdelay $0x1  }
0xd9: {  	[sflag:s12] =	ssyncset.done $0x0;
	[dreg:$0xa] =	wrdreg s6  }
0xda: {  	[sflag:s12] =	ssyncadd.s32 $0xFFFFF600;
	s6 =	rddreg [dreg:$0x4]  }
0xdb: {  	_ =	sfence.sel $0x180000  }
0xdc: {  	[bflag:$0x0] =	sbarrier.arrive $0xFFFF  }
0xdd: {  	_ =	strace $0x9000004A  }
0xde: {  	s0 =	stileid.u32;
	[bflag:$0x2] =	sbarrier.arrive $0xFFFF  }
0xdf: {  	p0 =	sne.s32 s0, $0x0;
	s0 =	rddreg [dreg:$0x2]  }
0xe0: {  	s0 =	sadd.s32 @!p0 $0x100000, s0  }
0xe1: {  	[sflag:s0] =	ssyncadd.tile.s32 @!p0 $0x1;
	_ =	shalt  }
.Lfunc_end2:
_tile_overlayer_lowered:
.L_overlay_start_2:
0xe2: {  	(tag) =	ssettag $0x2  }
0xe3: {  	s0 =	rddreg [dreg:$0x0];
	s2 =	stileid.u32  }
0xe4: {  	s1 =	rddreg [dreg:$0x1];
	p0 =	sne.s32 s2, $0x0  }
0xe5: {  	s3 =	rddreg [dreg:$0x2];
	[bflag:$0x3] =	sbarrier.arrive $0xFFFF;
	s2 =	simm.s32 @!p0 $0x1C11  }
0xe6: {  	[timem:s3], [sflag:s2] =	dma.local @!p0 [hbm:s0], s1  }
0xe7: {  	s0 =	simm.s32 @!p0 $0x11  }
0xe8: {  	_ =	swait.ge @!p0 [sflag:s0], s1  }
0xe9: {  	s1 =	ssub.s32 @!p0 $0x0, s1;
	[sflag:s0] =	ssyncset.done @!p0 $0x0  }
0xea: {  	[sflag:s0] =	ssyncadd.s32 @!p0 s1  }
0xeb: {  	[bflag:$0x3] =	sbarrier.arrive $0xFFFF  }
0xec: {  	_ =	shalt  }

// kernel: kernel.14.cloned.1.call-start
scs
__scs_entry_jumppad:
0x0: {  	(pc) =	sbr.rel $0x88, $3  }
0x1: {  	(tag) =	ssettag $0x0;
	lr =	simm.s32 $0x1  }
0x2: {  	[smem:$0x3F9B] =	sst lr;
	_ =	strace $0xD0000000  }
0x3: {  	_ = 	snop  }
0x4: {  	_ = 	snop  }
0x5: {  	_ = 	snop  }
0x6: {  	_ = 	snop  }
0x7: {  	_ = 	snop  }
__scs_overlays_trampoline_lowered:
0x8: {  	[smem:$0x3FAA] =	sst s0  }
0x9: {  	[smem:$0x3FAB] =	sst s1  }
0xa: {  	[smem:$0x3FAC] =	sst s2  }
0xb: {  	[smem:$0x3FAD] =	sst s3  }
0xc: {  	[smem:$0x3FAE] =	sst s4  }
0xd: {  	[smem:$0x3FAF] =	sst s5  }
0xe: {  	[smem:$0x3FB0] =	sst s6  }
0xf: {  	[smem:$0x3FB1] =	sst s7  }
0x10: {  	[smem:$0x3FB2] =	sst s8  }
0x11: {  	[smem:$0x3FB3] =	sst s9;
	s0 =	simm.s32 @!p0 $0x0  }
0x12: {  	s1 =	sld [smem:$0x3F99];
	s0 =	simm.s32 @p0 $0x1  }
0x13: {  	[smem:$0x3FB4] =	sst s0;
	s0 =	simm.s32 @!p1 $0x0  }
0x14: {  	s2 =	sld [smem:$0x3F98];
	s0 =	simm.s32 @p1 $0x1  }
0x15: {  	[smem:$0x3FB5] =	sst s0;
	s0 =	simm.s32 @!p2 $0x0  }
0x16: {  	s3 =	sld [smem:$0x3FDB];
	s0 =	simm.s32 @p2 $0x1  }
0x17: {  	s4 =	simm.s32 $0x1BF5;
	[smem:$0x3FB7] =	sst s0  }
0x18: {  	s0 =	sld [smem:$0x3F9A];
	_ =	swait.ge [sflag:s4], $0x0  }
0x19: {  	s7 =	sld [smem:$0x3F9B]  }
0x1a: {  	s8 =	sadd.s32 $0xFFFFE003, lr  }
0x1b: {  	s9 =	sadd.s32 $0xFFFFFEF7, lr;
	s5 =	simm.s32 $0xFFFFFFFF;
	p2 =	slt.u32 s8, $0xFFFFF086  }
0x1c: {  	p1 =	slt.u32 s9, $0xF7A;
	s5 =	simm.s32 @!p2 $0x0  }
0x1d: {  	s5 =	simm.s32 @p1 $0x1;
	p0 =	seq.s32 s7, s2  }
0x1e: {  	s7 =	smul.u32 @!p0 $0xF7A, s2;
	p2 =	seq.s32 @!p0 s5, $0x0  }
0x1f: {  	s9 =	smul.u32 $0xF7A, s1;
	s8 =	simm.s32 @!p0 $0x1BF5;
	p2 =	por !p2, p0  }
0x20: {  	[sflag:s8] =	ssyncset.s32 @!p0 $0xFFFFF086;
	s6 =	sadd.s32 @!p0 s3, s7;
	s7 =	simm.s32 @!p0 $0x108  }
0x21: {  	s3 =	sadd.s32 s3, s9;
	s6 =	sadd.s32 @!p0 $0x88, s6;
	s7 =	simm.s32 @p2 $0x1082  }
0x22: {  	[simem:s7], [sflag:s8] =	dma.local @!p0 [hbm:s6], $0xF7A  }
0x23: {  	s9 =	sor.u32 $0xD0000000, s2;
	s6 =	simm.s32 $0x108;
	_ =	swait.ge @!p0 [sflag:s8], $0x0  }
0x24: {  	s3 =	sadd.s32 $0x88, s3;
	s6 =	simm.s32 @!p1 $0x1082;
	[sflag:s4] =	ssyncset.s32 $0xFFFFF086  }
0x25: {  	[simem:s6], [sflag:s4] =	dma.local [hbm:s3], $0xF7A  }
0x26: {  	[smem:$0x3F9B] =	sst s1;
	(tag) =	ssettag s2;
	_ =	strace s9  }
0x27: {  	s1 =	sld [smem:$0x3FAB]  }
0x28: {  	s2 =	sld [smem:$0x3FAC]  }
0x29: {  	s4 =	sld [smem:$0x3FAE]  }
0x2a: {  	p0 =	seq.s32 s5, $0x0;
	s5 =	sld [smem:$0x3FAF]  }
0x2b: {  	s6 =	sld [smem:$0x3FB0]  }
0x2c: {  	s7 =	sld [smem:$0x3FB1]  }
0x2d: {  	s3 =	simm.s32 $0x108;
	s8 =	sld [smem:$0x3FB2]  }
0x2e: {  	s3 =	simm.s32 @!p0 $0x1082;
	s9 =	sld [smem:$0x3FB3]  }
0x2f: {  	lr =	sadd.s32 s0, s3;
	s0 =	sld [smem:$0x3FAA]  }
0x30: {  	s3 =	sld [smem:$0x3FAD]  }
0x31: {  	[smem:$0x3FB6] =	sst s10  }
0x32: {  	s10 =	sld [smem:$0x3FB4];
	_ =	sdelay $0x3  }
0x33: {  	p0 =	seq.s32 s10, $0x1;
	s10 =	sld [smem:$0x3FB6];
	_ =	sdelay $0x3  }
0x34: {  	[smem:$0x3FB6] =	sst s10  }
0x35: {  	s10 =	sld [smem:$0x3FB5];
	_ =	sdelay $0x3  }
0x36: {  	p1 =	seq.s32 s10, $0x1;
	s10 =	sld [smem:$0x3FB6];
	_ =	sdelay $0x3  }
0x37: {  	[smem:$0x3FB6] =	sst s10  }
0x38: {  	s10 =	sld [smem:$0x3FB7]  }
0x39: {  	_ = 	snop;
	(pc) =	sbr.ind lr, $3  }
0x3a: {  	_ = 	snop  }
0x3b: {  	_ = 	snop  }
0x3c: {  	p2 =	seq.s32 s10, $0x1;
	s10 =	sld [smem:$0x3FB6]  }
0x3d: {  	_ =	shalt  }
0x3e: {  	_ =	shalt  }
0x3f: {  	_ =	shalt  }
0x40: {  	_ =	shalt  }
0x41: {  	_ =	shalt  }
0x42: {  	_ =	shalt  }
0x43: {  	_ =	shalt  }
0x44: {  	_ =	shalt  }
0x45: {  	_ =	shalt  }
0x46: {  	_ =	shalt  }
0x47: {  	_ =	shalt  }
0x48: {  	_ =	shalt  }
0x49: {  	_ =	shalt  }
0x4a: {  	_ =	shalt  }
0x4b: {  	_ =	shalt  }
0x4c: {  	_ =	shalt  }
0x4d: {  	_ =	shalt  }
0x4e: {  	_ =	shalt  }
0x4f: {  	_ =	shalt  }
0x50: {  	_ =	shalt  }
0x51: {  	_ =	shalt  }
0x52: {  	_ =	shalt  }
0x53: {  	_ =	shalt  }
0x54: {  	_ =	shalt  }
0x55: {  	_ =	shalt  }
0x56: {  	_ =	shalt  }
0x57: {  	_ =	shalt  }
0x58: {  	_ =	shalt  }
0x59: {  	_ =	shalt  }
0x5a: {  	_ =	shalt  }
0x5b: {  	_ =	shalt  }
0x5c: {  	_ =	shalt  }
0x5d: {  	_ =	shalt  }
0x5e: {  	_ =	shalt  }
0x5f: {  	_ =	shalt  }
0x60: {  	_ =	shalt  }
0x61: {  	_ =	shalt  }
0x62: {  	_ =	shalt  }
0x63: {  	_ =	shalt  }
0x64: {  	_ =	shalt  }
0x65: {  	_ =	shalt  }
0x66: {  	_ =	shalt  }
0x67: {  	_ =	shalt  }
0x68: {  	_ =	shalt  }
0x69: {  	_ =	shalt  }
0x6a: {  	_ =	shalt  }
0x6b: {  	_ =	shalt  }
0x6c: {  	_ =	shalt  }
0x6d: {  	_ =	shalt  }
0x6e: {  	_ =	shalt  }
0x6f: {  	_ =	shalt  }
0x70: {  	_ =	shalt  }
0x71: {  	_ =	shalt  }
0x72: {  	_ =	shalt  }
0x73: {  	_ =	shalt  }
0x74: {  	_ =	shalt  }
0x75: {  	_ =	shalt  }
0x76: {  	_ =	shalt  }
0x77: {  	_ =	shalt  }
0x78: {  	_ =	shalt  }
0x79: {  	_ =	shalt  }
0x7a: {  	_ =	shalt  }
0x7b: {  	_ =	shalt  }
0x7c: {  	_ =	shalt  }
0x7d: {  	_ =	shalt  }
0x7e: {  	_ =	shalt  }
0x7f: {  	_ =	shalt  }
0x80: {  	_ =	shalt  }
0x81: {  	_ =	shalt  }
0x82: {  	_ =	shalt  }
0x83: {  	_ =	shalt  }
0x84: {  	_ =	shalt  }
0x85: {  	_ =	shalt  }
0x86: {  	_ =	shalt  }
0x87: {  	_ =	shalt  }
.Lfunc_end0:
.L_simem_size_0:
called_computation.2_lowered:
.L_overlay_start_0:
0x88: {  	s2 =	sld [smem:$0x3FD9]  }
0x89: {  	s3 =	sld [smem:$0x3FFE];
	_ =	sdelay $0x1  }
0x8a: {  	s1 =	srdreg.scid  }
0x8b: {  	s0 =	sand.u32 $0x1, s1  }
0x8c: {  	s16 =	sshll.u32 s0, $0xA;
	s2 =	sadd.s32 s3, s2  }
0x8d: {  	s2 =	sadd.s32 s2, s16  }
0x8e: {  	[smem:$0x3FC2] =	sst s2  }
0x8f: {  	_ = 	snop  }
0x90: {  	(tm) =	ssettm $0x1  }
0x91: {  	s17 =	sld [smem:$0x3FFB];
	_ =	sdelay $0x3  }
0x92: {  	_ =	strace s17  }
0x93: {  	s2 =	sld [smem:$0x3FFC];
	_ =	sdelay $0x3  }
0x94: {  	_ =	strace s2  }
0x95: {  	s2 =	sld [smem:$0x3FFD];
	_ =	sdelay $0x3  }
0x96: {  	_ =	strace s2  }
0x97: {  	_ =	strace $0x8FFFFFFF  }
0x98: {  	s18 =	sld [smem:$0x3FDB];
	_ =	sdelay $0x1  }
0x99: {  	s19 =	simm.s32 $_scs_section_size  }
0x9a: {  	s4 =	simm.s32 $_size__tile_overlayer_lowered;
	s5 =	simm.s32 $_tile_overlayer_lowered  }
0x9b: {  	s22 =	simm.s32 $0x1BFF;
	s21 =	sshll.u32 s5, $0x1;
	s2 =	sadd.s32 s19, s18  }
0x9c: {  	s6 =	simm.s32 $0x0;
	s20 =	sshll.u32 s4, $0x1;
	s4 =	sadd.s32 s21, s2  }
0x9d: {  	[timem:s6], [sflag:s22] =	dma.local [hbm:s4], s20  }
0x9e: {  	_ =	swait.ge [sflag:s22], s20  }
0x9f: {  	s3 =	ssub.s32 $0x0, s20;
	[sflag:s22] =	ssyncset.done $0x0  }
0xa0: {  	[sflag:s22] =	ssyncadd.s32 s3;
	_ =	sdelay $0x1  }
0xa1: {  	s23 =	simm.s32 $0x1B8B  }
0xa2: {  	_ =	swait.ge [sflag:s23], $0x1  }
0xa3: {  	[sflag:s23] =	ssyncset.done $0x0  }
0xa4: {  	s25 =	simm.s32 $0x1B8E;
	s24 =	sld [smem:$0x3FFE];
	[sflag:s23] =	ssyncadd.s32 $0xFFFFFFFF  }
0xa5: {  	s26 =	simm.s32 $execute0_lowered;
	[smem:$0x3FD2] =	sst s25  }
0xa6: {  	s4 =	sshll.u32 s26, $0x1;
	_ =	strace $0x8000004C;
	[dreg:$0x1] =	wrdreg $0xFFFFFFFF  }
0xa7: {  	s28 =	simm.s32 $_size_execute0_lowered;
	s2 =	sadd.s32 s2, s4;
	[dreg:$0x0] =	wrdreg $0x0  }
0xa8: {  	s4 =	sshll.u32 s28, $0x1;
	[dreg:$0x2] =	wrdreg s2  }
0xa9: {  	[dreg:$0x3] =	wrdreg s4  }
0xaa: {  	[dreg:$0x4] =	wrdreg $0xC0  }
0xab: {  	_ =	task [dreg:s6], $0x5FFFF  }
0xac: {  	[dreg:$0x1] =	wrdreg $0xFFFFFFFF  }
0xad: {  	[dreg:$0x0] =	wrdreg $0x60  }
0xae: {  	[dreg:$0x2] =	wrdreg s24  }
0xaf: {  	[dreg:$0x3] =	wrdreg $0x90000  }
0xb0: {  	[dreg:$0x4] =	wrdreg $0x9  }
0xb1: {  	_ =	task.clear_ibuf [dreg:s6], $0x5FFFF;
	_ =	strace $0x9000004C  }
0xb2: {  	s29 =	simm.s32 $0x9;
	_ =	strace $0x8000004E  }
0xb3: {  	_ =	swait.ge [sflag:s29], $0x1  }
0xb4: {  	[sflag:s29] =	ssyncadd.s32 $0xFFFFFFFF  }
0xb5: {  	_ =	strace $0x9000004E  }
0xb6: {  	_ =	sfence  }
0xb7: {  	s30 =	sld [smem:$0x0];
	_ =	sdelay $0x2  }
0xb8: {  	s31 =	sshll.u32 s1, $0xD;
	s1 =	sshrl.u32 s1, $0x2  }
0xb9: {  	s3 =	sand.u32 $0x4000, s31;
	s1 =	sadd.s32 s1, s30  }
0xba: {  	s0 =	sor.u32 s3, s0;
	s1 =	sshll.u32 s1, $0x11  }
0xbb: {  	s0 =	sor.u32 s1, s0  }
0xbc: {  	s0 =	sadd.s32 $0x8F2B, s0  }
0xbd: {  	[sflag:s0] =	ssyncadd.remote.s32 $0x1  }
0xbe: {  	_ =	sfence.sel $0xFFFF  }
0xbf: {  	[dreg:$0x0] =	wrdreg $0xFFFFFFFF;
	(pc) =	sbr.abs _section_cstart, $3  }
0xc0: {  	[dreg:$0x1] =	wrdreg $0xFFFFFFFF  }
0xc1: {  	_ =	task.clear_ibuf [dreg:s6], $0x2FFFF;
	_ =	strace $0x9FFFFFFF  }
0xc2: {  	(tm) =	ssettm $0x7FFFFFFF  }
0xc3: {  	_ =	shalt  }
tec
execute0_lowered:
.L_overlay_start_1:
0x0: {  	(tag) =	ssettag $0x1  }
0x1: {  	s0 =	srdreg.scid;
	s1 =	rddreg [dreg:$0x0]  }
0x2: {  	s9 =	stileid.u32;
	s2 =	rddreg [dreg:$0x1];
	s6 =	simm.s32 $0x0  }
0x3: {  	s12 =	simm.s32 $0x11;
	s14 =	simm.s32 $0x80;
	s15 =	simm.s32 $0x5000  }
0x4: {  	s16 =	simm.s32 $0x5800;
	s18 =	simm.s32 $0x6000;
	s20 =	simm.s32 $0x6800  }
0x5: {  	s22 =	simm.s32 $0x7000;
	s29 =	simm.s32 $0x8800;
	s30 =	simm.s32 $0x1  }
0x6: {  	s31 =	simm.s32 $0x2;
	s13 =	simm.s32 $0x5;
	s17 =	simm.s32 $0x6  }
0x7: {  	s19 =	simm.s32 $0x7;
	s21 =	simm.s32 $0x8;
	s23 =	simm.s32 $0x9  }
0x8: {  	s28 =	simm.s32 $0xB;
	s10 =	simm.s32 $0x10;
	s4 =	smul.u32 $0x50, s9  }
0x9: {  	s0 =	sand.u32 $0x1, s0;
	s5 =	smul.u32 $0x2800, s9;
	[smem:$0x7FF] =	sst s6  }
0xa: {  	s25 =	sshll.u32 s9, $0x6;
	s9 =	simm.s32 $0xF;
	s3 =	smul.u32 $0x500, s0  }
0xb: {  	s24 =	smul.u32 $0x28000, s0;
	_ =	strace $0x8000004D;
	s0 =	ssub.s32 $0x2, s0  }
0xc: {  	s7 =	sshrl.u32 s5, $0x3;
	s8 =	sshrl.u32 s0, $0x1;
	s3 =	sadd.s32 s4, s3  }
0xd: {  	s4 =	sadd.s32 $0x6AE00, s1;
	s6 =	sadd.s32 s5, s24;
	s7 =	sadd.s32 s7, s1  }
0xe: {  	s0 =	ssub.s32 s0, s8;
	s5 =	sadd.s32 s5, s2;
	s24 =	simm.s32 $0x7800  }
0xf: {  	s8 =	simm.s32 $0xE;
	s3 =	sshll.u32 s3, $0x4;
	s7 =	sadd.s32 $0x15E00, s7  }
0x10: {  	s6 =	sshrl.u32 s6, $0x3;
	s0 =	smax.u32 s0, $0x1;
	[dreg:$0x3] =	wrdreg s7  }
0x11: {  	s11 =	sshrl.u32 s5, $0x3;
	s3 =	sadd.s32 s3, s1;
	[dreg:$0x8] =	wrdreg s0  }
0x12: {  	s1 =	sadd.s32 s6, s1;
	s6 =	sor.u32 $0x1C11, s25;
	[dreg:$0x9] =	wrdreg s11  }
0x13: {  	s5 =	simm.s32 $0xC;
	s26 =	sadd.s32 $0x1E00, s3;
	[dreg:$0x4] =	wrdreg s6  }
0x14: {  	s0 =	simm.s32 $0x4;
	s3 =	sadd.s32 $0xBE00, s3;
	[dreg:$0x5] =	wrdreg s26  }
0x15: {  	s25 =	simm.s32 $0xA;
	s1 =	sadd.s32 $0x6FE00, s1;
	[dreg:$0x6] =	wrdreg s3  }
0x16: {  	s7 =	simm.s32 $0xD;
	[dreg:$0x7] =	wrdreg s1;
	s3 =	simm.s32 $0x0  }
0x17: {  	s26 =	simm.s32 $0x8000;
	s1 =	simm.s32 $0x3;
	[dreg:$0xa] =	wrdreg s3  }
.LBB2_1:
0x18: {  	s3 =	rddreg [dreg:$0x3]  }
0x19: {  	[spmem:s11], [sflag:s6] =	dma.local [hbm:s3], $0x500  }
0x1a: {  	_ =	swait.ge [sflag:s12], $0x500  }
0x1b: {  	[sflag:s12] =	ssyncset.done $0x0  }
0x1c: {  	s6 =	simm.s32 $0x0;
	s11 =	rddreg [dreg:$0x5];
	[sflag:s12] =	ssyncadd.s32 $0xFFFFFB00  }
0x1d: {  	[tilespmem:s6], [sflag:$0x11] =	stream.linear.gather [hbm4b:s11+s6], $0x2800, $0x38;
	[tilespmem:$0xB800] =	vst v63  }
0x1e: {  	_ =	swait.ge [sflag:s12], $0x2800  }
0x1f: {  	[sflag:s12] =	ssyncset.done $0x0  }
0x20: {  	s11 =	simm.s32 $0x2800;
	s3 =	rddreg [dreg:$0x6];
	[sflag:s12] =	ssyncadd.s32 $0xFFFFD800  }
0x21: {  	[tilespmem:s11], [sflag:$0x11] =	stream.linear.gather [hbm4b:s3+s6], $0x2800, $0x38;
	[tilespmem:$0xB800] =	vst v63  }
0x22: {  	_ =	swait.ge [sflag:s12], $0x2800  }
0x23: {  	[sflag:s12] =	ssyncset.done $0x0  }
0x24: {  	[sflag:s12] =	ssyncadd.s32 $0xFFFFD800  }
0x25: {  	[bflag:$0x0] =	sbarrier.arrive $0xFFFF  }
0x26: {  	[tilespmem:s15], [sflag:$0x1] =	stream.indirect.gather [hbm4b:s4+s14], $0x10, s6, s14, $0xb8;
	[tilespmem:$0xB800] =	vst v63  }
0x27: {  	_ = 	snop  }
0x28: {  	[tilespmem:s16], [sflag:$0x2] =	stream.indirect.gather [hbm4b:s4+s14], $0x10, s14, s14, $0xb8;
	[tilespmem:$0xB800] =	vst v63  }
0x29: {  	s11 =	simm.s32 $0x100  }
0x2a: {  	[tilespmem:s18], [sflag:$0x3] =	stream.indirect.gather [hbm4b:s4+s14], $0x10, s11, s14, $0xb8;
	[tilespmem:$0xB800] =	vst v63  }
0x2b: {  	s12 =	simm.s32 $0x180  }
0x2c: {  	[tilespmem:s20], [sflag:$0x4] =	stream.indirect.gather [hbm4b:s4+s14], $0x10, s12, s14, $0xb8;
	[tilespmem:$0xB800] =	vst v63  }
0x2d: {  	s11 =	simm.s32 $0x200  }
0x2e: {  	[tilespmem:s22], [sflag:$0x5] =	stream.indirect.gather [hbm4b:s4+s14], $0x10, s11, s14, $0xb8;
	[tilespmem:$0xB800] =	vst v63  }
0x2f: {  	s12 =	simm.s32 $0x280  }
0x30: {  	[tilespmem:s24], [sflag:$0x6] =	stream.indirect.gather [hbm4b:s4+s14], $0x10, s12, s14, $0xb8;
	[tilespmem:$0xB800] =	vst v63  }
0x31: {  	s11 =	simm.s32 $0x300  }
0x32: {  	[tilespmem:s26], [sflag:$0x7] =	stream.indirect.gather [hbm4b:s4+s14], $0x10, s11, s14, $0xb8;
	[tilespmem:$0xB800] =	vst v63  }
0x33: {  	s12 =	simm.s32 $0x380  }
0x34: {  	[tilespmem:s29], [sflag:$0x8] =	stream.indirect.gather [hbm4b:s4+s14], $0x10, s12, s14, $0xb8;
	[tilespmem:$0xB800] =	vst v63  }
0x35: {  	_ =	swait.ge [sflag:s30], $0x800  }
0x36: {  	[sflag:s30] =	ssyncset.done $0x0  }
0x37: {  	s11 =	simm.s32 $0x2800;
	[sflag:s30] =	ssyncadd.s32 $0xFFFFF800  }
0x38: {  	[spmem:s2] =	stream.indirect.scatter.add.f32 [tilespmem:s15], [sflag:$0x9], $0x10, s11, s14, $0xb8;
	[tilespmem:$0xB800] =	vst v63  }
0x39: {  	_ =	swait.ge [sflag:s31], $0x800  }
0x3a: {  	[sflag:s31] =	ssyncset.done $0x0  }
0x3b: {  	s12 =	simm.s32 $0x2880;
	[sflag:s31] =	ssyncadd.s32 $0xFFFFF800  }
0x3c: {  	[spmem:s2] =	stream.indirect.scatter.add.f32 [tilespmem:s16], [sflag:$0xA], $0x10, s12, s14, $0xb8;
	[tilespmem:$0xB800] =	vst v63  }
0x3d: {  	_ =	swait.ge [sflag:s1], $0x800  }
0x3e: {  	[sflag:s1] =	ssyncset.done $0x0  }
0x3f: {  	s11 =	simm.s32 $0x2900;
	[sflag:s1] =	ssyncadd.s32 $0xFFFFF800  }
0x40: {  	[spmem:s2] =	stream.indirect.scatter.add.f32 [tilespmem:s18], [sflag:$0xB], $0x10, s11, s14, $0xb8;
	[tilespmem:$0xB800] =	vst v63  }
0x41: {  	_ =	swait.ge [sflag:s0], $0x800  }
0x42: {  	[sflag:s0] =	ssyncset.done $0x0  }
0x43: {  	s12 =	simm.s32 $0x2980;
	[sflag:s0] =	ssyncadd.s32 $0xFFFFF800  }
0x44: {  	[spmem:s2] =	stream.indirect.scatter.add.f32 [tilespmem:s20], [sflag:$0xC], $0x10, s12, s14, $0xb8;
	[tilespmem:$0xB800] =	vst v63  }
0x45: {  	_ =	swait.ge [sflag:s13], $0x800  }
0x46: {  	[sflag:s13] =	ssyncset.done $0x0  }
0x47: {  	s11 =	simm.s32 $0x2A00;
	[sflag:s13] =	ssyncadd.s32 $0xFFFFF800  }
0x48: {  	[spmem:s2] =	stream.indirect.scatter.add.f32 [tilespmem:s22], [sflag:$0xD], $0x10, s11, s14, $0xb8;
	[tilespmem:$0xB800] =	vst v63  }
0x49: {  	_ =	swait.ge [sflag:s17], $0x800  }
0x4a: {  	[sflag:s17] =	ssyncset.done $0x0  }
0x4b: {  	s12 =	simm.s32 $0x2A80;
	[sflag:s17] =	ssyncadd.s32 $0xFFFFF800  }
0x4c: {  	[spmem:s2] =	stream.indirect.scatter.add.f32 [tilespmem:s24], [sflag:$0xE], $0x10, s12, s14, $0xb8;
	[tilespmem:$0xB800] =	vst v63  }
0x4d: {  	_ =	swait.ge [sflag:s19], $0x800  }
0x4e: {  	[sflag:s19] =	ssyncset.done $0x0  }
0x4f: {  	s11 =	simm.s32 $0x2B00;
	[sflag:s19] =	ssyncadd.s32 $0xFFFFF800  }
0x50: {  	[spmem:s2] =	stream.indirect.scatter.add.f32 [tilespmem:s26], [sflag:$0xF], $0x10, s11, s14, $0xb8;
	[tilespmem:$0xB800] =	vst v63  }
0x51: {  	_ =	swait.ge [sflag:s21], $0x800  }
0x52: {  	[sflag:s21] =	ssyncset.done $0x0  }
0x53: {  	s12 =	simm.s32 $0x2B80;
	[sflag:s21] =	ssyncadd.s32 $0xFFFFF800  }
0x54: {  	[spmem:s2] =	stream.indirect.scatter.add.f32 [tilespmem:s29], [sflag:$0x10], $0x10, s12, s14, $0xb8;
	[tilespmem:$0xB800] =	vst v63  }
0x55: {  	s11 =	smin.u32 s6, $0x47;
	_ =	swait.ge [sflag:s23], $0x800  }
0x56: {  	s3 =	sshll.u32 s11, $0x7;
	[sflag:s23] =	ssyncset.done $0x0  }
0x57: {  	s3 =	sadd.s32 $0x400, s3;
	[sflag:s23] =	ssyncadd.s32 $0xFFFFF800  }
0x58: {  	[tilespmem:s15], [sflag:$0x1] =	stream.indirect.gather [hbm4b:s4+s14], $0x10, s3, s14, $0xb8;
	[tilespmem:$0xB800] =	vst v63  }
0x59: {  	s12 =	smin.u32 s6, $0x46;
	_ =	swait.ge [sflag:s25], $0x800  }
0x5a: {  	s3 =	sshll.u32 s12, $0x7;
	[sflag:s25] =	ssyncset.done $0x0  }
0x5b: {  	s3 =	sadd.s32 $0x480, s3;
	[sflag:s25] =	ssyncadd.s32 $0xFFFFF800  }
0x5c: {  	[tilespmem:s16], [sflag:$0x2] =	stream.indirect.gather [hbm4b:s4+s14], $0x10, s3, s14, $0xb8;
	[tilespmem:$0xB800] =	vst v63  }
0x5d: {  	s11 =	smin.u32 s6, $0x45;
	_ =	swait.ge [sflag:s28], $0x800  }
0x5e: {  	s3 =	sshll.u32 s11, $0x7;
	[sflag:s28] =	ssyncset.done $0x0  }
0x5f: {  	s3 =	sadd.s32 $0x500, s3;
	[sflag:s28] =	ssyncadd.s32 $0xFFFFF800  }
0x60: {  	[tilespmem:s18], [sflag:$0x3] =	stream.indirect.gather [hbm4b:s4+s14], $0x10, s3, s14, $0xb8;
	[tilespmem:$0xB800] =	vst v63  }
0x61: {  	s12 =	smin.u32 s6, $0x44;
	_ =	swait.ge [sflag:s5], $0x800  }
0x62: {  	s3 =	sshll.u32 s12, $0x7;
	[sflag:s5] =	ssyncset.done $0x0  }
0x63: {  	s3 =	sadd.s32 $0x580, s3;
	[sflag:s5] =	ssyncadd.s32 $0xFFFFF800  }
0x64: {  	[tilespmem:s20], [sflag:$0x4] =	stream.indirect.gather [hbm4b:s4+s14], $0x10, s3, s14, $0xb8;
	[tilespmem:$0xB800] =	vst v63  }
0x65: {  	s11 =	smin.u32 s6, $0x43;
	_ =	swait.ge [sflag:s7], $0x800  }
0x66: {  	s3 =	sshll.u32 s11, $0x7;
	[sflag:s7] =	ssyncset.done $0x0  }
0x67: {  	s3 =	sadd.s32 $0x600, s3;
	[sflag:s7] =	ssyncadd.s32 $0xFFFFF800  }
0x68: {  	[tilespmem:s22], [sflag:$0x5] =	stream.indirect.gather [hbm4b:s4+s14], $0x10, s3, s14, $0xb8;
	[tilespmem:$0xB800] =	vst v63  }
0x69: {  	s12 =	smin.u32 s6, $0x42;
	_ =	swait.ge [sflag:s8], $0x800  }
0x6a: {  	s3 =	sshll.u32 s12, $0x7;
	[sflag:s8] =	ssyncset.done $0x0  }
0x6b: {  	s3 =	sadd.s32 $0x680, s3;
	[sflag:s8] =	ssyncadd.s32 $0xFFFFF800  }
0x6c: {  	[tilespmem:s24], [sflag:$0x6] =	stream.indirect.gather [hbm4b:s4+s14], $0x10, s3, s14, $0xb8;
	[tilespmem:$0xB800] =	vst v63  }
0x6d: {  	s11 =	smin.u32 s6, $0x41;
	_ =	swait.ge [sflag:s9], $0x800  }
0x6e: {  	s3 =	sshll.u32 s11, $0x7;
	[sflag:s9] =	ssyncset.done $0x0  }
0x6f: {  	s3 =	sadd.s32 $0x700, s3;
	[sflag:s9] =	ssyncadd.s32 $0xFFFFF800  }
0x70: {  	[tilespmem:s26], [sflag:$0x7] =	stream.indirect.gather [hbm4b:s4+s14], $0x10, s3, s14, $0xb8;
	[tilespmem:$0xB800] =	vst v63  }
0x71: {  	s12 =	smin.u32 s6, $0x40;
	_ =	swait.ge [sflag:s10], $0x800  }
0x72: {  	s11 =	simm.s32 $0x1000;
	s3 =	sshll.u32 s12, $0x7;
	[sflag:s10] =	ssyncset.done $0x0  }
0x73: {  	s12 =	sadd.s32 $0x780, s3;
	s3 =	simm.s32 $0x8;
	[sflag:s10] =	ssyncadd.s32 $0xFFFFF800  }
.LBB2_2:
0x74: {  	[tilespmem:s29], [sflag:$0x8] =	stream.indirect.gather [hbm4b:s4+s14], $0x10, s12, s14, $0xb8;
	[tilespmem:$0xB800] =	vst v63  }
0x75: {  	s12 =	smov.u32 s11  }
0x76: {  	p0 =	sne.s32 s11, $0x9000;
	s11 =	sadd.s32 $0x1000, s11;
	_ =	swait.ge [sflag:s30], $0x800  }
0x77: {  	s12 =	sshra.s32 s12, $0x2;
	[sflag:s30] =	ssyncset.done $0x0  }
0x78: {  	s6 =	sadd.s32 $0x2800, s12;
	[sflag:s30] =	ssyncadd.s32 $0xFFFFF800  }
0x79: {  	[spmem:s2] =	stream.indirect.scatter.add.f32 [tilespmem:s15], [sflag:$0x9], $0x10, s6, s14, $0xb8;
	[tilespmem:$0xB800] =	vst v63  }
0x7a: {  	_ =	swait.ge [sflag:s31], $0x800  }
0x7b: {  	[sflag:s31] =	ssyncset.done $0x0  }
0x7c: {  	s6 =	sadd.s32 $0x2880, s12;
	[sflag:s31] =	ssyncadd.s32 $0xFFFFF800  }
0x7d: {  	[spmem:s2] =	stream.indirect.scatter.add.f32 [tilespmem:s16], [sflag:$0xA], $0x10, s6, s14, $0xb8;
	[tilespmem:$0xB800] =	vst v63  }
0x7e: {  	_ =	swait.ge [sflag:s1], $0x800  }
0x7f: {  	[sflag:s1] =	ssyncset.done $0x0  }
0x80: {  	s6 =	sadd.s32 $0x2900, s12;
	[sflag:s1] =	ssyncadd.s32 $0xFFFFF800  }
0x81: {  	[spmem:s2] =	stream.indirect.scatter.add.f32 [tilespmem:s18], [sflag:$0xB], $0x10, s6, s14, $0xb8;
	[tilespmem:$0xB800] =	vst v63  }
0x82: {  	_ =	swait.ge [sflag:s0], $0x800  }
0x83: {  	[sflag:s0] =	ssyncset.done $0x0  }
0x84: {  	s6 =	sadd.s32 $0x2980, s12;
	[sflag:s0] =	ssyncadd.s32 $0xFFFFF800  }
0x85: {  	[spmem:s2] =	stream.indirect.scatter.add.f32 [tilespmem:s20], [sflag:$0xC], $0x10, s6, s14, $0xb8;
	[tilespmem:$0xB800] =	vst v63  }
0x86: {  	_ =	swait.ge [sflag:s13], $0x800  }
0x87: {  	[sflag:s13] =	ssyncset.done $0x0  }
0x88: {  	s6 =	sadd.s32 $0x2A00, s12;
	[sflag:s13] =	ssyncadd.s32 $0xFFFFF800  }
0x89: {  	[spmem:s2] =	stream.indirect.scatter.add.f32 [tilespmem:s22], [sflag:$0xD], $0x10, s6, s14, $0xb8;
	[tilespmem:$0xB800] =	vst v63  }
0x8a: {  	_ =	swait.ge [sflag:s17], $0x800  }
0x8b: {  	[sflag:s17] =	ssyncset.done $0x0  }
0x8c: {  	s6 =	sadd.s32 $0x2A80, s12;
	[sflag:s17] =	ssyncadd.s32 $0xFFFFF800  }
0x8d: {  	[spmem:s2] =	stream.indirect.scatter.add.f32 [tilespmem:s24], [sflag:$0xE], $0x10, s6, s14, $0xb8;
	[tilespmem:$0xB800] =	vst v63  }
0x8e: {  	_ =	swait.ge [sflag:s19], $0x800  }
0x8f: {  	[sflag:s19] =	ssyncset.done $0x0  }
0x90: {  	s6 =	sadd.s32 $0x2B00, s12;
	[sflag:s19] =	ssyncadd.s32 $0xFFFFF800  }
0x91: {  	[spmem:s2] =	stream.indirect.scatter.add.f32 [tilespmem:s26], [sflag:$0xF], $0x10, s6, s14, $0xb8;
	[tilespmem:$0xB800] =	vst v63  }
0x92: {  	_ =	swait.ge [sflag:s21], $0x800  }
0x93: {  	[sflag:s21] =	ssyncset.done $0x0  }
0x94: {  	s6 =	sadd.s32 $0x2B80, s12;
	[sflag:s21] =	ssyncadd.s32 $0xFFFFF800  }
0x95: {  	[spmem:s2] =	stream.indirect.scatter.add.f32 [tilespmem:s29], [sflag:$0x10], $0x10, s6, s14, $0xb8;
	[tilespmem:$0xB800] =	vst v63  }
0x96: {  	s6 =	smin.u32 s3, $0x47;
	_ =	swait.ge [sflag:s23], $0x800  }
0x97: {  	s6 =	sshll.u32 s6, $0x7;
	[sflag:s23] =	ssyncset.done $0x0  }
0x98: {  	s6 =	sadd.s32 $0x400, s6;
	[sflag:s23] =	ssyncadd.s32 $0xFFFFF800  }
0x99: {  	[tilespmem:s15], [sflag:$0x1] =	stream.indirect.gather [hbm4b:s4+s14], $0x10, s6, s14, $0xb8;
	[tilespmem:$0xB800] =	vst v63  }
0x9a: {  	s6 =	smin.u32 s3, $0x46;
	_ =	swait.ge [sflag:s25], $0x800  }
0x9b: {  	s6 =	sshll.u32 s6, $0x7;
	[sflag:s25] =	ssyncset.done $0x0  }
0x9c: {  	s6 =	sadd.s32 $0x480, s6;
	[sflag:s25] =	ssyncadd.s32 $0xFFFFF800  }
0x9d: {  	[tilespmem:s16], [sflag:$0x2] =	stream.indirect.gather [hbm4b:s4+s14], $0x10, s6, s14, $0xb8;
	[tilespmem:$0xB800] =	vst v63  }
0x9e: {  	s6 =	smin.u32 s3, $0x45;
	_ =	swait.ge [sflag:s28], $0x800  }
0x9f: {  	s6 =	sshll.u32 s6, $0x7;
	[sflag:s28] =	ssyncset.done $0x0  }
0xa0: {  	s6 =	sadd.s32 $0x500, s6;
	[sflag:s28] =	ssyncadd.s32 $0xFFFFF800  }
0xa1: {  	[tilespmem:s18], [sflag:$0x3] =	stream.indirect.gather [hbm4b:s4+s14], $0x10, s6, s14, $0xb8;
	[tilespmem:$0xB800] =	vst v63  }
0xa2: {  	s6 =	smin.u32 s3, $0x44;
	_ =	swait.ge [sflag:s5], $0x800  }
0xa3: {  	s6 =	sshll.u32 s6, $0x7;
	[sflag:s5] =	ssyncset.done $0x0  }
0xa4: {  	s6 =	sadd.s32 $0x580, s6;
	[sflag:s5] =	ssyncadd.s32 $0xFFFFF800  }
0xa5: {  	[tilespmem:s20], [sflag:$0x4] =	stream.indirect.gather [hbm4b:s4+s14], $0x10, s6, s14, $0xb8;
	[tilespmem:$0xB800] =	vst v63  }
0xa6: {  	s6 =	smin.u32 s3, $0x43;
	_ =	swait.ge [sflag:s7], $0x800  }
0xa7: {  	s6 =	sshll.u32 s6, $0x7;
	[sflag:s7] =	ssyncset.done $0x0  }
0xa8: {  	s6 =	sadd.s32 $0x600, s6;
	[sflag:s7] =	ssyncadd.s32 $0xFFFFF800  }
0xa9: {  	[tilespmem:s22], [sflag:$0x5] =	stream.indirect.gather [hbm4b:s4+s14], $0x10, s6, s14, $0xb8;
	[tilespmem:$0xB800] =	vst v63  }
0xaa: {  	s6 =	smin.u32 s3, $0x42;
	_ =	swait.ge [sflag:s8], $0x800  }
0xab: {  	s6 =	sshll.u32 s6, $0x7;
	[sflag:s8] =	ssyncset.done $0x0  }
0xac: {  	s6 =	sadd.s32 $0x680, s6;
	[sflag:s8] =	ssyncadd.s32 $0xFFFFF800  }
0xad: {  	[tilespmem:s24], [sflag:$0x6] =	stream.indirect.gather [hbm4b:s4+s14], $0x10, s6, s14, $0xb8;
	[tilespmem:$0xB800] =	vst v63  }
0xae: {  	s6 =	smin.u32 s3, $0x41;
	_ =	swait.ge [sflag:s9], $0x800  }
0xaf: {  	s6 =	sshll.u32 s6, $0x7;
	[sflag:s9] =	ssyncset.done $0x0  }
.Ltmp0:
0xb0: {  	s6 =	sadd.s32 $0x700, s6;
	[sflag:s9] =	ssyncadd.s32 $0xFFFFF800;
	(pc) =	sbr.rel @p0 .LBB2_2-.Ltmp0, $4  }
0xb1: {  	[tilespmem:s26], [sflag:$0x7] =	stream.indirect.gather [hbm4b:s4+s14], $0x10, s6, s14, $0xb8;
	[tilespmem:$0xB800] =	vst v63  }
0xb2: {  	s6 =	smin.u32 s3, $0x40;
	_ =	swait.ge [sflag:s10], $0x800  }
0xb3: {  	s6 =	sshll.u32 s6, $0x7;
	[sflag:s10] =	ssyncset.done $0x0  }
0xb4: {  	s3 =	sadd.s32 $0x8, s3;
	s12 =	sadd.s32 $0x780, s6;
	[sflag:s10] =	ssyncadd.s32 $0xFFFFF800  }
0xb5: {  	[tilespmem:s29], [sflag:$0x8] =	stream.indirect.gather [hbm4b:s4+s14], $0x10, s12, s14, $0xb8;
	[tilespmem:$0xB800] =	vst v63  }
0xb6: {  	_ =	swait.ge [sflag:s30], $0x800  }
0xb7: {  	[sflag:s30] =	ssyncset.done $0x0  }
0xb8: {  	[sflag:s30] =	ssyncadd.s32 $0xFFFFF800  }
0xb9: {  	_ =	swait.ge [sflag:s31], $0x800  }
0xba: {  	[sflag:s31] =	ssyncset.done $0x0  }
0xbb: {  	[sflag:s31] =	ssyncadd.s32 $0xFFFFF800  }
0xbc: {  	_ =	swait.ge [sflag:s1], $0x800  }
0xbd: {  	[sflag:s1] =	ssyncset.done $0x0  }
0xbe: {  	[sflag:s1] =	ssyncadd.s32 $0xFFFFF800  }
0xbf: {  	_ =	swait.ge [sflag:s0], $0x800  }
0xc0: {  	[sflag:s0] =	ssyncset.done $0x0  }
0xc1: {  	[sflag:s0] =	ssyncadd.s32 $0xFFFFF800  }
0xc2: {  	_ =	swait.ge [sflag:s13], $0x800  }
0xc3: {  	[sflag:s13] =	ssyncset.done $0x0  }
0xc4: {  	[sflag:s13] =	ssyncadd.s32 $0xFFFFF800  }
0xc5: {  	_ =	swait.ge [sflag:s17], $0x800  }
0xc6: {  	[sflag:s17] =	ssyncset.done $0x0  }
0xc7: {  	[sflag:s17] =	ssyncadd.s32 $0xFFFFF800  }
0xc8: {  	_ =	swait.ge [sflag:s19], $0x800  }
0xc9: {  	[sflag:s19] =	ssyncset.done $0x0  }
0xca: {  	[sflag:s19] =	ssyncadd.s32 $0xFFFFF800  }
0xcb: {  	_ =	swait.ge [sflag:s21], $0x800  }
0xcc: {  	[sflag:s21] =	ssyncset.done $0x0  }
0xcd: {  	[sflag:s21] =	ssyncadd.s32 $0xFFFFF800  }
0xce: {  	[bflag:$0x0] =	sbarrier.arrive $0xFFFF  }
0xcf: {  	s6 =	rddreg [dreg:$0x4]  }
0xd0: {  	s3 =	rddreg [dreg:$0x7]  }
0xd1: {  	s12 =	simm.s32 $0x11;
	s11 =	rddreg [dreg:$0x9]  }
0xd2: {  	[hbm:s3], [sflag:s6] =	dma.local [spmem:s11], $0x500  }
0xd3: {  	_ =	swait.ge [sflag:s12], $0x500  }
0xd4: {  	s3 =	rddreg [dreg:$0xa]  }
0xd5: {  	s6 =	sadd.s32 $0x1, s3;
	s3 =	rddreg [dreg:$0x8]  }
0xd6: {  	p0 =	sne.s32 s6, s3  }
.Ltmp1:
0xd7: {  	_ = 	snop;
	(pc) =	sbr.rel @p0 .LBB2_1-.Ltmp1, $3  }
0xd8: {  	_ =	sdelay $0x1  }
0xd9: {  	[sflag:s12] =	ssyncset.done $0x0;
	[dreg:$0xa] =	wrdreg s6  }
0xda: {  	[sflag:s12] =	ssyncadd.s32 $0xFFFFFB00;
	s6 =	rddreg [dreg:$0x4]  }
0xdb: {  	_ =	sfence.sel $0x180000  }
0xdc: {  	[bflag:$0x0] =	sbarrier.arrive $0xFFFF  }
0xdd: {  	_ =	strace $0x9000004D  }
0xde: {  	s0 =	stileid.u32;
	[bflag:$0x2] =	sbarrier.arrive $0xFFFF  }
0xdf: {  	p0 =	sne.s32 s0, $0x0;
	s0 =	rddreg [dreg:$0x2]  }
0xe0: {  	s0 =	sadd.s32 @!p0 $0x100000, s0  }
0xe1: {  	[sflag:s0] =	ssyncadd.tile.s32 @!p0 $0x1;
	_ =	shalt  }
.Lfunc_end2:
_tile_overlayer_lowered:
.L_overlay_start_2:
0xe2: {  	(tag) =	ssettag $0x2  }
0xe3: {  	s0 =	rddreg [dreg:$0x0];
	s2 =	stileid.u32  }
0xe4: {  	s1 =	rddreg [dreg:$0x1];
	p0 =	sne.s32 s2, $0x0  }
0xe5: {  	s3 =	rddreg [dreg:$0x2];
	[bflag:$0x3] =	sbarrier.arrive $0xFFFF;
	s2 =	simm.s32 @!p0 $0x1C11  }
0xe6: {  	[timem:s3], [sflag:s2] =	dma.local @!p0 [hbm:s0], s1  }
0xe7: {  	s0 =	simm.s32 @!p0 $0x11  }
0xe8: {  	_ =	swait.ge @!p0 [sflag:s0], s1  }
0xe9: {  	s1 =	ssub.s32 @!p0 $0x0, s1;
	[sflag:s0] =	ssyncset.done @!p0 $0x0  }
0xea: {  	[sflag:s0] =	ssyncadd.s32 @!p0 s1  }
0xeb: {  	[bflag:$0x3] =	sbarrier.arrive $0xFFFF  }
0xec: {  	_ =	shalt  }

// kernel: kernel.8.cloned.1.call-start
scs
__scs_entry_jumppad:
0x0: {  	(pc) =	sbr.rel $0x88, $3  }
0x1: {  	(tag) =	ssettag $0x0;
	lr =	simm.s32 $0x1  }
0x2: {  	[smem:$0x3F9B] =	sst lr;
	_ =	strace $0xD0000000  }
0x3: {  	_ = 	snop  }
0x4: {  	_ = 	snop  }
0x5: {  	_ = 	snop  }
0x6: {  	_ = 	snop  }
0x7: {  	_ = 	snop  }
__scs_overlays_trampoline_lowered:
0x8: {  	[smem:$0x3FAA] =	sst s0  }
0x9: {  	[smem:$0x3FAB] =	sst s1  }
0xa: {  	[smem:$0x3FAC] =	sst s2  }
0xb: {  	[smem:$0x3FAD] =	sst s3  }
0xc: {  	[smem:$0x3FAE] =	sst s4  }
0xd: {  	[smem:$0x3FAF] =	sst s5  }
0xe: {  	[smem:$0x3FB0] =	sst s6  }
0xf: {  	[smem:$0x3FB1] =	sst s7  }
0x10: {  	[smem:$0x3FB2] =	sst s8  }
0x11: {  	[smem:$0x3FB3] =	sst s9;
	s0 =	simm.s32 @!p0 $0x0  }
0x12: {  	s1 =	sld [smem:$0x3F99];
	s0 =	simm.s32 @p0 $0x1  }
0x13: {  	[smem:$0x3FB4] =	sst s0;
	s0 =	simm.s32 @!p1 $0x0  }
0x14: {  	s2 =	sld [smem:$0x3F98];
	s0 =	simm.s32 @p1 $0x1  }
0x15: {  	[smem:$0x3FB5] =	sst s0;
	s0 =	simm.s32 @!p2 $0x0  }
0x16: {  	s3 =	sld [smem:$0x3FDB];
	s0 =	simm.s32 @p2 $0x1  }
0x17: {  	s4 =	simm.s32 $0x1BF5;
	[smem:$0x3FB7] =	sst s0  }
0x18: {  	s0 =	sld [smem:$0x3F9A];
	_ =	swait.ge [sflag:s4], $0x0  }
0x19: {  	s7 =	sld [smem:$0x3F9B]  }
0x1a: {  	s8 =	sadd.s32 $0xFFFFE003, lr  }
0x1b: {  	s9 =	sadd.s32 $0xFFFFFEF7, lr;
	s5 =	simm.s32 $0xFFFFFFFF;
	p2 =	slt.u32 s8, $0xFFFFF086  }
0x1c: {  	p1 =	slt.u32 s9, $0xF7A;
	s5 =	simm.s32 @!p2 $0x0  }
0x1d: {  	s5 =	simm.s32 @p1 $0x1;
	p0 =	seq.s32 s7, s2  }
0x1e: {  	s7 =	smul.u32 @!p0 $0xF7A, s2;
	p2 =	seq.s32 @!p0 s5, $0x0  }
0x1f: {  	s9 =	smul.u32 $0xF7A, s1;
	s8 =	simm.s32 @!p0 $0x1BF5;
	p2 =	por !p2, p0  }
0x20: {  	[sflag:s8] =	ssyncset.s32 @!p0 $0xFFFFF086;
	s6 =	sadd.s32 @!p0 s3, s7;
	s7 =	simm.s32 @!p0 $0x108  }
0x21: {  	s3 =	sadd.s32 s3, s9;
	s6 =	sadd.s32 @!p0 $0x88, s6;
	s7 =	simm.s32 @p2 $0x1082  }
0x22: {  	[simem:s7], [sflag:s8] =	dma.local @!p0 [hbm:s6], $0xF7A  }
0x23: {  	s9 =	sor.u32 $0xD0000000, s2;
	s6 =	simm.s32 $0x108;
	_ =	swait.ge @!p0 [sflag:s8], $0x0  }
0x24: {  	s3 =	sadd.s32 $0x88, s3;
	s6 =	simm.s32 @!p1 $0x1082;
	[sflag:s4] =	ssyncset.s32 $0xFFFFF086  }
0x25: {  	[simem:s6], [sflag:s4] =	dma.local [hbm:s3], $0xF7A  }
0x26: {  	[smem:$0x3F9B] =	sst s1;
	(tag) =	ssettag s2;
	_ =	strace s9  }
0x27: {  	s1 =	sld [smem:$0x3FAB]  }
0x28: {  	s2 =	sld [smem:$0x3FAC]  }
0x29: {  	s4 =	sld [smem:$0x3FAE]  }
0x2a: {  	p0 =	seq.s32 s5, $0x0;
	s5 =	sld [smem:$0x3FAF]  }
0x2b: {  	s6 =	sld [smem:$0x3FB0]  }
0x2c: {  	s7 =	sld [smem:$0x3FB1]  }
0x2d: {  	s3 =	simm.s32 $0x108;
	s8 =	sld [smem:$0x3FB2]  }
0x2e: {  	s3 =	simm.s32 @!p0 $0x1082;
	s9 =	sld [smem:$0x3FB3]  }
0x2f: {  	lr =	sadd.s32 s0, s3;
	s0 =	sld [smem:$0x3FAA]  }
0x30: {  	s3 =	sld [smem:$0x3FAD]  }
0x31: {  	[smem:$0x3FB6] =	sst s10  }
0x32: {  	s10 =	sld [smem:$0x3FB4];
	_ =	sdelay $0x3  }
0x33: {  	p0 =	seq.s32 s10, $0x1;
	s10 =	sld [smem:$0x3FB6];
	_ =	sdelay $0x3  }
0x34: {  	[smem:$0x3FB6] =	sst s10  }
0x35: {  	s10 =	sld [smem:$0x3FB5];
	_ =	sdelay $0x3  }
0x36: {  	p1 =	seq.s32 s10, $0x1;
	s10 =	sld [smem:$0x3FB6];
	_ =	sdelay $0x3  }
0x37: {  	[smem:$0x3FB6] =	sst s10  }
0x38: {  	s10 =	sld [smem:$0x3FB7]  }
0x39: {  	_ = 	snop;
	(pc) =	sbr.ind lr, $3  }
0x3a: {  	_ = 	snop  }
0x3b: {  	_ = 	snop  }
0x3c: {  	p2 =	seq.s32 s10, $0x1;
	s10 =	sld [smem:$0x3FB6]  }
0x3d: {  	_ =	shalt  }
0x3e: {  	_ =	shalt  }
0x3f: {  	_ =	shalt  }
0x40: {  	_ =	shalt  }
0x41: {  	_ =	shalt  }
0x42: {  	_ =	shalt  }
0x43: {  	_ =	shalt  }
0x44: {  	_ =	shalt  }
0x45: {  	_ =	shalt  }
0x46: {  	_ =	shalt  }
0x47: {  	_ =	shalt  }
0x48: {  	_ =	shalt  }
0x49: {  	_ =	shalt  }
0x4a: {  	_ =	shalt  }
0x4b: {  	_ =	shalt  }
0x4c: {  	_ =	shalt  }
0x4d: {  	_ =	shalt  }
0x4e: {  	_ =	shalt  }
0x4f: {  	_ =	shalt  }
0x50: {  	_ =	shalt  }
0x51: {  	_ =	shalt  }
0x52: {  	_ =	shalt  }
0x53: {  	_ =	shalt  }
0x54: {  	_ =	shalt  }
0x55: {  	_ =	shalt  }
0x56: {  	_ =	shalt  }
0x57: {  	_ =	shalt  }
0x58: {  	_ =	shalt  }
0x59: {  	_ =	shalt  }
0x5a: {  	_ =	shalt  }
0x5b: {  	_ =	shalt  }
0x5c: {  	_ =	shalt  }
0x5d: {  	_ =	shalt  }
0x5e: {  	_ =	shalt  }
0x5f: {  	_ =	shalt  }
0x60: {  	_ =	shalt  }
0x61: {  	_ =	shalt  }
0x62: {  	_ =	shalt  }
0x63: {  	_ =	shalt  }
0x64: {  	_ =	shalt  }
0x65: {  	_ =	shalt  }
0x66: {  	_ =	shalt  }
0x67: {  	_ =	shalt  }
0x68: {  	_ =	shalt  }
0x69: {  	_ =	shalt  }
0x6a: {  	_ =	shalt  }
0x6b: {  	_ =	shalt  }
0x6c: {  	_ =	shalt  }
0x6d: {  	_ =	shalt  }
0x6e: {  	_ =	shalt  }
0x6f: {  	_ =	shalt  }
0x70: {  	_ =	shalt  }
0x71: {  	_ =	shalt  }
0x72: {  	_ =	shalt  }
0x73: {  	_ =	shalt  }
0x74: {  	_ =	shalt  }
0x75: {  	_ =	shalt  }
0x76: {  	_ =	shalt  }
0x77: {  	_ =	shalt  }
0x78: {  	_ =	shalt  }
0x79: {  	_ =	shalt  }
0x7a: {  	_ =	shalt  }
0x7b: {  	_ =	shalt  }
0x7c: {  	_ =	shalt  }
0x7d: {  	_ =	shalt  }
0x7e: {  	_ =	shalt  }
0x7f: {  	_ =	shalt  }
0x80: {  	_ =	shalt  }
0x81: {  	_ =	shalt  }
0x82: {  	_ =	shalt  }
0x83: {  	_ =	shalt  }
0x84: {  	_ =	shalt  }
0x85: {  	_ =	shalt  }
0x86: {  	_ =	shalt  }
0x87: {  	_ =	shalt  }
.Lfunc_end0:
.L_simem_size_0:
called_computation_lowered:
.L_overlay_start_0:
0x88: {  	s2 =	sld [smem:$0x3FD9]  }
0x89: {  	s3 =	sld [smem:$0x3FFE];
	_ =	sdelay $0x1  }
0x8a: {  	s1 =	srdreg.scid  }
0x8b: {  	s0 =	sand.u32 $0x1, s1  }
0x8c: {  	s17 =	sshll.u32 s0, $0xA;
	s2 =	sadd.s32 s3, s2  }
0x8d: {  	s2 =	sadd.s32 s2, s17  }
0x8e: {  	[smem:$0x3FC2] =	sst s2  }
0x8f: {  	_ = 	snop  }
0x90: {  	s2 =	sld [smem:$0x3FD0];
	(tm) =	ssettm $0x1  }
0x91: {  	s18 =	sld [smem:$0x3FFB];
	_ =	sdelay $0x3  }
0x92: {  	_ =	strace s18  }
0x93: {  	s3 =	sld [smem:$0x3FFC];
	_ =	sdelay $0x3  }
0x94: {  	_ =	strace s3  }
0x95: {  	s3 =	sld [smem:$0x3FFD];
	_ =	sdelay $0x3  }
0x96: {  	_ =	strace s3  }
0x97: {  	_ =	strace $0x8FFFFFFF  }
0x98: {  	s19 =	sld [smem:$0x3FDB];
	_ =	sdelay $0x1  }
0x99: {  	s4 =	simm.s32 $_scs_section_size  }
0x9a: {  	s5 =	simm.s32 $_size__tile_overlayer_lowered;
	s6 =	simm.s32 $_tile_overlayer_lowered  }
0x9b: {  	s22 =	simm.s32 $0x1BFF;
	s21 =	sshll.u32 s6, $0x1;
	s3 =	sadd.s32 s4, s19  }
0x9c: {  	s7 =	simm.s32 $0x0;
	s20 =	sshll.u32 s5, $0x1;
	s5 =	sadd.s32 s21, s3  }
0x9d: {  	[timem:s7], [sflag:s22] =	dma.local [hbm:s5], s20  }
0x9e: {  	_ =	swait.ge [sflag:s22], s20  }
0x9f: {  	s4 =	ssub.s32 $0x0, s20;
	[sflag:s22] =	ssyncset.done $0x0  }
0xa0: {  	[sflag:s22] =	ssyncadd.s32 s4;
	_ =	sdelay $0x1  }
0xa1: {  	s23 =	simm.s32 $0x1B8B  }
0xa2: {  	_ =	swait.ge [sflag:s23], $0x1  }
0xa3: {  	[sflag:s23] =	ssyncset.done $0x0  }
0xa4: {  	s25 =	simm.s32 $0x1B8E;
	s24 =	sld [smem:$0x3FFE];
	[sflag:s23] =	ssyncadd.s32 $0xFFFFFFFF  }
0xa5: {  	s26 =	simm.s32 $execute0_lowered;
	[smem:$0x3FD2] =	sst s25  }
0xa6: {  	s5 =	sshll.u32 s26, $0x1;
	_ =	strace $0x80000046;
	[dreg:$0x1] =	wrdreg $0xFFFFFFFF  }
0xa7: {  	s28 =	simm.s32 $_size_execute0_lowered;
	s3 =	sadd.s32 s3, s5;
	[dreg:$0x0] =	wrdreg $0x0  }
0xa8: {  	s5 =	sshll.u32 s28, $0x1;
	[dreg:$0x2] =	wrdreg s3  }
0xa9: {  	[dreg:$0x3] =	wrdreg s5  }
0xaa: {  	[dreg:$0x4] =	wrdreg $0xC0  }
0xab: {  	_ =	task [dreg:s7], $0x5FFFF  }
0xac: {  	[dreg:$0x1] =	wrdreg $0xFFFFFFFF  }
0xad: {  	[dreg:$0x0] =	wrdreg $0x60  }
0xae: {  	[dreg:$0x2] =	wrdreg s24  }
0xaf: {  	[dreg:$0x3] =	wrdreg s2  }
0xb0: {  	[dreg:$0x4] =	wrdreg $0x58000  }
0xb1: {  	[dreg:$0x5] =	wrdreg $0x9  }
0xb2: {  	_ =	task.clear_ibuf [dreg:s7], $0x6FFFF;
	_ =	strace $0x90000046  }
0xb3: {  	s29 =	simm.s32 $0x9;
	_ =	strace $0x80000048  }
0xb4: {  	_ =	swait.ge [sflag:s29], $0x1  }
0xb5: {  	[sflag:s29] =	ssyncadd.s32 $0xFFFFFFFF  }
0xb6: {  	_ =	strace $0x90000048  }
0xb7: {  	_ =	sfence  }
0xb8: {  	s30 =	sld [smem:$0x0];
	_ =	sdelay $0x2  }
0xb9: {  	s31 =	sshll.u32 s1, $0xD;
	s1 =	sshrl.u32 s1, $0x2  }
0xba: {  	s3 =	sand.u32 $0x4000, s31;
	s1 =	sadd.s32 s1, s30  }
0xbb: {  	s0 =	sor.u32 s3, s0;
	s1 =	sshll.u32 s1, $0x11  }
0xbc: {  	s0 =	sor.u32 s1, s0  }
0xbd: {  	s0 =	sadd.s32 $0x8F2B, s0  }
0xbe: {  	[sflag:s0] =	ssyncadd.remote.s32 $0x1  }
0xbf: {  	_ =	sfence.sel $0xFFFF  }
0xc0: {  	[dreg:$0x0] =	wrdreg $0xFFFFFFFF;
	(pc) =	sbr.abs _section_cstart, $3  }
0xc1: {  	[dreg:$0x1] =	wrdreg $0xFFFFFFFF  }
0xc2: {  	_ =	task.clear_ibuf [dreg:s7], $0x2FFFF;
	_ =	strace $0x9FFFFFFF  }
0xc3: {  	(tm) =	ssettm $0x7FFFFFFF  }
tec
execute0_lowered:
.L_overlay_start_1:
0x0: {  	(tag) =	ssettag $0x1  }
0x1: {  	s5 =	rddreg [dreg:$0x0]  }
0x2: {  	s2 =	rddreg [dreg:$0x1]  }
0x3: {  	s0 =	srdreg.scid;
	s3 =	rddreg [dreg:$0x2];
	s4 =	simm.s32 $0x0  }
0x4: {  	s13 =	simm.s32 $0x80;
	s14 =	simm.s32 $0x100;
	s15 =	simm.s32 $0x180  }
0x5: {  	s16 =	simm.s32 $0x200;
	s17 =	simm.s32 $0x280;
	s18 =	simm.s32 $0x300  }
0x6: {  	s19 =	simm.s32 $0x380;
	s20 =	simm.s32 $0x1;
	s21 =	simm.s32 $0x2  }
0x7: {  	s22 =	simm.s32 $0x3;
	s23 =	simm.s32 $0x4;
	s6 =	sand.u32 $0x1, s0  }
0x8: {  	s24 =	simm.s32 $0x5;
	s0 =	stileid.u32;
	s7 =	smul.u32 $0x50000, s6  }
0x9: {  	s25 =	simm.s32 $0x6;
	s28 =	simm.s32 $0x8;
	s8 =	smul.u32 $0x5000, s0  }
0xa: {  	s29 =	simm.s32 $0x0;
	[smem:$0x7FF] =	sst s4;
	s9 =	smul.u32 $0x2800, s0  }
0xb: {  	s26 =	smul.u32 $0x28000, s6;
	_ =	strace $0x80000047;
	s6 =	ssub.s32 $0x2, s6  }
0xc: {  	s31 =	sshll.u32 s0, $0x6;
	s30 =	sshrl.u32 s6, $0x1;
	s7 =	sadd.s32 s8, s7  }
0xd: {  	s8 =	sadd.s32 s9, s26;
	s10 =	sshrl.u32 s9, $0x3;
	s11 =	ssub.s32 s6, s30  }
0xe: {  	s12 =	sadd.s32 s9, s3;
	s6 =	sor.u32 $0x1C09, s31;
	s26 =	simm.s32 $0x7  }
0xf: {  	s7 =	sshrl.u32 s7, $0x3;
	s8 =	sshrl.u32 s8, $0x3;
	s10 =	sadd.s32 s10, s5  }
0x10: {  	s9 =	smax.u32 s11, $0x1;
	s11 =	simm.s32 $0x9;
	s7 =	sadd.s32 s7, s5  }
0x11: {  	s8 =	sadd.s32 s8, s5;
	s5 =	sadd.s32 $0x15E00, s10;
	s10 =	sshrl.u32 s12, $0x3  }
0x12: {  	s12 =	simm.s32 $0x5000;
	s7 =	sadd.s32 $0x1E00, s7;
	s8 =	sadd.s32 $0x1AE00, s8  }
.LBB2_1:
0x13: {  	[spmem:s10], [sflag:s6] =	dma.local [hbm:s5], $0x500  }
0x14: {  	_ =	swait.ge [sflag:s11], $0x500  }
0x15: {  	[sflag:s11] =	ssyncset.done $0x0  }
0x16: {  	[sflag:s11] =	ssyncadd.s32 $0xFFFFFB00  }
0x17: {  	[tilespmem:s12], [sflag:$0x9] =	stream.linear.gather [hbm4b:s2+s4], $0x800, $0x38;
	[tilespmem:$0x8000] =	vst v63  }
0x18: {  	_ =	swait.ge [sflag:s11], $0x800  }
0x19: {  	[sflag:s11] =	ssyncset.done $0x0  }
0x1a: {  	[sflag:s11] =	ssyncadd.s32 $0xFFFFF800  }
0x1b: {  	[tilespmem:s4], [sflag:$0x9] =	stream.linear.gather [hbm4b:s7+s4], $0x5000, $0x38;
	[tilespmem:$0x8000] =	vst v63  }
0x1c: {  	_ =	swait.ge [sflag:s11], $0x5000  }
0x1d: {  	[sflag:s11] =	ssyncset.done $0x0  }
0x1e: {  	[sflag:s11] =	ssyncadd.s32 $0xFFFFB000  }
0x1f: {  	[bflag:$0x0] =	sbarrier.arrive $0xFFFF  }
0x20: {  	[spmem:s3] =	stream.indirect.scatter.add.f32 [tilespmem:s12], [sflag:$0x1], $0x10, s4, s13, $0xb8;
	[tilespmem:$0x8000] =	vst v63  }
0x21: {  	_ = 	snop  }
0x22: {  	[spmem:s3] =	stream.indirect.scatter.add.f32 [tilespmem:s12], [sflag:$0x2], $0x10, s13, s13, $0xb8;
	[tilespmem:$0x8000] =	vst v63  }
0x23: {  	_ = 	snop  }
0x24: {  	[spmem:s3] =	stream.indirect.scatter.add.f32 [tilespmem:s12], [sflag:$0x3], $0x10, s14, s13, $0xb8;
	[tilespmem:$0x8000] =	vst v63  }
0x25: {  	_ = 	snop  }
0x26: {  	[spmem:s3] =	stream.indirect.scatter.add.f32 [tilespmem:s12], [sflag:$0x4], $0x10, s15, s13, $0xb8;
	[tilespmem:$0x8000] =	vst v63  }
0x27: {  	_ = 	snop  }
0x28: {  	[spmem:s3] =	stream.indirect.scatter.add.f32 [tilespmem:s12], [sflag:$0x5], $0x10, s16, s13, $0xb8;
	[tilespmem:$0x8000] =	vst v63  }
0x29: {  	_ = 	snop  }
0x2a: {  	[spmem:s3] =	stream.indirect.scatter.add.f32 [tilespmem:s12], [sflag:$0x6], $0x10, s17, s13, $0xb8;
	[tilespmem:$0x8000] =	vst v63  }
0x2b: {  	_ = 	snop  }
0x2c: {  	[spmem:s3] =	stream.indirect.scatter.add.f32 [tilespmem:s12], [sflag:$0x7], $0x10, s18, s13, $0xb8;
	[tilespmem:$0x8000] =	vst v63  }
0x2d: {  	_ = 	snop  }
0x2e: {  	[spmem:s3] =	stream.indirect.scatter.add.f32 [tilespmem:s12], [sflag:$0x8], $0x10, s19, s13, $0xb8;
	[tilespmem:$0x8000] =	vst v63  }
0x2f: {  	_ =	swait.ge [sflag:s20], $0x800  }
0x30: {  	[sflag:s20] =	ssyncset.done $0x0  }
0x31: {  	s30 =	simm.s32 $0x400;
	[sflag:s20] =	ssyncadd.s32 $0xFFFFF800  }
0x32: {  	[spmem:s3] =	stream.indirect.scatter.add.f32 [tilespmem:s12], [sflag:$0x1], $0x10, s30, s13, $0xb8;
	[tilespmem:$0x8000] =	vst v63  }
0x33: {  	_ =	swait.ge [sflag:s21], $0x800  }
0x34: {  	[sflag:s21] =	ssyncset.done $0x0  }
0x35: {  	s30 =	simm.s32 $0x480;
	[sflag:s21] =	ssyncadd.s32 $0xFFFFF800  }
0x36: {  	[spmem:s3] =	stream.indirect.scatter.add.f32 [tilespmem:s12], [sflag:$0x2], $0x10, s30, s13, $0xb8;
	[tilespmem:$0x8000] =	vst v63  }
0x37: {  	_ =	swait.ge [sflag:s22], $0x800  }
0x38: {  	[sflag:s22] =	ssyncset.done $0x0  }
0x39: {  	s30 =	simm.s32 $0x500;
	[sflag:s22] =	ssyncadd.s32 $0xFFFFF800  }
0x3a: {  	[spmem:s3] =	stream.indirect.scatter.add.f32 [tilespmem:s12], [sflag:$0x3], $0x10, s30, s13, $0xb8;
	[tilespmem:$0x8000] =	vst v63  }
0x3b: {  	_ =	swait.ge [sflag:s23], $0x800  }
0x3c: {  	[sflag:s23] =	ssyncset.done $0x0  }
0x3d: {  	s30 =	simm.s32 $0x580;
	[sflag:s23] =	ssyncadd.s32 $0xFFFFF800  }
0x3e: {  	[spmem:s3] =	stream.indirect.scatter.add.f32 [tilespmem:s12], [sflag:$0x4], $0x10, s30, s13, $0xb8;
	[tilespmem:$0x8000] =	vst v63  }
0x3f: {  	_ =	swait.ge [sflag:s24], $0x800  }
0x40: {  	[sflag:s24] =	ssyncset.done $0x0  }
0x41: {  	s30 =	simm.s32 $0x600;
	[sflag:s24] =	ssyncadd.s32 $0xFFFFF800  }
0x42: {  	[spmem:s3] =	stream.indirect.scatter.add.f32 [tilespmem:s12], [sflag:$0x5], $0x10, s30, s13, $0xb8;
	[tilespmem:$0x8000] =	vst v63  }
0x43: {  	_ =	swait.ge [sflag:s25], $0x800  }
0x44: {  	[sflag:s25] =	ssyncset.done $0x0  }
0x45: {  	s30 =	simm.s32 $0x680;
	[sflag:s25] =	ssyncadd.s32 $0xFFFFF800  }
0x46: {  	[spmem:s3] =	stream.indirect.scatter.add.f32 [tilespmem:s12], [sflag:$0x6], $0x10, s30, s13, $0xb8;
	[tilespmem:$0x8000] =	vst v63  }
0x47: {  	_ =	swait.ge [sflag:s26], $0x800  }
0x48: {  	[sflag:s26] =	ssyncset.done $0x0  }
0x49: {  	s30 =	simm.s32 $0x700;
	[sflag:s26] =	ssyncadd.s32 $0xFFFFF800  }
0x4a: {  	[spmem:s3] =	stream.indirect.scatter.add.f32 [tilespmem:s12], [sflag:$0x7], $0x10, s30, s13, $0xb8;
	[tilespmem:$0x8000] =	vst v63  }
0x4b: {  	_ =	swait.ge [sflag:s28], $0x800  }
0x4c: {  	[sflag:s28] =	ssyncset.done $0x0  }
0x4d: {  	s31 =	simm.s32 $0x780;
	s30 =	simm.s32 $0x1000;
	[sflag:s28] =	ssyncadd.s32 $0xFFFFF800  }
.LBB2_2:
0x4e: {  	[spmem:s3] =	stream.indirect.scatter.add.f32 [tilespmem:s12], [sflag:$0x8], $0x10, s31, s13, $0xb8;
	[tilespmem:$0x8000] =	vst v63  }
0x4f: {  	s31 =	smov.u32 s30  }
0x50: {  	p0 =	sne.s32 s30, $0x12000;
	s30 =	sadd.s32 $0x1000, s30;
	_ =	swait.ge [sflag:s20], $0x800  }
0x51: {  	s31 =	sshra.s32 s31, $0x2;
	[sflag:s20] =	ssyncset.done $0x0  }
0x52: {  	s1 =	sadd.s32 $0x400, s31;
	[sflag:s20] =	ssyncadd.s32 $0xFFFFF800  }
0x53: {  	[spmem:s3] =	stream.indirect.scatter.add.f32 [tilespmem:s12], [sflag:$0x1], $0x10, s1, s13, $0xb8;
	[tilespmem:$0x8000] =	vst v63  }
0x54: {  	_ =	swait.ge [sflag:s21], $0x800  }
0x55: {  	[sflag:s21] =	ssyncset.done $0x0  }
0x56: {  	s1 =	sadd.s32 $0x480, s31;
	[sflag:s21] =	ssyncadd.s32 $0xFFFFF800  }
0x57: {  	[spmem:s3] =	stream.indirect.scatter.add.f32 [tilespmem:s12], [sflag:$0x2], $0x10, s1, s13, $0xb8;
	[tilespmem:$0x8000] =	vst v63  }
0x58: {  	_ =	swait.ge [sflag:s22], $0x800  }
0x59: {  	[sflag:s22] =	ssyncset.done $0x0  }
0x5a: {  	s1 =	sadd.s32 $0x500, s31;
	[sflag:s22] =	ssyncadd.s32 $0xFFFFF800  }
0x5b: {  	[spmem:s3] =	stream.indirect.scatter.add.f32 [tilespmem:s12], [sflag:$0x3], $0x10, s1, s13, $0xb8;
	[tilespmem:$0x8000] =	vst v63  }
0x5c: {  	_ =	swait.ge [sflag:s23], $0x800  }
0x5d: {  	[sflag:s23] =	ssyncset.done $0x0  }
0x5e: {  	s1 =	sadd.s32 $0x580, s31;
	[sflag:s23] =	ssyncadd.s32 $0xFFFFF800  }
0x5f: {  	[spmem:s3] =	stream.indirect.scatter.add.f32 [tilespmem:s12], [sflag:$0x4], $0x10, s1, s13, $0xb8;
	[tilespmem:$0x8000] =	vst v63  }
0x60: {  	_ =	swait.ge [sflag:s24], $0x800  }
0x61: {  	[sflag:s24] =	ssyncset.done $0x0  }
0x62: {  	s1 =	sadd.s32 $0x600, s31;
	[sflag:s24] =	ssyncadd.s32 $0xFFFFF800  }
0x63: {  	[spmem:s3] =	stream.indirect.scatter.add.f32 [tilespmem:s12], [sflag:$0x5], $0x10, s1, s13, $0xb8;
	[tilespmem:$0x8000] =	vst v63  }
0x64: {  	_ =	swait.ge [sflag:s25], $0x800  }
0x65: {  	[sflag:s25] =	ssyncset.done $0x0  }
0x66: {  	s1 =	sadd.s32 $0x680, s31;
	[sflag:s25] =	ssyncadd.s32 $0xFFFFF800  }
0x67: {  	[spmem:s3] =	stream.indirect.scatter.add.f32 [tilespmem:s12], [sflag:$0x6], $0x10, s1, s13, $0xb8;
	[tilespmem:$0x8000] =	vst v63  }
0x68: {  	_ =	swait.ge [sflag:s26], $0x800  }
0x69: {  	[sflag:s26] =	ssyncset.done $0x0  }
.Ltmp0:
0x6a: {  	s1 =	sadd.s32 $0x700, s31;
	[sflag:s26] =	ssyncadd.s32 $0xFFFFF800;
	(pc) =	sbr.rel @p0 .LBB2_2-.Ltmp0, $4  }
0x6b: {  	[spmem:s3] =	stream.indirect.scatter.add.f32 [tilespmem:s12], [sflag:$0x7], $0x10, s1, s13, $0xb8;
	[tilespmem:$0x8000] =	vst v63  }
0x6c: {  	_ =	swait.ge [sflag:s28], $0x800  }
0x6d: {  	[sflag:s28] =	ssyncset.done $0x0  }
0x6e: {  	s31 =	sadd.s32 $0x780, s31;
	[sflag:s28] =	ssyncadd.s32 $0xFFFFF800  }
0x6f: {  	[spmem:s3] =	stream.indirect.scatter.add.f32 [tilespmem:s12], [sflag:$0x8], $0x10, s31, s13, $0xb8;
	[tilespmem:$0x8000] =	vst v63  }
0x70: {  	_ =	swait.ge [sflag:s20], $0x800  }
0x71: {  	[sflag:s20] =	ssyncset.done $0x0  }
0x72: {  	[sflag:s20] =	ssyncadd.s32 $0xFFFFF800  }
0x73: {  	_ =	swait.ge [sflag:s21], $0x800  }
0x74: {  	[sflag:s21] =	ssyncset.done $0x0  }
0x75: {  	[sflag:s21] =	ssyncadd.s32 $0xFFFFF800  }
0x76: {  	_ =	swait.ge [sflag:s22], $0x800  }
0x77: {  	[sflag:s22] =	ssyncset.done $0x0  }
0x78: {  	[sflag:s22] =	ssyncadd.s32 $0xFFFFF800  }
0x79: {  	_ =	swait.ge [sflag:s23], $0x800  }
0x7a: {  	[sflag:s23] =	ssyncset.done $0x0  }
0x7b: {  	[sflag:s23] =	ssyncadd.s32 $0xFFFFF800  }
0x7c: {  	_ =	swait.ge [sflag:s24], $0x800  }
0x7d: {  	[sflag:s24] =	ssyncset.done $0x0  }
0x7e: {  	[sflag:s24] =	ssyncadd.s32 $0xFFFFF800  }
0x7f: {  	_ =	swait.ge [sflag:s25], $0x800  }
0x80: {  	[sflag:s25] =	ssyncset.done $0x0  }
0x81: {  	[sflag:s25] =	ssyncadd.s32 $0xFFFFF800  }
0x82: {  	_ =	swait.ge [sflag:s26], $0x800  }
0x83: {  	[sflag:s26] =	ssyncset.done $0x0  }
0x84: {  	[sflag:s26] =	ssyncadd.s32 $0xFFFFF800  }
0x85: {  	_ =	swait.ge [sflag:s28], $0x800  }
0x86: {  	s29 =	sadd.s32 $0x1, s29;
	[sflag:s28] =	ssyncset.done $0x0  }
0x87: {  	p0 =	sne.s32 s29, s9;
	[sflag:s28] =	ssyncadd.s32 $0xFFFFF800  }
.Ltmp1:
0x88: {  	[bflag:$0x0] =	sbarrier.arrive $0xFFFF;
	(pc) =	sbr.rel @p0 .LBB2_1-.Ltmp1, $4  }
0x89: {  	[hbm:s8], [sflag:s6] =	dma.local [spmem:s10], $0x500  }
0x8a: {  	_ =	swait.ge [sflag:s11], $0x500  }
0x8b: {  	[sflag:s11] =	ssyncset.done $0x0  }
0x8c: {  	[sflag:s11] =	ssyncadd.s32 $0xFFFFFB00  }
0x8d: {  	_ =	sfence.sel $0x180000  }
0x8e: {  	[bflag:$0x0] =	sbarrier.arrive $0xFFFF  }
0x8f: {  	_ =	strace $0x90000047  }
0x90: {  	[bflag:$0x2] =	sbarrier.arrive $0xFFFF  }
0x91: {  	p0 =	sne.s32 s0, $0x0;
	s0 =	rddreg [dreg:$0x3]  }
0x92: {  	s0 =	sadd.s32 @!p0 $0x100000, s0  }
0x93: {  	[sflag:s0] =	ssyncadd.tile.s32 @!p0 $0x1;
	_ =	shalt  }
.Lfunc_end2:
_tile_overlayer_lowered:
.L_overlay_start_2:
0x94: {  	(tag) =	ssettag $0x2  }
0x95: {  	s0 =	rddreg [dreg:$0x0];
	s2 =	stileid.u32  }
0x96: {  	s1 =	rddreg [dreg:$0x1];
	p0 =	sne.s32 s2, $0x0  }
0x97: {  	s3 =	rddreg [dreg:$0x2];
	[bflag:$0x3] =	sbarrier.arrive $0xFFFF;
	s2 =	simm.s32 @!p0 $0x1C09  }
0x98: {  	[timem:s3], [sflag:s2] =	dma.local @!p0 [hbm:s0], s1  }
0x99: {  	s0 =	simm.s32 @!p0 $0x9  }
0x9a: {  	_ =	swait.ge @!p0 [sflag:s0], s1  }
0x9b: {  	s1 =	ssub.s32 @!p0 $0x0, s1;
	[sflag:s0] =	ssyncset.done @!p0 $0x0  }
0x9c: {  	[sflag:s0] =	ssyncadd.s32 @!p0 s1  }
0x9d: {  	[bflag:$0x3] =	sbarrier.arrive $0xFFFF  }
0x9e: {  	_ =	shalt  }

</sc_bundles>
